<compile_context>
chip_gen: v7x
topology: tpu7x:2x2x1
jax: 0.10.2.dev20260603
libtpu: 0.0.44.dev20260713+nightly
codegen_flags: <defaults>
</compile_context>

<pallas_src>
import functools

import jax
import jax.numpy as jnp
from jax import lax
from jax.experimental import pallas as pl
from jax.experimental.pallas import tpu as pltpu
from jax.experimental.pallas import tpu_sc as plsc

C = 24
BROW = 25
L = 16
NC = 2
NS = 16
NW = NC * NS
BCH = 256
SOCT = 8
NACC = 4


def _sc_score(ytp, ypt, bpad, n_sc):
    n_seq = ytp.shape[0]
    grid = (n_sc // BCH) * n_seq
    mesh = plsc.VectorSubcoreMesh(core_axis_name="core",
                                  subcore_axis_name="subcore")
    cparams = pltpu.CompilerParams(needs_layout_passes=False,
                                   use_tc_tiling_on_sc=True)

    @functools.partial(
        pl.kernel,
        out_type=jax.ShapeDtypeStruct((NW, L), jnp.float32),
        mesh=mesh,
        scratch_types=[
            pltpu.VMEM((BROW * C + 40,), jnp.float32),
            pltpu.VMEM((NACC, L), jnp.float32),
        ],
        compiler_params=cparams,
    )
    def kern(yt_hbm, yp_hbm, b_hbm, out_hbm, bv, accv):
        wid = lax.axis_index("subcore") * NC + lax.axis_index("core")
        pltpu.sync_copy(b_hbm, bv)
        zeros16 = jnp.zeros((L,), jnp.float32)
        for a in range(NACC):
            accv[a] = zeros16

        def body(yt_vmem, yp_vmem):
            @pl.loop(0, BCH // L)
            def _(g):
                l0 = g * L
                for r in range(SOCT):
                    t25 = yt_vmem[0, r, pl.ds(l0, L)] * BROW
                    acc = [accv[a] for a in range(NACC)]
                    for c in range(C):
                        w = plsc.load_gather(bv, [t25 + c])
                        p = yp_vmem[r, c, pl.ds(l0, L)]
                        acc[c % NACC] = acc[c % NACC] + w * p
                    for a in range(NACC):
                        accv[a] = acc[a]

        pltpu.emit_pipeline(
            body,
            grid=(grid,),
            in_specs=[
                pl.BlockSpec((1, SOCT, BCH),
                             lambda i: (i % n_seq, 0, i // n_seq)),
                pl.BlockSpec((SOCT, C, BCH),
                             lambda i: (i % n_seq, 0, i // n_seq)),
            ],
            out_specs=[],
            core_axis_name=("core", "subcore"),
            dimension_semantics=(pltpu.PARALLEL,),
        )(yt_hbm, yp_hbm)

        acc = (accv[0] + accv[1]) + (accv[2] + accv[3])
        accv[0] = acc
        pltpu.sync_copy(accv.at[0], out_hbm.at[wid])

    return kern(ytp, ypt, bpad)


TCB = 2048


def _tc_score(ytp, ypt, B, n_sc):
    n_seq = ytp.shape[0]
    n_batch = ypt.shape[2]
    nchunk = (n_batch - n_sc) // TCB
    b0 = n_sc // TCB

    def body(t_ref, p_ref, b_ref, o_ref, a_ref):
        i = pl.program_id(0)
        j = pl.program_id(1)

        @pl.when(jnp.logical_and(i == 0, j == 0))
        def _():
            a_ref[...] = jnp.zeros((C, TCB), jnp.float32)

        bt = b_ref[...].T
        for r in range(SOCT):
            t = t_ref[0, r]
            oh = (lax.broadcasted_iota(jnp.int32, (C, TCB), 0)
                  == t[None, :]).astype(jnp.float32)
            w = jnp.dot(bt, oh, preferred_element_type=jnp.float32,
                        precision=lax.Precision.HIGHEST)
            a_ref[...] += w * p_ref[r]

        @pl.when(jnp.logical_and(i == nchunk - 1, j == n_seq - 1))
        def _():
            o_ref[0, 0] = jnp.sum(a_ref[...])

    return pl.pallas_call(
        body,
        grid=(nchunk, n_seq),
        in_specs=[
            pl.BlockSpec((1, SOCT, TCB), lambda i, j: (j, 0, i + b0)),
            pl.BlockSpec((SOCT, C, TCB), lambda i, j: (j, 0, i + b0)),
            pl.BlockSpec((C, C), lambda i, j: (0, 0)),
        ],
        out_specs=pl.BlockSpec(memory_space=pltpu.SMEM),
        out_shape=jax.ShapeDtypeStruct((1, 1), jnp.float32),
        scratch_shapes=[pltpu.VMEM((C, TCB), jnp.float32)],
    )(ytp, ypt, B)


def kernel(y_true, y_pred, B):
    seq = y_true.shape[1]
    n_sc = 8192
    assert n_sc % BCH == 0 and (y_true.shape[0] - n_sc) % TCB == 0
    assert n_sc % TCB == 0
    ypt = jnp.transpose(y_pred, (1, 2, 0))
    ytp = jnp.transpose(y_true.astype(jnp.int32), (1, 0)).reshape(
        seq // SOCT, SOCT, -1)
    bpad = jnp.pad(B, ((0, 0), (0, BROW - C))).reshape(-1)
    bpad = jnp.pad(bpad, (0, 640 - BROW * C))
    partials = _sc_score(ytp, ypt, bpad, n_sc)
    tc_part = _tc_score(ytp, ypt, B, n_sc)
    return jnp.sum(partials) + tc_part[0, 0]

# --- scband reference (transcript-rebuilt; emitter-appended) ---
"""Pipeline reference for scband-score-blosum-26001732009996 (READ-ONLY COPY).

The authoritative reference and input builder live on the scoring server;
editing this copy changes nothing except your own understanding.
"""

import jax, jax.numpy as jnp
import numpy as np

B_VOCAB = 24  # BLOSUM62 alphabet size (amino acids)
BATCH = 16384
SEQ = 200


def setup_inputs(seed: int = 0) -> dict:
    key = jax.random.key(seed)
    k1, k2, k3 = jax.random.split(key, 3)
    y_true = jax.random.randint(k1, (BATCH, SEQ), 0, B_VOCAB, dtype=jnp.int64 if jax.config.jax_enable_x64 else jnp.int32).astype(jnp.int32)
    y_pred = jax.random.uniform(k2, (BATCH, SEQ, B_VOCAB), dtype=jnp.float32)
    # Stand-in for the BLOSUM62 substitution matrix; module stores transpose(B).
    # We materialize the already-transposed matrix directly as a learned-style constant.
    B = jax.random.normal(k3, (B_VOCAB, B_VOCAB), dtype=jnp.float32)
    return {"y_true": y_true, "y_pred": y_pred, "B": B}


def reference(y_true, y_pred, B):
    # B corresponds to self.B (the transposed BLOSUM matrix).
    rows = jnp.take(B, y_true.reshape(-1), axis=0)           # gather: [N, 24]
    return jnp.sum(rows * y_pred.reshape(-1, y_pred.shape[-1]))

if __name__ == "__main__":
    import jax
    _d = setup_inputs()
    print(jax.jit(kernel)(*tuple(_d.values())))

</pallas_src>

<mosaic_0001>
#map = affine_map<(d0, d1) -> (0, 0, 0)>
#map1 = affine_map<(d0, d1) -> (0)>
#map2 = affine_map<(d0, d1) -> (0, 0)>
module attributes {stable_mosaic.version = 14 : i64} {
  func.func @kern(%arg0: i32, %arg1: i32, %arg2: memref<25x8x16384xi32, #tpu.memory_space<hbm>>, %arg3: memref<200x24x16384xf32, #tpu.memory_space<hbm>>, %arg4: memref<640xf32, #tpu.memory_space<hbm>>, %arg5: memref<32x16xf32, #tpu.memory_space<hbm>>, %arg6: memref<640xf32, #tpu.memory_space<vmem>>, %arg7: memref<4x16xf32, #tpu.memory_space<vmem>>) attributes {dimension_semantics = [#tpu.dimension_semantics<core_parallel>, #tpu.dimension_semantics<subcore_parallel>], iteration_bounds = array<i64: 2, 16>, scalar_prefetch = 0 : i64, scratch_operands = 2 : i64, tpu.core_type = #tpu.core_type<sc_vector_subcore>, window_params = [{transform_indices = #map}, {transform_indices = #map}, {transform_indices = #map1}, {transform_indices = #map2}]} {
    %mul3A = arith.constant 2 : i32
    %mul3A_0 = arith.muli %arg1, %mul3A : i32
    %add3A = arith.addi %mul3A_0, %arg0 : i32
    "tpu.region"() ({
      %run_scoped3A_48 = tpu.sem_alloc : memref<!tpu.dma_semaphore, #tpu.memory_space<semaphore_mem>>
      tpu.enqueue_dma source(%arg4 : memref<640xf32, #tpu.memory_space<hbm>>) target(%arg6 : memref<640xf32, #tpu.memory_space<vmem>>) target_semaphore(%run_scoped3A_48 : memref<!tpu.dma_semaphore, #tpu.memory_space<semaphore_mem>>)
      tpu.wait_dma2 semaphore(%run_scoped3A_48 : memref<!tpu.dma_semaphore, #tpu.memory_space<semaphore_mem>>) src(%arg4 : memref<640xf32, #tpu.memory_space<hbm>>) dst(%arg6 : memref<640xf32, #tpu.memory_space<vmem>>)
      tpu.yield
    }) : () -> ()
    %broadcast_in_dim3A = arith.constant 0.000000e+00 : f32
    %broadcast_in_dim3A_1 = vector.broadcast %broadcast_in_dim3A : f32 to vector<16xf32>
    %swap3A = arith.constant 0 : i32
    %swap3A_2 = arith.index_cast %swap3A : i32 to index
    %swap3A_3 = arith.constant 0 : index
    %swap3A_4 = tpu.vector_load %arg7[%swap3A_2, %swap3A_3] {strides = array<i32>} : memref<4x16xf32, #tpu.memory_space<vmem>>, vector<16xf32>,
    tpu.vector_store %arg7[%swap3A_2, %swap3A_3], %broadcast_in_dim3A_1 {strides = array<i32>} : memref<4x16xf32, #tpu.memory_space<vmem>>, vector<16xf32>,
    %swap3A_5 = arith.constant 1 : i32
    %swap3A_6 = arith.index_cast %swap3A_5 : i32 to index
    %swap3A_7 = arith.constant 0 : index
    %swap3A_8 = tpu.vector_load %arg7[%swap3A_6, %swap3A_7] {strides = array<i32>} : memref<4x16xf32, #tpu.memory_space<vmem>>, vector<16xf32>,
    tpu.vector_store %arg7[%swap3A_6, %swap3A_7], %broadcast_in_dim3A_1 {strides = array<i32>} : memref<4x16xf32, #tpu.memory_space<vmem>>, vector<16xf32>,
    %swap3A_9 = arith.constant 2 : i32
    %swap3A_10 = arith.index_cast %swap3A_9 : i32 to index
    %swap3A_11 = arith.constant 0 : index
    %swap3A_12 = tpu.vector_load %arg7[%swap3A_10, %swap3A_11] {strides = array<i32>} : memref<4x16xf32, #tpu.memory_space<vmem>>, vector<16xf32>,
    tpu.vector_store %arg7[%swap3A_10, %swap3A_11], %broadcast_in_dim3A_1 {strides = array<i32>} : memref<4x16xf32, #tpu.memory_space<vmem>>, vector<16xf32>,
    %swap3A_13 = arith.constant 3 : i32
    %swap3A_14 = arith.index_cast %swap3A_13 : i32 to index
    %swap3A_15 = arith.constant 0 : index
    %swap3A_16 = tpu.vector_load %arg7[%swap3A_14, %swap3A_15] {strides = array<i32>} : memref<4x16xf32, #tpu.memory_space<vmem>>, vector<16xf32>,
    tpu.vector_store %arg7[%swap3A_14, %swap3A_15], %broadcast_in_dim3A_1 {strides = array<i32>} : memref<4x16xf32, #tpu.memory_space<vmem>>, vector<16xf32>,
    %mul3A_17 = arith.constant 1 : i32
    %mul3A_18 = arith.muli %arg1, %mul3A_17 : i32
    %add3A_19 = arith.constant 0 : i32
    %add3A_20 = arith.addi %add3A_19, %mul3A_18 : i32
    %mul3A_21 = arith.constant 16 : i32
    %mul3A_22 = arith.muli %arg0, %mul3A_21 : i32
    %add3A_23 = arith.addi %add3A_20, %mul3A_22 : i32
    %mul3A_24 = arith.constant 25 : i32
    %mul3A_25 = arith.muli %add3A_23, %mul3A_24 : i32
    "tpu.region"() ({
      %run_scoped3A_48 = memref.alloca() : memref<2x1x8x256xi32, #tpu.memory_space<vmem>>
      %run_scoped3A_49 = tpu.sem_alloc : memref<2x!tpu.dma_semaphore, #tpu.memory_space<semaphore_mem>>
      %run_scoped3A_50 = memref.alloca() : memref<2x8x24x256xf32, #tpu.memory_space<vmem>>
      %run_scoped3A_51 = tpu.sem_alloc : memref<2x!tpu.dma_semaphore, #tpu.memory_space<semaphore_mem>>
      %add3A_52 = arith.constant 0 : i32
      %add3A_53 = arith.addi %add3A_52, %mul3A_25 : i32
      %select_n3A = arith.constant true
      %select_n3A_54 = arith.constant 0 : i32
      %select_n3A_55 = arith.constant -1 : i32
      %select_n3A_56 = arith.select %select_n3A, %select_n3A_55, %select_n3A_54 : i32
      %eq3A = arith.constant -1 : i32
      %eq3A_57 = arith.cmpi eq, %select_n3A_56, %eq3A : i32
      %select_n3A_58 = arith.constant 24 : i32
      %select_n3A_59 = arith.select %eq3A_57, %select_n3A_58, %select_n3A_56 : i32
      %add3A_60 = arith.addi %select_n3A_59, %mul3A_25 : i32
      %select_n3A_61 = arith.constant true
      %select_n3A_62 = arith.constant 0 : i32
      %select_n3A_63 = arith.constant 1 : i32
      %select_n3A_64 = arith.select %select_n3A_61, %select_n3A_63, %select_n3A_62 : i32
      %eq3A_65 = arith.constant 25 : i32
      %eq3A_66 = arith.cmpi eq, %select_n3A_64, %eq3A_65 : i32
      %select_n3A_67 = arith.constant 0 : i32
      %select_n3A_68 = arith.select %eq3A_66, %select_n3A_67, %select_n3A_64 : i32
      %add3A_69 = arith.addi %select_n3A_68, %mul3A_25 : i32
      %add3A_70 = arith.constant 1 : i32
      %add3A_71 = arith.addi %select_n3A_68, %add3A_70 : i32
      %select_n3A_72 = arith.constant true
      %select_n3A_73 = arith.select %select_n3A_72, %add3A_71, %select_n3A_68 : i32
      %eq3A_74 = arith.constant 25 : i32
      %eq3A_75 = arith.cmpi eq, %select_n3A_73, %eq3A_74 : i32
      %select_n3A_76 = arith.constant 0 : i32
      %select_n3A_77 = arith.select %eq3A_75, %select_n3A_76, %select_n3A_73 : i32
      %add3A_78 = arith.addi %select_n3A_77, %mul3A_25 : i32
      "tpu.trace_start"() <{level = 10 : i32, message = "ep_initialize_0"}> : () -> ()
      %rem3A = arith.constant 0 : i32
      %rem3A_79 = arith.constant 2 : i32
      %rem3A_80 = arith.remui %rem3A, %rem3A_79 : i32
      %jit3A = arith.constant 25 : i32
      %eq3A_81 = arith.constant 0 : i32
      %eq3A_82 = arith.cmpi eq, %jit3A, %eq3A_81 : i32
      %jit3A_83 = arith.constant 1 : i32
      %select_n3A_84 = arith.select %eq3A_82, %jit3A_83, %jit3A : i32
      %rem3A_85 = arith.remsi %add3A_53, %select_n3A_84 : i32
      %ne3A = arith.constant 0 : i32
      %ne3A_86 = arith.cmpi ne, %rem3A_85, %ne3A : i32
      %lt3A = arith.constant 0 : i32
      %lt3A_87 = arith.cmpi slt, %rem3A_85, %lt3A : i32
      %lt3A_88 = arith.constant 0 : i32
      %lt3A_89 = arith.cmpi slt, %select_n3A_84, %lt3A_88 : i32
      %ne3A_90 = arith.xori %lt3A_87, %lt3A_89 : i1
      %and3A = arith.andi %ne3A_90, %ne3A_86 : i1
      %add3A_91 = arith.addi %rem3A_85, %select_n3A_84 : i32
      %select_n3A_92 = arith.select %and3A, %add3A_91, %rem3A_85 : i32
      %jit3A_93 = arith.constant 25 : i32
      %div3A = arith.divsi %add3A_53, %jit3A_93 : i32
      %sign3A = arith.constant 0 : i32
      %sign3A_94 = arith.cmpi sgt, %add3A_53, %sign3A : i32
      %sign3A_95 = arith.extui %sign3A_94 : i1 to i32
      %sign3A_96 = arith.constant 0 : i32
      %sign3A_97 = arith.cmpi slt, %add3A_53, %sign3A_96 : i32
      %sign3A_98 = arith.extui %sign3A_97 : i1 to i32
      %sign3A_99 = arith.subi %sign3A_95, %sign3A_98 : i32
      %sign3A_100 = arith.constant 0 : i32
      %sign3A_101 = arith.cmpi sgt, %jit3A_93, %sign3A_100 : i32
      %sign3A_102 = arith.extui %sign3A_101 : i1 to i32
      %sign3A_103 = arith.constant 0 : i32
      %sign3A_104 = arith.cmpi slt, %jit3A_93, %sign3A_103 : i32
      %sign3A_105 = arith.extui %sign3A_104 : i1 to i32
      %sign3A_106 = arith.subi %sign3A_102, %sign3A_105 : i32
      %ne3A_107 = arith.cmpi ne, %sign3A_99, %sign3A_106 : i32
      %rem3A_108 = arith.remsi %add3A_53, %jit3A_93 : i32
      %ne3A_109 = arith.constant 0 : i32
      %ne3A_110 = arith.cmpi ne, %rem3A_108, %ne3A_109 : i32
      %and3A_111 = arith.andi %ne3A_107, %ne3A_110 : i1
      %sub3A = arith.constant 1 : i32
      %sub3A_112 = arith.subi %div3A, %sub3A : i32
      %select_n3A_113 = arith.select %and3A_111, %sub3A_112, %div3A : i32
      %mul3A_114 = arith.constant 1 : i32
      %mul3A_115 = arith.muli %mul3A_114, %select_n3A_92 : i32
      %mul3A_116 = arith.constant 256 : i32
      %mul3A_117 = arith.muli %mul3A_116, %select_n3A_113 : i32
      %dma_start3A = arith.constant 0 : i32
      %dma_start3A_118 = arith.constant 0 : i32
      %dma_start3A_119 = arith.constant 0 : i32
      %dma_start3A_120 = tpu.memref_slice %run_scoped3A_48[%rem3A_80, %dma_start3A, %dma_start3A_118, %dma_start3A_119] : memref<2x1x8x256xi32, #tpu.memory_space<vmem>> -> memref<1x1x8x256xi32, #tpu.memory_space<vmem>>
      %dma_start3A_121 = tpu.memref_squeeze %dma_start3A_120 : memref<1x1x8x256xi32, #tpu.memory_space<vmem>> -> memref<1x8x256xi32, #tpu.memory_space<vmem>>
      %dma_start3A_122 = arith.constant 0 : i32
      %dma_start3A_123 = tpu.memref_slice %arg2[%mul3A_115, %dma_start3A_122, %mul3A_117] : memref<25x8x16384xi32, #tpu.memory_space<hbm>> -> memref<1x8x256xi32, #tpu.memory_space<hbm>>
      %dma_start3A_124 = tpu.memref_slice %run_scoped3A_49[%rem3A_80] : memref<2x!tpu.dma_semaphore, #tpu.memory_space<semaphore_mem>> -> memref<1x!tpu.dma_semaphore, #tpu.memory_space<semaphore_mem>>
      %dma_start3A_125 = tpu.memref_squeeze %dma_start3A_124 : memref<1x!tpu.dma_semaphore, #tpu.memory_space<semaphore_mem>> -> memref<!tpu.dma_semaphore, #tpu.memory_space<semaphore_mem>>
      %dma_start3A_126 = arith.constant 0 : i32
      %dma_start3A_127 = arith.constant 0 : i32
      %dma_start3A_128 = arith.constant 0 : i32
      %dma_start3A_129 = tpu.memref_slice %run_scoped3A_48[%rem3A_80, %dma_start3A_126, %dma_start3A_127, %dma_start3A_128] : memref<2x1x8x256xi32, #tpu.memory_space<vmem>> -> memref<1x1x8x256xi32, #tpu.memory_space<vmem>>
      %dma_start3A_130 = tpu.memref_squeeze %dma_start3A_129 : memref<1x1x8x256xi32, #tpu.memory_space<vmem>> -> memref<1x8x256xi32, #tpu.memory_space<vmem>>
      %dma_start3A_131 = arith.constant 0 : i32
      %dma_start3A_132 = tpu.memref_slice %arg2[%mul3A_115, %dma_start3A_131, %mul3A_117] : memref<25x8x16384xi32, #tpu.memory_space<hbm>> -> memref<1x8x256xi32, #tpu.memory_space<hbm>>
      tpu.enqueue_dma source(%dma_start3A_132 : memref<1x8x256xi32, #tpu.memory_space<hbm>>) target(%dma_start3A_130 : memref<1x8x256xi32, #tpu.memory_space<vmem>>) target_semaphore(%dma_start3A_125 : memref<!tpu.dma_semaphore, #tpu.memory_space<semaphore_mem>>)
      %add3A_133 = arith.constant 0 : i32
      %add3A_134 = arith.constant 1 : i32
      %add3A_135 = arith.addi %add3A_133, %add3A_134 : i32
      %select_n3A_136 = arith.constant true
      %select_n3A_137 = arith.constant 0 : i32
      %select_n3A_138 = arith.select %select_n3A_136, %add3A_135, %select_n3A_137 : i32
      %rem3A_139 = arith.constant 0 : i32
      %rem3A_140 = arith.constant 2 : i32
      %rem3A_141 = arith.remui %rem3A_139, %rem3A_140 : i32
      %jit3A_142 = arith.constant 25 : i32
      %eq3A_143 = arith.constant 0 : i32
      %eq3A_144 = arith.cmpi eq, %jit3A_142, %eq3A_143 : i32
      %jit3A_145 = arith.constant 1 : i32
      %select_n3A_146 = arith.select %eq3A_144, %jit3A_145, %jit3A_142 : i32
      %rem3A_147 = arith.remsi %add3A_53, %select_n3A_146 : i32
      %ne3A_148 = arith.constant 0 : i32
      %ne3A_149 = arith.cmpi ne, %rem3A_147, %ne3A_148 : i32
      %lt3A_150 = arith.constant 0 : i32
      %lt3A_151 = arith.cmpi slt, %rem3A_147, %lt3A_150 : i32
      %lt3A_152 = arith.constant 0 : i32
      %lt3A_153 = arith.cmpi slt, %select_n3A_146, %lt3A_152 : i32
      %ne3A_154 = arith.xori %lt3A_151, %lt3A_153 : i1
      %and3A_155 = arith.andi %ne3A_154, %ne3A_149 : i1
      %add3A_156 = arith.addi %rem3A_147, %select_n3A_146 : i32
      %select_n3A_157 = arith.select %and3A_155, %add3A_156, %rem3A_147 : i32
      %jit3A_158 = arith.constant 25 : i32
      %div3A_159 = arith.divsi %add3A_53, %jit3A_158 : i32
      %sign3A_160 = arith.constant 0 : i32
      %sign3A_161 = arith.cmpi sgt, %add3A_53, %sign3A_160 : i32
      %sign3A_162 = arith.extui %sign3A_161 : i1 to i32
      %sign3A_163 = arith.constant 0 : i32
      %sign3A_164 = arith.cmpi slt, %add3A_53, %sign3A_163 : i32
      %sign3A_165 = arith.extui %sign3A_164 : i1 to i32
      %sign3A_166 = arith.subi %sign3A_162, %sign3A_165 : i32
      %sign3A_167 = arith.constant 0 : i32
      %sign3A_168 = arith.cmpi sgt, %jit3A_158, %sign3A_167 : i32
      %sign3A_169 = arith.extui %sign3A_168 : i1 to i32
      %sign3A_170 = arith.constant 0 : i32
      %sign3A_171 = arith.cmpi slt, %jit3A_158, %sign3A_170 : i32
      %sign3A_172 = arith.extui %sign3A_171 : i1 to i32
      %sign3A_173 = arith.subi %sign3A_169, %sign3A_172 : i32
      %ne3A_174 = arith.cmpi ne, %sign3A_166, %sign3A_173 : i32
      %rem3A_175 = arith.remsi %add3A_53, %jit3A_158 : i32
      %ne3A_176 = arith.constant 0 : i32
      %ne3A_177 = arith.cmpi ne, %rem3A_175, %ne3A_176 : i32
      %and3A_178 = arith.andi %ne3A_174, %ne3A_177 : i1
      %sub3A_179 = arith.constant 1 : i32
      %sub3A_180 = arith.subi %div3A_159, %sub3A_179 : i32
      %select_n3A_181 = arith.select %and3A_178, %sub3A_180, %div3A_159 : i32
      %mul3A_182 = arith.constant 8 : i32
      %mul3A_183 = arith.muli %mul3A_182, %select_n3A_157 : i32
      %mul3A_184 = arith.constant 256 : i32
      %mul3A_185 = arith.muli %mul3A_184, %select_n3A_181 : i32
      %dma_start3A_186 = arith.constant 0 : i32
      %dma_start3A_187 = arith.constant 0 : i32
      %dma_start3A_188 = arith.constant 0 : i32
      %dma_start3A_189 = tpu.memref_slice %run_scoped3A_50[%rem3A_141, %dma_start3A_186, %dma_start3A_187, %dma_start3A_188] : memref<2x8x24x256xf32, #tpu.memory_space<vmem>> -> memref<1x8x24x256xf32, #tpu.memory_space<vmem>>
      %dma_start3A_190 = tpu.memref_squeeze %dma_start3A_189 : memref<1x8x24x256xf32, #tpu.memory_space<vmem>> -> memref<8x24x256xf32, #tpu.memory_space<vmem>>
      %dma_start3A_191 = arith.constant 0 : i32
      %dma_start3A_192 = tpu.memref_slice %arg3[%mul3A_183, %dma_start3A_191, %mul3A_185] : memref<200x24x16384xf32, #tpu.memory_space<hbm>> -> memref<8x24x256xf32, #tpu.memory_space<hbm>>
      %dma_start3A_193 = tpu.memref_slice %run_scoped3A_51[%rem3A_141] : memref<2x!tpu.dma_semaphore, #tpu.memory_space<semaphore_mem>> -> memref<1x!tpu.dma_semaphore, #tpu.memory_space<semaphore_mem>>
      %dma_start3A_194 = tpu.memref_squeeze %dma_start3A_193 : memref<1x!tpu.dma_semaphore, #tpu.memory_space<semaphore_mem>> -> memref<!tpu.dma_semaphore, #tpu.memory_space<semaphore_mem>>
      %dma_start3A_195 = arith.constant 0 : i32
      %dma_start3A_196 = arith.constant 0 : i32
      %dma_start3A_197 = arith.constant 0 : i32
      %dma_start3A_198 = tpu.memref_slice %run_scoped3A_50[%rem3A_141, %dma_start3A_195, %dma_start3A_196, %dma_start3A_197] : memref<2x8x24x256xf32, #tpu.memory_space<vmem>> -> memref<1x8x24x256xf32, #tpu.memory_space<vmem>>
      %dma_start3A_199 = tpu.memref_squeeze %dma_start3A_198 : memref<1x8x24x256xf32, #tpu.memory_space<vmem>> -> memref<8x24x256xf32, #tpu.memory_space<vmem>>
      %dma_start3A_200 = arith.constant 0 : i32
      %dma_start3A_201 = tpu.memref_slice %arg3[%mul3A_183, %dma_start3A_200, %mul3A_185] : memref<200x24x16384xf32, #tpu.memory_space<hbm>> -> memref<8x24x256xf32, #tpu.memory_space<hbm>>
      tpu.enqueue_dma source(%dma_start3A_201 : memref<8x24x256xf32, #tpu.memory_space<hbm>>) target(%dma_start3A_199 : memref<8x24x256xf32, #tpu.memory_space<vmem>>) target_semaphore(%dma_start3A_194 : memref<!tpu.dma_semaphore, #tpu.memory_space<semaphore_mem>>)
      %add3A_202 = arith.constant 0 : i32
      %add3A_203 = arith.constant 1 : i32
      %add3A_204 = arith.addi %add3A_202, %add3A_203 : i32
      %select_n3A_205 = arith.constant true
      %select_n3A_206 = arith.constant 0 : i32
      %select_n3A_207 = arith.select %select_n3A_205, %add3A_204, %select_n3A_206 : i32
      "tpu.trace_stop"() : () -> ()
      %scan3A = arith.constant 0 : i32
      %scan3A_208 = arith.constant 0 : i32
      %scan3A_209 = arith.constant 0 : i32
      %scan3A_210 = arith.constant 0 : i32
      %scan3A_211 = arith.constant 25 : i32
      %scan3A_212 = arith.addi %scan3A_210, %scan3A_211 : i32
      %scan3A_213 = arith.constant 1 : i32
      %scan3A_214:5 = scf.for %scan3A_252 = %scan3A_210 to %scan3A_212 step %scan3A_213 iter_args(%scan3A_253 = %select_n3A_138, %scan3A_254 = %scan3A, %scan3A_255 = %select_n3A_207, %scan3A_256 = %scan3A_208, %scan3A_257 = %scan3A_209) -> (i32, i32, i32, i32, i32)  : i32 {
        %eq3A_258 = arith.constant 0 : i32
        %eq3A_259 = arith.cmpi eq, %scan3A_252, %eq3A_258 : i32
        %eq3A_260 = arith.constant 24 : i32
        %eq3A_261 = arith.cmpi eq, %scan3A_252, %eq3A_260 : i32
        %add3A_262 = arith.addi %scan3A_257, %mul3A_25 : i32
        %sub3A_263 = arith.constant 1 : i32
        %sub3A_264 = arith.subi %scan3A_257, %sub3A_263 : i32
        %select_n3A_265 = arith.constant true
        %select_n3A_266 = arith.select %select_n3A_265, %sub3A_264, %scan3A_257 : i32
        %eq3A_267 = arith.constant -1 : i32
        %eq3A_268 = arith.cmpi eq, %select_n3A_266, %eq3A_267 : i32
        %select_n3A_269 = arith.constant 24 : i32
        %select_n3A_270 = arith.select %eq3A_268, %select_n3A_269, %select_n3A_266 : i32
        %add3A_271 = arith.addi %select_n3A_270, %mul3A_25 : i32
        %add3A_272 = arith.constant 1 : i32
        %add3A_273 = arith.addi %scan3A_257, %add3A_272 : i32
        %select_n3A_274 = arith.constant true
        %select_n3A_275 = arith.select %select_n3A_274, %add3A_273, %scan3A_257 : i32
        %eq3A_276 = arith.constant 25 : i32
        %eq3A_277 = arith.cmpi eq, %select_n3A_275, %eq3A_276 : i32
        %select_n3A_278 = arith.constant 0 : i32
        %select_n3A_279 = arith.select %eq3A_277, %select_n3A_278, %select_n3A_275 : i32
        %add3A_280 = arith.addi %select_n3A_279, %mul3A_25 : i32
        %add3A_281 = arith.constant 1 : i32
        %add3A_282 = arith.addi %select_n3A_279, %add3A_281 : i32
        %select_n3A_283 = arith.constant true
        %select_n3A_284 = arith.select %select_n3A_283, %add3A_282, %select_n3A_279 : i32
        %eq3A_285 = arith.constant 25 : i32
        %eq3A_286 = arith.cmpi eq, %select_n3A_284, %eq3A_285 : i32
        %select_n3A_287 = arith.constant 0 : i32
        %select_n3A_288 = arith.select %eq3A_286, %select_n3A_287, %select_n3A_284 : i32
        %add3A_289 = arith.addi %select_n3A_288, %mul3A_25 : i32
        %jit3A_290 = arith.constant 25 : i32
        %eq3A_291 = arith.constant 0 : i32
        %eq3A_292 = arith.cmpi eq, %jit3A_290, %eq3A_291 : i32
        %jit3A_293 = arith.constant 1 : i32
        %select_n3A_294 = arith.select %eq3A_292, %jit3A_293, %jit3A_290 : i32
        %rem3A_295 = arith.remsi %add3A_262, %select_n3A_294 : i32
        %ne3A_296 = arith.constant 0 : i32
        %ne3A_297 = arith.cmpi ne, %rem3A_295, %ne3A_296 : i32
        %lt3A_298 = arith.constant 0 : i32
        %lt3A_299 = arith.cmpi slt, %rem3A_295, %lt3A_298 : i32
        %lt3A_300 = arith.constant 0 : i32
        %lt3A_301 = arith.cmpi slt, %select_n3A_294, %lt3A_300 : i32
        %ne3A_302 = arith.xori %lt3A_299, %lt3A_301 : i1
        %and3A_303 = arith.andi %ne3A_302, %ne3A_297 : i1
        %add3A_304 = arith.addi %rem3A_295, %select_n3A_294 : i32
        %select_n3A_305 = arith.select %and3A_303, %add3A_304, %rem3A_295 : i32
        %jit3A_306 = arith.constant 25 : i32
        %div3A_307 = arith.divsi %add3A_262, %jit3A_306 : i32
        %sign3A_308 = arith.constant 0 : i32
        %sign3A_309 = arith.cmpi sgt, %add3A_262, %sign3A_308 : i32
        %sign3A_310 = arith.extui %sign3A_309 : i1 to i32
        %sign3A_311 = arith.constant 0 : i32
        %sign3A_312 = arith.cmpi slt, %add3A_262, %sign3A_311 : i32
        %sign3A_313 = arith.extui %sign3A_312 : i1 to i32
        %sign3A_314 = arith.subi %sign3A_310, %sign3A_313 : i32
        %sign3A_315 = arith.constant 0 : i32
        %sign3A_316 = arith.cmpi sgt, %jit3A_306, %sign3A_315 : i32
        %sign3A_317 = arith.extui %sign3A_316 : i1 to i32
        %sign3A_318 = arith.constant 0 : i32
        %sign3A_319 = arith.cmpi slt, %jit3A_306, %sign3A_318 : i32
        %sign3A_320 = arith.extui %sign3A_319 : i1 to i32
        %sign3A_321 = arith.subi %sign3A_317, %sign3A_320 : i32
        %ne3A_322 = arith.cmpi ne, %sign3A_314, %sign3A_321 : i32
        %rem3A_323 = arith.remsi %add3A_262, %jit3A_306 : i32
        %ne3A_324 = arith.constant 0 : i32
        %ne3A_325 = arith.cmpi ne, %rem3A_323, %ne3A_324 : i32
        %and3A_326 = arith.andi %ne3A_322, %ne3A_325 : i1
        %sub3A_327 = arith.constant 1 : i32
        %sub3A_328 = arith.subi %div3A_307, %sub3A_327 : i32
        %select_n3A_329 = arith.select %and3A_326, %sub3A_328, %div3A_307 : i32
        %jit3A_330 = arith.constant 25 : i32
        %eq3A_331 = arith.constant 0 : i32
        %eq3A_332 = arith.cmpi eq, %jit3A_330, %eq3A_331 : i32
        %jit3A_333 = arith.constant 1 : i32
        %select_n3A_334 = arith.select %eq3A_332, %jit3A_333, %jit3A_330 : i32
        %rem3A_335 = arith.remsi %add3A_280, %select_n3A_334 : i32
        %ne3A_336 = arith.constant 0 : i32
        %ne3A_337 = arith.cmpi ne, %rem3A_335, %ne3A_336 : i32
        %lt3A_338 = arith.constant 0 : i32
        %lt3A_339 = arith.cmpi slt, %rem3A_335, %lt3A_338 : i32
        %lt3A_340 = arith.constant 0 : i32
        %lt3A_341 = arith.cmpi slt, %select_n3A_334, %lt3A_340 : i32
        %ne3A_342 = arith.xori %lt3A_339, %lt3A_341 : i1
        %and3A_343 = arith.andi %ne3A_342, %ne3A_337 : i1
        %add3A_344 = arith.addi %rem3A_335, %select_n3A_334 : i32
        %select_n3A_345 = arith.select %and3A_343, %add3A_344, %rem3A_335 : i32
        %jit3A_346 = arith.constant 25 : i32
        %div3A_347 = arith.divsi %add3A_280, %jit3A_346 : i32
        %sign3A_348 = arith.constant 0 : i32
        %sign3A_349 = arith.cmpi sgt, %add3A_280, %sign3A_348 : i32
        %sign3A_350 = arith.extui %sign3A_349 : i1 to i32
        %sign3A_351 = arith.constant 0 : i32
        %sign3A_352 = arith.cmpi slt, %add3A_280, %sign3A_351 : i32
        %sign3A_353 = arith.extui %sign3A_352 : i1 to i32
        %sign3A_354 = arith.subi %sign3A_350, %sign3A_353 : i32
        %sign3A_355 = arith.constant 0 : i32
        %sign3A_356 = arith.cmpi sgt, %jit3A_346, %sign3A_355 : i32
        %sign3A_357 = arith.extui %sign3A_356 : i1 to i32
        %sign3A_358 = arith.constant 0 : i32
        %sign3A_359 = arith.cmpi slt, %jit3A_346, %sign3A_358 : i32
        %sign3A_360 = arith.extui %sign3A_359 : i1 to i32
        %sign3A_361 = arith.subi %sign3A_357, %sign3A_360 : i32
        %ne3A_362 = arith.cmpi ne, %sign3A_354, %sign3A_361 : i32
        %rem3A_363 = arith.remsi %add3A_280, %jit3A_346 : i32
        %ne3A_364 = arith.constant 0 : i32
        %ne3A_365 = arith.cmpi ne, %rem3A_363, %ne3A_364 : i32
        %and3A_366 = arith.andi %ne3A_362, %ne3A_365 : i1
        %sub3A_367 = arith.constant 1 : i32
        %sub3A_368 = arith.subi %div3A_347, %sub3A_367 : i32
        %select_n3A_369 = arith.select %and3A_366, %sub3A_368, %div3A_347 : i32
        %ne3A_370 = arith.cmpi ne, %select_n3A_305, %select_n3A_345 : i32
        %ne3A_371 = arith.cmpi ne, %select_n3A_329, %select_n3A_369 : i32
        %or3A = arith.constant false
        %or3A_372 = arith.ori %or3A, %ne3A_370 : i1
        %or3A_373 = arith.constant false
        %or3A_374 = arith.ori %or3A_372, %or3A_373 : i1
        %or3A_375 = arith.ori %or3A_374, %ne3A_371 : i1
        %ge3A = arith.constant 24 : i32
        %ge3A_376 = arith.cmpi sge, %scan3A_252, %ge3A : i32
        %not3A = arith.constant true
        %not3A_377 = arith.xori %ge3A_376, %not3A : i1
        %and3A_378 = arith.andi %or3A_375, %not3A_377 : i1
        %convert_element_type3A = arith.extui %and3A_378 : i1 to i32
        %cond3A = arith.constant 0 : i32
        %cond3A_379 = arith.cmpi ne, %convert_element_type3A, %cond3A : i32
        scf.if %cond3A_379 {
          "tpu.trace_start"() <{level = 10 : i32, message = "ep_copy_in"}> : () -> ()
          %rem3A_1242 = arith.constant 2 : i32
          %rem3A_1243 = arith.remui %scan3A_253, %rem3A_1242 : i32
          %jit3A_1244 = arith.constant 25 : i32
          %eq3A_1245 = arith.constant 0 : i32
          %eq3A_1246 = arith.cmpi eq, %jit3A_1244, %eq3A_1245 : i32
          %jit3A_1247 = arith.constant 1 : i32
          %select_n3A_1248 = arith.select %eq3A_1246, %jit3A_1247, %jit3A_1244 : i32
          %rem3A_1249 = arith.remsi %add3A_280, %select_n3A_1248 : i32
          %ne3A_1250 = arith.constant 0 : i32
          %ne3A_1251 = arith.cmpi ne, %rem3A_1249, %ne3A_1250 : i32
          %lt3A_1252 = arith.constant 0 : i32
          %lt3A_1253 = arith.cmpi slt, %rem3A_1249, %lt3A_1252 : i32
          %lt3A_1254 = arith.constant 0 : i32
          %lt3A_1255 = arith.cmpi slt, %select_n3A_1248, %lt3A_1254 : i32
          %ne3A_1256 = arith.xori %lt3A_1253, %lt3A_1255 : i1
          %and3A_1257 = arith.andi %ne3A_1256, %ne3A_1251 : i1
          %add3A_1258 = arith.addi %rem3A_1249, %select_n3A_1248 : i32
          %select_n3A_1259 = arith.select %and3A_1257, %add3A_1258, %rem3A_1249 : i32
          %jit3A_1260 = arith.constant 25 : i32
          %div3A_1261 = arith.divsi %add3A_280, %jit3A_1260 : i32
          %sign3A_1262 = arith.constant 0 : i32
          %sign3A_1263 = arith.cmpi sgt, %add3A_280, %sign3A_1262 : i32
          %sign3A_1264 = arith.extui %sign3A_1263 : i1 to i32
          %sign3A_1265 = arith.constant 0 : i32
          %sign3A_1266 = arith.cmpi slt, %add3A_280, %sign3A_1265 : i32
          %sign3A_1267 = arith.extui %sign3A_1266 : i1 to i32
          %sign3A_1268 = arith.subi %sign3A_1264, %sign3A_1267 : i32
          %sign3A_1269 = arith.constant 0 : i32
          %sign3A_1270 = arith.cmpi sgt, %jit3A_1260, %sign3A_1269 : i32
          %sign3A_1271 = arith.extui %sign3A_1270 : i1 to i32
          %sign3A_1272 = arith.constant 0 : i32
          %sign3A_1273 = arith.cmpi slt, %jit3A_1260, %sign3A_1272 : i32
          %sign3A_1274 = arith.extui %sign3A_1273 : i1 to i32
          %sign3A_1275 = arith.subi %sign3A_1271, %sign3A_1274 : i32
          %ne3A_1276 = arith.cmpi ne, %sign3A_1268, %sign3A_1275 : i32
          %rem3A_1277 = arith.remsi %add3A_280, %jit3A_1260 : i32
          %ne3A_1278 = arith.constant 0 : i32
          %ne3A_1279 = arith.cmpi ne, %rem3A_1277, %ne3A_1278 : i32
          %and3A_1280 = arith.andi %ne3A_1276, %ne3A_1279 : i1
          %sub3A_1281 = arith.constant 1 : i32
          %sub3A_1282 = arith.subi %div3A_1261, %sub3A_1281 : i32
          %select_n3A_1283 = arith.select %and3A_1280, %sub3A_1282, %div3A_1261 : i32
          %mul3A_1284 = arith.constant 1 : i32
          %mul3A_1285 = arith.muli %mul3A_1284, %select_n3A_1259 : i32
          %mul3A_1286 = arith.constant 256 : i32
          %mul3A_1287 = arith.muli %mul3A_1286, %select_n3A_1283 : i32
          %dma_start3A_1288 = arith.constant 0 : i32
          %dma_start3A_1289 = arith.constant 0 : i32
          %dma_start3A_1290 = arith.constant 0 : i32
          %dma_start3A_1291 = tpu.memref_slice %run_scoped3A_48[%rem3A_1243, %dma_start3A_1288, %dma_start3A_1289, %dma_start3A_1290] : memref<2x1x8x256xi32, #tpu.memory_space<vmem>> -> memref<1x1x8x256xi32, #tpu.memory_space<vmem>>
          %dma_start3A_1292 = tpu.memref_squeeze %dma_start3A_1291 : memref<1x1x8x256xi32, #tpu.memory_space<vmem>> -> memref<1x8x256xi32, #tpu.memory_space<vmem>>
          %dma_start3A_1293 = arith.constant 0 : i32
          %dma_start3A_1294 = tpu.memref_slice %arg2[%mul3A_1285, %dma_start3A_1293, %mul3A_1287] : memref<25x8x16384xi32, #tpu.memory_space<hbm>> -> memref<1x8x256xi32, #tpu.memory_space<hbm>>
          %dma_start3A_1295 = tpu.memref_slice %run_scoped3A_49[%rem3A_1243] : memref<2x!tpu.dma_semaphore, #tpu.memory_space<semaphore_mem>> -> memref<1x!tpu.dma_semaphore, #tpu.memory_space<semaphore_mem>>
          %dma_start3A_1296 = tpu.memref_squeeze %dma_start3A_1295 : memref<1x!tpu.dma_semaphore, #tpu.memory_space<semaphore_mem>> -> memref<!tpu.dma_semaphore, #tpu.memory_space<semaphore_mem>>
          %dma_start3A_1297 = arith.constant 0 : i32
          %dma_start3A_1298 = arith.constant 0 : i32
          %dma_start3A_1299 = arith.constant 0 : i32
          %dma_start3A_1300 = tpu.memref_slice %run_scoped3A_48[%rem3A_1243, %dma_start3A_1297, %dma_start3A_1298, %dma_start3A_1299] : memref<2x1x8x256xi32, #tpu.memory_space<vmem>> -> memref<1x1x8x256xi32, #tpu.memory_space<vmem>>
          %dma_start3A_1301 = tpu.memref_squeeze %dma_start3A_1300 : memref<1x1x8x256xi32, #tpu.memory_space<vmem>> -> memref<1x8x256xi32, #tpu.memory_space<vmem>>
          %dma_start3A_1302 = arith.constant 0 : i32
          %dma_start3A_1303 = tpu.memref_slice %arg2[%mul3A_1285, %dma_start3A_1302, %mul3A_1287] : memref<25x8x16384xi32, #tpu.memory_space<hbm>> -> memref<1x8x256xi32, #tpu.memory_space<hbm>>
          tpu.enqueue_dma source(%dma_start3A_1303 : memref<1x8x256xi32, #tpu.memory_space<hbm>>) target(%dma_start3A_1301 : memref<1x8x256xi32, #tpu.memory_space<vmem>>) target_semaphore(%dma_start3A_1296 : memref<!tpu.dma_semaphore, #tpu.memory_space<semaphore_mem>>)
          "tpu.trace_stop"() : () -> ()
        } else {
        }
        %and3A_380 = arith.constant true
        %and3A_381 = arith.andi %and3A_378, %and3A_380 : i1
        %add3A_382 = arith.constant 1 : i32
        %add3A_383 = arith.addi %scan3A_253, %add3A_382 : i32
        %select_n3A_384 = arith.select %and3A_381, %add3A_383, %scan3A_253 : i32
        %jit3A_385 = arith.constant 25 : i32
        %eq3A_386 = arith.constant 0 : i32
        %eq3A_387 = arith.cmpi eq, %jit3A_385, %eq3A_386 : i32
        %jit3A_388 = arith.constant 1 : i32
        %select_n3A_389 = arith.select %eq3A_387, %jit3A_388, %jit3A_385 : i32
        %rem3A_390 = arith.remsi %add3A_262, %select_n3A_389 : i32
        %ne3A_391 = arith.constant 0 : i32
        %ne3A_392 = arith.cmpi ne, %rem3A_390, %ne3A_391 : i32
        %lt3A_393 = arith.constant 0 : i32
        %lt3A_394 = arith.cmpi slt, %rem3A_390, %lt3A_393 : i32
        %lt3A_395 = arith.constant 0 : i32
        %lt3A_396 = arith.cmpi slt, %select_n3A_389, %lt3A_395 : i32
        %ne3A_397 = arith.xori %lt3A_394, %lt3A_396 : i1
        %and3A_398 = arith.andi %ne3A_397, %ne3A_392 : i1
        %add3A_399 = arith.addi %rem3A_390, %select_n3A_389 : i32
        %select_n3A_400 = arith.select %and3A_398, %add3A_399, %rem3A_390 : i32
        %jit3A_401 = arith.constant 25 : i32
        %div3A_402 = arith.divsi %add3A_262, %jit3A_401 : i32
        %sign3A_403 = arith.constant 0 : i32
        %sign3A_404 = arith.cmpi sgt, %add3A_262, %sign3A_403 : i32
        %sign3A_405 = arith.extui %sign3A_404 : i1 to i32
        %sign3A_406 = arith.constant 0 : i32
        %sign3A_407 = arith.cmpi slt, %add3A_262, %sign3A_406 : i32
        %sign3A_408 = arith.extui %sign3A_407 : i1 to i32
        %sign3A_409 = arith.subi %sign3A_405, %sign3A_408 : i32
        %sign3A_410 = arith.constant 0 : i32
        %sign3A_411 = arith.cmpi sgt, %jit3A_401, %sign3A_410 : i32
        %sign3A_412 = arith.extui %sign3A_411 : i1 to i32
        %sign3A_413 = arith.constant 0 : i32
        %sign3A_414 = arith.cmpi slt, %jit3A_401, %sign3A_413 : i32
        %sign3A_415 = arith.extui %sign3A_414 : i1 to i32
        %sign3A_416 = arith.subi %sign3A_412, %sign3A_415 : i32
        %ne3A_417 = arith.cmpi ne, %sign3A_409, %sign3A_416 : i32
        %rem3A_418 = arith.remsi %add3A_262, %jit3A_401 : i32
        %ne3A_419 = arith.constant 0 : i32
        %ne3A_420 = arith.cmpi ne, %rem3A_418, %ne3A_419 : i32
        %and3A_421 = arith.andi %ne3A_417, %ne3A_420 : i1
        %sub3A_422 = arith.constant 1 : i32
        %sub3A_423 = arith.subi %div3A_402, %sub3A_422 : i32
        %select_n3A_424 = arith.select %and3A_421, %sub3A_423, %div3A_402 : i32
        %jit3A_425 = arith.constant 25 : i32
        %eq3A_426 = arith.constant 0 : i32
        %eq3A_427 = arith.cmpi eq, %jit3A_425, %eq3A_426 : i32
        %jit3A_428 = arith.constant 1 : i32
        %select_n3A_429 = arith.select %eq3A_427, %jit3A_428, %jit3A_425 : i32
        %rem3A_430 = arith.remsi %add3A_280, %select_n3A_429 : i32
        %ne3A_431 = arith.constant 0 : i32
        %ne3A_432 = arith.cmpi ne, %rem3A_430, %ne3A_431 : i32
        %lt3A_433 = arith.constant 0 : i32
        %lt3A_434 = arith.cmpi slt, %rem3A_430, %lt3A_433 : i32
        %lt3A_435 = arith.constant 0 : i32
        %lt3A_436 = arith.cmpi slt, %select_n3A_429, %lt3A_435 : i32
        %ne3A_437 = arith.xori %lt3A_434, %lt3A_436 : i1
        %and3A_438 = arith.andi %ne3A_437, %ne3A_432 : i1
        %add3A_439 = arith.addi %rem3A_430, %select_n3A_429 : i32
        %select_n3A_440 = arith.select %and3A_438, %add3A_439, %rem3A_430 : i32
        %jit3A_441 = arith.constant 25 : i32
        %div3A_442 = arith.divsi %add3A_280, %jit3A_441 : i32
        %sign3A_443 = arith.constant 0 : i32
        %sign3A_444 = arith.cmpi sgt, %add3A_280, %sign3A_443 : i32
        %sign3A_445 = arith.extui %sign3A_444 : i1 to i32
        %sign3A_446 = arith.constant 0 : i32
        %sign3A_447 = arith.cmpi slt, %add3A_280, %sign3A_446 : i32
        %sign3A_448 = arith.extui %sign3A_447 : i1 to i32
        %sign3A_449 = arith.subi %sign3A_445, %sign3A_448 : i32
        %sign3A_450 = arith.constant 0 : i32
        %sign3A_451 = arith.cmpi sgt, %jit3A_441, %sign3A_450 : i32
        %sign3A_452 = arith.extui %sign3A_451 : i1 to i32
        %sign3A_453 = arith.constant 0 : i32
        %sign3A_454 = arith.cmpi slt, %jit3A_441, %sign3A_453 : i32
        %sign3A_455 = arith.extui %sign3A_454 : i1 to i32
        %sign3A_456 = arith.subi %sign3A_452, %sign3A_455 : i32
        %ne3A_457 = arith.cmpi ne, %sign3A_449, %sign3A_456 : i32
        %rem3A_458 = arith.remsi %add3A_280, %jit3A_441 : i32
        %ne3A_459 = arith.constant 0 : i32
        %ne3A_460 = arith.cmpi ne, %rem3A_458, %ne3A_459 : i32
        %and3A_461 = arith.andi %ne3A_457, %ne3A_460 : i1
        %sub3A_462 = arith.constant 1 : i32
        %sub3A_463 = arith.subi %div3A_442, %sub3A_462 : i32
        %select_n3A_464 = arith.select %and3A_461, %sub3A_463, %div3A_442 : i32
        %ne3A_465 = arith.cmpi ne, %select_n3A_400, %select_n3A_440 : i32
        %ne3A_466 = arith.cmpi ne, %select_n3A_424, %select_n3A_464 : i32
        %or3A_467 = arith.constant false
        %or3A_468 = arith.ori %or3A_467, %ne3A_465 : i1
        %or3A_469 = arith.constant false
        %or3A_470 = arith.ori %or3A_468, %or3A_469 : i1
        %or3A_471 = arith.ori %or3A_470, %ne3A_466 : i1
        %ge3A_472 = arith.constant 24 : i32
        %ge3A_473 = arith.cmpi sge, %scan3A_252, %ge3A_472 : i32
        %not3A_474 = arith.constant true
        %not3A_475 = arith.xori %ge3A_473, %not3A_474 : i1
        %and3A_476 = arith.andi %or3A_471, %not3A_475 : i1
        %convert_element_type3A_477 = arith.extui %and3A_476 : i1 to i32
        %cond3A_478 = arith.constant 0 : i32
        %cond3A_479 = arith.cmpi ne, %convert_element_type3A_477, %cond3A_478 : i32
        scf.if %cond3A_479 {
          "tpu.trace_start"() <{level = 10 : i32, message = "ep_copy_in"}> : () -> ()
          %rem3A_1242 = arith.constant 2 : i32
          %rem3A_1243 = arith.remui %scan3A_255, %rem3A_1242 : i32
          %jit3A_1244 = arith.constant 25 : i32
          %eq3A_1245 = arith.constant 0 : i32
          %eq3A_1246 = arith.cmpi eq, %jit3A_1244, %eq3A_1245 : i32
          %jit3A_1247 = arith.constant 1 : i32
          %select_n3A_1248 = arith.select %eq3A_1246, %jit3A_1247, %jit3A_1244 : i32
          %rem3A_1249 = arith.remsi %add3A_280, %select_n3A_1248 : i32
          %ne3A_1250 = arith.constant 0 : i32
          %ne3A_1251 = arith.cmpi ne, %rem3A_1249, %ne3A_1250 : i32
          %lt3A_1252 = arith.constant 0 : i32
          %lt3A_1253 = arith.cmpi slt, %rem3A_1249, %lt3A_1252 : i32
          %lt3A_1254 = arith.constant 0 : i32
          %lt3A_1255 = arith.cmpi slt, %select_n3A_1248, %lt3A_1254 : i32
          %ne3A_1256 = arith.xori %lt3A_1253, %lt3A_1255 : i1
          %and3A_1257 = arith.andi %ne3A_1256, %ne3A_1251 : i1
          %add3A_1258 = arith.addi %rem3A_1249, %select_n3A_1248 : i32
          %select_n3A_1259 = arith.select %and3A_1257, %add3A_1258, %rem3A_1249 : i32
          %jit3A_1260 = arith.constant 25 : i32
          %div3A_1261 = arith.divsi %add3A_280, %jit3A_1260 : i32
          %sign3A_1262 = arith.constant 0 : i32
          %sign3A_1263 = arith.cmpi sgt, %add3A_280, %sign3A_1262 : i32
          %sign3A_1264 = arith.extui %sign3A_1263 : i1 to i32
          %sign3A_1265 = arith.constant 0 : i32
          %sign3A_1266 = arith.cmpi slt, %add3A_280, %sign3A_1265 : i32
          %sign3A_1267 = arith.extui %sign3A_1266 : i1 to i32
          %sign3A_1268 = arith.subi %sign3A_1264, %sign3A_1267 : i32
          %sign3A_1269 = arith.constant 0 : i32
          %sign3A_1270 = arith.cmpi sgt, %jit3A_1260, %sign3A_1269 : i32
          %sign3A_1271 = arith.extui %sign3A_1270 : i1 to i32
          %sign3A_1272 = arith.constant 0 : i32
          %sign3A_1273 = arith.cmpi slt, %jit3A_1260, %sign3A_1272 : i32
          %sign3A_1274 = arith.extui %sign3A_1273 : i1 to i32
          %sign3A_1275 = arith.subi %sign3A_1271, %sign3A_1274 : i32
          %ne3A_1276 = arith.cmpi ne, %sign3A_1268, %sign3A_1275 : i32
          %rem3A_1277 = arith.remsi %add3A_280, %jit3A_1260 : i32
          %ne3A_1278 = arith.constant 0 : i32
          %ne3A_1279 = arith.cmpi ne, %rem3A_1277, %ne3A_1278 : i32
          %and3A_1280 = arith.andi %ne3A_1276, %ne3A_1279 : i1
          %sub3A_1281 = arith.constant 1 : i32
          %sub3A_1282 = arith.subi %div3A_1261, %sub3A_1281 : i32
          %select_n3A_1283 = arith.select %and3A_1280, %sub3A_1282, %div3A_1261 : i32
          %mul3A_1284 = arith.constant 8 : i32
          %mul3A_1285 = arith.muli %mul3A_1284, %select_n3A_1259 : i32
          %mul3A_1286 = arith.constant 256 : i32
          %mul3A_1287 = arith.muli %mul3A_1286, %select_n3A_1283 : i32
          %dma_start3A_1288 = arith.constant 0 : i32
          %dma_start3A_1289 = arith.constant 0 : i32
          %dma_start3A_1290 = arith.constant 0 : i32
          %dma_start3A_1291 = tpu.memref_slice %run_scoped3A_50[%rem3A_1243, %dma_start3A_1288, %dma_start3A_1289, %dma_start3A_1290] : memref<2x8x24x256xf32, #tpu.memory_space<vmem>> -> memref<1x8x24x256xf32, #tpu.memory_space<vmem>>
          %dma_start3A_1292 = tpu.memref_squeeze %dma_start3A_1291 : memref<1x8x24x256xf32, #tpu.memory_space<vmem>> -> memref<8x24x256xf32, #tpu.memory_space<vmem>>
          %dma_start3A_1293 = arith.constant 0 : i32
          %dma_start3A_1294 = tpu.memref_slice %arg3[%mul3A_1285, %dma_start3A_1293, %mul3A_1287] : memref<200x24x16384xf32, #tpu.memory_space<hbm>> -> memref<8x24x256xf32, #tpu.memory_space<hbm>>
          %dma_start3A_1295 = tpu.memref_slice %run_scoped3A_51[%rem3A_1243] : memref<2x!tpu.dma_semaphore, #tpu.memory_space<semaphore_mem>> -> memref<1x!tpu.dma_semaphore, #tpu.memory_space<semaphore_mem>>
          %dma_start3A_1296 = tpu.memref_squeeze %dma_start3A_1295 : memref<1x!tpu.dma_semaphore, #tpu.memory_space<semaphore_mem>> -> memref<!tpu.dma_semaphore, #tpu.memory_space<semaphore_mem>>
          %dma_start3A_1297 = arith.constant 0 : i32
          %dma_start3A_1298 = arith.constant 0 : i32
          %dma_start3A_1299 = arith.constant 0 : i32
          %dma_start3A_1300 = tpu.memref_slice %run_scoped3A_50[%rem3A_1243, %dma_start3A_1297, %dma_start3A_1298, %dma_start3A_1299] : memref<2x8x24x256xf32, #tpu.memory_space<vmem>> -> memref<1x8x24x256xf32, #tpu.memory_space<vmem>>
          %dma_start3A_1301 = tpu.memref_squeeze %dma_start3A_1300 : memref<1x8x24x256xf32, #tpu.memory_space<vmem>> -> memref<8x24x256xf32, #tpu.memory_space<vmem>>
          %dma_start3A_1302 = arith.constant 0 : i32
          %dma_start3A_1303 = tpu.memref_slice %arg3[%mul3A_1285, %dma_start3A_1302, %mul3A_1287] : memref<200x24x16384xf32, #tpu.memory_space<hbm>> -> memref<8x24x256xf32, #tpu.memory_space<hbm>>
          tpu.enqueue_dma source(%dma_start3A_1303 : memref<8x24x256xf32, #tpu.memory_space<hbm>>) target(%dma_start3A_1301 : memref<8x24x256xf32, #tpu.memory_space<vmem>>) target_semaphore(%dma_start3A_1296 : memref<!tpu.dma_semaphore, #tpu.memory_space<semaphore_mem>>)
          "tpu.trace_stop"() : () -> ()
        } else {
        }
        %and3A_480 = arith.constant true
        %and3A_481 = arith.andi %and3A_476, %and3A_480 : i1
        %add3A_482 = arith.constant 1 : i32
        %add3A_483 = arith.addi %scan3A_255, %add3A_482 : i32
        %select_n3A_484 = arith.select %and3A_481, %add3A_483, %scan3A_255 : i32
        %jit3A_485 = arith.constant 25 : i32
        %eq3A_486 = arith.constant 0 : i32
        %eq3A_487 = arith.cmpi eq, %jit3A_485, %eq3A_486 : i32
        %jit3A_488 = arith.constant 1 : i32
        %select_n3A_489 = arith.select %eq3A_487, %jit3A_488, %jit3A_485 : i32
        %rem3A_490 = arith.remsi %add3A_262, %select_n3A_489 : i32
        %ne3A_491 = arith.constant 0 : i32
        %ne3A_492 = arith.cmpi ne, %rem3A_490, %ne3A_491 : i32
        %lt3A_493 = arith.constant 0 : i32
        %lt3A_494 = arith.cmpi slt, %rem3A_490, %lt3A_493 : i32
        %lt3A_495 = arith.constant 0 : i32
        %lt3A_496 = arith.cmpi slt, %select_n3A_489, %lt3A_495 : i32
        %ne3A_497 = arith.xori %lt3A_494, %lt3A_496 : i1
        %and3A_498 = arith.andi %ne3A_497, %ne3A_492 : i1
        %add3A_499 = arith.addi %rem3A_490, %select_n3A_489 : i32
        %select_n3A_500 = arith.select %and3A_498, %add3A_499, %rem3A_490 : i32
        %jit3A_501 = arith.constant 25 : i32
        %div3A_502 = arith.divsi %add3A_262, %jit3A_501 : i32
        %sign3A_503 = arith.constant 0 : i32
        %sign3A_504 = arith.cmpi sgt, %add3A_262, %sign3A_503 : i32
        %sign3A_505 = arith.extui %sign3A_504 : i1 to i32
        %sign3A_506 = arith.constant 0 : i32
        %sign3A_507 = arith.cmpi slt, %add3A_262, %sign3A_506 : i32
        %sign3A_508 = arith.extui %sign3A_507 : i1 to i32
        %sign3A_509 = arith.subi %sign3A_505, %sign3A_508 : i32
        %sign3A_510 = arith.constant 0 : i32
        %sign3A_511 = arith.cmpi sgt, %jit3A_501, %sign3A_510 : i32
        %sign3A_512 = arith.extui %sign3A_511 : i1 to i32
        %sign3A_513 = arith.constant 0 : i32
        %sign3A_514 = arith.cmpi slt, %jit3A_501, %sign3A_513 : i32
        %sign3A_515 = arith.extui %sign3A_514 : i1 to i32
        %sign3A_516 = arith.subi %sign3A_512, %sign3A_515 : i32
        %ne3A_517 = arith.cmpi ne, %sign3A_509, %sign3A_516 : i32
        %rem3A_518 = arith.remsi %add3A_262, %jit3A_501 : i32
        %ne3A_519 = arith.constant 0 : i32
        %ne3A_520 = arith.cmpi ne, %rem3A_518, %ne3A_519 : i32
        %and3A_521 = arith.andi %ne3A_517, %ne3A_520 : i1
        %sub3A_522 = arith.constant 1 : i32
        %sub3A_523 = arith.subi %div3A_502, %sub3A_522 : i32
        %select_n3A_524 = arith.select %and3A_521, %sub3A_523, %div3A_502 : i32
        %jit3A_525 = arith.constant 25 : i32
        %eq3A_526 = arith.constant 0 : i32
        %eq3A_527 = arith.cmpi eq, %jit3A_525, %eq3A_526 : i32
        %jit3A_528 = arith.constant 1 : i32
        %select_n3A_529 = arith.select %eq3A_527, %jit3A_528, %jit3A_525 : i32
        %rem3A_530 = arith.remsi %add3A_271, %select_n3A_529 : i32
        %ne3A_531 = arith.constant 0 : i32
        %ne3A_532 = arith.cmpi ne, %rem3A_530, %ne3A_531 : i32
        %lt3A_533 = arith.constant 0 : i32
        %lt3A_534 = arith.cmpi slt, %rem3A_530, %lt3A_533 : i32
        %lt3A_535 = arith.constant 0 : i32
        %lt3A_536 = arith.cmpi slt, %select_n3A_529, %lt3A_535 : i32
        %ne3A_537 = arith.xori %lt3A_534, %lt3A_536 : i1
        %and3A_538 = arith.andi %ne3A_537, %ne3A_532 : i1
        %add3A_539 = arith.addi %rem3A_530, %select_n3A_529 : i32
        %select_n3A_540 = arith.select %and3A_538, %add3A_539, %rem3A_530 : i32
        %jit3A_541 = arith.constant 25 : i32
        %div3A_542 = arith.divsi %add3A_271, %jit3A_541 : i32
        %sign3A_543 = arith.constant 0 : i32
        %sign3A_544 = arith.cmpi sgt, %add3A_271, %sign3A_543 : i32
        %sign3A_545 = arith.extui %sign3A_544 : i1 to i32
        %sign3A_546 = arith.constant 0 : i32
        %sign3A_547 = arith.cmpi slt, %add3A_271, %sign3A_546 : i32
        %sign3A_548 = arith.extui %sign3A_547 : i1 to i32
        %sign3A_549 = arith.subi %sign3A_545, %sign3A_548 : i32
        %sign3A_550 = arith.constant 0 : i32
        %sign3A_551 = arith.cmpi sgt, %jit3A_541, %sign3A_550 : i32
        %sign3A_552 = arith.extui %sign3A_551 : i1 to i32
        %sign3A_553 = arith.constant 0 : i32
        %sign3A_554 = arith.cmpi slt, %jit3A_541, %sign3A_553 : i32
        %sign3A_555 = arith.extui %sign3A_554 : i1 to i32
        %sign3A_556 = arith.subi %sign3A_552, %sign3A_555 : i32
        %ne3A_557 = arith.cmpi ne, %sign3A_549, %sign3A_556 : i32
        %rem3A_558 = arith.remsi %add3A_271, %jit3A_541 : i32
        %ne3A_559 = arith.constant 0 : i32
        %ne3A_560 = arith.cmpi ne, %rem3A_558, %ne3A_559 : i32
        %and3A_561 = arith.andi %ne3A_557, %ne3A_560 : i1
        %sub3A_562 = arith.constant 1 : i32
        %sub3A_563 = arith.subi %div3A_542, %sub3A_562 : i32
        %select_n3A_564 = arith.select %and3A_561, %sub3A_563, %div3A_542 : i32
        %ne3A_565 = arith.cmpi ne, %select_n3A_500, %select_n3A_540 : i32
        %ne3A_566 = arith.cmpi ne, %select_n3A_524, %select_n3A_564 : i32
        %or3A_567 = arith.constant false
        %or3A_568 = arith.ori %or3A_567, %ne3A_565 : i1
        %or3A_569 = arith.constant false
        %or3A_570 = arith.ori %or3A_568, %or3A_569 : i1
        %or3A_571 = arith.ori %or3A_570, %ne3A_566 : i1
        %or3A_572 = arith.ori %or3A_571, %eq3A_259 : i1
        %convert_element_type3A_573 = arith.extui %or3A_572 : i1 to i32
        %cond3A_574 = arith.constant 0 : i32
        %cond3A_575 = arith.cmpi ne, %convert_element_type3A_573, %cond3A_574 : i32
        scf.if %cond3A_575 {
          %jit3A_1242 = arith.constant 25 : i32
          "tpu.trace_start"() <{level = 10 : i32, message = "ep_wait_in"}> : () -> ()
          %eq3A_1243 = arith.constant 0 : i32
          %eq3A_1244 = arith.cmpi eq, %jit3A_1242, %eq3A_1243 : i32
          %jit3A_1245 = arith.constant 1 : i32
          %select_n3A_1246 = arith.select %eq3A_1244, %jit3A_1245, %jit3A_1242 : i32
          %rem3A_1247 = arith.remsi %add3A_262, %select_n3A_1246 : i32
          %ne3A_1248 = arith.constant 0 : i32
          %ne3A_1249 = arith.cmpi ne, %rem3A_1247, %ne3A_1248 : i32
          %lt3A_1250 = arith.constant 0 : i32
          %lt3A_1251 = arith.cmpi slt, %rem3A_1247, %lt3A_1250 : i32
          %lt3A_1252 = arith.constant 0 : i32
          %lt3A_1253 = arith.cmpi slt, %select_n3A_1246, %lt3A_1252 : i32
          %ne3A_1254 = arith.xori %lt3A_1251, %lt3A_1253 : i1
          %and3A_1255 = arith.andi %ne3A_1254, %ne3A_1249 : i1
          %add3A_1256 = arith.addi %rem3A_1247, %select_n3A_1246 : i32
          %select_n3A_1257 = arith.select %and3A_1255, %add3A_1256, %rem3A_1247 : i32
          %jit3A_1258 = arith.constant 25 : i32
          %div3A_1259 = arith.divsi %add3A_262, %jit3A_1258 : i32
          %sign3A_1260 = arith.constant 0 : i32
          %sign3A_1261 = arith.cmpi sgt, %add3A_262, %sign3A_1260 : i32
          %sign3A_1262 = arith.extui %sign3A_1261 : i1 to i32
          %sign3A_1263 = arith.constant 0 : i32
          %sign3A_1264 = arith.cmpi slt, %add3A_262, %sign3A_1263 : i32
          %sign3A_1265 = arith.extui %sign3A_1264 : i1 to i32
          %sign3A_1266 = arith.subi %sign3A_1262, %sign3A_1265 : i32
          %sign3A_1267 = arith.constant 0 : i32
          %sign3A_1268 = arith.cmpi sgt, %jit3A_1258, %sign3A_1267 : i32
          %sign3A_1269 = arith.extui %sign3A_1268 : i1 to i32
          %sign3A_1270 = arith.constant 0 : i32
          %sign3A_1271 = arith.cmpi slt, %jit3A_1258, %sign3A_1270 : i32
          %sign3A_1272 = arith.extui %sign3A_1271 : i1 to i32
          %sign3A_1273 = arith.subi %sign3A_1269, %sign3A_1272 : i32
          %ne3A_1274 = arith.cmpi ne, %sign3A_1266, %sign3A_1273 : i32
          %rem3A_1275 = arith.remsi %add3A_262, %jit3A_1258 : i32
          %ne3A_1276 = arith.constant 0 : i32
          %ne3A_1277 = arith.cmpi ne, %rem3A_1275, %ne3A_1276 : i32
          %and3A_1278 = arith.andi %ne3A_1274, %ne3A_1277 : i1
          %sub3A_1279 = arith.constant 1 : i32
          %sub3A_1280 = arith.subi %div3A_1259, %sub3A_1279 : i32
          %select_n3A_1281 = arith.select %and3A_1278, %sub3A_1280, %div3A_1259 : i32
          %mul3A_1282 = arith.constant 1 : i32
          %mul3A_1283 = arith.muli %mul3A_1282, %select_n3A_1257 : i32
          %mul3A_1284 = arith.constant 256 : i32
          %mul3A_1285 = arith.muli %mul3A_1284, %select_n3A_1281 : i32
          %rem3A_1286 = arith.constant 2 : i32
          %rem3A_1287 = arith.remui %scan3A_254, %rem3A_1286 : i32
          %dma_wait3A = arith.constant 0 : i32
          %dma_wait3A_1288 = arith.constant 0 : i32
          %dma_wait3A_1289 = arith.constant 0 : i32
          %dma_wait3A_1290 = tpu.memref_slice %run_scoped3A_48[%rem3A_1287, %dma_wait3A, %dma_wait3A_1288, %dma_wait3A_1289] : memref<2x1x8x256xi32, #tpu.memory_space<vmem>> -> memref<1x1x8x256xi32, #tpu.memory_space<vmem>>
          %dma_wait3A_1291 = tpu.memref_squeeze %dma_wait3A_1290 : memref<1x1x8x256xi32, #tpu.memory_space<vmem>> -> memref<1x8x256xi32, #tpu.memory_space<vmem>>
          %dma_wait3A_1292 = arith.constant 0 : i32
          %dma_wait3A_1293 = tpu.memref_slice %arg2[%mul3A_1283, %dma_wait3A_1292, %mul3A_1285] : memref<25x8x16384xi32, #tpu.memory_space<hbm>> -> memref<1x8x256xi32, #tpu.memory_space<hbm>>
          %dma_wait3A_1294 = tpu.memref_slice %run_scoped3A_49[%rem3A_1287] : memref<2x!tpu.dma_semaphore, #tpu.memory_space<semaphore_mem>> -> memref<1x!tpu.dma_semaphore, #tpu.memory_space<semaphore_mem>>
          %dma_wait3A_1295 = tpu.memref_squeeze %dma_wait3A_1294 : memref<1x!tpu.dma_semaphore, #tpu.memory_space<semaphore_mem>> -> memref<!tpu.dma_semaphore, #tpu.memory_space<semaphore_mem>>
          %dma_wait3A_1296 = arith.constant 0 : i32
          %dma_wait3A_1297 = arith.constant 0 : i32
          %dma_wait3A_1298 = arith.constant 0 : i32
          %dma_wait3A_1299 = tpu.memref_slice %run_scoped3A_48[%rem3A_1287, %dma_wait3A_1296, %dma_wait3A_1297, %dma_wait3A_1298] : memref<2x1x8x256xi32, #tpu.memory_space<vmem>> -> memref<1x1x8x256xi32, #tpu.memory_space<vmem>>
          %dma_wait3A_1300 = tpu.memref_squeeze %dma_wait3A_1299 : memref<1x1x8x256xi32, #tpu.memory_space<vmem>> -> memref<1x8x256xi32, #tpu.memory_space<vmem>>
          %dma_wait3A_1301 = arith.constant 0 : i32
          %dma_wait3A_1302 = tpu.memref_slice %arg2[%mul3A_1283, %dma_wait3A_1301, %mul3A_1285] : memref<25x8x16384xi32, #tpu.memory_space<hbm>> -> memref<1x8x256xi32, #tpu.memory_space<hbm>>
          tpu.wait_dma2 semaphore(%dma_wait3A_1295 : memref<!tpu.dma_semaphore, #tpu.memory_space<semaphore_mem>>) src(%dma_wait3A_1302 : memref<1x8x256xi32, #tpu.memory_space<hbm>>) dst(%dma_wait3A_1300 : memref<1x8x256xi32, #tpu.memory_space<vmem>>)
          "tpu.trace_stop"() : () -> ()
        } else {
        }
        %jit3A_576 = arith.constant 25 : i32
        %eq3A_577 = arith.constant 0 : i32
        %eq3A_578 = arith.cmpi eq, %jit3A_576, %eq3A_577 : i32
        %jit3A_579 = arith.constant 1 : i32
        %select_n3A_580 = arith.select %eq3A_578, %jit3A_579, %jit3A_576 : i32
        %rem3A_581 = arith.remsi %add3A_262, %select_n3A_580 : i32
        %ne3A_582 = arith.constant 0 : i32
        %ne3A_583 = arith.cmpi ne, %rem3A_581, %ne3A_582 : i32
        %lt3A_584 = arith.constant 0 : i32
        %lt3A_585 = arith.cmpi slt, %rem3A_581, %lt3A_584 : i32
        %lt3A_586 = arith.constant 0 : i32
        %lt3A_587 = arith.cmpi slt, %select_n3A_580, %lt3A_586 : i32
        %ne3A_588 = arith.xori %lt3A_585, %lt3A_587 : i1
        %and3A_589 = arith.andi %ne3A_588, %ne3A_583 : i1
        %add3A_590 = arith.addi %rem3A_581, %select_n3A_580 : i32
        %select_n3A_591 = arith.select %and3A_589, %add3A_590, %rem3A_581 : i32
        %jit3A_592 = arith.constant 25 : i32
        %div3A_593 = arith.divsi %add3A_262, %jit3A_592 : i32
        %sign3A_594 = arith.constant 0 : i32
        %sign3A_595 = arith.cmpi sgt, %add3A_262, %sign3A_594 : i32
        %sign3A_596 = arith.extui %sign3A_595 : i1 to i32
        %sign3A_597 = arith.constant 0 : i32
        %sign3A_598 = arith.cmpi slt, %add3A_262, %sign3A_597 : i32
        %sign3A_599 = arith.extui %sign3A_598 : i1 to i32
        %sign3A_600 = arith.subi %sign3A_596, %sign3A_599 : i32
        %sign3A_601 = arith.constant 0 : i32
        %sign3A_602 = arith.cmpi sgt, %jit3A_592, %sign3A_601 : i32
        %sign3A_603 = arith.extui %sign3A_602 : i1 to i32
        %sign3A_604 = arith.constant 0 : i32
        %sign3A_605 = arith.cmpi slt, %jit3A_592, %sign3A_604 : i32
        %sign3A_606 = arith.extui %sign3A_605 : i1 to i32
        %sign3A_607 = arith.subi %sign3A_603, %sign3A_606 : i32
        %ne3A_608 = arith.cmpi ne, %sign3A_600, %sign3A_607 : i32
        %rem3A_609 = arith.remsi %add3A_262, %jit3A_592 : i32
        %ne3A_610 = arith.constant 0 : i32
        %ne3A_611 = arith.cmpi ne, %rem3A_609, %ne3A_610 : i32
        %and3A_612 = arith.andi %ne3A_608, %ne3A_611 : i1
        %sub3A_613 = arith.constant 1 : i32
        %sub3A_614 = arith.subi %div3A_593, %sub3A_613 : i32
        %select_n3A_615 = arith.select %and3A_612, %sub3A_614, %div3A_593 : i32
        %jit3A_616 = arith.constant 25 : i32
        %eq3A_617 = arith.constant 0 : i32
        %eq3A_618 = arith.cmpi eq, %jit3A_616, %eq3A_617 : i32
        %jit3A_619 = arith.constant 1 : i32
        %select_n3A_620 = arith.select %eq3A_618, %jit3A_619, %jit3A_616 : i32
        %rem3A_621 = arith.remsi %add3A_271, %select_n3A_620 : i32
        %ne3A_622 = arith.constant 0 : i32
        %ne3A_623 = arith.cmpi ne, %rem3A_621, %ne3A_622 : i32
        %lt3A_624 = arith.constant 0 : i32
        %lt3A_625 = arith.cmpi slt, %rem3A_621, %lt3A_624 : i32
        %lt3A_626 = arith.constant 0 : i32
        %lt3A_627 = arith.cmpi slt, %select_n3A_620, %lt3A_626 : i32
        %ne3A_628 = arith.xori %lt3A_625, %lt3A_627 : i1
        %and3A_629 = arith.andi %ne3A_628, %ne3A_623 : i1
        %add3A_630 = arith.addi %rem3A_621, %select_n3A_620 : i32
        %select_n3A_631 = arith.select %and3A_629, %add3A_630, %rem3A_621 : i32
        %jit3A_632 = arith.constant 25 : i32
        %div3A_633 = arith.divsi %add3A_271, %jit3A_632 : i32
        %sign3A_634 = arith.constant 0 : i32
        %sign3A_635 = arith.cmpi sgt, %add3A_271, %sign3A_634 : i32
        %sign3A_636 = arith.extui %sign3A_635 : i1 to i32
        %sign3A_637 = arith.constant 0 : i32
        %sign3A_638 = arith.cmpi slt, %add3A_271, %sign3A_637 : i32
        %sign3A_639 = arith.extui %sign3A_638 : i1 to i32
        %sign3A_640 = arith.subi %sign3A_636, %sign3A_639 : i32
        %sign3A_641 = arith.constant 0 : i32
        %sign3A_642 = arith.cmpi sgt, %jit3A_632, %sign3A_641 : i32
        %sign3A_643 = arith.extui %sign3A_642 : i1 to i32
        %sign3A_644 = arith.constant 0 : i32
        %sign3A_645 = arith.cmpi slt, %jit3A_632, %sign3A_644 : i32
        %sign3A_646 = arith.extui %sign3A_645 : i1 to i32
        %sign3A_647 = arith.subi %sign3A_643, %sign3A_646 : i32
        %ne3A_648 = arith.cmpi ne, %sign3A_640, %sign3A_647 : i32
        %rem3A_649 = arith.remsi %add3A_271, %jit3A_632 : i32
        %ne3A_650 = arith.constant 0 : i32
        %ne3A_651 = arith.cmpi ne, %rem3A_649, %ne3A_650 : i32
        %and3A_652 = arith.andi %ne3A_648, %ne3A_651 : i1
        %sub3A_653 = arith.constant 1 : i32
        %sub3A_654 = arith.subi %div3A_633, %sub3A_653 : i32
        %select_n3A_655 = arith.select %and3A_652, %sub3A_654, %div3A_633 : i32
        %ne3A_656 = arith.cmpi ne, %select_n3A_591, %select_n3A_631 : i32
        %ne3A_657 = arith.cmpi ne, %select_n3A_615, %select_n3A_655 : i32
        %or3A_658 = arith.constant false
        %or3A_659 = arith.ori %or3A_658, %ne3A_656 : i1
        %or3A_660 = arith.constant false
        %or3A_661 = arith.ori %or3A_659, %or3A_660 : i1
        %or3A_662 = arith.ori %or3A_661, %ne3A_657 : i1
        %or3A_663 = arith.ori %or3A_662, %eq3A_259 : i1
        %convert_element_type3A_664 = arith.extui %or3A_663 : i1 to i32
        %cond3A_665 = arith.constant 0 : i32
        %cond3A_666 = arith.cmpi ne, %convert_element_type3A_664, %cond3A_665 : i32
        scf.if %cond3A_666 {
          %jit3A_1242 = arith.constant 25 : i32
          "tpu.trace_start"() <{level = 10 : i32, message = "ep_wait_in"}> : () -> ()
          %eq3A_1243 = arith.constant 0 : i32
          %eq3A_1244 = arith.cmpi eq, %jit3A_1242, %eq3A_1243 : i32
          %jit3A_1245 = arith.constant 1 : i32
          %select_n3A_1246 = arith.select %eq3A_1244, %jit3A_1245, %jit3A_1242 : i32
          %rem3A_1247 = arith.remsi %add3A_262, %select_n3A_1246 : i32
          %ne3A_1248 = arith.constant 0 : i32
          %ne3A_1249 = arith.cmpi ne, %rem3A_1247, %ne3A_1248 : i32
          %lt3A_1250 = arith.constant 0 : i32
          %lt3A_1251 = arith.cmpi slt, %rem3A_1247, %lt3A_1250 : i32
          %lt3A_1252 = arith.constant 0 : i32
          %lt3A_1253 = arith.cmpi slt, %select_n3A_1246, %lt3A_1252 : i32
          %ne3A_1254 = arith.xori %lt3A_1251, %lt3A_1253 : i1
          %and3A_1255 = arith.andi %ne3A_1254, %ne3A_1249 : i1
          %add3A_1256 = arith.addi %rem3A_1247, %select_n3A_1246 : i32
          %select_n3A_1257 = arith.select %and3A_1255, %add3A_1256, %rem3A_1247 : i32
          %jit3A_1258 = arith.constant 25 : i32
          %div3A_1259 = arith.divsi %add3A_262, %jit3A_1258 : i32
          %sign3A_1260 = arith.constant 0 : i32
          %sign3A_1261 = arith.cmpi sgt, %add3A_262, %sign3A_1260 : i32
          %sign3A_1262 = arith.extui %sign3A_1261 : i1 to i32
          %sign3A_1263 = arith.constant 0 : i32
          %sign3A_1264 = arith.cmpi slt, %add3A_262, %sign3A_1263 : i32
          %sign3A_1265 = arith.extui %sign3A_1264 : i1 to i32
          %sign3A_1266 = arith.subi %sign3A_1262, %sign3A_1265 : i32
          %sign3A_1267 = arith.constant 0 : i32
          %sign3A_1268 = arith.cmpi sgt, %jit3A_1258, %sign3A_1267 : i32
          %sign3A_1269 = arith.extui %sign3A_1268 : i1 to i32
          %sign3A_1270 = arith.constant 0 : i32
          %sign3A_1271 = arith.cmpi slt, %jit3A_1258, %sign3A_1270 : i32
          %sign3A_1272 = arith.extui %sign3A_1271 : i1 to i32
          %sign3A_1273 = arith.subi %sign3A_1269, %sign3A_1272 : i32
          %ne3A_1274 = arith.cmpi ne, %sign3A_1266, %sign3A_1273 : i32
          %rem3A_1275 = arith.remsi %add3A_262, %jit3A_1258 : i32
          %ne3A_1276 = arith.constant 0 : i32
          %ne3A_1277 = arith.cmpi ne, %rem3A_1275, %ne3A_1276 : i32
          %and3A_1278 = arith.andi %ne3A_1274, %ne3A_1277 : i1
          %sub3A_1279 = arith.constant 1 : i32
          %sub3A_1280 = arith.subi %div3A_1259, %sub3A_1279 : i32
          %select_n3A_1281 = arith.select %and3A_1278, %sub3A_1280, %div3A_1259 : i32
          %mul3A_1282 = arith.constant 8 : i32
          %mul3A_1283 = arith.muli %mul3A_1282, %select_n3A_1257 : i32
          %mul3A_1284 = arith.constant 256 : i32
          %mul3A_1285 = arith.muli %mul3A_1284, %select_n3A_1281 : i32
          %rem3A_1286 = arith.constant 2 : i32
          %rem3A_1287 = arith.remui %scan3A_256, %rem3A_1286 : i32
          %dma_wait3A = arith.constant 0 : i32
          %dma_wait3A_1288 = arith.constant 0 : i32
          %dma_wait3A_1289 = arith.constant 0 : i32
          %dma_wait3A_1290 = tpu.memref_slice %run_scoped3A_50[%rem3A_1287, %dma_wait3A, %dma_wait3A_1288, %dma_wait3A_1289] : memref<2x8x24x256xf32, #tpu.memory_space<vmem>> -> memref<1x8x24x256xf32, #tpu.memory_space<vmem>>
          %dma_wait3A_1291 = tpu.memref_squeeze %dma_wait3A_1290 : memref<1x8x24x256xf32, #tpu.memory_space<vmem>> -> memref<8x24x256xf32, #tpu.memory_space<vmem>>
          %dma_wait3A_1292 = arith.constant 0 : i32
          %dma_wait3A_1293 = tpu.memref_slice %arg3[%mul3A_1283, %dma_wait3A_1292, %mul3A_1285] : memref<200x24x16384xf32, #tpu.memory_space<hbm>> -> memref<8x24x256xf32, #tpu.memory_space<hbm>>
          %dma_wait3A_1294 = tpu.memref_slice %run_scoped3A_51[%rem3A_1287] : memref<2x!tpu.dma_semaphore, #tpu.memory_space<semaphore_mem>> -> memref<1x!tpu.dma_semaphore, #tpu.memory_space<semaphore_mem>>
          %dma_wait3A_1295 = tpu.memref_squeeze %dma_wait3A_1294 : memref<1x!tpu.dma_semaphore, #tpu.memory_space<semaphore_mem>> -> memref<!tpu.dma_semaphore, #tpu.memory_space<semaphore_mem>>
          %dma_wait3A_1296 = arith.constant 0 : i32
          %dma_wait3A_1297 = arith.constant 0 : i32
          %dma_wait3A_1298 = arith.constant 0 : i32
          %dma_wait3A_1299 = tpu.memref_slice %run_scoped3A_50[%rem3A_1287, %dma_wait3A_1296, %dma_wait3A_1297, %dma_wait3A_1298] : memref<2x8x24x256xf32, #tpu.memory_space<vmem>> -> memref<1x8x24x256xf32, #tpu.memory_space<vmem>>
          %dma_wait3A_1300 = tpu.memref_squeeze %dma_wait3A_1299 : memref<1x8x24x256xf32, #tpu.memory_space<vmem>> -> memref<8x24x256xf32, #tpu.memory_space<vmem>>
          %dma_wait3A_1301 = arith.constant 0 : i32
          %dma_wait3A_1302 = tpu.memref_slice %arg3[%mul3A_1283, %dma_wait3A_1301, %mul3A_1285] : memref<200x24x16384xf32, #tpu.memory_space<hbm>> -> memref<8x24x256xf32, #tpu.memory_space<hbm>>
          tpu.wait_dma2 semaphore(%dma_wait3A_1295 : memref<!tpu.dma_semaphore, #tpu.memory_space<semaphore_mem>>) src(%dma_wait3A_1302 : memref<8x24x256xf32, #tpu.memory_space<hbm>>) dst(%dma_wait3A_1300 : memref<8x24x256xf32, #tpu.memory_space<vmem>>)
          "tpu.trace_stop"() : () -> ()
        } else {
        }
        %rem3A_667 = arith.constant 2 : i32
        %rem3A_668 = arith.remui %scan3A_254, %rem3A_667 : i32
        %rem3A_669 = arith.constant 2 : i32
        %rem3A_670 = arith.remui %scan3A_256, %rem3A_669 : i32
        "tpu.trace_start"() <{level = 10 : i32, message = "ep_run_kernel"}> : () -> ()
        %scan3A_671 = arith.constant 0 : i32
        %scan3A_672 = arith.constant 16 : i32
        %scan3A_673 = arith.addi %scan3A_671, %scan3A_672 : i32
        %scan3A_674 = arith.constant 1 : i32
        scf.for %scan3A_1242 = %scan3A_671 to %scan3A_673 step %scan3A_674  : i32 {
          %mul3A_1243 = arith.constant 1 : i32
          %mul3A_1244 = arith.muli %scan3A_1242, %mul3A_1243 : i32
          %add3A_1245 = arith.constant 0 : i32
          %add3A_1246 = arith.addi %add3A_1245, %mul3A_1244 : i32
          %mul3A_1247 = arith.constant 16 : i32
          %mul3A_1248 = arith.muli %add3A_1246, %mul3A_1247 : i32
          %get3A_1249 = arith.constant 0 : i32
          %get3A_1250 = arith.constant 0 : i32
          %get3A_1251 = arith.constant 0 : i32
          %get3A_1252 = arith.constant 0 : i32
          %get3A_1253 = arith.constant 0 : i32
          %get3A_1254 = tpu.memref_slice %run_scoped3A_48[%rem3A_668, %get3A_1251, %get3A_1252, %get3A_1253] : memref<2x1x8x256xi32, #tpu.memory_space<vmem>> -> memref<1x1x8x256xi32, #tpu.memory_space<vmem>>
          %get3A_1255 = tpu.memref_squeeze %get3A_1254 : memref<1x1x8x256xi32, #tpu.memory_space<vmem>> -> memref<1x8x256xi32, #tpu.memory_space<vmem>>
          %get3A_1256 = arith.index_cast %get3A_1249 : i32 to index
          %get3A_1257 = arith.index_cast %get3A_1250 : i32 to index
          %get3A_1258 = arith.index_cast %mul3A_1248 : i32 to index
          %get3A_1259 = tpu.vector_load %get3A_1255[%get3A_1256, %get3A_1257, %get3A_1258] {strides = array<i32>} : memref<1x8x256xi32, #tpu.memory_space<vmem>>, vector<16xi32>,
          %mul3A_1260 = arith.constant 25 : i32
          %mul3A_1261 = vector.broadcast %mul3A_1260 : i32 to vector<16xi32>
          %mul3A_1262 = arith.muli %get3A_1259, %mul3A_1261 : vector<16xi32>
          %get3A_1263 = arith.constant 0 : i32
          %get3A_1264 = arith.index_cast %get3A_1263 : i32 to index
          %get3A_1265 = arith.constant 0 : index
          %get3A_1266 = tpu.vector_load %arg7[%get3A_1264, %get3A_1265] {strides = array<i32>} : memref<4x16xf32, #tpu.memory_space<vmem>>, vector<16xf32>,
          %get3A_1267 = arith.constant 1 : i32
          %get3A_1268 = arith.index_cast %get3A_1267 : i32 to index
          %get3A_1269 = arith.constant 0 : index
          %get3A_1270 = tpu.vector_load %arg7[%get3A_1268, %get3A_1269] {strides = array<i32>} : memref<4x16xf32, #tpu.memory_space<vmem>>, vector<16xf32>,
          %get3A_1271 = arith.constant 2 : i32
          %get3A_1272 = arith.index_cast %get3A_1271 : i32 to index
          %get3A_1273 = arith.constant 0 : index
          %get3A_1274 = tpu.vector_load %arg7[%get3A_1272, %get3A_1273] {strides = array<i32>} : memref<4x16xf32, #tpu.memory_space<vmem>>, vector<16xf32>,
          %get3A_1275 = arith.constant 3 : i32
          %get3A_1276 = arith.index_cast %get3A_1275 : i32 to index
          %get3A_1277 = arith.constant 0 : index
          %get3A_1278 = tpu.vector_load %arg7[%get3A_1276, %get3A_1277] {strides = array<i32>} : memref<4x16xf32, #tpu.memory_space<vmem>>, vector<16xf32>,
          %add3A_1279 = arith.constant 0 : i32
          %add3A_1280 = vector.broadcast %add3A_1279 : i32 to vector<16xi32>
          %add3A_1281 = arith.addi %mul3A_1262, %add3A_1280 : vector<16xi32>
          %gather3A = tpu.vector_load_idx %arg6[%add3A_1281] : memref<640xf32, #tpu.memory_space<vmem>>[vector<16xi32>], vector<16xf32>,
          %get3A_1282 = arith.constant 0 : i32
          %get3A_1283 = arith.constant 0 : i32
          %get3A_1284 = arith.constant 0 : i32
          %get3A_1285 = arith.constant 0 : i32
          %get3A_1286 = arith.constant 0 : i32
          %get3A_1287 = tpu.memref_slice %run_scoped3A_50[%rem3A_670, %get3A_1284, %get3A_1285, %get3A_1286] : memref<2x8x24x256xf32, #tpu.memory_space<vmem>> -> memref<1x8x24x256xf32, #tpu.memory_space<vmem>>
          %get3A_1288 = tpu.memref_squeeze %get3A_1287 : memref<1x8x24x256xf32, #tpu.memory_space<vmem>> -> memref<8x24x256xf32, #tpu.memory_space<vmem>>
          %get3A_1289 = arith.index_cast %get3A_1282 : i32 to index
          %get3A_1290 = arith.index_cast %get3A_1283 : i32 to index
          %get3A_1291 = arith.index_cast %mul3A_1248 : i32 to index
          %get3A_1292 = tpu.vector_load %get3A_1288[%get3A_1289, %get3A_1290, %get3A_1291] {strides = array<i32>} : memref<8x24x256xf32, #tpu.memory_space<vmem>>, vector<16xf32>,
          %mul3A_1293 = arith.mulf %gather3A, %get3A_1292 : vector<16xf32>
          %add3A_1294 = arith.addf %get3A_1266, %mul3A_1293 : vector<16xf32>
          %add3A_1295 = arith.constant 1 : i32
          %add3A_1296 = vector.broadcast %add3A_1295 : i32 to vector<16xi32>
          %add3A_1297 = arith.addi %mul3A_1262, %add3A_1296 : vector<16xi32>
          %gather3A_1298 = tpu.vector_load_idx %arg6[%add3A_1297] : memref<640xf32, #tpu.memory_space<vmem>>[vector<16xi32>], vector<16xf32>,
          %get3A_1299 = arith.constant 0 : i32
          %get3A_1300 = arith.constant 1 : i32
          %get3A_1301 = arith.constant 0 : i32
          %get3A_1302 = arith.constant 0 : i32
          %get3A_1303 = arith.constant 0 : i32
          %get3A_1304 = tpu.memref_slice %run_scoped3A_50[%rem3A_670, %get3A_1301, %get3A_1302, %get3A_1303] : memref<2x8x24x256xf32, #tpu.memory_space<vmem>> -> memref<1x8x24x256xf32, #tpu.memory_space<vmem>>
          %get3A_1305 = tpu.memref_squeeze %get3A_1304 : memref<1x8x24x256xf32, #tpu.memory_space<vmem>> -> memref<8x24x256xf32, #tpu.memory_space<vmem>>
          %get3A_1306 = arith.index_cast %get3A_1299 : i32 to index
          %get3A_1307 = arith.index_cast %get3A_1300 : i32 to index
          %get3A_1308 = arith.index_cast %mul3A_1248 : i32 to index
          %get3A_1309 = tpu.vector_load %get3A_1305[%get3A_1306, %get3A_1307, %get3A_1308] {strides = array<i32>} : memref<8x24x256xf32, #tpu.memory_space<vmem>>, vector<16xf32>,
          %mul3A_1310 = arith.mulf %gather3A_1298, %get3A_1309 : vector<16xf32>
          %add3A_1311 = arith.addf %get3A_1270, %mul3A_1310 : vector<16xf32>
          %add3A_1312 = arith.constant 2 : i32
          %add3A_1313 = vector.broadcast %add3A_1312 : i32 to vector<16xi32>
          %add3A_1314 = arith.addi %mul3A_1262, %add3A_1313 : vector<16xi32>
          %gather3A_1315 = tpu.vector_load_idx %arg6[%add3A_1314] : memref<640xf32, #tpu.memory_space<vmem>>[vector<16xi32>], vector<16xf32>,
          %get3A_1316 = arith.constant 0 : i32
          %get3A_1317 = arith.constant 2 : i32
          %get3A_1318 = arith.constant 0 : i32
          %get3A_1319 = arith.constant 0 : i32
          %get3A_1320 = arith.constant 0 : i32
          %get3A_1321 = tpu.memref_slice %run_scoped3A_50[%rem3A_670, %get3A_1318, %get3A_1319, %get3A_1320] : memref<2x8x24x256xf32, #tpu.memory_space<vmem>> -> memref<1x8x24x256xf32, #tpu.memory_space<vmem>>
          %get3A_1322 = tpu.memref_squeeze %get3A_1321 : memref<1x8x24x256xf32, #tpu.memory_space<vmem>> -> memref<8x24x256xf32, #tpu.memory_space<vmem>>
          %get3A_1323 = arith.index_cast %get3A_1316 : i32 to index
          %get3A_1324 = arith.index_cast %get3A_1317 : i32 to index
          %get3A_1325 = arith.index_cast %mul3A_1248 : i32 to index
          %get3A_1326 = tpu.vector_load %get3A_1322[%get3A_1323, %get3A_1324, %get3A_1325] {strides = array<i32>} : memref<8x24x256xf32, #tpu.memory_space<vmem>>, vector<16xf32>,
          %mul3A_1327 = arith.mulf %gather3A_1315, %get3A_1326 : vector<16xf32>
          %add3A_1328 = arith.addf %get3A_1274, %mul3A_1327 : vector<16xf32>
          %add3A_1329 = arith.constant 3 : i32
          %add3A_1330 = vector.broadcast %add3A_1329 : i32 to vector<16xi32>
          %add3A_1331 = arith.addi %mul3A_1262, %add3A_1330 : vector<16xi32>
          %gather3A_1332 = tpu.vector_load_idx %arg6[%add3A_1331] : memref<640xf32, #tpu.memory_space<vmem>>[vector<16xi32>], vector<16xf32>,
          %get3A_1333 = arith.constant 0 : i32
          %get3A_1334 = arith.constant 3 : i32
          %get3A_1335 = arith.constant 0 : i32
          %get3A_1336 = arith.constant 0 : i32
          %get3A_1337 = arith.constant 0 : i32
          %get3A_1338 = tpu.memref_slice %run_scoped3A_50[%rem3A_670, %get3A_1335, %get3A_1336, %get3A_1337] : memref<2x8x24x256xf32, #tpu.memory_space<vmem>> -> memref<1x8x24x256xf32, #tpu.memory_space<vmem>>
          %get3A_1339 = tpu.memref_squeeze %get3A_1338 : memref<1x8x24x256xf32, #tpu.memory_space<vmem>> -> memref<8x24x256xf32, #tpu.memory_space<vmem>>
          %get3A_1340 = arith.index_cast %get3A_1333 : i32 to index
          %get3A_1341 = arith.index_cast %get3A_1334 : i32 to index
          %get3A_1342 = arith.index_cast %mul3A_1248 : i32 to index
          %get3A_1343 = tpu.vector_load %get3A_1339[%get3A_1340, %get3A_1341, %get3A_1342] {strides = array<i32>} : memref<8x24x256xf32, #tpu.memory_space<vmem>>, vector<16xf32>,
          %mul3A_1344 = arith.mulf %gather3A_1332, %get3A_1343 : vector<16xf32>
          %add3A_1345 = arith.addf %get3A_1278, %mul3A_1344 : vector<16xf32>
          %add3A_1346 = arith.constant 4 : i32
          %add3A_1347 = vector.broadcast %add3A_1346 : i32 to vector<16xi32>
          %add3A_1348 = arith.addi %mul3A_1262, %add3A_1347 : vector<16xi32>
          %gather3A_1349 = tpu.vector_load_idx %arg6[%add3A_1348] : memref<640xf32, #tpu.memory_space<vmem>>[vector<16xi32>], vector<16xf32>,
          %get3A_1350 = arith.constant 0 : i32
          %get3A_1351 = arith.constant 4 : i32
          %get3A_1352 = arith.constant 0 : i32
          %get3A_1353 = arith.constant 0 : i32
          %get3A_1354 = arith.constant 0 : i32
          %get3A_1355 = tpu.memref_slice %run_scoped3A_50[%rem3A_670, %get3A_1352, %get3A_1353, %get3A_1354] : memref<2x8x24x256xf32, #tpu.memory_space<vmem>> -> memref<1x8x24x256xf32, #tpu.memory_space<vmem>>
          %get3A_1356 = tpu.memref_squeeze %get3A_1355 : memref<1x8x24x256xf32, #tpu.memory_space<vmem>> -> memref<8x24x256xf32, #tpu.memory_space<vmem>>
          %get3A_1357 = arith.index_cast %get3A_1350 : i32 to index
          %get3A_1358 = arith.index_cast %get3A_1351 : i32 to index
          %get3A_1359 = arith.index_cast %mul3A_1248 : i32 to index
          %get3A_1360 = tpu.vector_load %get3A_1356[%get3A_1357, %get3A_1358, %get3A_1359] {strides = array<i32>} : memref<8x24x256xf32, #tpu.memory_space<vmem>>, vector<16xf32>,
          %mul3A_1361 = arith.mulf %gather3A_1349, %get3A_1360 : vector<16xf32>
          %add3A_1362 = arith.addf %add3A_1294, %mul3A_1361 : vector<16xf32>
          %add3A_1363 = arith.constant 5 : i32
          %add3A_1364 = vector.broadcast %add3A_1363 : i32 to vector<16xi32>
          %add3A_1365 = arith.addi %mul3A_1262, %add3A_1364 : vector<16xi32>
          %gather3A_1366 = tpu.vector_load_idx %arg6[%add3A_1365] : memref<640xf32, #tpu.memory_space<vmem>>[vector<16xi32>], vector<16xf32>,
          %get3A_1367 = arith.constant 0 : i32
          %get3A_1368 = arith.constant 5 : i32
          %get3A_1369 = arith.constant 0 : i32
          %get3A_1370 = arith.constant 0 : i32
          %get3A_1371 = arith.constant 0 : i32
          %get3A_1372 = tpu.memref_slice %run_scoped3A_50[%rem3A_670, %get3A_1369, %get3A_1370, %get3A_1371] : memref<2x8x24x256xf32, #tpu.memory_space<vmem>> -> memref<1x8x24x256xf32, #tpu.memory_space<vmem>>
          %get3A_1373 = tpu.memref_squeeze %get3A_1372 : memref<1x8x24x256xf32, #tpu.memory_space<vmem>> -> memref<8x24x256xf32, #tpu.memory_space<vmem>>
          %get3A_1374 = arith.index_cast %get3A_1367 : i32 to index
          %get3A_1375 = arith.index_cast %get3A_1368 : i32 to index
          %get3A_1376 = arith.index_cast %mul3A_1248 : i32 to index
          %get3A_1377 = tpu.vector_load %get3A_1373[%get3A_1374, %get3A_1375, %get3A_1376] {strides = array<i32>} : memref<8x24x256xf32, #tpu.memory_space<vmem>>, vector<16xf32>,
          %mul3A_1378 = arith.mulf %gather3A_1366, %get3A_1377 : vector<16xf32>
          %add3A_1379 = arith.addf %add3A_1311, %mul3A_1378 : vector<16xf32>
          %add3A_1380 = arith.constant 6 : i32
          %add3A_1381 = vector.broadcast %add3A_1380 : i32 to vector<16xi32>
          %add3A_1382 = arith.addi %mul3A_1262, %add3A_1381 : vector<16xi32>
          %gather3A_1383 = tpu.vector_load_idx %arg6[%add3A_1382] : memref<640xf32, #tpu.memory_space<vmem>>[vector<16xi32>], vector<16xf32>,
          %get3A_1384 = arith.constant 0 : i32
          %get3A_1385 = arith.constant 6 : i32
          %get3A_1386 = arith.constant 0 : i32
          %get3A_1387 = arith.constant 0 : i32
          %get3A_1388 = arith.constant 0 : i32
          %get3A_1389 = tpu.memref_slice %run_scoped3A_50[%rem3A_670, %get3A_1386, %get3A_1387, %get3A_1388] : memref<2x8x24x256xf32, #tpu.memory_space<vmem>> -> memref<1x8x24x256xf32, #tpu.memory_space<vmem>>
          %get3A_1390 = tpu.memref_squeeze %get3A_1389 : memref<1x8x24x256xf32, #tpu.memory_space<vmem>> -> memref<8x24x256xf32, #tpu.memory_space<vmem>>
          %get3A_1391 = arith.index_cast %get3A_1384 : i32 to index
          %get3A_1392 = arith.index_cast %get3A_1385 : i32 to index
          %get3A_1393 = arith.index_cast %mul3A_1248 : i32 to index
          %get3A_1394 = tpu.vector_load %get3A_1390[%get3A_1391, %get3A_1392, %get3A_1393] {strides = array<i32>} : memref<8x24x256xf32, #tpu.memory_space<vmem>>, vector<16xf32>,
          %mul3A_1395 = arith.mulf %gather3A_1383, %get3A_1394 : vector<16xf32>
          %add3A_1396 = arith.addf %add3A_1328, %mul3A_1395 : vector<16xf32>
          %add3A_1397 = arith.constant 7 : i32
          %add3A_1398 = vector.broadcast %add3A_1397 : i32 to vector<16xi32>
          %add3A_1399 = arith.addi %mul3A_1262, %add3A_1398 : vector<16xi32>
          %gather3A_1400 = tpu.vector_load_idx %arg6[%add3A_1399] : memref<640xf32, #tpu.memory_space<vmem>>[vector<16xi32>], vector<16xf32>,
          %get3A_1401 = arith.constant 0 : i32
          %get3A_1402 = arith.constant 7 : i32
          %get3A_1403 = arith.constant 0 : i32
          %get3A_1404 = arith.constant 0 : i32
          %get3A_1405 = arith.constant 0 : i32
          %get3A_1406 = tpu.memref_slice %run_scoped3A_50[%rem3A_670, %get3A_1403, %get3A_1404, %get3A_1405] : memref<2x8x24x256xf32, #tpu.memory_space<vmem>> -> memref<1x8x24x256xf32, #tpu.memory_space<vmem>>
          %get3A_1407 = tpu.memref_squeeze %get3A_1406 : memref<1x8x24x256xf32, #tpu.memory_space<vmem>> -> memref<8x24x256xf32, #tpu.memory_space<vmem>>
          %get3A_1408 = arith.index_cast %get3A_1401 : i32 to index
          %get3A_1409 = arith.index_cast %get3A_1402 : i32 to index
          %get3A_1410 = arith.index_cast %mul3A_1248 : i32 to index
          %get3A_1411 = tpu.vector_load %get3A_1407[%get3A_1408, %get3A_1409, %get3A_1410] {strides = array<i32>} : memref<8x24x256xf32, #tpu.memory_space<vmem>>, vector<16xf32>,
          %mul3A_1412 = arith.mulf %gather3A_1400, %get3A_1411 : vector<16xf32>
          %add3A_1413 = arith.addf %add3A_1345, %mul3A_1412 : vector<16xf32>
          %add3A_1414 = arith.constant 8 : i32
          %add3A_1415 = vector.broadcast %add3A_1414 : i32 to vector<16xi32>
          %add3A_1416 = arith.addi %mul3A_1262, %add3A_1415 : vector<16xi32>
          %gather3A_1417 = tpu.vector_load_idx %arg6[%add3A_1416] : memref<640xf32, #tpu.memory_space<vmem>>[vector<16xi32>], vector<16xf32>,
          %get3A_1418 = arith.constant 0 : i32
          %get3A_1419 = arith.constant 8 : i32
          %get3A_1420 = arith.constant 0 : i32
          %get3A_1421 = arith.constant 0 : i32
          %get3A_1422 = arith.constant 0 : i32
          %get3A_1423 = tpu.memref_slice %run_scoped3A_50[%rem3A_670, %get3A_1420, %get3A_1421, %get3A_1422] : memref<2x8x24x256xf32, #tpu.memory_space<vmem>> -> memref<1x8x24x256xf32, #tpu.memory_space<vmem>>
          %get3A_1424 = tpu.memref_squeeze %get3A_1423 : memref<1x8x24x256xf32, #tpu.memory_space<vmem>> -> memref<8x24x256xf32, #tpu.memory_space<vmem>>
          %get3A_1425 = arith.index_cast %get3A_1418 : i32 to index
          %get3A_1426 = arith.index_cast %get3A_1419 : i32 to index
          %get3A_1427 = arith.index_cast %mul3A_1248 : i32 to index
          %get3A_1428 = tpu.vector_load %get3A_1424[%get3A_1425, %get3A_1426, %get3A_1427] {strides = array<i32>} : memref<8x24x256xf32, #tpu.memory_space<vmem>>, vector<16xf32>,
          %mul3A_1429 = arith.mulf %gather3A_1417, %get3A_1428 : vector<16xf32>
          %add3A_1430 = arith.addf %add3A_1362, %mul3A_1429 : vector<16xf32>
          %add3A_1431 = arith.constant 9 : i32
          %add3A_1432 = vector.broadcast %add3A_1431 : i32 to vector<16xi32>
          %add3A_1433 = arith.addi %mul3A_1262, %add3A_1432 : vector<16xi32>
          %gather3A_1434 = tpu.vector_load_idx %arg6[%add3A_1433] : memref<640xf32, #tpu.memory_space<vmem>>[vector<16xi32>], vector<16xf32>,
          %get3A_1435 = arith.constant 0 : i32
          %get3A_1436 = arith.constant 9 : i32
          %get3A_1437 = arith.constant 0 : i32
          %get3A_1438 = arith.constant 0 : i32
          %get3A_1439 = arith.constant 0 : i32
          %get3A_1440 = tpu.memref_slice %run_scoped3A_50[%rem3A_670, %get3A_1437, %get3A_1438, %get3A_1439] : memref<2x8x24x256xf32, #tpu.memory_space<vmem>> -> memref<1x8x24x256xf32, #tpu.memory_space<vmem>>
          %get3A_1441 = tpu.memref_squeeze %get3A_1440 : memref<1x8x24x256xf32, #tpu.memory_space<vmem>> -> memref<8x24x256xf32, #tpu.memory_space<vmem>>
          %get3A_1442 = arith.index_cast %get3A_1435 : i32 to index
          %get3A_1443 = arith.index_cast %get3A_1436 : i32 to index
          %get3A_1444 = arith.index_cast %mul3A_1248 : i32 to index
          %get3A_1445 = tpu.vector_load %get3A_1441[%get3A_1442, %get3A_1443, %get3A_1444] {strides = array<i32>} : memref<8x24x256xf32, #tpu.memory_space<vmem>>, vector<16xf32>,
          %mul3A_1446 = arith.mulf %gather3A_1434, %get3A_1445 : vector<16xf32>
          %add3A_1447 = arith.addf %add3A_1379, %mul3A_1446 : vector<16xf32>
          %add3A_1448 = arith.constant 10 : i32
          %add3A_1449 = vector.broadcast %add3A_1448 : i32 to vector<16xi32>
          %add3A_1450 = arith.addi %mul3A_1262, %add3A_1449 : vector<16xi32>
          %gather3A_1451 = tpu.vector_load_idx %arg6[%add3A_1450] : memref<640xf32, #tpu.memory_space<vmem>>[vector<16xi32>], vector<16xf32>,
          %get3A_1452 = arith.constant 0 : i32
          %get3A_1453 = arith.constant 10 : i32
          %get3A_1454 = arith.constant 0 : i32
          %get3A_1455 = arith.constant 0 : i32
          %get3A_1456 = arith.constant 0 : i32
          %get3A_1457 = tpu.memref_slice %run_scoped3A_50[%rem3A_670, %get3A_1454, %get3A_1455, %get3A_1456] : memref<2x8x24x256xf32, #tpu.memory_space<vmem>> -> memref<1x8x24x256xf32, #tpu.memory_space<vmem>>
          %get3A_1458 = tpu.memref_squeeze %get3A_1457 : memref<1x8x24x256xf32, #tpu.memory_space<vmem>> -> memref<8x24x256xf32, #tpu.memory_space<vmem>>
          %get3A_1459 = arith.index_cast %get3A_1452 : i32 to index
          %get3A_1460 = arith.index_cast %get3A_1453 : i32 to index
          %get3A_1461 = arith.index_cast %mul3A_1248 : i32 to index
          %get3A_1462 = tpu.vector_load %get3A_1458[%get3A_1459, %get3A_1460, %get3A_1461] {strides = array<i32>} : memref<8x24x256xf32, #tpu.memory_space<vmem>>, vector<16xf32>,
          %mul3A_1463 = arith.mulf %gather3A_1451, %get3A_1462 : vector<16xf32>
          %add3A_1464 = arith.addf %add3A_1396, %mul3A_1463 : vector<16xf32>
          %add3A_1465 = arith.constant 11 : i32
          %add3A_1466 = vector.broadcast %add3A_1465 : i32 to vector<16xi32>
          %add3A_1467 = arith.addi %mul3A_1262, %add3A_1466 : vector<16xi32>
          %gather3A_1468 = tpu.vector_load_idx %arg6[%add3A_1467] : memref<640xf32, #tpu.memory_space<vmem>>[vector<16xi32>], vector<16xf32>,
          %get3A_1469 = arith.constant 0 : i32
          %get3A_1470 = arith.constant 11 : i32
          %get3A_1471 = arith.constant 0 : i32
          %get3A_1472 = arith.constant 0 : i32
          %get3A_1473 = arith.constant 0 : i32
          %get3A_1474 = tpu.memref_slice %run_scoped3A_50[%rem3A_670, %get3A_1471, %get3A_1472, %get3A_1473] : memref<2x8x24x256xf32, #tpu.memory_space<vmem>> -> memref<1x8x24x256xf32, #tpu.memory_space<vmem>>
          %get3A_1475 = tpu.memref_squeeze %get3A_1474 : memref<1x8x24x256xf32, #tpu.memory_space<vmem>> -> memref<8x24x256xf32, #tpu.memory_space<vmem>>
          %get3A_1476 = arith.index_cast %get3A_1469 : i32 to index
          %get3A_1477 = arith.index_cast %get3A_1470 : i32 to index
          %get3A_1478 = arith.index_cast %mul3A_1248 : i32 to index
          %get3A_1479 = tpu.vector_load %get3A_1475[%get3A_1476, %get3A_1477, %get3A_1478] {strides = array<i32>} : memref<8x24x256xf32, #tpu.memory_space<vmem>>, vector<16xf32>,
          %mul3A_1480 = arith.mulf %gather3A_1468, %get3A_1479 : vector<16xf32>
          %add3A_1481 = arith.addf %add3A_1413, %mul3A_1480 : vector<16xf32>
          %add3A_1482 = arith.constant 12 : i32
          %add3A_1483 = vector.broadcast %add3A_1482 : i32 to vector<16xi32>
          %add3A_1484 = arith.addi %mul3A_1262, %add3A_1483 : vector<16xi32>
          %gather3A_1485 = tpu.vector_load_idx %arg6[%add3A_1484] : memref<640xf32, #tpu.memory_space<vmem>>[vector<16xi32>], vector<16xf32>,
          %get3A_1486 = arith.constant 0 : i32
          %get3A_1487 = arith.constant 12 : i32
          %get3A_1488 = arith.constant 0 : i32
          %get3A_1489 = arith.constant 0 : i32
          %get3A_1490 = arith.constant 0 : i32
          %get3A_1491 = tpu.memref_slice %run_scoped3A_50[%rem3A_670, %get3A_1488, %get3A_1489, %get3A_1490] : memref<2x8x24x256xf32, #tpu.memory_space<vmem>> -> memref<1x8x24x256xf32, #tpu.memory_space<vmem>>
          %get3A_1492 = tpu.memref_squeeze %get3A_1491 : memref<1x8x24x256xf32, #tpu.memory_space<vmem>> -> memref<8x24x256xf32, #tpu.memory_space<vmem>>
          %get3A_1493 = arith.index_cast %get3A_1486 : i32 to index
          %get3A_1494 = arith.index_cast %get3A_1487 : i32 to index
          %get3A_1495 = arith.index_cast %mul3A_1248 : i32 to index
          %get3A_1496 = tpu.vector_load %get3A_1492[%get3A_1493, %get3A_1494, %get3A_1495] {strides = array<i32>} : memref<8x24x256xf32, #tpu.memory_space<vmem>>, vector<16xf32>,
          %mul3A_1497 = arith.mulf %gather3A_1485, %get3A_1496 : vector<16xf32>
          %add3A_1498 = arith.addf %add3A_1430, %mul3A_1497 : vector<16xf32>
          %add3A_1499 = arith.constant 13 : i32
          %add3A_1500 = vector.broadcast %add3A_1499 : i32 to vector<16xi32>
          %add3A_1501 = arith.addi %mul3A_1262, %add3A_1500 : vector<16xi32>
          %gather3A_1502 = tpu.vector_load_idx %arg6[%add3A_1501] : memref<640xf32, #tpu.memory_space<vmem>>[vector<16xi32>], vector<16xf32>,
          %get3A_1503 = arith.constant 0 : i32
          %get3A_1504 = arith.constant 13 : i32
          %get3A_1505 = arith.constant 0 : i32
          %get3A_1506 = arith.constant 0 : i32
          %get3A_1507 = arith.constant 0 : i32
          %get3A_1508 = tpu.memref_slice %run_scoped3A_50[%rem3A_670, %get3A_1505, %get3A_1506, %get3A_1507] : memref<2x8x24x256xf32, #tpu.memory_space<vmem>> -> memref<1x8x24x256xf32, #tpu.memory_space<vmem>>
          %get3A_1509 = tpu.memref_squeeze %get3A_1508 : memref<1x8x24x256xf32, #tpu.memory_space<vmem>> -> memref<8x24x256xf32, #tpu.memory_space<vmem>>
          %get3A_1510 = arith.index_cast %get3A_1503 : i32 to index
          %get3A_1511 = arith.index_cast %get3A_1504 : i32 to index
          %get3A_1512 = arith.index_cast %mul3A_1248 : i32 to index
          %get3A_1513 = tpu.vector_load %get3A_1509[%get3A_1510, %get3A_1511, %get3A_1512] {strides = array<i32>} : memref<8x24x256xf32, #tpu.memory_space<vmem>>, vector<16xf32>,
          %mul3A_1514 = arith.mulf %gather3A_1502, %get3A_1513 : vector<16xf32>
          %add3A_1515 = arith.addf %add3A_1447, %mul3A_1514 : vector<16xf32>
          %add3A_1516 = arith.constant 14 : i32
          %add3A_1517 = vector.broadcast %add3A_1516 : i32 to vector<16xi32>
          %add3A_1518 = arith.addi %mul3A_1262, %add3A_1517 : vector<16xi32>
          %gather3A_1519 = tpu.vector_load_idx %arg6[%add3A_1518] : memref<640xf32, #tpu.memory_space<vmem>>[vector<16xi32>], vector<16xf32>,
          %get3A_1520 = arith.constant 0 : i32
          %get3A_1521 = arith.constant 14 : i32
          %get3A_1522 = arith.constant 0 : i32
          %get3A_1523 = arith.constant 0 : i32
          %get3A_1524 = arith.constant 0 : i32
          %get3A_1525 = tpu.memref_slice %run_scoped3A_50[%rem3A_670, %get3A_1522, %get3A_1523, %get3A_1524] : memref<2x8x24x256xf32, #tpu.memory_space<vmem>> -> memref<1x8x24x256xf32, #tpu.memory_space<vmem>>
          %get3A_1526 = tpu.memref_squeeze %get3A_1525 : memref<1x8x24x256xf32, #tpu.memory_space<vmem>> -> memref<8x24x256xf32, #tpu.memory_space<vmem>>
          %get3A_1527 = arith.index_cast %get3A_1520 : i32 to index
          %get3A_1528 = arith.index_cast %get3A_1521 : i32 to index
          %get3A_1529 = arith.index_cast %mul3A_1248 : i32 to index
          %get3A_1530 = tpu.vector_load %get3A_1526[%get3A_1527, %get3A_1528, %get3A_1529] {strides = array<i32>} : memref<8x24x256xf32, #tpu.memory_space<vmem>>, vector<16xf32>,
          %mul3A_1531 = arith.mulf %gather3A_1519, %get3A_1530 : vector<16xf32>
          %add3A_1532 = arith.addf %add3A_1464, %mul3A_1531 : vector<16xf32>
          %add3A_1533 = arith.constant 15 : i32
          %add3A_1534 = vector.broadcast %add3A_1533 : i32 to vector<16xi32>
          %add3A_1535 = arith.addi %mul3A_1262, %add3A_1534 : vector<16xi32>
          %gather3A_1536 = tpu.vector_load_idx %arg6[%add3A_1535] : memref<640xf32, #tpu.memory_space<vmem>>[vector<16xi32>], vector<16xf32>,
          %get3A_1537 = arith.constant 0 : i32
          %get3A_1538 = arith.constant 15 : i32
          %get3A_1539 = arith.constant 0 : i32
          %get3A_1540 = arith.constant 0 : i32
          %get3A_1541 = arith.constant 0 : i32
          %get3A_1542 = tpu.memref_slice %run_scoped3A_50[%rem3A_670, %get3A_1539, %get3A_1540, %get3A_1541] : memref<2x8x24x256xf32, #tpu.memory_space<vmem>> -> memref<1x8x24x256xf32, #tpu.memory_space<vmem>>
          %get3A_1543 = tpu.memref_squeeze %get3A_1542 : memref<1x8x24x256xf32, #tpu.memory_space<vmem>> -> memref<8x24x256xf32, #tpu.memory_space<vmem>>
          %get3A_1544 = arith.index_cast %get3A_1537 : i32 to index
          %get3A_1545 = arith.index_cast %get3A_1538 : i32 to index
          %get3A_1546 = arith.index_cast %mul3A_1248 : i32 to index
          %get3A_1547 = tpu.vector_load %get3A_1543[%get3A_1544, %get3A_1545, %get3A_1546] {strides = array<i32>} : memref<8x24x256xf32, #tpu.memory_space<vmem>>, vector<16xf32>,
          %mul3A_1548 = arith.mulf %gather3A_1536, %get3A_1547 : vector<16xf32>
          %add3A_1549 = arith.addf %add3A_1481, %mul3A_1548 : vector<16xf32>
          %add3A_1550 = arith.constant 16 : i32
          %add3A_1551 = vector.broadcast %add3A_1550 : i32 to vector<16xi32>
          %add3A_1552 = arith.addi %mul3A_1262, %add3A_1551 : vector<16xi32>
          %gather3A_1553 = tpu.vector_load_idx %arg6[%add3A_1552] : memref<640xf32, #tpu.memory_space<vmem>>[vector<16xi32>], vector<16xf32>,
          %get3A_1554 = arith.constant 0 : i32
          %get3A_1555 = arith.constant 16 : i32
          %get3A_1556 = arith.constant 0 : i32
          %get3A_1557 = arith.constant 0 : i32
          %get3A_1558 = arith.constant 0 : i32
          %get3A_1559 = tpu.memref_slice %run_scoped3A_50[%rem3A_670, %get3A_1556, %get3A_1557, %get3A_1558] : memref<2x8x24x256xf32, #tpu.memory_space<vmem>> -> memref<1x8x24x256xf32, #tpu.memory_space<vmem>>
          %get3A_1560 = tpu.memref_squeeze %get3A_1559 : memref<1x8x24x256xf32, #tpu.memory_space<vmem>> -> memref<8x24x256xf32, #tpu.memory_space<vmem>>
          %get3A_1561 = arith.index_cast %get3A_1554 : i32 to index
          %get3A_1562 = arith.index_cast %get3A_1555 : i32 to index
          %get3A_1563 = arith.index_cast %mul3A_1248 : i32 to index
          %get3A_1564 = tpu.vector_load %get3A_1560[%get3A_1561, %get3A_1562, %get3A_1563] {strides = array<i32>} : memref<8x24x256xf32, #tpu.memory_space<vmem>>, vector<16xf32>,
          %mul3A_1565 = arith.mulf %gather3A_1553, %get3A_1564 : vector<16xf32>
          %add3A_1566 = arith.addf %add3A_1498, %mul3A_1565 : vector<16xf32>
          %add3A_1567 = arith.constant 17 : i32
          %add3A_1568 = vector.broadcast %add3A_1567 : i32 to vector<16xi32>
          %add3A_1569 = arith.addi %mul3A_1262, %add3A_1568 : vector<16xi32>
          %gather3A_1570 = tpu.vector_load_idx %arg6[%add3A_1569] : memref<640xf32, #tpu.memory_space<vmem>>[vector<16xi32>], vector<16xf32>,
          %get3A_1571 = arith.constant 0 : i32
          %get3A_1572 = arith.constant 17 : i32
          %get3A_1573 = arith.constant 0 : i32
          %get3A_1574 = arith.constant 0 : i32
          %get3A_1575 = arith.constant 0 : i32
          %get3A_1576 = tpu.memref_slice %run_scoped3A_50[%rem3A_670, %get3A_1573, %get3A_1574, %get3A_1575] : memref<2x8x24x256xf32, #tpu.memory_space<vmem>> -> memref<1x8x24x256xf32, #tpu.memory_space<vmem>>
          %get3A_1577 = tpu.memref_squeeze %get3A_1576 : memref<1x8x24x256xf32, #tpu.memory_space<vmem>> -> memref<8x24x256xf32, #tpu.memory_space<vmem>>
          %get3A_1578 = arith.index_cast %get3A_1571 : i32 to index
          %get3A_1579 = arith.index_cast %get3A_1572 : i32 to index
          %get3A_1580 = arith.index_cast %mul3A_1248 : i32 to index
          %get3A_1581 = tpu.vector_load %get3A_1577[%get3A_1578, %get3A_1579, %get3A_1580] {strides = array<i32>} : memref<8x24x256xf32, #tpu.memory_space<vmem>>, vector<16xf32>,
          %mul3A_1582 = arith.mulf %gather3A_1570, %get3A_1581 : vector<16xf32>
          %add3A_1583 = arith.addf %add3A_1515, %mul3A_1582 : vector<16xf32>
          %add3A_1584 = arith.constant 18 : i32
          %add3A_1585 = vector.broadcast %add3A_1584 : i32 to vector<16xi32>
          %add3A_1586 = arith.addi %mul3A_1262, %add3A_1585 : vector<16xi32>
          %gather3A_1587 = tpu.vector_load_idx %arg6[%add3A_1586] : memref<640xf32, #tpu.memory_space<vmem>>[vector<16xi32>], vector<16xf32>,
          %get3A_1588 = arith.constant 0 : i32
          %get3A_1589 = arith.constant 18 : i32
          %get3A_1590 = arith.constant 0 : i32
          %get3A_1591 = arith.constant 0 : i32
          %get3A_1592 = arith.constant 0 : i32
          %get3A_1593 = tpu.memref_slice %run_scoped3A_50[%rem3A_670, %get3A_1590, %get3A_1591, %get3A_1592] : memref<2x8x24x256xf32, #tpu.memory_space<vmem>> -> memref<1x8x24x256xf32, #tpu.memory_space<vmem>>
          %get3A_1594 = tpu.memref_squeeze %get3A_1593 : memref<1x8x24x256xf32, #tpu.memory_space<vmem>> -> memref<8x24x256xf32, #tpu.memory_space<vmem>>
          %get3A_1595 = arith.index_cast %get3A_1588 : i32 to index
          %get3A_1596 = arith.index_cast %get3A_1589 : i32 to index
          %get3A_1597 = arith.index_cast %mul3A_1248 : i32 to index
          %get3A_1598 = tpu.vector_load %get3A_1594[%get3A_1595, %get3A_1596, %get3A_1597] {strides = array<i32>} : memref<8x24x256xf32, #tpu.memory_space<vmem>>, vector<16xf32>,
          %mul3A_1599 = arith.mulf %gather3A_1587, %get3A_1598 : vector<16xf32>
          %add3A_1600 = arith.addf %add3A_1532, %mul3A_1599 : vector<16xf32>
          %add3A_1601 = arith.constant 19 : i32
          %add3A_1602 = vector.broadcast %add3A_1601 : i32 to vector<16xi32>
          %add3A_1603 = arith.addi %mul3A_1262, %add3A_1602 : vector<16xi32>
          %gather3A_1604 = tpu.vector_load_idx %arg6[%add3A_1603] : memref<640xf32, #tpu.memory_space<vmem>>[vector<16xi32>], vector<16xf32>,
          %get3A_1605 = arith.constant 0 : i32
          %get3A_1606 = arith.constant 19 : i32
          %get3A_1607 = arith.constant 0 : i32
          %get3A_1608 = arith.constant 0 : i32
          %get3A_1609 = arith.constant 0 : i32
          %get3A_1610 = tpu.memref_slice %run_scoped3A_50[%rem3A_670, %get3A_1607, %get3A_1608, %get3A_1609] : memref<2x8x24x256xf32, #tpu.memory_space<vmem>> -> memref<1x8x24x256xf32, #tpu.memory_space<vmem>>
          %get3A_1611 = tpu.memref_squeeze %get3A_1610 : memref<1x8x24x256xf32, #tpu.memory_space<vmem>> -> memref<8x24x256xf32, #tpu.memory_space<vmem>>
          %get3A_1612 = arith.index_cast %get3A_1605 : i32 to index
          %get3A_1613 = arith.index_cast %get3A_1606 : i32 to index
          %get3A_1614 = arith.index_cast %mul3A_1248 : i32 to index
          %get3A_1615 = tpu.vector_load %get3A_1611[%get3A_1612, %get3A_1613, %get3A_1614] {strides = array<i32>} : memref<8x24x256xf32, #tpu.memory_space<vmem>>, vector<16xf32>,
          %mul3A_1616 = arith.mulf %gather3A_1604, %get3A_1615 : vector<16xf32>
          %add3A_1617 = arith.addf %add3A_1549, %mul3A_1616 : vector<16xf32>
          %add3A_1618 = arith.constant 20 : i32
          %add3A_1619 = vector.broadcast %add3A_1618 : i32 to vector<16xi32>
          %add3A_1620 = arith.addi %mul3A_1262, %add3A_1619 : vector<16xi32>
          %gather3A_1621 = tpu.vector_load_idx %arg6[%add3A_1620] : memref<640xf32, #tpu.memory_space<vmem>>[vector<16xi32>], vector<16xf32>,
          %get3A_1622 = arith.constant 0 : i32
          %get3A_1623 = arith.constant 20 : i32
          %get3A_1624 = arith.constant 0 : i32
          %get3A_1625 = arith.constant 0 : i32
          %get3A_1626 = arith.constant 0 : i32
          %get3A_1627 = tpu.memref_slice %run_scoped3A_50[%rem3A_670, %get3A_1624, %get3A_1625, %get3A_1626] : memref<2x8x24x256xf32, #tpu.memory_space<vmem>> -> memref<1x8x24x256xf32, #tpu.memory_space<vmem>>
          %get3A_1628 = tpu.memref_squeeze %get3A_1627 : memref<1x8x24x256xf32, #tpu.memory_space<vmem>> -> memref<8x24x256xf32, #tpu.memory_space<vmem>>
          %get3A_1629 = arith.index_cast %get3A_1622 : i32 to index
          %get3A_1630 = arith.index_cast %get3A_1623 : i32 to index
          %get3A_1631 = arith.index_cast %mul3A_1248 : i32 to index
          %get3A_1632 = tpu.vector_load %get3A_1628[%get3A_1629, %get3A_1630, %get3A_1631] {strides = array<i32>} : memref<8x24x256xf32, #tpu.memory_space<vmem>>, vector<16xf32>,
          %mul3A_1633 = arith.mulf %gather3A_1621, %get3A_1632 : vector<16xf32>
          %add3A_1634 = arith.addf %add3A_1566, %mul3A_1633 : vector<16xf32>
          %add3A_1635 = arith.constant 21 : i32
          %add3A_1636 = vector.broadcast %add3A_1635 : i32 to vector<16xi32>
          %add3A_1637 = arith.addi %mul3A_1262, %add3A_1636 : vector<16xi32>
          %gather3A_1638 = tpu.vector_load_idx %arg6[%add3A_1637] : memref<640xf32, #tpu.memory_space<vmem>>[vector<16xi32>], vector<16xf32>,
          %get3A_1639 = arith.constant 0 : i32
          %get3A_1640 = arith.constant 21 : i32
          %get3A_1641 = arith.constant 0 : i32
          %get3A_1642 = arith.constant 0 : i32
          %get3A_1643 = arith.constant 0 : i32
          %get3A_1644 = tpu.memref_slice %run_scoped3A_50[%rem3A_670, %get3A_1641, %get3A_1642, %get3A_1643] : memref<2x8x24x256xf32, #tpu.memory_space<vmem>> -> memref<1x8x24x256xf32, #tpu.memory_space<vmem>>
          %get3A_1645 = tpu.memref_squeeze %get3A_1644 : memref<1x8x24x256xf32, #tpu.memory_space<vmem>> -> memref<8x24x256xf32, #tpu.memory_space<vmem>>
          %get3A_1646 = arith.index_cast %get3A_1639 : i32 to index
          %get3A_1647 = arith.index_cast %get3A_1640 : i32 to index
          %get3A_1648 = arith.index_cast %mul3A_1248 : i32 to index
          %get3A_1649 = tpu.vector_load %get3A_1645[%get3A_1646, %get3A_1647, %get3A_1648] {strides = array<i32>} : memref<8x24x256xf32, #tpu.memory_space<vmem>>, vector<16xf32>,
          %mul3A_1650 = arith.mulf %gather3A_1638, %get3A_1649 : vector<16xf32>
          %add3A_1651 = arith.addf %add3A_1583, %mul3A_1650 : vector<16xf32>
          %add3A_1652 = arith.constant 22 : i32
          %add3A_1653 = vector.broadcast %add3A_1652 : i32 to vector<16xi32>
          %add3A_1654 = arith.addi %mul3A_1262, %add3A_1653 : vector<16xi32>
          %gather3A_1655 = tpu.vector_load_idx %arg6[%add3A_1654] : memref<640xf32, #tpu.memory_space<vmem>>[vector<16xi32>], vector<16xf32>,
          %get3A_1656 = arith.constant 0 : i32
          %get3A_1657 = arith.constant 22 : i32
          %get3A_1658 = arith.constant 0 : i32
          %get3A_1659 = arith.constant 0 : i32
          %get3A_1660 = arith.constant 0 : i32
          %get3A_1661 = tpu.memref_slice %run_scoped3A_50[%rem3A_670, %get3A_1658, %get3A_1659, %get3A_1660] : memref<2x8x24x256xf32, #tpu.memory_space<vmem>> -> memref<1x8x24x256xf32, #tpu.memory_space<vmem>>
          %get3A_1662 = tpu.memref_squeeze %get3A_1661 : memref<1x8x24x256xf32, #tpu.memory_space<vmem>> -> memref<8x24x256xf32, #tpu.memory_space<vmem>>
          %get3A_1663 = arith.index_cast %get3A_1656 : i32 to index
          %get3A_1664 = arith.index_cast %get3A_1657 : i32 to index
          %get3A_1665 = arith.index_cast %mul3A_1248 : i32 to index
          %get3A_1666 = tpu.vector_load %get3A_1662[%get3A_1663, %get3A_1664, %get3A_1665] {strides = array<i32>} : memref<8x24x256xf32, #tpu.memory_space<vmem>>, vector<16xf32>,
          %mul3A_1667 = arith.mulf %gather3A_1655, %get3A_1666 : vector<16xf32>
          %add3A_1668 = arith.addf %add3A_1600, %mul3A_1667 : vector<16xf32>
          %add3A_1669 = arith.constant 23 : i32
          %add3A_1670 = vector.broadcast %add3A_1669 : i32 to vector<16xi32>
          %add3A_1671 = arith.addi %mul3A_1262, %add3A_1670 : vector<16xi32>
          %gather3A_1672 = tpu.vector_load_idx %arg6[%add3A_1671] : memref<640xf32, #tpu.memory_space<vmem>>[vector<16xi32>], vector<16xf32>,
          %get3A_1673 = arith.constant 0 : i32
          %get3A_1674 = arith.constant 23 : i32
          %get3A_1675 = arith.constant 0 : i32
          %get3A_1676 = arith.constant 0 : i32
          %get3A_1677 = arith.constant 0 : i32
          %get3A_1678 = tpu.memref_slice %run_scoped3A_50[%rem3A_670, %get3A_1675, %get3A_1676, %get3A_1677] : memref<2x8x24x256xf32, #tpu.memory_space<vmem>> -> memref<1x8x24x256xf32, #tpu.memory_space<vmem>>
          %get3A_1679 = tpu.memref_squeeze %get3A_1678 : memref<1x8x24x256xf32, #tpu.memory_space<vmem>> -> memref<8x24x256xf32, #tpu.memory_space<vmem>>
          %get3A_1680 = arith.index_cast %get3A_1673 : i32 to index
          %get3A_1681 = arith.index_cast %get3A_1674 : i32 to index
          %get3A_1682 = arith.index_cast %mul3A_1248 : i32 to index
          %get3A_1683 = tpu.vector_load %get3A_1679[%get3A_1680, %get3A_1681, %get3A_1682] {strides = array<i32>} : memref<8x24x256xf32, #tpu.memory_space<vmem>>, vector<16xf32>,
          %mul3A_1684 = arith.mulf %gather3A_1672, %get3A_1683 : vector<16xf32>
          %add3A_1685 = arith.addf %add3A_1617, %mul3A_1684 : vector<16xf32>
          %swap3A_1686 = arith.constant 0 : i32
          %swap3A_1687 = arith.index_cast %swap3A_1686 : i32 to index
          %swap3A_1688 = arith.constant 0 : index
          %swap3A_1689 = tpu.vector_load %arg7[%swap3A_1687, %swap3A_1688] {strides = array<i32>} : memref<4x16xf32, #tpu.memory_space<vmem>>, vector<16xf32>,
          tpu.vector_store %arg7[%swap3A_1687, %swap3A_1688], %add3A_1634 {strides = array<i32>} : memref<4x16xf32, #tpu.memory_space<vmem>>, vector<16xf32>,
          %swap3A_1690 = arith.constant 1 : i32
          %swap3A_1691 = arith.index_cast %swap3A_1690 : i32 to index
          %swap3A_1692 = arith.constant 0 : index
          %swap3A_1693 = tpu.vector_load %arg7[%swap3A_1691, %swap3A_1692] {strides = array<i32>} : memref<4x16xf32, #tpu.memory_space<vmem>>, vector<16xf32>,
          tpu.vector_store %arg7[%swap3A_1691, %swap3A_1692], %add3A_1651 {strides = array<i32>} : memref<4x16xf32, #tpu.memory_space<vmem>>, vector<16xf32>,
          %swap3A_1694 = arith.constant 2 : i32
          %swap3A_1695 = arith.index_cast %swap3A_1694 : i32 to index
          %swap3A_1696 = arith.constant 0 : index
          %swap3A_1697 = tpu.vector_load %arg7[%swap3A_1695, %swap3A_1696] {strides = array<i32>} : memref<4x16xf32, #tpu.memory_space<vmem>>, vector<16xf32>,
          tpu.vector_store %arg7[%swap3A_1695, %swap3A_1696], %add3A_1668 {strides = array<i32>} : memref<4x16xf32, #tpu.memory_space<vmem>>, vector<16xf32>,
          %swap3A_1698 = arith.constant 3 : i32
          %swap3A_1699 = arith.index_cast %swap3A_1698 : i32 to index
          %swap3A_1700 = arith.constant 0 : index
          %swap3A_1701 = tpu.vector_load %arg7[%swap3A_1699, %swap3A_1700] {strides = array<i32>} : memref<4x16xf32, #tpu.memory_space<vmem>>, vector<16xf32>,
          tpu.vector_store %arg7[%swap3A_1699, %swap3A_1700], %add3A_1685 {strides = array<i32>} : memref<4x16xf32, #tpu.memory_space<vmem>>, vector<16xf32>,
          %get3A_1702 = arith.constant 0 : i32
          %get3A_1703 = arith.constant 1 : i32
          %get3A_1704 = arith.constant 0 : i32
          %get3A_1705 = arith.constant 0 : i32
          %get3A_1706 = arith.constant 0 : i32
          %get3A_1707 = tpu.memref_slice %run_scoped3A_48[%rem3A_668, %get3A_1704, %get3A_1705, %get3A_1706] : memref<2x1x8x256xi32, #tpu.memory_space<vmem>> -> memref<1x1x8x256xi32, #tpu.memory_space<vmem>>
          %get3A_1708 = tpu.memref_squeeze %get3A_1707 : memref<1x1x8x256xi32, #tpu.memory_space<vmem>> -> memref<1x8x256xi32, #tpu.memory_space<vmem>>
          %get3A_1709 = arith.index_cast %get3A_1702 : i32 to index
          %get3A_1710 = arith.index_cast %get3A_1703 : i32 to index
          %get3A_1711 = arith.index_cast %mul3A_1248 : i32 to index
          %get3A_1712 = tpu.vector_load %get3A_1708[%get3A_1709, %get3A_1710, %get3A_1711] {strides = array<i32>} : memref<1x8x256xi32, #tpu.memory_space<vmem>>, vector<16xi32>,
          %mul3A_1713 = arith.constant 25 : i32
          %mul3A_1714 = vector.broadcast %mul3A_1713 : i32 to vector<16xi32>
          %mul3A_1715 = arith.muli %get3A_1712, %mul3A_1714 : vector<16xi32>
          %get3A_1716 = arith.constant 0 : i32
          %get3A_1717 = arith.index_cast %get3A_1716 : i32 to index
          %get3A_1718 = arith.constant 0 : index
          %get3A_1719 = tpu.vector_load %arg7[%get3A_1717, %get3A_1718] {strides = array<i32>} : memref<4x16xf32, #tpu.memory_space<vmem>>, vector<16xf32>,
          %get3A_1720 = arith.constant 1 : i32
          %get3A_1721 = arith.index_cast %get3A_1720 : i32 to index
          %get3A_1722 = arith.constant 0 : index
          %get3A_1723 = tpu.vector_load %arg7[%get3A_1721, %get3A_1722] {strides = array<i32>} : memref<4x16xf32, #tpu.memory_space<vmem>>, vector<16xf32>,
          %get3A_1724 = arith.constant 2 : i32
          %get3A_1725 = arith.index_cast %get3A_1724 : i32 to index
          %get3A_1726 = arith.constant 0 : index
          %get3A_1727 = tpu.vector_load %arg7[%get3A_1725, %get3A_1726] {strides = array<i32>} : memref<4x16xf32, #tpu.memory_space<vmem>>, vector<16xf32>,
          %get3A_1728 = arith.constant 3 : i32
          %get3A_1729 = arith.index_cast %get3A_1728 : i32 to index
          %get3A_1730 = arith.constant 0 : index
          %get3A_1731 = tpu.vector_load %arg7[%get3A_1729, %get3A_1730] {strides = array<i32>} : memref<4x16xf32, #tpu.memory_space<vmem>>, vector<16xf32>,
          %add3A_1732 = arith.constant 0 : i32
          %add3A_1733 = vector.broadcast %add3A_1732 : i32 to vector<16xi32>
          %add3A_1734 = arith.addi %mul3A_1715, %add3A_1733 : vector<16xi32>
          %gather3A_1735 = tpu.vector_load_idx %arg6[%add3A_1734] : memref<640xf32, #tpu.memory_space<vmem>>[vector<16xi32>], vector<16xf32>,
          %get3A_1736 = arith.constant 1 : i32
          %get3A_1737 = arith.constant 0 : i32
          %get3A_1738 = arith.constant 0 : i32
          %get3A_1739 = arith.constant 0 : i32
          %get3A_1740 = arith.constant 0 : i32
          %get3A_1741 = tpu.memref_slice %run_scoped3A_50[%rem3A_670, %get3A_1738, %get3A_1739, %get3A_1740] : memref<2x8x24x256xf32, #tpu.memory_space<vmem>> -> memref<1x8x24x256xf32, #tpu.memory_space<vmem>>
          %get3A_1742 = tpu.memref_squeeze %get3A_1741 : memref<1x8x24x256xf32, #tpu.memory_space<vmem>> -> memref<8x24x256xf32, #tpu.memory_space<vmem>>
          %get3A_1743 = arith.index_cast %get3A_1736 : i32 to index
          %get3A_1744 = arith.index_cast %get3A_1737 : i32 to index
          %get3A_1745 = arith.index_cast %mul3A_1248 : i32 to index
          %get3A_1746 = tpu.vector_load %get3A_1742[%get3A_1743, %get3A_1744, %get3A_1745] {strides = array<i32>} : memref<8x24x256xf32, #tpu.memory_space<vmem>>, vector<16xf32>,
          %mul3A_1747 = arith.mulf %gather3A_1735, %get3A_1746 : vector<16xf32>
          %add3A_1748 = arith.addf %get3A_1719, %mul3A_1747 : vector<16xf32>
          %add3A_1749 = arith.constant 1 : i32
          %add3A_1750 = vector.broadcast %add3A_1749 : i32 to vector<16xi32>
          %add3A_1751 = arith.addi %mul3A_1715, %add3A_1750 : vector<16xi32>
          %gather3A_1752 = tpu.vector_load_idx %arg6[%add3A_1751] : memref<640xf32, #tpu.memory_space<vmem>>[vector<16xi32>], vector<16xf32>,
          %get3A_1753 = arith.constant 1 : i32
          %get3A_1754 = arith.constant 1 : i32
          %get3A_1755 = arith.constant 0 : i32
          %get3A_1756 = arith.constant 0 : i32
          %get3A_1757 = arith.constant 0 : i32
          %get3A_1758 = tpu.memref_slice %run_scoped3A_50[%rem3A_670, %get3A_1755, %get3A_1756, %get3A_1757] : memref<2x8x24x256xf32, #tpu.memory_space<vmem>> -> memref<1x8x24x256xf32, #tpu.memory_space<vmem>>
          %get3A_1759 = tpu.memref_squeeze %get3A_1758 : memref<1x8x24x256xf32, #tpu.memory_space<vmem>> -> memref<8x24x256xf32, #tpu.memory_space<vmem>>
          %get3A_1760 = arith.index_cast %get3A_1753 : i32 to index
          %get3A_1761 = arith.index_cast %get3A_1754 : i32 to index
          %get3A_1762 = arith.index_cast %mul3A_1248 : i32 to index
          %get3A_1763 = tpu.vector_load %get3A_1759[%get3A_1760, %get3A_1761, %get3A_1762] {strides = array<i32>} : memref<8x24x256xf32, #tpu.memory_space<vmem>>, vector<16xf32>,
          %mul3A_1764 = arith.mulf %gather3A_1752, %get3A_1763 : vector<16xf32>
          %add3A_1765 = arith.addf %get3A_1723, %mul3A_1764 : vector<16xf32>
          %add3A_1766 = arith.constant 2 : i32
          %add3A_1767 = vector.broadcast %add3A_1766 : i32 to vector<16xi32>
          %add3A_1768 = arith.addi %mul3A_1715, %add3A_1767 : vector<16xi32>
          %gather3A_1769 = tpu.vector_load_idx %arg6[%add3A_1768] : memref<640xf32, #tpu.memory_space<vmem>>[vector<16xi32>], vector<16xf32>,
          %get3A_1770 = arith.constant 1 : i32
          %get3A_1771 = arith.constant 2 : i32
          %get3A_1772 = arith.constant 0 : i32
          %get3A_1773 = arith.constant 0 : i32
          %get3A_1774 = arith.constant 0 : i32
          %get3A_1775 = tpu.memref_slice %run_scoped3A_50[%rem3A_670, %get3A_1772, %get3A_1773, %get3A_1774] : memref<2x8x24x256xf32, #tpu.memory_space<vmem>> -> memref<1x8x24x256xf32, #tpu.memory_space<vmem>>
          %get3A_1776 = tpu.memref_squeeze %get3A_1775 : memref<1x8x24x256xf32, #tpu.memory_space<vmem>> -> memref<8x24x256xf32, #tpu.memory_space<vmem>>
          %get3A_1777 = arith.index_cast %get3A_1770 : i32 to index
          %get3A_1778 = arith.index_cast %get3A_1771 : i32 to index
          %get3A_1779 = arith.index_cast %mul3A_1248 : i32 to index
          %get3A_1780 = tpu.vector_load %get3A_1776[%get3A_1777, %get3A_1778, %get3A_1779] {strides = array<i32>} : memref<8x24x256xf32, #tpu.memory_space<vmem>>, vector<16xf32>,
          %mul3A_1781 = arith.mulf %gather3A_1769, %get3A_1780 : vector<16xf32>
          %add3A_1782 = arith.addf %get3A_1727, %mul3A_1781 : vector<16xf32>
          %add3A_1783 = arith.constant 3 : i32
          %add3A_1784 = vector.broadcast %add3A_1783 : i32 to vector<16xi32>
          %add3A_1785 = arith.addi %mul3A_1715, %add3A_1784 : vector<16xi32>
          %gather3A_1786 = tpu.vector_load_idx %arg6[%add3A_1785] : memref<640xf32, #tpu.memory_space<vmem>>[vector<16xi32>], vector<16xf32>,
          %get3A_1787 = arith.constant 1 : i32
          %get3A_1788 = arith.constant 3 : i32
          %get3A_1789 = arith.constant 0 : i32
          %get3A_1790 = arith.constant 0 : i32
          %get3A_1791 = arith.constant 0 : i32
          %get3A_1792 = tpu.memref_slice %run_scoped3A_50[%rem3A_670, %get3A_1789, %get3A_1790, %get3A_1791] : memref<2x8x24x256xf32, #tpu.memory_space<vmem>> -> memref<1x8x24x256xf32, #tpu.memory_space<vmem>>
          %get3A_1793 = tpu.memref_squeeze %get3A_1792 : memref<1x8x24x256xf32, #tpu.memory_space<vmem>> -> memref<8x24x256xf32, #tpu.memory_space<vmem>>
          %get3A_1794 = arith.index_cast %get3A_1787 : i32 to index
          %get3A_1795 = arith.index_cast %get3A_1788 : i32 to index
          %get3A_1796 = arith.index_cast %mul3A_1248 : i32 to index
          %get3A_1797 = tpu.vector_load %get3A_1793[%get3A_1794, %get3A_1795, %get3A_1796] {strides = array<i32>} : memref<8x24x256xf32, #tpu.memory_space<vmem>>, vector<16xf32>,
          %mul3A_1798 = arith.mulf %gather3A_1786, %get3A_1797 : vector<16xf32>
          %add3A_1799 = arith.addf %get3A_1731, %mul3A_1798 : vector<16xf32>
          %add3A_1800 = arith.constant 4 : i32
          %add3A_1801 = vector.broadcast %add3A_1800 : i32 to vector<16xi32>
          %add3A_1802 = arith.addi %mul3A_1715, %add3A_1801 : vector<16xi32>
          %gather3A_1803 = tpu.vector_load_idx %arg6[%add3A_1802] : memref<640xf32, #tpu.memory_space<vmem>>[vector<16xi32>], vector<16xf32>,
          %get3A_1804 = arith.constant 1 : i32
          %get3A_1805 = arith.constant 4 : i32
          %get3A_1806 = arith.constant 0 : i32
          %get3A_1807 = arith.constant 0 : i32
          %get3A_1808 = arith.constant 0 : i32
          %get3A_1809 = tpu.memref_slice %run_scoped3A_50[%rem3A_670, %get3A_1806, %get3A_1807, %get3A_1808] : memref<2x8x24x256xf32, #tpu.memory_space<vmem>> -> memref<1x8x24x256xf32, #tpu.memory_space<vmem>>
          %get3A_1810 = tpu.memref_squeeze %get3A_1809 : memref<1x8x24x256xf32, #tpu.memory_space<vmem>> -> memref<8x24x256xf32, #tpu.memory_space<vmem>>
          %get3A_1811 = arith.index_cast %get3A_1804 : i32 to index
          %get3A_1812 = arith.index_cast %get3A_1805 : i32 to index
          %get3A_1813 = arith.index_cast %mul3A_1248 : i32 to index
          %get3A_1814 = tpu.vector_load %get3A_1810[%get3A_1811, %get3A_1812, %get3A_1813] {strides = array<i32>} : memref<8x24x256xf32, #tpu.memory_space<vmem>>, vector<16xf32>,
          %mul3A_1815 = arith.mulf %gather3A_1803, %get3A_1814 : vector<16xf32>
          %add3A_1816 = arith.addf %add3A_1748, %mul3A_1815 : vector<16xf32>
          %add3A_1817 = arith.constant 5 : i32
          %add3A_1818 = vector.broadcast %add3A_1817 : i32 to vector<16xi32>
          %add3A_1819 = arith.addi %mul3A_1715, %add3A_1818 : vector<16xi32>
          %gather3A_1820 = tpu.vector_load_idx %arg6[%add3A_1819] : memref<640xf32, #tpu.memory_space<vmem>>[vector<16xi32>], vector<16xf32>,
          %get3A_1821 = arith.constant 1 : i32
          %get3A_1822 = arith.constant 5 : i32
          %get3A_1823 = arith.constant 0 : i32
          %get3A_1824 = arith.constant 0 : i32
          %get3A_1825 = arith.constant 0 : i32
          %get3A_1826 = tpu.memref_slice %run_scoped3A_50[%rem3A_670, %get3A_1823, %get3A_1824, %get3A_1825] : memref<2x8x24x256xf32, #tpu.memory_space<vmem>> -> memref<1x8x24x256xf32, #tpu.memory_space<vmem>>
          %get3A_1827 = tpu.memref_squeeze %get3A_1826 : memref<1x8x24x256xf32, #tpu.memory_space<vmem>> -> memref<8x24x256xf32, #tpu.memory_space<vmem>>
          %get3A_1828 = arith.index_cast %get3A_1821 : i32 to index
          %get3A_1829 = arith.index_cast %get3A_1822 : i32 to index
          %get3A_1830 = arith.index_cast %mul3A_1248 : i32 to index
          %get3A_1831 = tpu.vector_load %get3A_1827[%get3A_1828, %get3A_1829, %get3A_1830] {strides = array<i32>} : memref<8x24x256xf32, #tpu.memory_space<vmem>>, vector<16xf32>,
          %mul3A_1832 = arith.mulf %gather3A_1820, %get3A_1831 : vector<16xf32>
          %add3A_1833 = arith.addf %add3A_1765, %mul3A_1832 : vector<16xf32>
          %add3A_1834 = arith.constant 6 : i32
          %add3A_1835 = vector.broadcast %add3A_1834 : i32 to vector<16xi32>
          %add3A_1836 = arith.addi %mul3A_1715, %add3A_1835 : vector<16xi32>
          %gather3A_1837 = tpu.vector_load_idx %arg6[%add3A_1836] : memref<640xf32, #tpu.memory_space<vmem>>[vector<16xi32>], vector<16xf32>,
          %get3A_1838 = arith.constant 1 : i32
          %get3A_1839 = arith.constant 6 : i32
          %get3A_1840 = arith.constant 0 : i32
          %get3A_1841 = arith.constant 0 : i32
          %get3A_1842 = arith.constant 0 : i32
          %get3A_1843 = tpu.memref_slice %run_scoped3A_50[%rem3A_670, %get3A_1840, %get3A_1841, %get3A_1842] : memref<2x8x24x256xf32, #tpu.memory_space<vmem>> -> memref<1x8x24x256xf32, #tpu.memory_space<vmem>>
          %get3A_1844 = tpu.memref_squeeze %get3A_1843 : memref<1x8x24x256xf32, #tpu.memory_space<vmem>> -> memref<8x24x256xf32, #tpu.memory_space<vmem>>
          %get3A_1845 = arith.index_cast %get3A_1838 : i32 to index
          %get3A_1846 = arith.index_cast %get3A_1839 : i32 to index
          %get3A_1847 = arith.index_cast %mul3A_1248 : i32 to index
          %get3A_1848 = tpu.vector_load %get3A_1844[%get3A_1845, %get3A_1846, %get3A_1847] {strides = array<i32>} : memref<8x24x256xf32, #tpu.memory_space<vmem>>, vector<16xf32>,
          %mul3A_1849 = arith.mulf %gather3A_1837, %get3A_1848 : vector<16xf32>
          %add3A_1850 = arith.addf %add3A_1782, %mul3A_1849 : vector<16xf32>
          %add3A_1851 = arith.constant 7 : i32
          %add3A_1852 = vector.broadcast %add3A_1851 : i32 to vector<16xi32>
          %add3A_1853 = arith.addi %mul3A_1715, %add3A_1852 : vector<16xi32>
          %gather3A_1854 = tpu.vector_load_idx %arg6[%add3A_1853] : memref<640xf32, #tpu.memory_space<vmem>>[vector<16xi32>], vector<16xf32>,
          %get3A_1855 = arith.constant 1 : i32
          %get3A_1856 = arith.constant 7 : i32
          %get3A_1857 = arith.constant 0 : i32
          %get3A_1858 = arith.constant 0 : i32
          %get3A_1859 = arith.constant 0 : i32
          %get3A_1860 = tpu.memref_slice %run_scoped3A_50[%rem3A_670, %get3A_1857, %get3A_1858, %get3A_1859] : memref<2x8x24x256xf32, #tpu.memory_space<vmem>> -> memref<1x8x24x256xf32, #tpu.memory_space<vmem>>
          %get3A_1861 = tpu.memref_squeeze %get3A_1860 : memref<1x8x24x256xf32, #tpu.memory_space<vmem>> -> memref<8x24x256xf32, #tpu.memory_space<vmem>>
          %get3A_1862 = arith.index_cast %get3A_1855 : i32 to index
          %get3A_1863 = arith.index_cast %get3A_1856 : i32 to index
          %get3A_1864 = arith.index_cast %mul3A_1248 : i32 to index
          %get3A_1865 = tpu.vector_load %get3A_1861[%get3A_1862, %get3A_1863, %get3A_1864] {strides = array<i32>} : memref<8x24x256xf32, #tpu.memory_space<vmem>>, vector<16xf32>,
          %mul3A_1866 = arith.mulf %gather3A_1854, %get3A_1865 : vector<16xf32>
          %add3A_1867 = arith.addf %add3A_1799, %mul3A_1866 : vector<16xf32>
          %add3A_1868 = arith.constant 8 : i32
          %add3A_1869 = vector.broadcast %add3A_1868 : i32 to vector<16xi32>
          %add3A_1870 = arith.addi %mul3A_1715, %add3A_1869 : vector<16xi32>
          %gather3A_1871 = tpu.vector_load_idx %arg6[%add3A_1870] : memref<640xf32, #tpu.memory_space<vmem>>[vector<16xi32>], vector<16xf32>,
          %get3A_1872 = arith.constant 1 : i32
          %get3A_1873 = arith.constant 8 : i32
          %get3A_1874 = arith.constant 0 : i32
          %get3A_1875 = arith.constant 0 : i32
          %get3A_1876 = arith.constant 0 : i32
          %get3A_1877 = tpu.memref_slice %run_scoped3A_50[%rem3A_670, %get3A_1874, %get3A_1875, %get3A_1876] : memref<2x8x24x256xf32, #tpu.memory_space<vmem>> -> memref<1x8x24x256xf32, #tpu.memory_space<vmem>>
          %get3A_1878 = tpu.memref_squeeze %get3A_1877 : memref<1x8x24x256xf32, #tpu.memory_space<vmem>> -> memref<8x24x256xf32, #tpu.memory_space<vmem>>
          %get3A_1879 = arith.index_cast %get3A_1872 : i32 to index
          %get3A_1880 = arith.index_cast %get3A_1873 : i32 to index
          %get3A_1881 = arith.index_cast %mul3A_1248 : i32 to index
          %get3A_1882 = tpu.vector_load %get3A_1878[%get3A_1879, %get3A_1880, %get3A_1881] {strides = array<i32>} : memref<8x24x256xf32, #tpu.memory_space<vmem>>, vector<16xf32>,
          %mul3A_1883 = arith.mulf %gather3A_1871, %get3A_1882 : vector<16xf32>
          %add3A_1884 = arith.addf %add3A_1816, %mul3A_1883 : vector<16xf32>
          %add3A_1885 = arith.constant 9 : i32
          %add3A_1886 = vector.broadcast %add3A_1885 : i32 to vector<16xi32>
          %add3A_1887 = arith.addi %mul3A_1715, %add3A_1886 : vector<16xi32>
          %gather3A_1888 = tpu.vector_load_idx %arg6[%add3A_1887] : memref<640xf32, #tpu.memory_space<vmem>>[vector<16xi32>], vector<16xf32>,
          %get3A_1889 = arith.constant 1 : i32
          %get3A_1890 = arith.constant 9 : i32
          %get3A_1891 = arith.constant 0 : i32
          %get3A_1892 = arith.constant 0 : i32
          %get3A_1893 = arith.constant 0 : i32
          %get3A_1894 = tpu.memref_slice %run_scoped3A_50[%rem3A_670, %get3A_1891, %get3A_1892, %get3A_1893] : memref<2x8x24x256xf32, #tpu.memory_space<vmem>> -> memref<1x8x24x256xf32, #tpu.memory_space<vmem>>
          %get3A_1895 = tpu.memref_squeeze %get3A_1894 : memref<1x8x24x256xf32, #tpu.memory_space<vmem>> -> memref<8x24x256xf32, #tpu.memory_space<vmem>>
          %get3A_1896 = arith.index_cast %get3A_1889 : i32 to index
          %get3A_1897 = arith.index_cast %get3A_1890 : i32 to index
          %get3A_1898 = arith.index_cast %mul3A_1248 : i32 to index
          %get3A_1899 = tpu.vector_load %get3A_1895[%get3A_1896, %get3A_1897, %get3A_1898] {strides = array<i32>} : memref<8x24x256xf32, #tpu.memory_space<vmem>>, vector<16xf32>,
          %mul3A_1900 = arith.mulf %gather3A_1888, %get3A_1899 : vector<16xf32>
          %add3A_1901 = arith.addf %add3A_1833, %mul3A_1900 : vector<16xf32>
          %add3A_1902 = arith.constant 10 : i32
          %add3A_1903 = vector.broadcast %add3A_1902 : i32 to vector<16xi32>
          %add3A_1904 = arith.addi %mul3A_1715, %add3A_1903 : vector<16xi32>
          %gather3A_1905 = tpu.vector_load_idx %arg6[%add3A_1904] : memref<640xf32, #tpu.memory_space<vmem>>[vector<16xi32>], vector<16xf32>,
          %get3A_1906 = arith.constant 1 : i32
          %get3A_1907 = arith.constant 10 : i32
          %get3A_1908 = arith.constant 0 : i32
          %get3A_1909 = arith.constant 0 : i32
          %get3A_1910 = arith.constant 0 : i32
          %get3A_1911 = tpu.memref_slice %run_scoped3A_50[%rem3A_670, %get3A_1908, %get3A_1909, %get3A_1910] : memref<2x8x24x256xf32, #tpu.memory_space<vmem>> -> memref<1x8x24x256xf32, #tpu.memory_space<vmem>>
          %get3A_1912 = tpu.memref_squeeze %get3A_1911 : memref<1x8x24x256xf32, #tpu.memory_space<vmem>> -> memref<8x24x256xf32, #tpu.memory_space<vmem>>
          %get3A_1913 = arith.index_cast %get3A_1906 : i32 to index
          %get3A_1914 = arith.index_cast %get3A_1907 : i32 to index
          %get3A_1915 = arith.index_cast %mul3A_1248 : i32 to index
          %get3A_1916 = tpu.vector_load %get3A_1912[%get3A_1913, %get3A_1914, %get3A_1915] {strides = array<i32>} : memref<8x24x256xf32, #tpu.memory_space<vmem>>, vector<16xf32>,
          %mul3A_1917 = arith.mulf %gather3A_1905, %get3A_1916 : vector<16xf32>
          %add3A_1918 = arith.addf %add3A_1850, %mul3A_1917 : vector<16xf32>
          %add3A_1919 = arith.constant 11 : i32
          %add3A_1920 = vector.broadcast %add3A_1919 : i32 to vector<16xi32>
          %add3A_1921 = arith.addi %mul3A_1715, %add3A_1920 : vector<16xi32>
          %gather3A_1922 = tpu.vector_load_idx %arg6[%add3A_1921] : memref<640xf32, #tpu.memory_space<vmem>>[vector<16xi32>], vector<16xf32>,
          %get3A_1923 = arith.constant 1 : i32
          %get3A_1924 = arith.constant 11 : i32
          %get3A_1925 = arith.constant 0 : i32
          %get3A_1926 = arith.constant 0 : i32
          %get3A_1927 = arith.constant 0 : i32
          %get3A_1928 = tpu.memref_slice %run_scoped3A_50[%rem3A_670, %get3A_1925, %get3A_1926, %get3A_1927] : memref<2x8x24x256xf32, #tpu.memory_space<vmem>> -> memref<1x8x24x256xf32, #tpu.memory_space<vmem>>
          %get3A_1929 = tpu.memref_squeeze %get3A_1928 : memref<1x8x24x256xf32, #tpu.memory_space<vmem>> -> memref<8x24x256xf32, #tpu.memory_space<vmem>>
          %get3A_1930 = arith.index_cast %get3A_1923 : i32 to index
          %get3A_1931 = arith.index_cast %get3A_1924 : i32 to index
          %get3A_1932 = arith.index_cast %mul3A_1248 : i32 to index
          %get3A_1933 = tpu.vector_load %get3A_1929[%get3A_1930, %get3A_1931, %get3A_1932] {strides = array<i32>} : memref<8x24x256xf32, #tpu.memory_space<vmem>>, vector<16xf32>,
          %mul3A_1934 = arith.mulf %gather3A_1922, %get3A_1933 : vector<16xf32>
          %add3A_1935 = arith.addf %add3A_1867, %mul3A_1934 : vector<16xf32>
          %add3A_1936 = arith.constant 12 : i32
          %add3A_1937 = vector.broadcast %add3A_1936 : i32 to vector<16xi32>
          %add3A_1938 = arith.addi %mul3A_1715, %add3A_1937 : vector<16xi32>
          %gather3A_1939 = tpu.vector_load_idx %arg6[%add3A_1938] : memref<640xf32, #tpu.memory_space<vmem>>[vector<16xi32>], vector<16xf32>,
          %get3A_1940 = arith.constant 1 : i32
          %get3A_1941 = arith.constant 12 : i32
          %get3A_1942 = arith.constant 0 : i32
          %get3A_1943 = arith.constant 0 : i32
          %get3A_1944 = arith.constant 0 : i32
          %get3A_1945 = tpu.memref_slice %run_scoped3A_50[%rem3A_670, %get3A_1942, %get3A_1943, %get3A_1944] : memref<2x8x24x256xf32, #tpu.memory_space<vmem>> -> memref<1x8x24x256xf32, #tpu.memory_space<vmem>>
          %get3A_1946 = tpu.memref_squeeze %get3A_1945 : memref<1x8x24x256xf32, #tpu.memory_space<vmem>> -> memref<8x24x256xf32, #tpu.memory_space<vmem>>
          %get3A_1947 = arith.index_cast %get3A_1940 : i32 to index
          %get3A_1948 = arith.index_cast %get3A_1941 : i32 to index
          %get3A_1949 = arith.index_cast %mul3A_1248 : i32 to index
          %get3A_1950 = tpu.vector_load %get3A_1946[%get3A_1947, %get3A_1948, %get3A_1949] {strides = array<i32>} : memref<8x24x256xf32, #tpu.memory_space<vmem>>, vector<16xf32>,
          %mul3A_1951 = arith.mulf %gather3A_1939, %get3A_1950 : vector<16xf32>
          %add3A_1952 = arith.addf %add3A_1884, %mul3A_1951 : vector<16xf32>
          %add3A_1953 = arith.constant 13 : i32
          %add3A_1954 = vector.broadcast %add3A_1953 : i32 to vector<16xi32>
          %add3A_1955 = arith.addi %mul3A_1715, %add3A_1954 : vector<16xi32>
          %gather3A_1956 = tpu.vector_load_idx %arg6[%add3A_1955] : memref<640xf32, #tpu.memory_space<vmem>>[vector<16xi32>], vector<16xf32>,
          %get3A_1957 = arith.constant 1 : i32
          %get3A_1958 = arith.constant 13 : i32
          %get3A_1959 = arith.constant 0 : i32
          %get3A_1960 = arith.constant 0 : i32
          %get3A_1961 = arith.constant 0 : i32
          %get3A_1962 = tpu.memref_slice %run_scoped3A_50[%rem3A_670, %get3A_1959, %get3A_1960, %get3A_1961] : memref<2x8x24x256xf32, #tpu.memory_space<vmem>> -> memref<1x8x24x256xf32, #tpu.memory_space<vmem>>
          %get3A_1963 = tpu.memref_squeeze %get3A_1962 : memref<1x8x24x256xf32, #tpu.memory_space<vmem>> -> memref<8x24x256xf32, #tpu.memory_space<vmem>>
          %get3A_1964 = arith.index_cast %get3A_1957 : i32 to index
          %get3A_1965 = arith.index_cast %get3A_1958 : i32 to index
          %get3A_1966 = arith.index_cast %mul3A_1248 : i32 to index
          %get3A_1967 = tpu.vector_load %get3A_1963[%get3A_1964, %get3A_1965, %get3A_1966] {strides = array<i32>} : memref<8x24x256xf32, #tpu.memory_space<vmem>>, vector<16xf32>,
          %mul3A_1968 = arith.mulf %gather3A_1956, %get3A_1967 : vector<16xf32>
          %add3A_1969 = arith.addf %add3A_1901, %mul3A_1968 : vector<16xf32>
          %add3A_1970 = arith.constant 14 : i32
          %add3A_1971 = vector.broadcast %add3A_1970 : i32 to vector<16xi32>
          %add3A_1972 = arith.addi %mul3A_1715, %add3A_1971 : vector<16xi32>
          %gather3A_1973 = tpu.vector_load_idx %arg6[%add3A_1972] : memref<640xf32, #tpu.memory_space<vmem>>[vector<16xi32>], vector<16xf32>,
          %get3A_1974 = arith.constant 1 : i32
          %get3A_1975 = arith.constant 14 : i32
          %get3A_1976 = arith.constant 0 : i32
          %get3A_1977 = arith.constant 0 : i32
          %get3A_1978 = arith.constant 0 : i32
          %get3A_1979 = tpu.memref_slice %run_scoped3A_50[%rem3A_670, %get3A_1976, %get3A_1977, %get3A_1978] : memref<2x8x24x256xf32, #tpu.memory_space<vmem>> -> memref<1x8x24x256xf32, #tpu.memory_space<vmem>>
          %get3A_1980 = tpu.memref_squeeze %get3A_1979 : memref<1x8x24x256xf32, #tpu.memory_space<vmem>> -> memref<8x24x256xf32, #tpu.memory_space<vmem>>
          %get3A_1981 = arith.index_cast %get3A_1974 : i32 to index
          %get3A_1982 = arith.index_cast %get3A_1975 : i32 to index
          %get3A_1983 = arith.index_cast %mul3A_1248 : i32 to index
          %get3A_1984 = tpu.vector_load %get3A_1980[%get3A_1981, %get3A_1982, %get3A_1983] {strides = array<i32>} : memref<8x24x256xf32, #tpu.memory_space<vmem>>, vector<16xf32>,
          %mul3A_1985 = arith.mulf %gather3A_1973, %get3A_1984 : vector<16xf32>
          %add3A_1986 = arith.addf %add3A_1918, %mul3A_1985 : vector<16xf32>
          %add3A_1987 = arith.constant 15 : i32
          %add3A_1988 = vector.broadcast %add3A_1987 : i32 to vector<16xi32>
          %add3A_1989 = arith.addi %mul3A_1715, %add3A_1988 : vector<16xi32>
          %gather3A_1990 = tpu.vector_load_idx %arg6[%add3A_1989] : memref<640xf32, #tpu.memory_space<vmem>>[vector<16xi32>], vector<16xf32>,
          %get3A_1991 = arith.constant 1 : i32
          %get3A_1992 = arith.constant 15 : i32
          %get3A_1993 = arith.constant 0 : i32
          %get3A_1994 = arith.constant 0 : i32
          %get3A_1995 = arith.constant 0 : i32
          %get3A_1996 = tpu.memref_slice %run_scoped3A_50[%rem3A_670, %get3A_1993, %get3A_1994, %get3A_1995] : memref<2x8x24x256xf32, #tpu.memory_space<vmem>> -> memref<1x8x24x256xf32, #tpu.memory_space<vmem>>
          %get3A_1997 = tpu.memref_squeeze %get3A_1996 : memref<1x8x24x256xf32, #tpu.memory_space<vmem>> -> memref<8x24x256xf32, #tpu.memory_space<vmem>>
          %get3A_1998 = arith.index_cast %get3A_1991 : i32 to index
          %get3A_1999 = arith.index_cast %get3A_1992 : i32 to index
          %get3A_2000 = arith.index_cast %mul3A_1248 : i32 to index
          %get3A_2001 = tpu.vector_load %get3A_1997[%get3A_1998, %get3A_1999, %get3A_2000] {strides = array<i32>} : memref<8x24x256xf32, #tpu.memory_space<vmem>>, vector<16xf32>,
          %mul3A_2002 = arith.mulf %gather3A_1990, %get3A_2001 : vector<16xf32>
          %add3A_2003 = arith.addf %add3A_1935, %mul3A_2002 : vector<16xf32>
          %add3A_2004 = arith.constant 16 : i32
          %add3A_2005 = vector.broadcast %add3A_2004 : i32 to vector<16xi32>
          %add3A_2006 = arith.addi %mul3A_1715, %add3A_2005 : vector<16xi32>
          %gather3A_2007 = tpu.vector_load_idx %arg6[%add3A_2006] : memref<640xf32, #tpu.memory_space<vmem>>[vector<16xi32>], vector<16xf32>,
          %get3A_2008 = arith.constant 1 : i32
          %get3A_2009 = arith.constant 16 : i32
          %get3A_2010 = arith.constant 0 : i32
          %get3A_2011 = arith.constant 0 : i32
          %get3A_2012 = arith.constant 0 : i32
          %get3A_2013 = tpu.memref_slice %run_scoped3A_50[%rem3A_670, %get3A_2010, %get3A_2011, %get3A_2012] : memref<2x8x24x256xf32, #tpu.memory_space<vmem>> -> memref<1x8x24x256xf32, #tpu.memory_space<vmem>>
          %get3A_2014 = tpu.memref_squeeze %get3A_2013 : memref<1x8x24x256xf32, #tpu.memory_space<vmem>> -> memref<8x24x256xf32, #tpu.memory_space<vmem>>
          %get3A_2015 = arith.index_cast %get3A_2008 : i32 to index
          %get3A_2016 = arith.index_cast %get3A_2009 : i32 to index
          %get3A_2017 = arith.index_cast %mul3A_1248 : i32 to index
          %get3A_2018 = tpu.vector_load %get3A_2014[%get3A_2015, %get3A_2016, %get3A_2017] {strides = array<i32>} : memref<8x24x256xf32, #tpu.memory_space<vmem>>, vector<16xf32>,
          %mul3A_2019 = arith.mulf %gather3A_2007, %get3A_2018 : vector<16xf32>
          %add3A_2020 = arith.addf %add3A_1952, %mul3A_2019 : vector<16xf32>
          %add3A_2021 = arith.constant 17 : i32
          %add3A_2022 = vector.broadcast %add3A_2021 : i32 to vector<16xi32>
          %add3A_2023 = arith.addi %mul3A_1715, %add3A_2022 : vector<16xi32>
          %gather3A_2024 = tpu.vector_load_idx %arg6[%add3A_2023] : memref<640xf32, #tpu.memory_space<vmem>>[vector<16xi32>], vector<16xf32>,
          %get3A_2025 = arith.constant 1 : i32
          %get3A_2026 = arith.constant 17 : i32
          %get3A_2027 = arith.constant 0 : i32
          %get3A_2028 = arith.constant 0 : i32
          %get3A_2029 = arith.constant 0 : i32
          %get3A_2030 = tpu.memref_slice %run_scoped3A_50[%rem3A_670, %get3A_2027, %get3A_2028, %get3A_2029] : memref<2x8x24x256xf32, #tpu.memory_space<vmem>> -> memref<1x8x24x256xf32, #tpu.memory_space<vmem>>
          %get3A_2031 = tpu.memref_squeeze %get3A_2030 : memref<1x8x24x256xf32, #tpu.memory_space<vmem>> -> memref<8x24x256xf32, #tpu.memory_space<vmem>>
          %get3A_2032 = arith.index_cast %get3A_2025 : i32 to index
          %get3A_2033 = arith.index_cast %get3A_2026 : i32 to index
          %get3A_2034 = arith.index_cast %mul3A_1248 : i32 to index
          %get3A_2035 = tpu.vector_load %get3A_2031[%get3A_2032, %get3A_2033, %get3A_2034] {strides = array<i32>} : memref<8x24x256xf32, #tpu.memory_space<vmem>>, vector<16xf32>,
          %mul3A_2036 = arith.mulf %gather3A_2024, %get3A_2035 : vector<16xf32>
          %add3A_2037 = arith.addf %add3A_1969, %mul3A_2036 : vector<16xf32>
          %add3A_2038 = arith.constant 18 : i32
          %add3A_2039 = vector.broadcast %add3A_2038 : i32 to vector<16xi32>
          %add3A_2040 = arith.addi %mul3A_1715, %add3A_2039 : vector<16xi32>
          %gather3A_2041 = tpu.vector_load_idx %arg6[%add3A_2040] : memref<640xf32, #tpu.memory_space<vmem>>[vector<16xi32>], vector<16xf32>,
          %get3A_2042 = arith.constant 1 : i32
          %get3A_2043 = arith.constant 18 : i32
          %get3A_2044 = arith.constant 0 : i32
          %get3A_2045 = arith.constant 0 : i32
          %get3A_2046 = arith.constant 0 : i32
          %get3A_2047 = tpu.memref_slice %run_scoped3A_50[%rem3A_670, %get3A_2044, %get3A_2045, %get3A_2046] : memref<2x8x24x256xf32, #tpu.memory_space<vmem>> -> memref<1x8x24x256xf32, #tpu.memory_space<vmem>>
          %get3A_2048 = tpu.memref_squeeze %get3A_2047 : memref<1x8x24x256xf32, #tpu.memory_space<vmem>> -> memref<8x24x256xf32, #tpu.memory_space<vmem>>
          %get3A_2049 = arith.index_cast %get3A_2042 : i32 to index
          %get3A_2050 = arith.index_cast %get3A_2043 : i32 to index
          %get3A_2051 = arith.index_cast %mul3A_1248 : i32 to index
          %get3A_2052 = tpu.vector_load %get3A_2048[%get3A_2049, %get3A_2050, %get3A_2051] {strides = array<i32>} : memref<8x24x256xf32, #tpu.memory_space<vmem>>, vector<16xf32>,
          %mul3A_2053 = arith.mulf %gather3A_2041, %get3A_2052 : vector<16xf32>
          %add3A_2054 = arith.addf %add3A_1986, %mul3A_2053 : vector<16xf32>
          %add3A_2055 = arith.constant 19 : i32
          %add3A_2056 = vector.broadcast %add3A_2055 : i32 to vector<16xi32>
          %add3A_2057 = arith.addi %mul3A_1715, %add3A_2056 : vector<16xi32>
          %gather3A_2058 = tpu.vector_load_idx %arg6[%add3A_2057] : memref<640xf32, #tpu.memory_space<vmem>>[vector<16xi32>], vector<16xf32>,
          %get3A_2059 = arith.constant 1 : i32
          %get3A_2060 = arith.constant 19 : i32
          %get3A_2061 = arith.constant 0 : i32
          %get3A_2062 = arith.constant 0 : i32
          %get3A_2063 = arith.constant 0 : i32
          %get3A_2064 = tpu.memref_slice %run_scoped3A_50[%rem3A_670, %get3A_2061, %get3A_2062, %get3A_2063] : memref<2x8x24x256xf32, #tpu.memory_space<vmem>> -> memref<1x8x24x256xf32, #tpu.memory_space<vmem>>
          %get3A_2065 = tpu.memref_squeeze %get3A_2064 : memref<1x8x24x256xf32, #tpu.memory_space<vmem>> -> memref<8x24x256xf32, #tpu.memory_space<vmem>>
          %get3A_2066 = arith.index_cast %get3A_2059 : i32 to index
          %get3A_2067 = arith.index_cast %get3A_2060 : i32 to index
          %get3A_2068 = arith.index_cast %mul3A_1248 : i32 to index
          %get3A_2069 = tpu.vector_load %get3A_2065[%get3A_2066, %get3A_2067, %get3A_2068] {strides = array<i32>} : memref<8x24x256xf32, #tpu.memory_space<vmem>>, vector<16xf32>,
          %mul3A_2070 = arith.mulf %gather3A_2058, %get3A_2069 : vector<16xf32>
          %add3A_2071 = arith.addf %add3A_2003, %mul3A_2070 : vector<16xf32>
          %add3A_2072 = arith.constant 20 : i32
          %add3A_2073 = vector.broadcast %add3A_2072 : i32 to vector<16xi32>
          %add3A_2074 = arith.addi %mul3A_1715, %add3A_2073 : vector<16xi32>
          %gather3A_2075 = tpu.vector_load_idx %arg6[%add3A_2074] : memref<640xf32, #tpu.memory_space<vmem>>[vector<16xi32>], vector<16xf32>,
          %get3A_2076 = arith.constant 1 : i32
          %get3A_2077 = arith.constant 20 : i32
          %get3A_2078 = arith.constant 0 : i32
          %get3A_2079 = arith.constant 0 : i32
          %get3A_2080 = arith.constant 0 : i32
          %get3A_2081 = tpu.memref_slice %run_scoped3A_50[%rem3A_670, %get3A_2078, %get3A_2079, %get3A_2080] : memref<2x8x24x256xf32, #tpu.memory_space<vmem>> -> memref<1x8x24x256xf32, #tpu.memory_space<vmem>>
          %get3A_2082 = tpu.memref_squeeze %get3A_2081 : memref<1x8x24x256xf32, #tpu.memory_space<vmem>> -> memref<8x24x256xf32, #tpu.memory_space<vmem>>
          %get3A_2083 = arith.index_cast %get3A_2076 : i32 to index
          %get3A_2084 = arith.index_cast %get3A_2077 : i32 to index
          %get3A_2085 = arith.index_cast %mul3A_1248 : i32 to index
          %get3A_2086 = tpu.vector_load %get3A_2082[%get3A_2083, %get3A_2084, %get3A_2085] {strides = array<i32>} : memref<8x24x256xf32, #tpu.memory_space<vmem>>, vector<16xf32>,
          %mul3A_2087 = arith.mulf %gather3A_2075, %get3A_2086 : vector<16xf32>
          %add3A_2088 = arith.addf %add3A_2020, %mul3A_2087 : vector<16xf32>
          %add3A_2089 = arith.constant 21 : i32
          %add3A_2090 = vector.broadcast %add3A_2089 : i32 to vector<16xi32>
          %add3A_2091 = arith.addi %mul3A_1715, %add3A_2090 : vector<16xi32>
          %gather3A_2092 = tpu.vector_load_idx %arg6[%add3A_2091] : memref<640xf32, #tpu.memory_space<vmem>>[vector<16xi32>], vector<16xf32>,
          %get3A_2093 = arith.constant 1 : i32
          %get3A_2094 = arith.constant 21 : i32
          %get3A_2095 = arith.constant 0 : i32
          %get3A_2096 = arith.constant 0 : i32
          %get3A_2097 = arith.constant 0 : i32
          %get3A_2098 = tpu.memref_slice %run_scoped3A_50[%rem3A_670, %get3A_2095, %get3A_2096, %get3A_2097] : memref<2x8x24x256xf32, #tpu.memory_space<vmem>> -> memref<1x8x24x256xf32, #tpu.memory_space<vmem>>
          %get3A_2099 = tpu.memref_squeeze %get3A_2098 : memref<1x8x24x256xf32, #tpu.memory_space<vmem>> -> memref<8x24x256xf32, #tpu.memory_space<vmem>>
          %get3A_2100 = arith.index_cast %get3A_2093 : i32 to index
          %get3A_2101 = arith.index_cast %get3A_2094 : i32 to index
          %get3A_2102 = arith.index_cast %mul3A_1248 : i32 to index
          %get3A_2103 = tpu.vector_load %get3A_2099[%get3A_2100, %get3A_2101, %get3A_2102] {strides = array<i32>} : memref<8x24x256xf32, #tpu.memory_space<vmem>>, vector<16xf32>,
          %mul3A_2104 = arith.mulf %gather3A_2092, %get3A_2103 : vector<16xf32>
          %add3A_2105 = arith.addf %add3A_2037, %mul3A_2104 : vector<16xf32>
          %add3A_2106 = arith.constant 22 : i32
          %add3A_2107 = vector.broadcast %add3A_2106 : i32 to vector<16xi32>
          %add3A_2108 = arith.addi %mul3A_1715, %add3A_2107 : vector<16xi32>
          %gather3A_2109 = tpu.vector_load_idx %arg6[%add3A_2108] : memref<640xf32, #tpu.memory_space<vmem>>[vector<16xi32>], vector<16xf32>,
          %get3A_2110 = arith.constant 1 : i32
          %get3A_2111 = arith.constant 22 : i32
          %get3A_2112 = arith.constant 0 : i32
          %get3A_2113 = arith.constant 0 : i32
          %get3A_2114 = arith.constant 0 : i32
          %get3A_2115 = tpu.memref_slice %run_scoped3A_50[%rem3A_670, %get3A_2112, %get3A_2113, %get3A_2114] : memref<2x8x24x256xf32, #tpu.memory_space<vmem>> -> memref<1x8x24x256xf32, #tpu.memory_space<vmem>>
          %get3A_2116 = tpu.memref_squeeze %get3A_2115 : memref<1x8x24x256xf32, #tpu.memory_space<vmem>> -> memref<8x24x256xf32, #tpu.memory_space<vmem>>
          %get3A_2117 = arith.index_cast %get3A_2110 : i32 to index
          %get3A_2118 = arith.index_cast %get3A_2111 : i32 to index
          %get3A_2119 = arith.index_cast %mul3A_1248 : i32 to index
          %get3A_2120 = tpu.vector_load %get3A_2116[%get3A_2117, %get3A_2118, %get3A_2119] {strides = array<i32>} : memref<8x24x256xf32, #tpu.memory_space<vmem>>, vector<16xf32>,
          %mul3A_2121 = arith.mulf %gather3A_2109, %get3A_2120 : vector<16xf32>
          %add3A_2122 = arith.addf %add3A_2054, %mul3A_2121 : vector<16xf32>
          %add3A_2123 = arith.constant 23 : i32
          %add3A_2124 = vector.broadcast %add3A_2123 : i32 to vector<16xi32>
          %add3A_2125 = arith.addi %mul3A_1715, %add3A_2124 : vector<16xi32>
          %gather3A_2126 = tpu.vector_load_idx %arg6[%add3A_2125] : memref<640xf32, #tpu.memory_space<vmem>>[vector<16xi32>], vector<16xf32>,
          %get3A_2127 = arith.constant 1 : i32
          %get3A_2128 = arith.constant 23 : i32
          %get3A_2129 = arith.constant 0 : i32
          %get3A_2130 = arith.constant 0 : i32
          %get3A_2131 = arith.constant 0 : i32
          %get3A_2132 = tpu.memref_slice %run_scoped3A_50[%rem3A_670, %get3A_2129, %get3A_2130, %get3A_2131] : memref<2x8x24x256xf32, #tpu.memory_space<vmem>> -> memref<1x8x24x256xf32, #tpu.memory_space<vmem>>
          %get3A_2133 = tpu.memref_squeeze %get3A_2132 : memref<1x8x24x256xf32, #tpu.memory_space<vmem>> -> memref<8x24x256xf32, #tpu.memory_space<vmem>>
          %get3A_2134 = arith.index_cast %get3A_2127 : i32 to index
          %get3A_2135 = arith.index_cast %get3A_2128 : i32 to index
          %get3A_2136 = arith.index_cast %mul3A_1248 : i32 to index
          %get3A_2137 = tpu.vector_load %get3A_2133[%get3A_2134, %get3A_2135, %get3A_2136] {strides = array<i32>} : memref<8x24x256xf32, #tpu.memory_space<vmem>>, vector<16xf32>,
          %mul3A_2138 = arith.mulf %gather3A_2126, %get3A_2137 : vector<16xf32>
          %add3A_2139 = arith.addf %add3A_2071, %mul3A_2138 : vector<16xf32>
          %swap3A_2140 = arith.constant 0 : i32
          %swap3A_2141 = arith.index_cast %swap3A_2140 : i32 to index
          %swap3A_2142 = arith.constant 0 : index
          %swap3A_2143 = tpu.vector_load %arg7[%swap3A_2141, %swap3A_2142] {strides = array<i32>} : memref<4x16xf32, #tpu.memory_space<vmem>>, vector<16xf32>,
          tpu.vector_store %arg7[%swap3A_2141, %swap3A_2142], %add3A_2088 {strides = array<i32>} : memref<4x16xf32, #tpu.memory_space<vmem>>, vector<16xf32>,
          %swap3A_2144 = arith.constant 1 : i32
          %swap3A_2145 = arith.index_cast %swap3A_2144 : i32 to index
          %swap3A_2146 = arith.constant 0 : index
          %swap3A_2147 = tpu.vector_load %arg7[%swap3A_2145, %swap3A_2146] {strides = array<i32>} : memref<4x16xf32, #tpu.memory_space<vmem>>, vector<16xf32>,
          tpu.vector_store %arg7[%swap3A_2145, %swap3A_2146], %add3A_2105 {strides = array<i32>} : memref<4x16xf32, #tpu.memory_space<vmem>>, vector<16xf32>,
          %swap3A_2148 = arith.constant 2 : i32
          %swap3A_2149 = arith.index_cast %swap3A_2148 : i32 to index
          %swap3A_2150 = arith.constant 0 : index
          %swap3A_2151 = tpu.vector_load %arg7[%swap3A_2149, %swap3A_2150] {strides = array<i32>} : memref<4x16xf32, #tpu.memory_space<vmem>>, vector<16xf32>,
          tpu.vector_store %arg7[%swap3A_2149, %swap3A_2150], %add3A_2122 {strides = array<i32>} : memref<4x16xf32, #tpu.memory_space<vmem>>, vector<16xf32>,
          %swap3A_2152 = arith.constant 3 : i32
          %swap3A_2153 = arith.index_cast %swap3A_2152 : i32 to index
          %swap3A_2154 = arith.constant 0 : index
          %swap3A_2155 = tpu.vector_load %arg7[%swap3A_2153, %swap3A_2154] {strides = array<i32>} : memref<4x16xf32, #tpu.memory_space<vmem>>, vector<16xf32>,
          tpu.vector_store %arg7[%swap3A_2153, %swap3A_2154], %add3A_2139 {strides = array<i32>} : memref<4x16xf32, #tpu.memory_space<vmem>>, vector<16xf32>,
          %get3A_2156 = arith.constant 0 : i32
          %get3A_2157 = arith.constant 2 : i32
          %get3A_2158 = arith.constant 0 : i32
          %get3A_2159 = arith.constant 0 : i32
          %get3A_2160 = arith.constant 0 : i32
          %get3A_2161 = tpu.memref_slice %run_scoped3A_48[%rem3A_668, %get3A_2158, %get3A_2159, %get3A_2160] : memref<2x1x8x256xi32, #tpu.memory_space<vmem>> -> memref<1x1x8x256xi32, #tpu.memory_space<vmem>>
          %get3A_2162 = tpu.memref_squeeze %get3A_2161 : memref<1x1x8x256xi32, #tpu.memory_space<vmem>> -> memref<1x8x256xi32, #tpu.memory_space<vmem>>
          %get3A_2163 = arith.index_cast %get3A_2156 : i32 to index
          %get3A_2164 = arith.index_cast %get3A_2157 : i32 to index
          %get3A_2165 = arith.index_cast %mul3A_1248 : i32 to index
          %get3A_2166 = tpu.vector_load %get3A_2162[%get3A_2163, %get3A_2164, %get3A_2165] {strides = array<i32>} : memref<1x8x256xi32, #tpu.memory_space<vmem>>, vector<16xi32>,
          %mul3A_2167 = arith.constant 25 : i32
          %mul3A_2168 = vector.broadcast %mul3A_2167 : i32 to vector<16xi32>
          %mul3A_2169 = arith.muli %get3A_2166, %mul3A_2168 : vector<16xi32>
          %get3A_2170 = arith.constant 0 : i32
          %get3A_2171 = arith.index_cast %get3A_2170 : i32 to index
          %get3A_2172 = arith.constant 0 : index
          %get3A_2173 = tpu.vector_load %arg7[%get3A_2171, %get3A_2172] {strides = array<i32>} : memref<4x16xf32, #tpu.memory_space<vmem>>, vector<16xf32>,
          %get3A_2174 = arith.constant 1 : i32
          %get3A_2175 = arith.index_cast %get3A_2174 : i32 to index
          %get3A_2176 = arith.constant 0 : index
          %get3A_2177 = tpu.vector_load %arg7[%get3A_2175, %get3A_2176] {strides = array<i32>} : memref<4x16xf32, #tpu.memory_space<vmem>>, vector<16xf32>,
          %get3A_2178 = arith.constant 2 : i32
          %get3A_2179 = arith.index_cast %get3A_2178 : i32 to index
          %get3A_2180 = arith.constant 0 : index
          %get3A_2181 = tpu.vector_load %arg7[%get3A_2179, %get3A_2180] {strides = array<i32>} : memref<4x16xf32, #tpu.memory_space<vmem>>, vector<16xf32>,
          %get3A_2182 = arith.constant 3 : i32
          %get3A_2183 = arith.index_cast %get3A_2182 : i32 to index
          %get3A_2184 = arith.constant 0 : index
          %get3A_2185 = tpu.vector_load %arg7[%get3A_2183, %get3A_2184] {strides = array<i32>} : memref<4x16xf32, #tpu.memory_space<vmem>>, vector<16xf32>,
          %add3A_2186 = arith.constant 0 : i32
          %add3A_2187 = vector.broadcast %add3A_2186 : i32 to vector<16xi32>
          %add3A_2188 = arith.addi %mul3A_2169, %add3A_2187 : vector<16xi32>
          %gather3A_2189 = tpu.vector_load_idx %arg6[%add3A_2188] : memref<640xf32, #tpu.memory_space<vmem>>[vector<16xi32>], vector<16xf32>,
          %get3A_2190 = arith.constant 2 : i32
          %get3A_2191 = arith.constant 0 : i32
          %get3A_2192 = arith.constant 0 : i32
          %get3A_2193 = arith.constant 0 : i32
          %get3A_2194 = arith.constant 0 : i32
          %get3A_2195 = tpu.memref_slice %run_scoped3A_50[%rem3A_670, %get3A_2192, %get3A_2193, %get3A_2194] : memref<2x8x24x256xf32, #tpu.memory_space<vmem>> -> memref<1x8x24x256xf32, #tpu.memory_space<vmem>>
          %get3A_2196 = tpu.memref_squeeze %get3A_2195 : memref<1x8x24x256xf32, #tpu.memory_space<vmem>> -> memref<8x24x256xf32, #tpu.memory_space<vmem>>
          %get3A_2197 = arith.index_cast %get3A_2190 : i32 to index
          %get3A_2198 = arith.index_cast %get3A_2191 : i32 to index
          %get3A_2199 = arith.index_cast %mul3A_1248 : i32 to index
          %get3A_2200 = tpu.vector_load %get3A_2196[%get3A_2197, %get3A_2198, %get3A_2199] {strides = array<i32>} : memref<8x24x256xf32, #tpu.memory_space<vmem>>, vector<16xf32>,
          %mul3A_2201 = arith.mulf %gather3A_2189, %get3A_2200 : vector<16xf32>
          %add3A_2202 = arith.addf %get3A_2173, %mul3A_2201 : vector<16xf32>
          %add3A_2203 = arith.constant 1 : i32
          %add3A_2204 = vector.broadcast %add3A_2203 : i32 to vector<16xi32>
          %add3A_2205 = arith.addi %mul3A_2169, %add3A_2204 : vector<16xi32>
          %gather3A_2206 = tpu.vector_load_idx %arg6[%add3A_2205] : memref<640xf32, #tpu.memory_space<vmem>>[vector<16xi32>], vector<16xf32>,
          %get3A_2207 = arith.constant 2 : i32
          %get3A_2208 = arith.constant 1 : i32
          %get3A_2209 = arith.constant 0 : i32
          %get3A_2210 = arith.constant 0 : i32
          %get3A_2211 = arith.constant 0 : i32
          %get3A_2212 = tpu.memref_slice %run_scoped3A_50[%rem3A_670, %get3A_2209, %get3A_2210, %get3A_2211] : memref<2x8x24x256xf32, #tpu.memory_space<vmem>> -> memref<1x8x24x256xf32, #tpu.memory_space<vmem>>
          %get3A_2213 = tpu.memref_squeeze %get3A_2212 : memref<1x8x24x256xf32, #tpu.memory_space<vmem>> -> memref<8x24x256xf32, #tpu.memory_space<vmem>>
          %get3A_2214 = arith.index_cast %get3A_2207 : i32 to index
          %get3A_2215 = arith.index_cast %get3A_2208 : i32 to index
          %get3A_2216 = arith.index_cast %mul3A_1248 : i32 to index
          %get3A_2217 = tpu.vector_load %get3A_2213[%get3A_2214, %get3A_2215, %get3A_2216] {strides = array<i32>} : memref<8x24x256xf32, #tpu.memory_space<vmem>>, vector<16xf32>,
          %mul3A_2218 = arith.mulf %gather3A_2206, %get3A_2217 : vector<16xf32>
          %add3A_2219 = arith.addf %get3A_2177, %mul3A_2218 : vector<16xf32>
          %add3A_2220 = arith.constant 2 : i32
          %add3A_2221 = vector.broadcast %add3A_2220 : i32 to vector<16xi32>
          %add3A_2222 = arith.addi %mul3A_2169, %add3A_2221 : vector<16xi32>
          %gather3A_2223 = tpu.vector_load_idx %arg6[%add3A_2222] : memref<640xf32, #tpu.memory_space<vmem>>[vector<16xi32>], vector<16xf32>,
          %get3A_2224 = arith.constant 2 : i32
          %get3A_2225 = arith.constant 2 : i32
          %get3A_2226 = arith.constant 0 : i32
          %get3A_2227 = arith.constant 0 : i32
          %get3A_2228 = arith.constant 0 : i32
          %get3A_2229 = tpu.memref_slice %run_scoped3A_50[%rem3A_670, %get3A_2226, %get3A_2227, %get3A_2228] : memref<2x8x24x256xf32, #tpu.memory_space<vmem>> -> memref<1x8x24x256xf32, #tpu.memory_space<vmem>>
          %get3A_2230 = tpu.memref_squeeze %get3A_2229 : memref<1x8x24x256xf32, #tpu.memory_space<vmem>> -> memref<8x24x256xf32, #tpu.memory_space<vmem>>
          %get3A_2231 = arith.index_cast %get3A_2224 : i32 to index
          %get3A_2232 = arith.index_cast %get3A_2225 : i32 to index
          %get3A_2233 = arith.index_cast %mul3A_1248 : i32 to index
          %get3A_2234 = tpu.vector_load %get3A_2230[%get3A_2231, %get3A_2232, %get3A_2233] {strides = array<i32>} : memref<8x24x256xf32, #tpu.memory_space<vmem>>, vector<16xf32>,
          %mul3A_2235 = arith.mulf %gather3A_2223, %get3A_2234 : vector<16xf32>
          %add3A_2236 = arith.addf %get3A_2181, %mul3A_2235 : vector<16xf32>
          %add3A_2237 = arith.constant 3 : i32
          %add3A_2238 = vector.broadcast %add3A_2237 : i32 to vector<16xi32>
          %add3A_2239 = arith.addi %mul3A_2169, %add3A_2238 : vector<16xi32>
          %gather3A_2240 = tpu.vector_load_idx %arg6[%add3A_2239] : memref<640xf32, #tpu.memory_space<vmem>>[vector<16xi32>], vector<16xf32>,
          %get3A_2241 = arith.constant 2 : i32
          %get3A_2242 = arith.constant 3 : i32
          %get3A_2243 = arith.constant 0 : i32
          %get3A_2244 = arith.constant 0 : i32
          %get3A_2245 = arith.constant 0 : i32
          %get3A_2246 = tpu.memref_slice %run_scoped3A_50[%rem3A_670, %get3A_2243, %get3A_2244, %get3A_2245] : memref<2x8x24x256xf32, #tpu.memory_space<vmem>> -> memref<1x8x24x256xf32, #tpu.memory_space<vmem>>
          %get3A_2247 = tpu.memref_squeeze %get3A_2246 : memref<1x8x24x256xf32, #tpu.memory_space<vmem>> -> memref<8x24x256xf32, #tpu.memory_space<vmem>>
          %get3A_2248 = arith.index_cast %get3A_2241 : i32 to index
          %get3A_2249 = arith.index_cast %get3A_2242 : i32 to index
          %get3A_2250 = arith.index_cast %mul3A_1248 : i32 to index
          %get3A_2251 = tpu.vector_load %get3A_2247[%get3A_2248, %get3A_2249, %get3A_2250] {strides = array<i32>} : memref<8x24x256xf32, #tpu.memory_space<vmem>>, vector<16xf32>,
          %mul3A_2252 = arith.mulf %gather3A_2240, %get3A_2251 : vector<16xf32>
          %add3A_2253 = arith.addf %get3A_2185, %mul3A_2252 : vector<16xf32>
          %add3A_2254 = arith.constant 4 : i32
          %add3A_2255 = vector.broadcast %add3A_2254 : i32 to vector<16xi32>
          %add3A_2256 = arith.addi %mul3A_2169, %add3A_2255 : vector<16xi32>
          %gather3A_2257 = tpu.vector_load_idx %arg6[%add3A_2256] : memref<640xf32, #tpu.memory_space<vmem>>[vector<16xi32>], vector<16xf32>,
          %get3A_2258 = arith.constant 2 : i32
          %get3A_2259 = arith.constant 4 : i32
          %get3A_2260 = arith.constant 0 : i32
          %get3A_2261 = arith.constant 0 : i32
          %get3A_2262 = arith.constant 0 : i32
          %get3A_2263 = tpu.memref_slice %run_scoped3A_50[%rem3A_670, %get3A_2260, %get3A_2261, %get3A_2262] : memref<2x8x24x256xf32, #tpu.memory_space<vmem>> -> memref<1x8x24x256xf32, #tpu.memory_space<vmem>>
          %get3A_2264 = tpu.memref_squeeze %get3A_2263 : memref<1x8x24x256xf32, #tpu.memory_space<vmem>> -> memref<8x24x256xf32, #tpu.memory_space<vmem>>
          %get3A_2265 = arith.index_cast %get3A_2258 : i32 to index
          %get3A_2266 = arith.index_cast %get3A_2259 : i32 to index
          %get3A_2267 = arith.index_cast %mul3A_1248 : i32 to index
          %get3A_2268 = tpu.vector_load %get3A_2264[%get3A_2265, %get3A_2266, %get3A_2267] {strides = array<i32>} : memref<8x24x256xf32, #tpu.memory_space<vmem>>, vector<16xf32>,
          %mul3A_2269 = arith.mulf %gather3A_2257, %get3A_2268 : vector<16xf32>
          %add3A_2270 = arith.addf %add3A_2202, %mul3A_2269 : vector<16xf32>
          %add3A_2271 = arith.constant 5 : i32
          %add3A_2272 = vector.broadcast %add3A_2271 : i32 to vector<16xi32>
          %add3A_2273 = arith.addi %mul3A_2169, %add3A_2272 : vector<16xi32>
          %gather3A_2274 = tpu.vector_load_idx %arg6[%add3A_2273] : memref<640xf32, #tpu.memory_space<vmem>>[vector<16xi32>], vector<16xf32>,
          %get3A_2275 = arith.constant 2 : i32
          %get3A_2276 = arith.constant 5 : i32
          %get3A_2277 = arith.constant 0 : i32
          %get3A_2278 = arith.constant 0 : i32
          %get3A_2279 = arith.constant 0 : i32
          %get3A_2280 = tpu.memref_slice %run_scoped3A_50[%rem3A_670, %get3A_2277, %get3A_2278, %get3A_2279] : memref<2x8x24x256xf32, #tpu.memory_space<vmem>> -> memref<1x8x24x256xf32, #tpu.memory_space<vmem>>
          %get3A_2281 = tpu.memref_squeeze %get3A_2280 : memref<1x8x24x256xf32, #tpu.memory_space<vmem>> -> memref<8x24x256xf32, #tpu.memory_space<vmem>>
          %get3A_2282 = arith.index_cast %get3A_2275 : i32 to index
          %get3A_2283 = arith.index_cast %get3A_2276 : i32 to index
          %get3A_2284 = arith.index_cast %mul3A_1248 : i32 to index
          %get3A_2285 = tpu.vector_load %get3A_2281[%get3A_2282, %get3A_2283, %get3A_2284] {strides = array<i32>} : memref<8x24x256xf32, #tpu.memory_space<vmem>>, vector<16xf32>,
          %mul3A_2286 = arith.mulf %gather3A_2274, %get3A_2285 : vector<16xf32>
          %add3A_2287 = arith.addf %add3A_2219, %mul3A_2286 : vector<16xf32>
          %add3A_2288 = arith.constant 6 : i32
          %add3A_2289 = vector.broadcast %add3A_2288 : i32 to vector<16xi32>
          %add3A_2290 = arith.addi %mul3A_2169, %add3A_2289 : vector<16xi32>
          %gather3A_2291 = tpu.vector_load_idx %arg6[%add3A_2290] : memref<640xf32, #tpu.memory_space<vmem>>[vector<16xi32>], vector<16xf32>,
          %get3A_2292 = arith.constant 2 : i32
          %get3A_2293 = arith.constant 6 : i32
          %get3A_2294 = arith.constant 0 : i32
          %get3A_2295 = arith.constant 0 : i32
          %get3A_2296 = arith.constant 0 : i32
          %get3A_2297 = tpu.memref_slice %run_scoped3A_50[%rem3A_670, %get3A_2294, %get3A_2295, %get3A_2296] : memref<2x8x24x256xf32, #tpu.memory_space<vmem>> -> memref<1x8x24x256xf32, #tpu.memory_space<vmem>>
          %get3A_2298 = tpu.memref_squeeze %get3A_2297 : memref<1x8x24x256xf32, #tpu.memory_space<vmem>> -> memref<8x24x256xf32, #tpu.memory_space<vmem>>
          %get3A_2299 = arith.index_cast %get3A_2292 : i32 to index
          %get3A_2300 = arith.index_cast %get3A_2293 : i32 to index
          %get3A_2301 = arith.index_cast %mul3A_1248 : i32 to index
          %get3A_2302 = tpu.vector_load %get3A_2298[%get3A_2299, %get3A_2300, %get3A_2301] {strides = array<i32>} : memref<8x24x256xf32, #tpu.memory_space<vmem>>, vector<16xf32>,
          %mul3A_2303 = arith.mulf %gather3A_2291, %get3A_2302 : vector<16xf32>
          %add3A_2304 = arith.addf %add3A_2236, %mul3A_2303 : vector<16xf32>
          %add3A_2305 = arith.constant 7 : i32
          %add3A_2306 = vector.broadcast %add3A_2305 : i32 to vector<16xi32>
          %add3A_2307 = arith.addi %mul3A_2169, %add3A_2306 : vector<16xi32>
          %gather3A_2308 = tpu.vector_load_idx %arg6[%add3A_2307] : memref<640xf32, #tpu.memory_space<vmem>>[vector<16xi32>], vector<16xf32>,
          %get3A_2309 = arith.constant 2 : i32
          %get3A_2310 = arith.constant 7 : i32
          %get3A_2311 = arith.constant 0 : i32
          %get3A_2312 = arith.constant 0 : i32
          %get3A_2313 = arith.constant 0 : i32
          %get3A_2314 = tpu.memref_slice %run_scoped3A_50[%rem3A_670, %get3A_2311, %get3A_2312, %get3A_2313] : memref<2x8x24x256xf32, #tpu.memory_space<vmem>> -> memref<1x8x24x256xf32, #tpu.memory_space<vmem>>
          %get3A_2315 = tpu.memref_squeeze %get3A_2314 : memref<1x8x24x256xf32, #tpu.memory_space<vmem>> -> memref<8x24x256xf32, #tpu.memory_space<vmem>>
          %get3A_2316 = arith.index_cast %get3A_2309 : i32 to index
          %get3A_2317 = arith.index_cast %get3A_2310 : i32 to index
          %get3A_2318 = arith.index_cast %mul3A_1248 : i32 to index
          %get3A_2319 = tpu.vector_load %get3A_2315[%get3A_2316, %get3A_2317, %get3A_2318] {strides = array<i32>} : memref<8x24x256xf32, #tpu.memory_space<vmem>>, vector<16xf32>,
          %mul3A_2320 = arith.mulf %gather3A_2308, %get3A_2319 : vector<16xf32>
          %add3A_2321 = arith.addf %add3A_2253, %mul3A_2320 : vector<16xf32>
          %add3A_2322 = arith.constant 8 : i32
          %add3A_2323 = vector.broadcast %add3A_2322 : i32 to vector<16xi32>
          %add3A_2324 = arith.addi %mul3A_2169, %add3A_2323 : vector<16xi32>
          %gather3A_2325 = tpu.vector_load_idx %arg6[%add3A_2324] : memref<640xf32, #tpu.memory_space<vmem>>[vector<16xi32>], vector<16xf32>,
          %get3A_2326 = arith.constant 2 : i32
          %get3A_2327 = arith.constant 8 : i32
          %get3A_2328 = arith.constant 0 : i32
          %get3A_2329 = arith.constant 0 : i32
          %get3A_2330 = arith.constant 0 : i32
          %get3A_2331 = tpu.memref_slice %run_scoped3A_50[%rem3A_670, %get3A_2328, %get3A_2329, %get3A_2330] : memref<2x8x24x256xf32, #tpu.memory_space<vmem>> -> memref<1x8x24x256xf32, #tpu.memory_space<vmem>>
          %get3A_2332 = tpu.memref_squeeze %get3A_2331 : memref<1x8x24x256xf32, #tpu.memory_space<vmem>> -> memref<8x24x256xf32, #tpu.memory_space<vmem>>
          %get3A_2333 = arith.index_cast %get3A_2326 : i32 to index
          %get3A_2334 = arith.index_cast %get3A_2327 : i32 to index
          %get3A_2335 = arith.index_cast %mul3A_1248 : i32 to index
          %get3A_2336 = tpu.vector_load %get3A_2332[%get3A_2333, %get3A_2334, %get3A_2335] {strides = array<i32>} : memref<8x24x256xf32, #tpu.memory_space<vmem>>, vector<16xf32>,
          %mul3A_2337 = arith.mulf %gather3A_2325, %get3A_2336 : vector<16xf32>
          %add3A_2338 = arith.addf %add3A_2270, %mul3A_2337 : vector<16xf32>
          %add3A_2339 = arith.constant 9 : i32
          %add3A_2340 = vector.broadcast %add3A_2339 : i32 to vector<16xi32>
          %add3A_2341 = arith.addi %mul3A_2169, %add3A_2340 : vector<16xi32>
          %gather3A_2342 = tpu.vector_load_idx %arg6[%add3A_2341] : memref<640xf32, #tpu.memory_space<vmem>>[vector<16xi32>], vector<16xf32>,
          %get3A_2343 = arith.constant 2 : i32
          %get3A_2344 = arith.constant 9 : i32
          %get3A_2345 = arith.constant 0 : i32
          %get3A_2346 = arith.constant 0 : i32
          %get3A_2347 = arith.constant 0 : i32
          %get3A_2348 = tpu.memref_slice %run_scoped3A_50[%rem3A_670, %get3A_2345, %get3A_2346, %get3A_2347] : memref<2x8x24x256xf32, #tpu.memory_space<vmem>> -> memref<1x8x24x256xf32, #tpu.memory_space<vmem>>
          %get3A_2349 = tpu.memref_squeeze %get3A_2348 : memref<1x8x24x256xf32, #tpu.memory_space<vmem>> -> memref<8x24x256xf32, #tpu.memory_space<vmem>>
          %get3A_2350 = arith.index_cast %get3A_2343 : i32 to index
          %get3A_2351 = arith.index_cast %get3A_2344 : i32 to index
          %get3A_2352 = arith.index_cast %mul3A_1248 : i32 to index
          %get3A_2353 = tpu.vector_load %get3A_2349[%get3A_2350, %get3A_2351, %get3A_2352] {strides = array<i32>} : memref<8x24x256xf32, #tpu.memory_space<vmem>>, vector<16xf32>,
          %mul3A_2354 = arith.mulf %gather3A_2342, %get3A_2353 : vector<16xf32>
          %add3A_2355 = arith.addf %add3A_2287, %mul3A_2354 : vector<16xf32>
          %add3A_2356 = arith.constant 10 : i32
          %add3A_2357 = vector.broadcast %add3A_2356 : i32 to vector<16xi32>
          %add3A_2358 = arith.addi %mul3A_2169, %add3A_2357 : vector<16xi32>
          %gather3A_2359 = tpu.vector_load_idx %arg6[%add3A_2358] : memref<640xf32, #tpu.memory_space<vmem>>[vector<16xi32>], vector<16xf32>,
          %get3A_2360 = arith.constant 2 : i32
          %get3A_2361 = arith.constant 10 : i32
          %get3A_2362 = arith.constant 0 : i32
          %get3A_2363 = arith.constant 0 : i32
          %get3A_2364 = arith.constant 0 : i32
          %get3A_2365 = tpu.memref_slice %run_scoped3A_50[%rem3A_670, %get3A_2362, %get3A_2363, %get3A_2364] : memref<2x8x24x256xf32, #tpu.memory_space<vmem>> -> memref<1x8x24x256xf32, #tpu.memory_space<vmem>>
          %get3A_2366 = tpu.memref_squeeze %get3A_2365 : memref<1x8x24x256xf32, #tpu.memory_space<vmem>> -> memref<8x24x256xf32, #tpu.memory_space<vmem>>
          %get3A_2367 = arith.index_cast %get3A_2360 : i32 to index
          %get3A_2368 = arith.index_cast %get3A_2361 : i32 to index
          %get3A_2369 = arith.index_cast %mul3A_1248 : i32 to index
          %get3A_2370 = tpu.vector_load %get3A_2366[%get3A_2367, %get3A_2368, %get3A_2369] {strides = array<i32>} : memref<8x24x256xf32, #tpu.memory_space<vmem>>, vector<16xf32>,
          %mul3A_2371 = arith.mulf %gather3A_2359, %get3A_2370 : vector<16xf32>
          %add3A_2372 = arith.addf %add3A_2304, %mul3A_2371 : vector<16xf32>
          %add3A_2373 = arith.constant 11 : i32
          %add3A_2374 = vector.broadcast %add3A_2373 : i32 to vector<16xi32>
          %add3A_2375 = arith.addi %mul3A_2169, %add3A_2374 : vector<16xi32>
          %gather3A_2376 = tpu.vector_load_idx %arg6[%add3A_2375] : memref<640xf32, #tpu.memory_space<vmem>>[vector<16xi32>], vector<16xf32>,
          %get3A_2377 = arith.constant 2 : i32
          %get3A_2378 = arith.constant 11 : i32
          %get3A_2379 = arith.constant 0 : i32
          %get3A_2380 = arith.constant 0 : i32
          %get3A_2381 = arith.constant 0 : i32
          %get3A_2382 = tpu.memref_slice %run_scoped3A_50[%rem3A_670, %get3A_2379, %get3A_2380, %get3A_2381] : memref<2x8x24x256xf32, #tpu.memory_space<vmem>> -> memref<1x8x24x256xf32, #tpu.memory_space<vmem>>
          %get3A_2383 = tpu.memref_squeeze %get3A_2382 : memref<1x8x24x256xf32, #tpu.memory_space<vmem>> -> memref<8x24x256xf32, #tpu.memory_space<vmem>>
          %get3A_2384 = arith.index_cast %get3A_2377 : i32 to index
          %get3A_2385 = arith.index_cast %get3A_2378 : i32 to index
          %get3A_2386 = arith.index_cast %mul3A_1248 : i32 to index
          %get3A_2387 = tpu.vector_load %get3A_2383[%get3A_2384, %get3A_2385, %get3A_2386] {strides = array<i32>} : memref<8x24x256xf32, #tpu.memory_space<vmem>>, vector<16xf32>,
          %mul3A_2388 = arith.mulf %gather3A_2376, %get3A_2387 : vector<16xf32>
          %add3A_2389 = arith.addf %add3A_2321, %mul3A_2388 : vector<16xf32>
          %add3A_2390 = arith.constant 12 : i32
          %add3A_2391 = vector.broadcast %add3A_2390 : i32 to vector<16xi32>
          %add3A_2392 = arith.addi %mul3A_2169, %add3A_2391 : vector<16xi32>
          %gather3A_2393 = tpu.vector_load_idx %arg6[%add3A_2392] : memref<640xf32, #tpu.memory_space<vmem>>[vector<16xi32>], vector<16xf32>,
          %get3A_2394 = arith.constant 2 : i32
          %get3A_2395 = arith.constant 12 : i32
          %get3A_2396 = arith.constant 0 : i32
          %get3A_2397 = arith.constant 0 : i32
          %get3A_2398 = arith.constant 0 : i32
          %get3A_2399 = tpu.memref_slice %run_scoped3A_50[%rem3A_670, %get3A_2396, %get3A_2397, %get3A_2398] : memref<2x8x24x256xf32, #tpu.memory_space<vmem>> -> memref<1x8x24x256xf32, #tpu.memory_space<vmem>>
          %get3A_2400 = tpu.memref_squeeze %get3A_2399 : memref<1x8x24x256xf32, #tpu.memory_space<vmem>> -> memref<8x24x256xf32, #tpu.memory_space<vmem>>
          %get3A_2401 = arith.index_cast %get3A_2394 : i32 to index
          %get3A_2402 = arith.index_cast %get3A_2395 : i32 to index
          %get3A_2403 = arith.index_cast %mul3A_1248 : i32 to index
          %get3A_2404 = tpu.vector_load %get3A_2400[%get3A_2401, %get3A_2402, %get3A_2403] {strides = array<i32>} : memref<8x24x256xf32, #tpu.memory_space<vmem>>, vector<16xf32>,
          %mul3A_2405 = arith.mulf %gather3A_2393, %get3A_2404 : vector<16xf32>
          %add3A_2406 = arith.addf %add3A_2338, %mul3A_2405 : vector<16xf32>
          %add3A_2407 = arith.constant 13 : i32
          %add3A_2408 = vector.broadcast %add3A_2407 : i32 to vector<16xi32>
          %add3A_2409 = arith.addi %mul3A_2169, %add3A_2408 : vector<16xi32>
          %gather3A_2410 = tpu.vector_load_idx %arg6[%add3A_2409] : memref<640xf32, #tpu.memory_space<vmem>>[vector<16xi32>], vector<16xf32>,
          %get3A_2411 = arith.constant 2 : i32
          %get3A_2412 = arith.constant 13 : i32
          %get3A_2413 = arith.constant 0 : i32
          %get3A_2414 = arith.constant 0 : i32
          %get3A_2415 = arith.constant 0 : i32
          %get3A_2416 = tpu.memref_slice %run_scoped3A_50[%rem3A_670, %get3A_2413, %get3A_2414, %get3A_2415] : memref<2x8x24x256xf32, #tpu.memory_space<vmem>> -> memref<1x8x24x256xf32, #tpu.memory_space<vmem>>
          %get3A_2417 = tpu.memref_squeeze %get3A_2416 : memref<1x8x24x256xf32, #tpu.memory_space<vmem>> -> memref<8x24x256xf32, #tpu.memory_space<vmem>>
          %get3A_2418 = arith.index_cast %get3A_2411 : i32 to index
          %get3A_2419 = arith.index_cast %get3A_2412 : i32 to index
          %get3A_2420 = arith.index_cast %mul3A_1248 : i32 to index
          %get3A_2421 = tpu.vector_load %get3A_2417[%get3A_2418, %get3A_2419, %get3A_2420] {strides = array<i32>} : memref<8x24x256xf32, #tpu.memory_space<vmem>>, vector<16xf32>,
          %mul3A_2422 = arith.mulf %gather3A_2410, %get3A_2421 : vector<16xf32>
          %add3A_2423 = arith.addf %add3A_2355, %mul3A_2422 : vector<16xf32>
          %add3A_2424 = arith.constant 14 : i32
          %add3A_2425 = vector.broadcast %add3A_2424 : i32 to vector<16xi32>
          %add3A_2426 = arith.addi %mul3A_2169, %add3A_2425 : vector<16xi32>
          %gather3A_2427 = tpu.vector_load_idx %arg6[%add3A_2426] : memref<640xf32, #tpu.memory_space<vmem>>[vector<16xi32>], vector<16xf32>,
          %get3A_2428 = arith.constant 2 : i32
          %get3A_2429 = arith.constant 14 : i32
          %get3A_2430 = arith.constant 0 : i32
          %get3A_2431 = arith.constant 0 : i32
          %get3A_2432 = arith.constant 0 : i32
          %get3A_2433 = tpu.memref_slice %run_scoped3A_50[%rem3A_670, %get3A_2430, %get3A_2431, %get3A_2432] : memref<2x8x24x256xf32, #tpu.memory_space<vmem>> -> memref<1x8x24x256xf32, #tpu.memory_space<vmem>>
          %get3A_2434 = tpu.memref_squeeze %get3A_2433 : memref<1x8x24x256xf32, #tpu.memory_space<vmem>> -> memref<8x24x256xf32, #tpu.memory_space<vmem>>
          %get3A_2435 = arith.index_cast %get3A_2428 : i32 to index
          %get3A_2436 = arith.index_cast %get3A_2429 : i32 to index
          %get3A_2437 = arith.index_cast %mul3A_1248 : i32 to index
          %get3A_2438 = tpu.vector_load %get3A_2434[%get3A_2435, %get3A_2436, %get3A_2437] {strides = array<i32>} : memref<8x24x256xf32, #tpu.memory_space<vmem>>, vector<16xf32>,
          %mul3A_2439 = arith.mulf %gather3A_2427, %get3A_2438 : vector<16xf32>
          %add3A_2440 = arith.addf %add3A_2372, %mul3A_2439 : vector<16xf32>
          %add3A_2441 = arith.constant 15 : i32
          %add3A_2442 = vector.broadcast %add3A_2441 : i32 to vector<16xi32>
          %add3A_2443 = arith.addi %mul3A_2169, %add3A_2442 : vector<16xi32>
          %gather3A_2444 = tpu.vector_load_idx %arg6[%add3A_2443] : memref<640xf32, #tpu.memory_space<vmem>>[vector<16xi32>], vector<16xf32>,
          %get3A_2445 = arith.constant 2 : i32
          %get3A_2446 = arith.constant 15 : i32
          %get3A_2447 = arith.constant 0 : i32
          %get3A_2448 = arith.constant 0 : i32
          %get3A_2449 = arith.constant 0 : i32
          %get3A_2450 = tpu.memref_slice %run_scoped3A_50[%rem3A_670, %get3A_2447, %get3A_2448, %get3A_2449] : memref<2x8x24x256xf32, #tpu.memory_space<vmem>> -> memref<1x8x24x256xf32, #tpu.memory_space<vmem>>
          %get3A_2451 = tpu.memref_squeeze %get3A_2450 : memref<1x8x24x256xf32, #tpu.memory_space<vmem>> -> memref<8x24x256xf32, #tpu.memory_space<vmem>>
          %get3A_2452 = arith.index_cast %get3A_2445 : i32 to index
          %get3A_2453 = arith.index_cast %get3A_2446 : i32 to index
          %get3A_2454 = arith.index_cast %mul3A_1248 : i32 to index
          %get3A_2455 = tpu.vector_load %get3A_2451[%get3A_2452, %get3A_2453, %get3A_2454] {strides = array<i32>} : memref<8x24x256xf32, #tpu.memory_space<vmem>>, vector<16xf32>,
          %mul3A_2456 = arith.mulf %gather3A_2444, %get3A_2455 : vector<16xf32>
          %add3A_2457 = arith.addf %add3A_2389, %mul3A_2456 : vector<16xf32>
          %add3A_2458 = arith.constant 16 : i32
          %add3A_2459 = vector.broadcast %add3A_2458 : i32 to vector<16xi32>
          %add3A_2460 = arith.addi %mul3A_2169, %add3A_2459 : vector<16xi32>
          %gather3A_2461 = tpu.vector_load_idx %arg6[%add3A_2460] : memref<640xf32, #tpu.memory_space<vmem>>[vector<16xi32>], vector<16xf32>,
          %get3A_2462 = arith.constant 2 : i32
          %get3A_2463 = arith.constant 16 : i32
          %get3A_2464 = arith.constant 0 : i32
          %get3A_2465 = arith.constant 0 : i32
          %get3A_2466 = arith.constant 0 : i32
          %get3A_2467 = tpu.memref_slice %run_scoped3A_50[%rem3A_670, %get3A_2464, %get3A_2465, %get3A_2466] : memref<2x8x24x256xf32, #tpu.memory_space<vmem>> -> memref<1x8x24x256xf32, #tpu.memory_space<vmem>>
          %get3A_2468 = tpu.memref_squeeze %get3A_2467 : memref<1x8x24x256xf32, #tpu.memory_space<vmem>> -> memref<8x24x256xf32, #tpu.memory_space<vmem>>
          %get3A_2469 = arith.index_cast %get3A_2462 : i32 to index
          %get3A_2470 = arith.index_cast %get3A_2463 : i32 to index
          %get3A_2471 = arith.index_cast %mul3A_1248 : i32 to index
          %get3A_2472 = tpu.vector_load %get3A_2468[%get3A_2469, %get3A_2470, %get3A_2471] {strides = array<i32>} : memref<8x24x256xf32, #tpu.memory_space<vmem>>, vector<16xf32>,
          %mul3A_2473 = arith.mulf %gather3A_2461, %get3A_2472 : vector<16xf32>
          %add3A_2474 = arith.addf %add3A_2406, %mul3A_2473 : vector<16xf32>
          %add3A_2475 = arith.constant 17 : i32
          %add3A_2476 = vector.broadcast %add3A_2475 : i32 to vector<16xi32>
          %add3A_2477 = arith.addi %mul3A_2169, %add3A_2476 : vector<16xi32>
          %gather3A_2478 = tpu.vector_load_idx %arg6[%add3A_2477] : memref<640xf32, #tpu.memory_space<vmem>>[vector<16xi32>], vector<16xf32>,
          %get3A_2479 = arith.constant 2 : i32
          %get3A_2480 = arith.constant 17 : i32
          %get3A_2481 = arith.constant 0 : i32
          %get3A_2482 = arith.constant 0 : i32
          %get3A_2483 = arith.constant 0 : i32
          %get3A_2484 = tpu.memref_slice %run_scoped3A_50[%rem3A_670, %get3A_2481, %get3A_2482, %get3A_2483] : memref<2x8x24x256xf32, #tpu.memory_space<vmem>> -> memref<1x8x24x256xf32, #tpu.memory_space<vmem>>
          %get3A_2485 = tpu.memref_squeeze %get3A_2484 : memref<1x8x24x256xf32, #tpu.memory_space<vmem>> -> memref<8x24x256xf32, #tpu.memory_space<vmem>>
          %get3A_2486 = arith.index_cast %get3A_2479 : i32 to index
          %get3A_2487 = arith.index_cast %get3A_2480 : i32 to index
          %get3A_2488 = arith.index_cast %mul3A_1248 : i32 to index
          %get3A_2489 = tpu.vector_load %get3A_2485[%get3A_2486, %get3A_2487, %get3A_2488] {strides = array<i32>} : memref<8x24x256xf32, #tpu.memory_space<vmem>>, vector<16xf32>,
          %mul3A_2490 = arith.mulf %gather3A_2478, %get3A_2489 : vector<16xf32>
          %add3A_2491 = arith.addf %add3A_2423, %mul3A_2490 : vector<16xf32>
          %add3A_2492 = arith.constant 18 : i32
          %add3A_2493 = vector.broadcast %add3A_2492 : i32 to vector<16xi32>
          %add3A_2494 = arith.addi %mul3A_2169, %add3A_2493 : vector<16xi32>
          %gather3A_2495 = tpu.vector_load_idx %arg6[%add3A_2494] : memref<640xf32, #tpu.memory_space<vmem>>[vector<16xi32>], vector<16xf32>,
          %get3A_2496 = arith.constant 2 : i32
          %get3A_2497 = arith.constant 18 : i32
          %get3A_2498 = arith.constant 0 : i32
          %get3A_2499 = arith.constant 0 : i32
          %get3A_2500 = arith.constant 0 : i32
          %get3A_2501 = tpu.memref_slice %run_scoped3A_50[%rem3A_670, %get3A_2498, %get3A_2499, %get3A_2500] : memref<2x8x24x256xf32, #tpu.memory_space<vmem>> -> memref<1x8x24x256xf32, #tpu.memory_space<vmem>>
          %get3A_2502 = tpu.memref_squeeze %get3A_2501 : memref<1x8x24x256xf32, #tpu.memory_space<vmem>> -> memref<8x24x256xf32, #tpu.memory_space<vmem>>
          %get3A_2503 = arith.index_cast %get3A_2496 : i32 to index
          %get3A_2504 = arith.index_cast %get3A_2497 : i32 to index
          %get3A_2505 = arith.index_cast %mul3A_1248 : i32 to index
          %get3A_2506 = tpu.vector_load %get3A_2502[%get3A_2503, %get3A_2504, %get3A_2505] {strides = array<i32>} : memref<8x24x256xf32, #tpu.memory_space<vmem>>, vector<16xf32>,
          %mul3A_2507 = arith.mulf %gather3A_2495, %get3A_2506 : vector<16xf32>
          %add3A_2508 = arith.addf %add3A_2440, %mul3A_2507 : vector<16xf32>
          %add3A_2509 = arith.constant 19 : i32
          %add3A_2510 = vector.broadcast %add3A_2509 : i32 to vector<16xi32>
          %add3A_2511 = arith.addi %mul3A_2169, %add3A_2510 : vector<16xi32>
          %gather3A_2512 = tpu.vector_load_idx %arg6[%add3A_2511] : memref<640xf32, #tpu.memory_space<vmem>>[vector<16xi32>], vector<16xf32>,
          %get3A_2513 = arith.constant 2 : i32
          %get3A_2514 = arith.constant 19 : i32
          %get3A_2515 = arith.constant 0 : i32
          %get3A_2516 = arith.constant 0 : i32
          %get3A_2517 = arith.constant 0 : i32
          %get3A_2518 = tpu.memref_slice %run_scoped3A_50[%rem3A_670, %get3A_2515, %get3A_2516, %get3A_2517] : memref<2x8x24x256xf32, #tpu.memory_space<vmem>> -> memref<1x8x24x256xf32, #tpu.memory_space<vmem>>
          %get3A_2519 = tpu.memref_squeeze %get3A_2518 : memref<1x8x24x256xf32, #tpu.memory_space<vmem>> -> memref<8x24x256xf32, #tpu.memory_space<vmem>>
          %get3A_2520 = arith.index_cast %get3A_2513 : i32 to index
          %get3A_2521 = arith.index_cast %get3A_2514 : i32 to index
          %get3A_2522 = arith.index_cast %mul3A_1248 : i32 to index
          %get3A_2523 = tpu.vector_load %get3A_2519[%get3A_2520, %get3A_2521, %get3A_2522] {strides = array<i32>} : memref<8x24x256xf32, #tpu.memory_space<vmem>>, vector<16xf32>,
          %mul3A_2524 = arith.mulf %gather3A_2512, %get3A_2523 : vector<16xf32>
          %add3A_2525 = arith.addf %add3A_2457, %mul3A_2524 : vector<16xf32>
          %add3A_2526 = arith.constant 20 : i32
          %add3A_2527 = vector.broadcast %add3A_2526 : i32 to vector<16xi32>
          %add3A_2528 = arith.addi %mul3A_2169, %add3A_2527 : vector<16xi32>
          %gather3A_2529 = tpu.vector_load_idx %arg6[%add3A_2528] : memref<640xf32, #tpu.memory_space<vmem>>[vector<16xi32>], vector<16xf32>,
          %get3A_2530 = arith.constant 2 : i32
          %get3A_2531 = arith.constant 20 : i32
          %get3A_2532 = arith.constant 0 : i32
          %get3A_2533 = arith.constant 0 : i32
          %get3A_2534 = arith.constant 0 : i32
          %get3A_2535 = tpu.memref_slice %run_scoped3A_50[%rem3A_670, %get3A_2532, %get3A_2533, %get3A_2534] : memref<2x8x24x256xf32, #tpu.memory_space<vmem>> -> memref<1x8x24x256xf32, #tpu.memory_space<vmem>>
          %get3A_2536 = tpu.memref_squeeze %get3A_2535 : memref<1x8x24x256xf32, #tpu.memory_space<vmem>> -> memref<8x24x256xf32, #tpu.memory_space<vmem>>
          %get3A_2537 = arith.index_cast %get3A_2530 : i32 to index
          %get3A_2538 = arith.index_cast %get3A_2531 : i32 to index
          %get3A_2539 = arith.index_cast %mul3A_1248 : i32 to index
          %get3A_2540 = tpu.vector_load %get3A_2536[%get3A_2537, %get3A_2538, %get3A_2539] {strides = array<i32>} : memref<8x24x256xf32, #tpu.memory_space<vmem>>, vector<16xf32>,
          %mul3A_2541 = arith.mulf %gather3A_2529, %get3A_2540 : vector<16xf32>
          %add3A_2542 = arith.addf %add3A_2474, %mul3A_2541 : vector<16xf32>
          %add3A_2543 = arith.constant 21 : i32
          %add3A_2544 = vector.broadcast %add3A_2543 : i32 to vector<16xi32>
          %add3A_2545 = arith.addi %mul3A_2169, %add3A_2544 : vector<16xi32>
          %gather3A_2546 = tpu.vector_load_idx %arg6[%add3A_2545] : memref<640xf32, #tpu.memory_space<vmem>>[vector<16xi32>], vector<16xf32>,
          %get3A_2547 = arith.constant 2 : i32
          %get3A_2548 = arith.constant 21 : i32
          %get3A_2549 = arith.constant 0 : i32
          %get3A_2550 = arith.constant 0 : i32
          %get3A_2551 = arith.constant 0 : i32
          %get3A_2552 = tpu.memref_slice %run_scoped3A_50[%rem3A_670, %get3A_2549, %get3A_2550, %get3A_2551] : memref<2x8x24x256xf32, #tpu.memory_space<vmem>> -> memref<1x8x24x256xf32, #tpu.memory_space<vmem>>
          %get3A_2553 = tpu.memref_squeeze %get3A_2552 : memref<1x8x24x256xf32, #tpu.memory_space<vmem>> -> memref<8x24x256xf32, #tpu.memory_space<vmem>>
          %get3A_2554 = arith.index_cast %get3A_2547 : i32 to index
          %get3A_2555 = arith.index_cast %get3A_2548 : i32 to index
          %get3A_2556 = arith.index_cast %mul3A_1248 : i32 to index
          %get3A_2557 = tpu.vector_load %get3A_2553[%get3A_2554, %get3A_2555, %get3A_2556] {strides = array<i32>} : memref<8x24x256xf32, #tpu.memory_space<vmem>>, vector<16xf32>,
          %mul3A_2558 = arith.mulf %gather3A_2546, %get3A_2557 : vector<16xf32>
          %add3A_2559 = arith.addf %add3A_2491, %mul3A_2558 : vector<16xf32>
          %add3A_2560 = arith.constant 22 : i32
          %add3A_2561 = vector.broadcast %add3A_2560 : i32 to vector<16xi32>
          %add3A_2562 = arith.addi %mul3A_2169, %add3A_2561 : vector<16xi32>
          %gather3A_2563 = tpu.vector_load_idx %arg6[%add3A_2562] : memref<640xf32, #tpu.memory_space<vmem>>[vector<16xi32>], vector<16xf32>,
          %get3A_2564 = arith.constant 2 : i32
          %get3A_2565 = arith.constant 22 : i32
          %get3A_2566 = arith.constant 0 : i32
          %get3A_2567 = arith.constant 0 : i32
          %get3A_2568 = arith.constant 0 : i32
          %get3A_2569 = tpu.memref_slice %run_scoped3A_50[%rem3A_670, %get3A_2566, %get3A_2567, %get3A_2568] : memref<2x8x24x256xf32, #tpu.memory_space<vmem>> -> memref<1x8x24x256xf32, #tpu.memory_space<vmem>>
          %get3A_2570 = tpu.memref_squeeze %get3A_2569 : memref<1x8x24x256xf32, #tpu.memory_space<vmem>> -> memref<8x24x256xf32, #tpu.memory_space<vmem>>
          %get3A_2571 = arith.index_cast %get3A_2564 : i32 to index
          %get3A_2572 = arith.index_cast %get3A_2565 : i32 to index
          %get3A_2573 = arith.index_cast %mul3A_1248 : i32 to index
          %get3A_2574 = tpu.vector_load %get3A_2570[%get3A_2571, %get3A_2572, %get3A_2573] {strides = array<i32>} : memref<8x24x256xf32, #tpu.memory_space<vmem>>, vector<16xf32>,
          %mul3A_2575 = arith.mulf %gather3A_2563, %get3A_2574 : vector<16xf32>
          %add3A_2576 = arith.addf %add3A_2508, %mul3A_2575 : vector<16xf32>
          %add3A_2577 = arith.constant 23 : i32
          %add3A_2578 = vector.broadcast %add3A_2577 : i32 to vector<16xi32>
          %add3A_2579 = arith.addi %mul3A_2169, %add3A_2578 : vector<16xi32>
          %gather3A_2580 = tpu.vector_load_idx %arg6[%add3A_2579] : memref<640xf32, #tpu.memory_space<vmem>>[vector<16xi32>], vector<16xf32>,
          %get3A_2581 = arith.constant 2 : i32
          %get3A_2582 = arith.constant 23 : i32
          %get3A_2583 = arith.constant 0 : i32
          %get3A_2584 = arith.constant 0 : i32
          %get3A_2585 = arith.constant 0 : i32
          %get3A_2586 = tpu.memref_slice %run_scoped3A_50[%rem3A_670, %get3A_2583, %get3A_2584, %get3A_2585] : memref<2x8x24x256xf32, #tpu.memory_space<vmem>> -> memref<1x8x24x256xf32, #tpu.memory_space<vmem>>
          %get3A_2587 = tpu.memref_squeeze %get3A_2586 : memref<1x8x24x256xf32, #tpu.memory_space<vmem>> -> memref<8x24x256xf32, #tpu.memory_space<vmem>>
          %get3A_2588 = arith.index_cast %get3A_2581 : i32 to index
          %get3A_2589 = arith.index_cast %get3A_2582 : i32 to index
          %get3A_2590 = arith.index_cast %mul3A_1248 : i32 to index
          %get3A_2591 = tpu.vector_load %get3A_2587[%get3A_2588, %get3A_2589, %get3A_2590] {strides = array<i32>} : memref<8x24x256xf32, #tpu.memory_space<vmem>>, vector<16xf32>,
          %mul3A_2592 = arith.mulf %gather3A_2580, %get3A_2591 : vector<16xf32>
          %add3A_2593 = arith.addf %add3A_2525, %mul3A_2592 : vector<16xf32>
          %swap3A_2594 = arith.constant 0 : i32
          %swap3A_2595 = arith.index_cast %swap3A_2594 : i32 to index
          %swap3A_2596 = arith.constant 0 : index
          %swap3A_2597 = tpu.vector_load %arg7[%swap3A_2595, %swap3A_2596] {strides = array<i32>} : memref<4x16xf32, #tpu.memory_space<vmem>>, vector<16xf32>,
          tpu.vector_store %arg7[%swap3A_2595, %swap3A_2596], %add3A_2542 {strides = array<i32>} : memref<4x16xf32, #tpu.memory_space<vmem>>, vector<16xf32>,
          %swap3A_2598 = arith.constant 1 : i32
          %swap3A_2599 = arith.index_cast %swap3A_2598 : i32 to index
          %swap3A_2600 = arith.constant 0 : index
          %swap3A_2601 = tpu.vector_load %arg7[%swap3A_2599, %swap3A_2600] {strides = array<i32>} : memref<4x16xf32, #tpu.memory_space<vmem>>, vector<16xf32>,
          tpu.vector_store %arg7[%swap3A_2599, %swap3A_2600], %add3A_2559 {strides = array<i32>} : memref<4x16xf32, #tpu.memory_space<vmem>>, vector<16xf32>,
          %swap3A_2602 = arith.constant 2 : i32
          %swap3A_2603 = arith.index_cast %swap3A_2602 : i32 to index
          %swap3A_2604 = arith.constant 0 : index
          %swap3A_2605 = tpu.vector_load %arg7[%swap3A_2603, %swap3A_2604] {strides = array<i32>} : memref<4x16xf32, #tpu.memory_space<vmem>>, vector<16xf32>,
          tpu.vector_store %arg7[%swap3A_2603, %swap3A_2604], %add3A_2576 {strides = array<i32>} : memref<4x16xf32, #tpu.memory_space<vmem>>, vector<16xf32>,
          %swap3A_2606 = arith.constant 3 : i32
          %swap3A_2607 = arith.index_cast %swap3A_2606 : i32 to index
          %swap3A_2608 = arith.constant 0 : index
          %swap3A_2609 = tpu.vector_load %arg7[%swap3A_2607, %swap3A_2608] {strides = array<i32>} : memref<4x16xf32, #tpu.memory_space<vmem>>, vector<16xf32>,
          tpu.vector_store %arg7[%swap3A_2607, %swap3A_2608], %add3A_2593 {strides = array<i32>} : memref<4x16xf32, #tpu.memory_space<vmem>>, vector<16xf32>,
          %get3A_2610 = arith.constant 0 : i32
          %get3A_2611 = arith.constant 3 : i32
          %get3A_2612 = arith.constant 0 : i32
          %get3A_2613 = arith.constant 0 : i32
          %get3A_2614 = arith.constant 0 : i32
          %get3A_2615 = tpu.memref_slice %run_scoped3A_48[%rem3A_668, %get3A_2612, %get3A_2613, %get3A_2614] : memref<2x1x8x256xi32, #tpu.memory_space<vmem>> -> memref<1x1x8x256xi32, #tpu.memory_space<vmem>>
          %get3A_2616 = tpu.memref_squeeze %get3A_2615 : memref<1x1x8x256xi32, #tpu.memory_space<vmem>> -> memref<1x8x256xi32, #tpu.memory_space<vmem>>
          %get3A_2617 = arith.index_cast %get3A_2610 : i32 to index
          %get3A_2618 = arith.index_cast %get3A_2611 : i32 to index
          %get3A_2619 = arith.index_cast %mul3A_1248 : i32 to index
          %get3A_2620 = tpu.vector_load %get3A_2616[%get3A_2617, %get3A_2618, %get3A_2619] {strides = array<i32>} : memref<1x8x256xi32, #tpu.memory_space<vmem>>, vector<16xi32>,
          %mul3A_2621 = arith.constant 25 : i32
          %mul3A_2622 = vector.broadcast %mul3A_2621 : i32 to vector<16xi32>
          %mul3A_2623 = arith.muli %get3A_2620, %mul3A_2622 : vector<16xi32>
          %get3A_2624 = arith.constant 0 : i32
          %get3A_2625 = arith.index_cast %get3A_2624 : i32 to index
          %get3A_2626 = arith.constant 0 : index
          %get3A_2627 = tpu.vector_load %arg7[%get3A_2625, %get3A_2626] {strides = array<i32>} : memref<4x16xf32, #tpu.memory_space<vmem>>, vector<16xf32>,
          %get3A_2628 = arith.constant 1 : i32
          %get3A_2629 = arith.index_cast %get3A_2628 : i32 to index
          %get3A_2630 = arith.constant 0 : index
          %get3A_2631 = tpu.vector_load %arg7[%get3A_2629, %get3A_2630] {strides = array<i32>} : memref<4x16xf32, #tpu.memory_space<vmem>>, vector<16xf32>,
          %get3A_2632 = arith.constant 2 : i32
          %get3A_2633 = arith.index_cast %get3A_2632 : i32 to index
          %get3A_2634 = arith.constant 0 : index
          %get3A_2635 = tpu.vector_load %arg7[%get3A_2633, %get3A_2634] {strides = array<i32>} : memref<4x16xf32, #tpu.memory_space<vmem>>, vector<16xf32>,
          %get3A_2636 = arith.constant 3 : i32
          %get3A_2637 = arith.index_cast %get3A_2636 : i32 to index
          %get3A_2638 = arith.constant 0 : index
          %get3A_2639 = tpu.vector_load %arg7[%get3A_2637, %get3A_2638] {strides = array<i32>} : memref<4x16xf32, #tpu.memory_space<vmem>>, vector<16xf32>,
          %add3A_2640 = arith.constant 0 : i32
          %add3A_2641 = vector.broadcast %add3A_2640 : i32 to vector<16xi32>
          %add3A_2642 = arith.addi %mul3A_2623, %add3A_2641 : vector<16xi32>
          %gather3A_2643 = tpu.vector_load_idx %arg6[%add3A_2642] : memref<640xf32, #tpu.memory_space<vmem>>[vector<16xi32>], vector<16xf32>,
          %get3A_2644 = arith.constant 3 : i32
          %get3A_2645 = arith.constant 0 : i32
          %get3A_2646 = arith.constant 0 : i32
          %get3A_2647 = arith.constant 0 : i32
          %get3A_2648 = arith.constant 0 : i32
          %get3A_2649 = tpu.memref_slice %run_scoped3A_50[%rem3A_670, %get3A_2646, %get3A_2647, %get3A_2648] : memref<2x8x24x256xf32, #tpu.memory_space<vmem>> -> memref<1x8x24x256xf32, #tpu.memory_space<vmem>>
          %get3A_2650 = tpu.memref_squeeze %get3A_2649 : memref<1x8x24x256xf32, #tpu.memory_space<vmem>> -> memref<8x24x256xf32, #tpu.memory_space<vmem>>
          %get3A_2651 = arith.index_cast %get3A_2644 : i32 to index
          %get3A_2652 = arith.index_cast %get3A_2645 : i32 to index
          %get3A_2653 = arith.index_cast %mul3A_1248 : i32 to index
          %get3A_2654 = tpu.vector_load %get3A_2650[%get3A_2651, %get3A_2652, %get3A_2653] {strides = array<i32>} : memref<8x24x256xf32, #tpu.memory_space<vmem>>, vector<16xf32>,
          %mul3A_2655 = arith.mulf %gather3A_2643, %get3A_2654 : vector<16xf32>
          %add3A_2656 = arith.addf %get3A_2627, %mul3A_2655 : vector<16xf32>
          %add3A_2657 = arith.constant 1 : i32
          %add3A_2658 = vector.broadcast %add3A_2657 : i32 to vector<16xi32>
          %add3A_2659 = arith.addi %mul3A_2623, %add3A_2658 : vector<16xi32>
          %gather3A_2660 = tpu.vector_load_idx %arg6[%add3A_2659] : memref<640xf32, #tpu.memory_space<vmem>>[vector<16xi32>], vector<16xf32>,
          %get3A_2661 = arith.constant 3 : i32
          %get3A_2662 = arith.constant 1 : i32
          %get3A_2663 = arith.constant 0 : i32
          %get3A_2664 = arith.constant 0 : i32
          %get3A_2665 = arith.constant 0 : i32
          %get3A_2666 = tpu.memref_slice %run_scoped3A_50[%rem3A_670, %get3A_2663, %get3A_2664, %get3A_2665] : memref<2x8x24x256xf32, #tpu.memory_space<vmem>> -> memref<1x8x24x256xf32, #tpu.memory_space<vmem>>
          %get3A_2667 = tpu.memref_squeeze %get3A_2666 : memref<1x8x24x256xf32, #tpu.memory_space<vmem>> -> memref<8x24x256xf32, #tpu.memory_space<vmem>>
          %get3A_2668 = arith.index_cast %get3A_2661 : i32 to index
          %get3A_2669 = arith.index_cast %get3A_2662 : i32 to index
          %get3A_2670 = arith.index_cast %mul3A_1248 : i32 to index
          %get3A_2671 = tpu.vector_load %get3A_2667[%get3A_2668, %get3A_2669, %get3A_2670] {strides = array<i32>} : memref<8x24x256xf32, #tpu.memory_space<vmem>>, vector<16xf32>,
          %mul3A_2672 = arith.mulf %gather3A_2660, %get3A_2671 : vector<16xf32>
          %add3A_2673 = arith.addf %get3A_2631, %mul3A_2672 : vector<16xf32>
          %add3A_2674 = arith.constant 2 : i32
          %add3A_2675 = vector.broadcast %add3A_2674 : i32 to vector<16xi32>
          %add3A_2676 = arith.addi %mul3A_2623, %add3A_2675 : vector<16xi32>
          %gather3A_2677 = tpu.vector_load_idx %arg6[%add3A_2676] : memref<640xf32, #tpu.memory_space<vmem>>[vector<16xi32>], vector<16xf32>,
          %get3A_2678 = arith.constant 3 : i32
          %get3A_2679 = arith.constant 2 : i32
          %get3A_2680 = arith.constant 0 : i32
          %get3A_2681 = arith.constant 0 : i32
          %get3A_2682 = arith.constant 0 : i32
          %get3A_2683 = tpu.memref_slice %run_scoped3A_50[%rem3A_670, %get3A_2680, %get3A_2681, %get3A_2682] : memref<2x8x24x256xf32, #tpu.memory_space<vmem>> -> memref<1x8x24x256xf32, #tpu.memory_space<vmem>>
          %get3A_2684 = tpu.memref_squeeze %get3A_2683 : memref<1x8x24x256xf32, #tpu.memory_space<vmem>> -> memref<8x24x256xf32, #tpu.memory_space<vmem>>
          %get3A_2685 = arith.index_cast %get3A_2678 : i32 to index
          %get3A_2686 = arith.index_cast %get3A_2679 : i32 to index
          %get3A_2687 = arith.index_cast %mul3A_1248 : i32 to index
          %get3A_2688 = tpu.vector_load %get3A_2684[%get3A_2685, %get3A_2686, %get3A_2687] {strides = array<i32>} : memref<8x24x256xf32, #tpu.memory_space<vmem>>, vector<16xf32>,
          %mul3A_2689 = arith.mulf %gather3A_2677, %get3A_2688 : vector<16xf32>
          %add3A_2690 = arith.addf %get3A_2635, %mul3A_2689 : vector<16xf32>
          %add3A_2691 = arith.constant 3 : i32
          %add3A_2692 = vector.broadcast %add3A_2691 : i32 to vector<16xi32>
          %add3A_2693 = arith.addi %mul3A_2623, %add3A_2692 : vector<16xi32>
          %gather3A_2694 = tpu.vector_load_idx %arg6[%add3A_2693] : memref<640xf32, #tpu.memory_space<vmem>>[vector<16xi32>], vector<16xf32>,
          %get3A_2695 = arith.constant 3 : i32
          %get3A_2696 = arith.constant 3 : i32
          %get3A_2697 = arith.constant 0 : i32
          %get3A_2698 = arith.constant 0 : i32
          %get3A_2699 = arith.constant 0 : i32
          %get3A_2700 = tpu.memref_slice %run_scoped3A_50[%rem3A_670, %get3A_2697, %get3A_2698, %get3A_2699] : memref<2x8x24x256xf32, #tpu.memory_space<vmem>> -> memref<1x8x24x256xf32, #tpu.memory_space<vmem>>
          %get3A_2701 = tpu.memref_squeeze %get3A_2700 : memref<1x8x24x256xf32, #tpu.memory_space<vmem>> -> memref<8x24x256xf32, #tpu.memory_space<vmem>>
          %get3A_2702 = arith.index_cast %get3A_2695 : i32 to index
          %get3A_2703 = arith.index_cast %get3A_2696 : i32 to index
          %get3A_2704 = arith.index_cast %mul3A_1248 : i32 to index
          %get3A_2705 = tpu.vector_load %get3A_2701[%get3A_2702, %get3A_2703, %get3A_2704] {strides = array<i32>} : memref<8x24x256xf32, #tpu.memory_space<vmem>>, vector<16xf32>,
          %mul3A_2706 = arith.mulf %gather3A_2694, %get3A_2705 : vector<16xf32>
          %add3A_2707 = arith.addf %get3A_2639, %mul3A_2706 : vector<16xf32>
          %add3A_2708 = arith.constant 4 : i32
          %add3A_2709 = vector.broadcast %add3A_2708 : i32 to vector<16xi32>
          %add3A_2710 = arith.addi %mul3A_2623, %add3A_2709 : vector<16xi32>
          %gather3A_2711 = tpu.vector_load_idx %arg6[%add3A_2710] : memref<640xf32, #tpu.memory_space<vmem>>[vector<16xi32>], vector<16xf32>,
          %get3A_2712 = arith.constant 3 : i32
          %get3A_2713 = arith.constant 4 : i32
          %get3A_2714 = arith.constant 0 : i32
          %get3A_2715 = arith.constant 0 : i32
          %get3A_2716 = arith.constant 0 : i32
          %get3A_2717 = tpu.memref_slice %run_scoped3A_50[%rem3A_670, %get3A_2714, %get3A_2715, %get3A_2716] : memref<2x8x24x256xf32, #tpu.memory_space<vmem>> -> memref<1x8x24x256xf32, #tpu.memory_space<vmem>>
          %get3A_2718 = tpu.memref_squeeze %get3A_2717 : memref<1x8x24x256xf32, #tpu.memory_space<vmem>> -> memref<8x24x256xf32, #tpu.memory_space<vmem>>
          %get3A_2719 = arith.index_cast %get3A_2712 : i32 to index
          %get3A_2720 = arith.index_cast %get3A_2713 : i32 to index
          %get3A_2721 = arith.index_cast %mul3A_1248 : i32 to index
          %get3A_2722 = tpu.vector_load %get3A_2718[%get3A_2719, %get3A_2720, %get3A_2721] {strides = array<i32>} : memref<8x24x256xf32, #tpu.memory_space<vmem>>, vector<16xf32>,
          %mul3A_2723 = arith.mulf %gather3A_2711, %get3A_2722 : vector<16xf32>
          %add3A_2724 = arith.addf %add3A_2656, %mul3A_2723 : vector<16xf32>
          %add3A_2725 = arith.constant 5 : i32
          %add3A_2726 = vector.broadcast %add3A_2725 : i32 to vector<16xi32>
          %add3A_2727 = arith.addi %mul3A_2623, %add3A_2726 : vector<16xi32>
          %gather3A_2728 = tpu.vector_load_idx %arg6[%add3A_2727] : memref<640xf32, #tpu.memory_space<vmem>>[vector<16xi32>], vector<16xf32>,
          %get3A_2729 = arith.constant 3 : i32
          %get3A_2730 = arith.constant 5 : i32
          %get3A_2731 = arith.constant 0 : i32
          %get3A_2732 = arith.constant 0 : i32
          %get3A_2733 = arith.constant 0 : i32
          %get3A_2734 = tpu.memref_slice %run_scoped3A_50[%rem3A_670, %get3A_2731, %get3A_2732, %get3A_2733] : memref<2x8x24x256xf32, #tpu.memory_space<vmem>> -> memref<1x8x24x256xf32, #tpu.memory_space<vmem>>
          %get3A_2735 = tpu.memref_squeeze %get3A_2734 : memref<1x8x24x256xf32, #tpu.memory_space<vmem>> -> memref<8x24x256xf32, #tpu.memory_space<vmem>>
          %get3A_2736 = arith.index_cast %get3A_2729 : i32 to index
          %get3A_2737 = arith.index_cast %get3A_2730 : i32 to index
          %get3A_2738 = arith.index_cast %mul3A_1248 : i32 to index
          %get3A_2739 = tpu.vector_load %get3A_2735[%get3A_2736, %get3A_2737, %get3A_2738] {strides = array<i32>} : memref<8x24x256xf32, #tpu.memory_space<vmem>>, vector<16xf32>,
          %mul3A_2740 = arith.mulf %gather3A_2728, %get3A_2739 : vector<16xf32>
          %add3A_2741 = arith.addf %add3A_2673, %mul3A_2740 : vector<16xf32>
          %add3A_2742 = arith.constant 6 : i32
          %add3A_2743 = vector.broadcast %add3A_2742 : i32 to vector<16xi32>
          %add3A_2744 = arith.addi %mul3A_2623, %add3A_2743 : vector<16xi32>
          %gather3A_2745 = tpu.vector_load_idx %arg6[%add3A_2744] : memref<640xf32, #tpu.memory_space<vmem>>[vector<16xi32>], vector<16xf32>,
          %get3A_2746 = arith.constant 3 : i32
          %get3A_2747 = arith.constant 6 : i32
          %get3A_2748 = arith.constant 0 : i32
          %get3A_2749 = arith.constant 0 : i32
          %get3A_2750 = arith.constant 0 : i32
          %get3A_2751 = tpu.memref_slice %run_scoped3A_50[%rem3A_670, %get3A_2748, %get3A_2749, %get3A_2750] : memref<2x8x24x256xf32, #tpu.memory_space<vmem>> -> memref<1x8x24x256xf32, #tpu.memory_space<vmem>>
          %get3A_2752 = tpu.memref_squeeze %get3A_2751 : memref<1x8x24x256xf32, #tpu.memory_space<vmem>> -> memref<8x24x256xf32, #tpu.memory_space<vmem>>
          %get3A_2753 = arith.index_cast %get3A_2746 : i32 to index
          %get3A_2754 = arith.index_cast %get3A_2747 : i32 to index
          %get3A_2755 = arith.index_cast %mul3A_1248 : i32 to index
          %get3A_2756 = tpu.vector_load %get3A_2752[%get3A_2753, %get3A_2754, %get3A_2755] {strides = array<i32>} : memref<8x24x256xf32, #tpu.memory_space<vmem>>, vector<16xf32>,
          %mul3A_2757 = arith.mulf %gather3A_2745, %get3A_2756 : vector<16xf32>
          %add3A_2758 = arith.addf %add3A_2690, %mul3A_2757 : vector<16xf32>
          %add3A_2759 = arith.constant 7 : i32
          %add3A_2760 = vector.broadcast %add3A_2759 : i32 to vector<16xi32>
          %add3A_2761 = arith.addi %mul3A_2623, %add3A_2760 : vector<16xi32>
          %gather3A_2762 = tpu.vector_load_idx %arg6[%add3A_2761] : memref<640xf32, #tpu.memory_space<vmem>>[vector<16xi32>], vector<16xf32>,
          %get3A_2763 = arith.constant 3 : i32
          %get3A_2764 = arith.constant 7 : i32
          %get3A_2765 = arith.constant 0 : i32
          %get3A_2766 = arith.constant 0 : i32
          %get3A_2767 = arith.constant 0 : i32
          %get3A_2768 = tpu.memref_slice %run_scoped3A_50[%rem3A_670, %get3A_2765, %get3A_2766, %get3A_2767] : memref<2x8x24x256xf32, #tpu.memory_space<vmem>> -> memref<1x8x24x256xf32, #tpu.memory_space<vmem>>
          %get3A_2769 = tpu.memref_squeeze %get3A_2768 : memref<1x8x24x256xf32, #tpu.memory_space<vmem>> -> memref<8x24x256xf32, #tpu.memory_space<vmem>>
          %get3A_2770 = arith.index_cast %get3A_2763 : i32 to index
          %get3A_2771 = arith.index_cast %get3A_2764 : i32 to index
          %get3A_2772 = arith.index_cast %mul3A_1248 : i32 to index
          %get3A_2773 = tpu.vector_load %get3A_2769[%get3A_2770, %get3A_2771, %get3A_2772] {strides = array<i32>} : memref<8x24x256xf32, #tpu.memory_space<vmem>>, vector<16xf32>,
          %mul3A_2774 = arith.mulf %gather3A_2762, %get3A_2773 : vector<16xf32>
          %add3A_2775 = arith.addf %add3A_2707, %mul3A_2774 : vector<16xf32>
          %add3A_2776 = arith.constant 8 : i32
          %add3A_2777 = vector.broadcast %add3A_2776 : i32 to vector<16xi32>
          %add3A_2778 = arith.addi %mul3A_2623, %add3A_2777 : vector<16xi32>
          %gather3A_2779 = tpu.vector_load_idx %arg6[%add3A_2778] : memref<640xf32, #tpu.memory_space<vmem>>[vector<16xi32>], vector<16xf32>,
          %get3A_2780 = arith.constant 3 : i32
          %get3A_2781 = arith.constant 8 : i32
          %get3A_2782 = arith.constant 0 : i32
          %get3A_2783 = arith.constant 0 : i32
          %get3A_2784 = arith.constant 0 : i32
          %get3A_2785 = tpu.memref_slice %run_scoped3A_50[%rem3A_670, %get3A_2782, %get3A_2783, %get3A_2784] : memref<2x8x24x256xf32, #tpu.memory_space<vmem>> -> memref<1x8x24x256xf32, #tpu.memory_space<vmem>>
          %get3A_2786 = tpu.memref_squeeze %get3A_2785 : memref<1x8x24x256xf32, #tpu.memory_space<vmem>> -> memref<8x24x256xf32, #tpu.memory_space<vmem>>
          %get3A_2787 = arith.index_cast %get3A_2780 : i32 to index
          %get3A_2788 = arith.index_cast %get3A_2781 : i32 to index
          %get3A_2789 = arith.index_cast %mul3A_1248 : i32 to index
          %get3A_2790 = tpu.vector_load %get3A_2786[%get3A_2787, %get3A_2788, %get3A_2789] {strides = array<i32>} : memref<8x24x256xf32, #tpu.memory_space<vmem>>, vector<16xf32>,
          %mul3A_2791 = arith.mulf %gather3A_2779, %get3A_2790 : vector<16xf32>
          %add3A_2792 = arith.addf %add3A_2724, %mul3A_2791 : vector<16xf32>
          %add3A_2793 = arith.constant 9 : i32
          %add3A_2794 = vector.broadcast %add3A_2793 : i32 to vector<16xi32>
          %add3A_2795 = arith.addi %mul3A_2623, %add3A_2794 : vector<16xi32>
          %gather3A_2796 = tpu.vector_load_idx %arg6[%add3A_2795] : memref<640xf32, #tpu.memory_space<vmem>>[vector<16xi32>], vector<16xf32>,
          %get3A_2797 = arith.constant 3 : i32
          %get3A_2798 = arith.constant 9 : i32
          %get3A_2799 = arith.constant 0 : i32
          %get3A_2800 = arith.constant 0 : i32
          %get3A_2801 = arith.constant 0 : i32
          %get3A_2802 = tpu.memref_slice %run_scoped3A_50[%rem3A_670, %get3A_2799, %get3A_2800, %get3A_2801] : memref<2x8x24x256xf32, #tpu.memory_space<vmem>> -> memref<1x8x24x256xf32, #tpu.memory_space<vmem>>
          %get3A_2803 = tpu.memref_squeeze %get3A_2802 : memref<1x8x24x256xf32, #tpu.memory_space<vmem>> -> memref<8x24x256xf32, #tpu.memory_space<vmem>>
          %get3A_2804 = arith.index_cast %get3A_2797 : i32 to index
          %get3A_2805 = arith.index_cast %get3A_2798 : i32 to index
          %get3A_2806 = arith.index_cast %mul3A_1248 : i32 to index
          %get3A_2807 = tpu.vector_load %get3A_2803[%get3A_2804, %get3A_2805, %get3A_2806] {strides = array<i32>} : memref<8x24x256xf32, #tpu.memory_space<vmem>>, vector<16xf32>,
          %mul3A_2808 = arith.mulf %gather3A_2796, %get3A_2807 : vector<16xf32>
          %add3A_2809 = arith.addf %add3A_2741, %mul3A_2808 : vector<16xf32>
          %add3A_2810 = arith.constant 10 : i32
          %add3A_2811 = vector.broadcast %add3A_2810 : i32 to vector<16xi32>
          %add3A_2812 = arith.addi %mul3A_2623, %add3A_2811 : vector<16xi32>
          %gather3A_2813 = tpu.vector_load_idx %arg6[%add3A_2812] : memref<640xf32, #tpu.memory_space<vmem>>[vector<16xi32>], vector<16xf32>,
          %get3A_2814 = arith.constant 3 : i32
          %get3A_2815 = arith.constant 10 : i32
          %get3A_2816 = arith.constant 0 : i32
          %get3A_2817 = arith.constant 0 : i32
          %get3A_2818 = arith.constant 0 : i32
          %get3A_2819 = tpu.memref_slice %run_scoped3A_50[%rem3A_670, %get3A_2816, %get3A_2817, %get3A_2818] : memref<2x8x24x256xf32, #tpu.memory_space<vmem>> -> memref<1x8x24x256xf32, #tpu.memory_space<vmem>>
          %get3A_2820 = tpu.memref_squeeze %get3A_2819 : memref<1x8x24x256xf32, #tpu.memory_space<vmem>> -> memref<8x24x256xf32, #tpu.memory_space<vmem>>
          %get3A_2821 = arith.index_cast %get3A_2814 : i32 to index
          %get3A_2822 = arith.index_cast %get3A_2815 : i32 to index
          %get3A_2823 = arith.index_cast %mul3A_1248 : i32 to index
          %get3A_2824 = tpu.vector_load %get3A_2820[%get3A_2821, %get3A_2822, %get3A_2823] {strides = array<i32>} : memref<8x24x256xf32, #tpu.memory_space<vmem>>, vector<16xf32>,
          %mul3A_2825 = arith.mulf %gather3A_2813, %get3A_2824 : vector<16xf32>
          %add3A_2826 = arith.addf %add3A_2758, %mul3A_2825 : vector<16xf32>
          %add3A_2827 = arith.constant 11 : i32
          %add3A_2828 = vector.broadcast %add3A_2827 : i32 to vector<16xi32>
          %add3A_2829 = arith.addi %mul3A_2623, %add3A_2828 : vector<16xi32>
          %gather3A_2830 = tpu.vector_load_idx %arg6[%add3A_2829] : memref<640xf32, #tpu.memory_space<vmem>>[vector<16xi32>], vector<16xf32>,
          %get3A_2831 = arith.constant 3 : i32
          %get3A_2832 = arith.constant 11 : i32
          %get3A_2833 = arith.constant 0 : i32
          %get3A_2834 = arith.constant 0 : i32
          %get3A_2835 = arith.constant 0 : i32
          %get3A_2836 = tpu.memref_slice %run_scoped3A_50[%rem3A_670, %get3A_2833, %get3A_2834, %get3A_2835] : memref<2x8x24x256xf32, #tpu.memory_space<vmem>> -> memref<1x8x24x256xf32, #tpu.memory_space<vmem>>
          %get3A_2837 = tpu.memref_squeeze %get3A_2836 : memref<1x8x24x256xf32, #tpu.memory_space<vmem>> -> memref<8x24x256xf32, #tpu.memory_space<vmem>>
          %get3A_2838 = arith.index_cast %get3A_2831 : i32 to index
          %get3A_2839 = arith.index_cast %get3A_2832 : i32 to index
          %get3A_2840 = arith.index_cast %mul3A_1248 : i32 to index
          %get3A_2841 = tpu.vector_load %get3A_2837[%get3A_2838, %get3A_2839, %get3A_2840] {strides = array<i32>} : memref<8x24x256xf32, #tpu.memory_space<vmem>>, vector<16xf32>,
          %mul3A_2842 = arith.mulf %gather3A_2830, %get3A_2841 : vector<16xf32>
          %add3A_2843 = arith.addf %add3A_2775, %mul3A_2842 : vector<16xf32>
          %add3A_2844 = arith.constant 12 : i32
          %add3A_2845 = vector.broadcast %add3A_2844 : i32 to vector<16xi32>
          %add3A_2846 = arith.addi %mul3A_2623, %add3A_2845 : vector<16xi32>
          %gather3A_2847 = tpu.vector_load_idx %arg6[%add3A_2846] : memref<640xf32, #tpu.memory_space<vmem>>[vector<16xi32>], vector<16xf32>,
          %get3A_2848 = arith.constant 3 : i32
          %get3A_2849 = arith.constant 12 : i32
          %get3A_2850 = arith.constant 0 : i32
          %get3A_2851 = arith.constant 0 : i32
          %get3A_2852 = arith.constant 0 : i32
          %get3A_2853 = tpu.memref_slice %run_scoped3A_50[%rem3A_670, %get3A_2850, %get3A_2851, %get3A_2852] : memref<2x8x24x256xf32, #tpu.memory_space<vmem>> -> memref<1x8x24x256xf32, #tpu.memory_space<vmem>>
          %get3A_2854 = tpu.memref_squeeze %get3A_2853 : memref<1x8x24x256xf32, #tpu.memory_space<vmem>> -> memref<8x24x256xf32, #tpu.memory_space<vmem>>
          %get3A_2855 = arith.index_cast %get3A_2848 : i32 to index
          %get3A_2856 = arith.index_cast %get3A_2849 : i32 to index
          %get3A_2857 = arith.index_cast %mul3A_1248 : i32 to index
          %get3A_2858 = tpu.vector_load %get3A_2854[%get3A_2855, %get3A_2856, %get3A_2857] {strides = array<i32>} : memref<8x24x256xf32, #tpu.memory_space<vmem>>, vector<16xf32>,
          %mul3A_2859 = arith.mulf %gather3A_2847, %get3A_2858 : vector<16xf32>
          %add3A_2860 = arith.addf %add3A_2792, %mul3A_2859 : vector<16xf32>
          %add3A_2861 = arith.constant 13 : i32
          %add3A_2862 = vector.broadcast %add3A_2861 : i32 to vector<16xi32>
          %add3A_2863 = arith.addi %mul3A_2623, %add3A_2862 : vector<16xi32>
          %gather3A_2864 = tpu.vector_load_idx %arg6[%add3A_2863] : memref<640xf32, #tpu.memory_space<vmem>>[vector<16xi32>], vector<16xf32>,
          %get3A_2865 = arith.constant 3 : i32
          %get3A_2866 = arith.constant 13 : i32
          %get3A_2867 = arith.constant 0 : i32
          %get3A_2868 = arith.constant 0 : i32
          %get3A_2869 = arith.constant 0 : i32
          %get3A_2870 = tpu.memref_slice %run_scoped3A_50[%rem3A_670, %get3A_2867, %get3A_2868, %get3A_2869] : memref<2x8x24x256xf32, #tpu.memory_space<vmem>> -> memref<1x8x24x256xf32, #tpu.memory_space<vmem>>
          %get3A_2871 = tpu.memref_squeeze %get3A_2870 : memref<1x8x24x256xf32, #tpu.memory_space<vmem>> -> memref<8x24x256xf32, #tpu.memory_space<vmem>>
          %get3A_2872 = arith.index_cast %get3A_2865 : i32 to index
          %get3A_2873 = arith.index_cast %get3A_2866 : i32 to index
          %get3A_2874 = arith.index_cast %mul3A_1248 : i32 to index
          %get3A_2875 = tpu.vector_load %get3A_2871[%get3A_2872, %get3A_2873, %get3A_2874] {strides = array<i32>} : memref<8x24x256xf32, #tpu.memory_space<vmem>>, vector<16xf32>,
          %mul3A_2876 = arith.mulf %gather3A_2864, %get3A_2875 : vector<16xf32>
          %add3A_2877 = arith.addf %add3A_2809, %mul3A_2876 : vector<16xf32>
          %add3A_2878 = arith.constant 14 : i32
          %add3A_2879 = vector.broadcast %add3A_2878 : i32 to vector<16xi32>
          %add3A_2880 = arith.addi %mul3A_2623, %add3A_2879 : vector<16xi32>
          %gather3A_2881 = tpu.vector_load_idx %arg6[%add3A_2880] : memref<640xf32, #tpu.memory_space<vmem>>[vector<16xi32>], vector<16xf32>,
          %get3A_2882 = arith.constant 3 : i32
          %get3A_2883 = arith.constant 14 : i32
          %get3A_2884 = arith.constant 0 : i32
          %get3A_2885 = arith.constant 0 : i32
          %get3A_2886 = arith.constant 0 : i32
          %get3A_2887 = tpu.memref_slice %run_scoped3A_50[%rem3A_670, %get3A_2884, %get3A_2885, %get3A_2886] : memref<2x8x24x256xf32, #tpu.memory_space<vmem>> -> memref<1x8x24x256xf32, #tpu.memory_space<vmem>>
          %get3A_2888 = tpu.memref_squeeze %get3A_2887 : memref<1x8x24x256xf32, #tpu.memory_space<vmem>> -> memref<8x24x256xf32, #tpu.memory_space<vmem>>
          %get3A_2889 = arith.index_cast %get3A_2882 : i32 to index
          %get3A_2890 = arith.index_cast %get3A_2883 : i32 to index
          %get3A_2891 = arith.index_cast %mul3A_1248 : i32 to index
          %get3A_2892 = tpu.vector_load %get3A_2888[%get3A_2889, %get3A_2890, %get3A_2891] {strides = array<i32>} : memref<8x24x256xf32, #tpu.memory_space<vmem>>, vector<16xf32>,
          %mul3A_2893 = arith.mulf %gather3A_2881, %get3A_2892 : vector<16xf32>
          %add3A_2894 = arith.addf %add3A_2826, %mul3A_2893 : vector<16xf32>
          %add3A_2895 = arith.constant 15 : i32
          %add3A_2896 = vector.broadcast %add3A_2895 : i32 to vector<16xi32>
          %add3A_2897 = arith.addi %mul3A_2623, %add3A_2896 : vector<16xi32>
          %gather3A_2898 = tpu.vector_load_idx %arg6[%add3A_2897] : memref<640xf32, #tpu.memory_space<vmem>>[vector<16xi32>], vector<16xf32>,
          %get3A_2899 = arith.constant 3 : i32
          %get3A_2900 = arith.constant 15 : i32
          %get3A_2901 = arith.constant 0 : i32
          %get3A_2902 = arith.constant 0 : i32
          %get3A_2903 = arith.constant 0 : i32
          %get3A_2904 = tpu.memref_slice %run_scoped3A_50[%rem3A_670, %get3A_2901, %get3A_2902, %get3A_2903] : memref<2x8x24x256xf32, #tpu.memory_space<vmem>> -> memref<1x8x24x256xf32, #tpu.memory_space<vmem>>
          %get3A_2905 = tpu.memref_squeeze %get3A_2904 : memref<1x8x24x256xf32, #tpu.memory_space<vmem>> -> memref<8x24x256xf32, #tpu.memory_space<vmem>>
          %get3A_2906 = arith.index_cast %get3A_2899 : i32 to index
          %get3A_2907 = arith.index_cast %get3A_2900 : i32 to index
          %get3A_2908 = arith.index_cast %mul3A_1248 : i32 to index
          %get3A_2909 = tpu.vector_load %get3A_2905[%get3A_2906, %get3A_2907, %get3A_2908] {strides = array<i32>} : memref<8x24x256xf32, #tpu.memory_space<vmem>>, vector<16xf32>,
          %mul3A_2910 = arith.mulf %gather3A_2898, %get3A_2909 : vector<16xf32>
          %add3A_2911 = arith.addf %add3A_2843, %mul3A_2910 : vector<16xf32>
          %add3A_2912 = arith.constant 16 : i32
          %add3A_2913 = vector.broadcast %add3A_2912 : i32 to vector<16xi32>
          %add3A_2914 = arith.addi %mul3A_2623, %add3A_2913 : vector<16xi32>
          %gather3A_2915 = tpu.vector_load_idx %arg6[%add3A_2914] : memref<640xf32, #tpu.memory_space<vmem>>[vector<16xi32>], vector<16xf32>,
          %get3A_2916 = arith.constant 3 : i32
          %get3A_2917 = arith.constant 16 : i32
          %get3A_2918 = arith.constant 0 : i32
          %get3A_2919 = arith.constant 0 : i32
          %get3A_2920 = arith.constant 0 : i32
          %get3A_2921 = tpu.memref_slice %run_scoped3A_50[%rem3A_670, %get3A_2918, %get3A_2919, %get3A_2920] : memref<2x8x24x256xf32, #tpu.memory_space<vmem>> -> memref<1x8x24x256xf32, #tpu.memory_space<vmem>>
          %get3A_2922 = tpu.memref_squeeze %get3A_2921 : memref<1x8x24x256xf32, #tpu.memory_space<vmem>> -> memref<8x24x256xf32, #tpu.memory_space<vmem>>
          %get3A_2923 = arith.index_cast %get3A_2916 : i32 to index
          %get3A_2924 = arith.index_cast %get3A_2917 : i32 to index
          %get3A_2925 = arith.index_cast %mul3A_1248 : i32 to index
          %get3A_2926 = tpu.vector_load %get3A_2922[%get3A_2923, %get3A_2924, %get3A_2925] {strides = array<i32>} : memref<8x24x256xf32, #tpu.memory_space<vmem>>, vector<16xf32>,
          %mul3A_2927 = arith.mulf %gather3A_2915, %get3A_2926 : vector<16xf32>
          %add3A_2928 = arith.addf %add3A_2860, %mul3A_2927 : vector<16xf32>
          %add3A_2929 = arith.constant 17 : i32
          %add3A_2930 = vector.broadcast %add3A_2929 : i32 to vector<16xi32>
          %add3A_2931 = arith.addi %mul3A_2623, %add3A_2930 : vector<16xi32>
          %gather3A_2932 = tpu.vector_load_idx %arg6[%add3A_2931] : memref<640xf32, #tpu.memory_space<vmem>>[vector<16xi32>], vector<16xf32>,
          %get3A_2933 = arith.constant 3 : i32
          %get3A_2934 = arith.constant 17 : i32
          %get3A_2935 = arith.constant 0 : i32
          %get3A_2936 = arith.constant 0 : i32
          %get3A_2937 = arith.constant 0 : i32
          %get3A_2938 = tpu.memref_slice %run_scoped3A_50[%rem3A_670, %get3A_2935, %get3A_2936, %get3A_2937] : memref<2x8x24x256xf32, #tpu.memory_space<vmem>> -> memref<1x8x24x256xf32, #tpu.memory_space<vmem>>
          %get3A_2939 = tpu.memref_squeeze %get3A_2938 : memref<1x8x24x256xf32, #tpu.memory_space<vmem>> -> memref<8x24x256xf32, #tpu.memory_space<vmem>>
          %get3A_2940 = arith.index_cast %get3A_2933 : i32 to index
          %get3A_2941 = arith.index_cast %get3A_2934 : i32 to index
          %get3A_2942 = arith.index_cast %mul3A_1248 : i32 to index
          %get3A_2943 = tpu.vector_load %get3A_2939[%get3A_2940, %get3A_2941, %get3A_2942] {strides = array<i32>} : memref<8x24x256xf32, #tpu.memory_space<vmem>>, vector<16xf32>,
          %mul3A_2944 = arith.mulf %gather3A_2932, %get3A_2943 : vector<16xf32>
          %add3A_2945 = arith.addf %add3A_2877, %mul3A_2944 : vector<16xf32>
          %add3A_2946 = arith.constant 18 : i32
          %add3A_2947 = vector.broadcast %add3A_2946 : i32 to vector<16xi32>
          %add3A_2948 = arith.addi %mul3A_2623, %add3A_2947 : vector<16xi32>
          %gather3A_2949 = tpu.vector_load_idx %arg6[%add3A_2948] : memref<640xf32, #tpu.memory_space<vmem>>[vector<16xi32>], vector<16xf32>,
          %get3A_2950 = arith.constant 3 : i32
          %get3A_2951 = arith.constant 18 : i32
          %get3A_2952 = arith.constant 0 : i32
          %get3A_2953 = arith.constant 0 : i32
          %get3A_2954 = arith.constant 0 : i32
          %get3A_2955 = tpu.memref_slice %run_scoped3A_50[%rem3A_670, %get3A_2952, %get3A_2953, %get3A_2954] : memref<2x8x24x256xf32, #tpu.memory_space<vmem>> -> memref<1x8x24x256xf32, #tpu.memory_space<vmem>>
          %get3A_2956 = tpu.memref_squeeze %get3A_2955 : memref<1x8x24x256xf32, #tpu.memory_space<vmem>> -> memref<8x24x256xf32, #tpu.memory_space<vmem>>
          %get3A_2957 = arith.index_cast %get3A_2950 : i32 to index
          %get3A_2958 = arith.index_cast %get3A_2951 : i32 to index
          %get3A_2959 = arith.index_cast %mul3A_1248 : i32 to index
          %get3A_2960 = tpu.vector_load %get3A_2956[%get3A_2957, %get3A_2958, %get3A_2959] {strides = array<i32>} : memref<8x24x256xf32, #tpu.memory_space<vmem>>, vector<16xf32>,
          %mul3A_2961 = arith.mulf %gather3A_2949, %get3A_2960 : vector<16xf32>
          %add3A_2962 = arith.addf %add3A_2894, %mul3A_2961 : vector<16xf32>
          %add3A_2963 = arith.constant 19 : i32
          %add3A_2964 = vector.broadcast %add3A_2963 : i32 to vector<16xi32>
          %add3A_2965 = arith.addi %mul3A_2623, %add3A_2964 : vector<16xi32>
          %gather3A_2966 = tpu.vector_load_idx %arg6[%add3A_2965] : memref<640xf32, #tpu.memory_space<vmem>>[vector<16xi32>], vector<16xf32>,
          %get3A_2967 = arith.constant 3 : i32
          %get3A_2968 = arith.constant 19 : i32
          %get3A_2969 = arith.constant 0 : i32
          %get3A_2970 = arith.constant 0 : i32
          %get3A_2971 = arith.constant 0 : i32
          %get3A_2972 = tpu.memref_slice %run_scoped3A_50[%rem3A_670, %get3A_2969, %get3A_2970, %get3A_2971] : memref<2x8x24x256xf32, #tpu.memory_space<vmem>> -> memref<1x8x24x256xf32, #tpu.memory_space<vmem>>
          %get3A_2973 = tpu.memref_squeeze %get3A_2972 : memref<1x8x24x256xf32, #tpu.memory_space<vmem>> -> memref<8x24x256xf32, #tpu.memory_space<vmem>>
          %get3A_2974 = arith.index_cast %get3A_2967 : i32 to index
          %get3A_2975 = arith.index_cast %get3A_2968 : i32 to index
          %get3A_2976 = arith.index_cast %mul3A_1248 : i32 to index
          %get3A_2977 = tpu.vector_load %get3A_2973[%get3A_2974, %get3A_2975, %get3A_2976] {strides = array<i32>} : memref<8x24x256xf32, #tpu.memory_space<vmem>>, vector<16xf32>,
          %mul3A_2978 = arith.mulf %gather3A_2966, %get3A_2977 : vector<16xf32>
          %add3A_2979 = arith.addf %add3A_2911, %mul3A_2978 : vector<16xf32>
          %add3A_2980 = arith.constant 20 : i32
          %add3A_2981 = vector.broadcast %add3A_2980 : i32 to vector<16xi32>
          %add3A_2982 = arith.addi %mul3A_2623, %add3A_2981 : vector<16xi32>
          %gather3A_2983 = tpu.vector_load_idx %arg6[%add3A_2982] : memref<640xf32, #tpu.memory_space<vmem>>[vector<16xi32>], vector<16xf32>,
          %get3A_2984 = arith.constant 3 : i32
          %get3A_2985 = arith.constant 20 : i32
          %get3A_2986 = arith.constant 0 : i32
          %get3A_2987 = arith.constant 0 : i32
          %get3A_2988 = arith.constant 0 : i32
          %get3A_2989 = tpu.memref_slice %run_scoped3A_50[%rem3A_670, %get3A_2986, %get3A_2987, %get3A_2988] : memref<2x8x24x256xf32, #tpu.memory_space<vmem>> -> memref<1x8x24x256xf32, #tpu.memory_space<vmem>>
          %get3A_2990 = tpu.memref_squeeze %get3A_2989 : memref<1x8x24x256xf32, #tpu.memory_space<vmem>> -> memref<8x24x256xf32, #tpu.memory_space<vmem>>
          %get3A_2991 = arith.index_cast %get3A_2984 : i32 to index
          %get3A_2992 = arith.index_cast %get3A_2985 : i32 to index
          %get3A_2993 = arith.index_cast %mul3A_1248 : i32 to index
          %get3A_2994 = tpu.vector_load %get3A_2990[%get3A_2991, %get3A_2992, %get3A_2993] {strides = array<i32>} : memref<8x24x256xf32, #tpu.memory_space<vmem>>, vector<16xf32>,
          %mul3A_2995 = arith.mulf %gather3A_2983, %get3A_2994 : vector<16xf32>
          %add3A_2996 = arith.addf %add3A_2928, %mul3A_2995 : vector<16xf32>
          %add3A_2997 = arith.constant 21 : i32
          %add3A_2998 = vector.broadcast %add3A_2997 : i32 to vector<16xi32>
          %add3A_2999 = arith.addi %mul3A_2623, %add3A_2998 : vector<16xi32>
          %gather3A_3000 = tpu.vector_load_idx %arg6[%add3A_2999] : memref<640xf32, #tpu.memory_space<vmem>>[vector<16xi32>], vector<16xf32>,
          %get3A_3001 = arith.constant 3 : i32
          %get3A_3002 = arith.constant 21 : i32
          %get3A_3003 = arith.constant 0 : i32
          %get3A_3004 = arith.constant 0 : i32
          %get3A_3005 = arith.constant 0 : i32
          %get3A_3006 = tpu.memref_slice %run_scoped3A_50[%rem3A_670, %get3A_3003, %get3A_3004, %get3A_3005] : memref<2x8x24x256xf32, #tpu.memory_space<vmem>> -> memref<1x8x24x256xf32, #tpu.memory_space<vmem>>
          %get3A_3007 = tpu.memref_squeeze %get3A_3006 : memref<1x8x24x256xf32, #tpu.memory_space<vmem>> -> memref<8x24x256xf32, #tpu.memory_space<vmem>>
          %get3A_3008 = arith.index_cast %get3A_3001 : i32 to index
          %get3A_3009 = arith.index_cast %get3A_3002 : i32 to index
          %get3A_3010 = arith.index_cast %mul3A_1248 : i32 to index
          %get3A_3011 = tpu.vector_load %get3A_3007[%get3A_3008, %get3A_3009, %get3A_3010] {strides = array<i32>} : memref<8x24x256xf32, #tpu.memory_space<vmem>>, vector<16xf32>,
          %mul3A_3012 = arith.mulf %gather3A_3000, %get3A_3011 : vector<16xf32>
          %add3A_3013 = arith.addf %add3A_2945, %mul3A_3012 : vector<16xf32>
          %add3A_3014 = arith.constant 22 : i32
          %add3A_3015 = vector.broadcast %add3A_3014 : i32 to vector<16xi32>
          %add3A_3016 = arith.addi %mul3A_2623, %add3A_3015 : vector<16xi32>
          %gather3A_3017 = tpu.vector_load_idx %arg6[%add3A_3016] : memref<640xf32, #tpu.memory_space<vmem>>[vector<16xi32>], vector<16xf32>,
          %get3A_3018 = arith.constant 3 : i32
          %get3A_3019 = arith.constant 22 : i32
          %get3A_3020 = arith.constant 0 : i32
          %get3A_3021 = arith.constant 0 : i32
          %get3A_3022 = arith.constant 0 : i32
          %get3A_3023 = tpu.memref_slice %run_scoped3A_50[%rem3A_670, %get3A_3020, %get3A_3021, %get3A_3022] : memref<2x8x24x256xf32, #tpu.memory_space<vmem>> -> memref<1x8x24x256xf32, #tpu.memory_space<vmem>>
          %get3A_3024 = tpu.memref_squeeze %get3A_3023 : memref<1x8x24x256xf32, #tpu.memory_space<vmem>> -> memref<8x24x256xf32, #tpu.memory_space<vmem>>
          %get3A_3025 = arith.index_cast %get3A_3018 : i32 to index
          %get3A_3026 = arith.index_cast %get3A_3019 : i32 to index
          %get3A_3027 = arith.index_cast %mul3A_1248 : i32 to index
          %get3A_3028 = tpu.vector_load %get3A_3024[%get3A_3025, %get3A_3026, %get3A_3027] {strides = array<i32>} : memref<8x24x256xf32, #tpu.memory_space<vmem>>, vector<16xf32>,
          %mul3A_3029 = arith.mulf %gather3A_3017, %get3A_3028 : vector<16xf32>
          %add3A_3030 = arith.addf %add3A_2962, %mul3A_3029 : vector<16xf32>
          %add3A_3031 = arith.constant 23 : i32
          %add3A_3032 = vector.broadcast %add3A_3031 : i32 to vector<16xi32>
          %add3A_3033 = arith.addi %mul3A_2623, %add3A_3032 : vector<16xi32>
          %gather3A_3034 = tpu.vector_load_idx %arg6[%add3A_3033] : memref<640xf32, #tpu.memory_space<vmem>>[vector<16xi32>], vector<16xf32>,
          %get3A_3035 = arith.constant 3 : i32
          %get3A_3036 = arith.constant 23 : i32
          %get3A_3037 = arith.constant 0 : i32
          %get3A_3038 = arith.constant 0 : i32
          %get3A_3039 = arith.constant 0 : i32
          %get3A_3040 = tpu.memref_slice %run_scoped3A_50[%rem3A_670, %get3A_3037, %get3A_3038, %get3A_3039] : memref<2x8x24x256xf32, #tpu.memory_space<vmem>> -> memref<1x8x24x256xf32, #tpu.memory_space<vmem>>
          %get3A_3041 = tpu.memref_squeeze %get3A_3040 : memref<1x8x24x256xf32, #tpu.memory_space<vmem>> -> memref<8x24x256xf32, #tpu.memory_space<vmem>>
          %get3A_3042 = arith.index_cast %get3A_3035 : i32 to index
          %get3A_3043 = arith.index_cast %get3A_3036 : i32 to index
          %get3A_3044 = arith.index_cast %mul3A_1248 : i32 to index
          %get3A_3045 = tpu.vector_load %get3A_3041[%get3A_3042, %get3A_3043, %get3A_3044] {strides = array<i32>} : memref<8x24x256xf32, #tpu.memory_space<vmem>>, vector<16xf32>,
          %mul3A_3046 = arith.mulf %gather3A_3034, %get3A_3045 : vector<16xf32>
          %add3A_3047 = arith.addf %add3A_2979, %mul3A_3046 : vector<16xf32>
          %swap3A_3048 = arith.constant 0 : i32
          %swap3A_3049 = arith.index_cast %swap3A_3048 : i32 to index
          %swap3A_3050 = arith.constant 0 : index
          %swap3A_3051 = tpu.vector_load %arg7[%swap3A_3049, %swap3A_3050] {strides = array<i32>} : memref<4x16xf32, #tpu.memory_space<vmem>>, vector<16xf32>,
          tpu.vector_store %arg7[%swap3A_3049, %swap3A_3050], %add3A_2996 {strides = array<i32>} : memref<4x16xf32, #tpu.memory_space<vmem>>, vector<16xf32>,
          %swap3A_3052 = arith.constant 1 : i32
          %swap3A_3053 = arith.index_cast %swap3A_3052 : i32 to index
          %swap3A_3054 = arith.constant 0 : index
          %swap3A_3055 = tpu.vector_load %arg7[%swap3A_3053, %swap3A_3054] {strides = array<i32>} : memref<4x16xf32, #tpu.memory_space<vmem>>, vector<16xf32>,
          tpu.vector_store %arg7[%swap3A_3053, %swap3A_3054], %add3A_3013 {strides = array<i32>} : memref<4x16xf32, #tpu.memory_space<vmem>>, vector<16xf32>,
          %swap3A_3056 = arith.constant 2 : i32
          %swap3A_3057 = arith.index_cast %swap3A_3056 : i32 to index
          %swap3A_3058 = arith.constant 0 : index
          %swap3A_3059 = tpu.vector_load %arg7[%swap3A_3057, %swap3A_3058] {strides = array<i32>} : memref<4x16xf32, #tpu.memory_space<vmem>>, vector<16xf32>,
          tpu.vector_store %arg7[%swap3A_3057, %swap3A_3058], %add3A_3030 {strides = array<i32>} : memref<4x16xf32, #tpu.memory_space<vmem>>, vector<16xf32>,
          %swap3A_3060 = arith.constant 3 : i32
          %swap3A_3061 = arith.index_cast %swap3A_3060 : i32 to index
          %swap3A_3062 = arith.constant 0 : index
          %swap3A_3063 = tpu.vector_load %arg7[%swap3A_3061, %swap3A_3062] {strides = array<i32>} : memref<4x16xf32, #tpu.memory_space<vmem>>, vector<16xf32>,
          tpu.vector_store %arg7[%swap3A_3061, %swap3A_3062], %add3A_3047 {strides = array<i32>} : memref<4x16xf32, #tpu.memory_space<vmem>>, vector<16xf32>,
          %get3A_3064 = arith.constant 0 : i32
          %get3A_3065 = arith.constant 4 : i32
          %get3A_3066 = arith.constant 0 : i32
          %get3A_3067 = arith.constant 0 : i32
          %get3A_3068 = arith.constant 0 : i32
          %get3A_3069 = tpu.memref_slice %run_scoped3A_48[%rem3A_668, %get3A_3066, %get3A_3067, %get3A_3068] : memref<2x1x8x256xi32, #tpu.memory_space<vmem>> -> memref<1x1x8x256xi32, #tpu.memory_space<vmem>>
          %get3A_3070 = tpu.memref_squeeze %get3A_3069 : memref<1x1x8x256xi32, #tpu.memory_space<vmem>> -> memref<1x8x256xi32, #tpu.memory_space<vmem>>
          %get3A_3071 = arith.index_cast %get3A_3064 : i32 to index
          %get3A_3072 = arith.index_cast %get3A_3065 : i32 to index
          %get3A_3073 = arith.index_cast %mul3A_1248 : i32 to index
          %get3A_3074 = tpu.vector_load %get3A_3070[%get3A_3071, %get3A_3072, %get3A_3073] {strides = array<i32>} : memref<1x8x256xi32, #tpu.memory_space<vmem>>, vector<16xi32>,
          %mul3A_3075 = arith.constant 25 : i32
          %mul3A_3076 = vector.broadcast %mul3A_3075 : i32 to vector<16xi32>
          %mul3A_3077 = arith.muli %get3A_3074, %mul3A_3076 : vector<16xi32>
          %get3A_3078 = arith.constant 0 : i32
          %get3A_3079 = arith.index_cast %get3A_3078 : i32 to index
          %get3A_3080 = arith.constant 0 : index
          %get3A_3081 = tpu.vector_load %arg7[%get3A_3079, %get3A_3080] {strides = array<i32>} : memref<4x16xf32, #tpu.memory_space<vmem>>, vector<16xf32>,
          %get3A_3082 = arith.constant 1 : i32
          %get3A_3083 = arith.index_cast %get3A_3082 : i32 to index
          %get3A_3084 = arith.constant 0 : index
          %get3A_3085 = tpu.vector_load %arg7[%get3A_3083, %get3A_3084] {strides = array<i32>} : memref<4x16xf32, #tpu.memory_space<vmem>>, vector<16xf32>,
          %get3A_3086 = arith.constant 2 : i32
          %get3A_3087 = arith.index_cast %get3A_3086 : i32 to index
          %get3A_3088 = arith.constant 0 : index
          %get3A_3089 = tpu.vector_load %arg7[%get3A_3087, %get3A_3088] {strides = array<i32>} : memref<4x16xf32, #tpu.memory_space<vmem>>, vector<16xf32>,
          %get3A_3090 = arith.constant 3 : i32
          %get3A_3091 = arith.index_cast %get3A_3090 : i32 to index
          %get3A_3092 = arith.constant 0 : index
          %get3A_3093 = tpu.vector_load %arg7[%get3A_3091, %get3A_3092] {strides = array<i32>} : memref<4x16xf32, #tpu.memory_space<vmem>>, vector<16xf32>,
          %add3A_3094 = arith.constant 0 : i32
          %add3A_3095 = vector.broadcast %add3A_3094 : i32 to vector<16xi32>
          %add3A_3096 = arith.addi %mul3A_3077, %add3A_3095 : vector<16xi32>
          %gather3A_3097 = tpu.vector_load_idx %arg6[%add3A_3096] : memref<640xf32, #tpu.memory_space<vmem>>[vector<16xi32>], vector<16xf32>,
          %get3A_3098 = arith.constant 4 : i32
          %get3A_3099 = arith.constant 0 : i32
          %get3A_3100 = arith.constant 0 : i32
          %get3A_3101 = arith.constant 0 : i32
          %get3A_3102 = arith.constant 0 : i32
          %get3A_3103 = tpu.memref_slice %run_scoped3A_50[%rem3A_670, %get3A_3100, %get3A_3101, %get3A_3102] : memref<2x8x24x256xf32, #tpu.memory_space<vmem>> -> memref<1x8x24x256xf32, #tpu.memory_space<vmem>>
          %get3A_3104 = tpu.memref_squeeze %get3A_3103 : memref<1x8x24x256xf32, #tpu.memory_space<vmem>> -> memref<8x24x256xf32, #tpu.memory_space<vmem>>
          %get3A_3105 = arith.index_cast %get3A_3098 : i32 to index
          %get3A_3106 = arith.index_cast %get3A_3099 : i32 to index
          %get3A_3107 = arith.index_cast %mul3A_1248 : i32 to index
          %get3A_3108 = tpu.vector_load %get3A_3104[%get3A_3105, %get3A_3106, %get3A_3107] {strides = array<i32>} : memref<8x24x256xf32, #tpu.memory_space<vmem>>, vector<16xf32>,
          %mul3A_3109 = arith.mulf %gather3A_3097, %get3A_3108 : vector<16xf32>
          %add3A_3110 = arith.addf %get3A_3081, %mul3A_3109 : vector<16xf32>
          %add3A_3111 = arith.constant 1 : i32
          %add3A_3112 = vector.broadcast %add3A_3111 : i32 to vector<16xi32>
          %add3A_3113 = arith.addi %mul3A_3077, %add3A_3112 : vector<16xi32>
          %gather3A_3114 = tpu.vector_load_idx %arg6[%add3A_3113] : memref<640xf32, #tpu.memory_space<vmem>>[vector<16xi32>], vector<16xf32>,
          %get3A_3115 = arith.constant 4 : i32
          %get3A_3116 = arith.constant 1 : i32
          %get3A_3117 = arith.constant 0 : i32
          %get3A_3118 = arith.constant 0 : i32
          %get3A_3119 = arith.constant 0 : i32
          %get3A_3120 = tpu.memref_slice %run_scoped3A_50[%rem3A_670, %get3A_3117, %get3A_3118, %get3A_3119] : memref<2x8x24x256xf32, #tpu.memory_space<vmem>> -> memref<1x8x24x256xf32, #tpu.memory_space<vmem>>
          %get3A_3121 = tpu.memref_squeeze %get3A_3120 : memref<1x8x24x256xf32, #tpu.memory_space<vmem>> -> memref<8x24x256xf32, #tpu.memory_space<vmem>>
          %get3A_3122 = arith.index_cast %get3A_3115 : i32 to index
          %get3A_3123 = arith.index_cast %get3A_3116 : i32 to index
          %get3A_3124 = arith.index_cast %mul3A_1248 : i32 to index
          %get3A_3125 = tpu.vector_load %get3A_3121[%get3A_3122, %get3A_3123, %get3A_3124] {strides = array<i32>} : memref<8x24x256xf32, #tpu.memory_space<vmem>>, vector<16xf32>,
          %mul3A_3126 = arith.mulf %gather3A_3114, %get3A_3125 : vector<16xf32>
          %add3A_3127 = arith.addf %get3A_3085, %mul3A_3126 : vector<16xf32>
          %add3A_3128 = arith.constant 2 : i32
          %add3A_3129 = vector.broadcast %add3A_3128 : i32 to vector<16xi32>
          %add3A_3130 = arith.addi %mul3A_3077, %add3A_3129 : vector<16xi32>
          %gather3A_3131 = tpu.vector_load_idx %arg6[%add3A_3130] : memref<640xf32, #tpu.memory_space<vmem>>[vector<16xi32>], vector<16xf32>,
          %get3A_3132 = arith.constant 4 : i32
          %get3A_3133 = arith.constant 2 : i32
          %get3A_3134 = arith.constant 0 : i32
          %get3A_3135 = arith.constant 0 : i32
          %get3A_3136 = arith.constant 0 : i32
          %get3A_3137 = tpu.memref_slice %run_scoped3A_50[%rem3A_670, %get3A_3134, %get3A_3135, %get3A_3136] : memref<2x8x24x256xf32, #tpu.memory_space<vmem>> -> memref<1x8x24x256xf32, #tpu.memory_space<vmem>>
          %get3A_3138 = tpu.memref_squeeze %get3A_3137 : memref<1x8x24x256xf32, #tpu.memory_space<vmem>> -> memref<8x24x256xf32, #tpu.memory_space<vmem>>
          %get3A_3139 = arith.index_cast %get3A_3132 : i32 to index
          %get3A_3140 = arith.index_cast %get3A_3133 : i32 to index
          %get3A_3141 = arith.index_cast %mul3A_1248 : i32 to index
          %get3A_3142 = tpu.vector_load %get3A_3138[%get3A_3139, %get3A_3140, %get3A_3141] {strides = array<i32>} : memref<8x24x256xf32, #tpu.memory_space<vmem>>, vector<16xf32>,
          %mul3A_3143 = arith.mulf %gather3A_3131, %get3A_3142 : vector<16xf32>
          %add3A_3144 = arith.addf %get3A_3089, %mul3A_3143 : vector<16xf32>
          %add3A_3145 = arith.constant 3 : i32
          %add3A_3146 = vector.broadcast %add3A_3145 : i32 to vector<16xi32>
          %add3A_3147 = arith.addi %mul3A_3077, %add3A_3146 : vector<16xi32>
          %gather3A_3148 = tpu.vector_load_idx %arg6[%add3A_3147] : memref<640xf32, #tpu.memory_space<vmem>>[vector<16xi32>], vector<16xf32>,
          %get3A_3149 = arith.constant 4 : i32
          %get3A_3150 = arith.constant 3 : i32
          %get3A_3151 = arith.constant 0 : i32
          %get3A_3152 = arith.constant 0 : i32
          %get3A_3153 = arith.constant 0 : i32
          %get3A_3154 = tpu.memref_slice %run_scoped3A_50[%rem3A_670, %get3A_3151, %get3A_3152, %get3A_3153] : memref<2x8x24x256xf32, #tpu.memory_space<vmem>> -> memref<1x8x24x256xf32, #tpu.memory_space<vmem>>
          %get3A_3155 = tpu.memref_squeeze %get3A_3154 : memref<1x8x24x256xf32, #tpu.memory_space<vmem>> -> memref<8x24x256xf32, #tpu.memory_space<vmem>>
          %get3A_3156 = arith.index_cast %get3A_3149 : i32 to index
          %get3A_3157 = arith.index_cast %get3A_3150 : i32 to index
          %get3A_3158 = arith.index_cast %mul3A_1248 : i32 to index
          %get3A_3159 = tpu.vector_load %get3A_3155[%get3A_3156, %get3A_3157, %get3A_3158] {strides = array<i32>} : memref<8x24x256xf32, #tpu.memory_space<vmem>>, vector<16xf32>,
          %mul3A_3160 = arith.mulf %gather3A_3148, %get3A_3159 : vector<16xf32>
          %add3A_3161 = arith.addf %get3A_3093, %mul3A_3160 : vector<16xf32>
          %add3A_3162 = arith.constant 4 : i32
          %add3A_3163 = vector.broadcast %add3A_3162 : i32 to vector<16xi32>
          %add3A_3164 = arith.addi %mul3A_3077, %add3A_3163 : vector<16xi32>
          %gather3A_3165 = tpu.vector_load_idx %arg6[%add3A_3164] : memref<640xf32, #tpu.memory_space<vmem>>[vector<16xi32>], vector<16xf32>,
          %get3A_3166 = arith.constant 4 : i32
          %get3A_3167 = arith.constant 4 : i32
          %get3A_3168 = arith.constant 0 : i32
          %get3A_3169 = arith.constant 0 : i32
          %get3A_3170 = arith.constant 0 : i32
          %get3A_3171 = tpu.memref_slice %run_scoped3A_50[%rem3A_670, %get3A_3168, %get3A_3169, %get3A_3170] : memref<2x8x24x256xf32, #tpu.memory_space<vmem>> -> memref<1x8x24x256xf32, #tpu.memory_space<vmem>>
          %get3A_3172 = tpu.memref_squeeze %get3A_3171 : memref<1x8x24x256xf32, #tpu.memory_space<vmem>> -> memref<8x24x256xf32, #tpu.memory_space<vmem>>
          %get3A_3173 = arith.index_cast %get3A_3166 : i32 to index
          %get3A_3174 = arith.index_cast %get3A_3167 : i32 to index
          %get3A_3175 = arith.index_cast %mul3A_1248 : i32 to index
          %get3A_3176 = tpu.vector_load %get3A_3172[%get3A_3173, %get3A_3174, %get3A_3175] {strides = array<i32>} : memref<8x24x256xf32, #tpu.memory_space<vmem>>, vector<16xf32>,
          %mul3A_3177 = arith.mulf %gather3A_3165, %get3A_3176 : vector<16xf32>
          %add3A_3178 = arith.addf %add3A_3110, %mul3A_3177 : vector<16xf32>
          %add3A_3179 = arith.constant 5 : i32
          %add3A_3180 = vector.broadcast %add3A_3179 : i32 to vector<16xi32>
          %add3A_3181 = arith.addi %mul3A_3077, %add3A_3180 : vector<16xi32>
          %gather3A_3182 = tpu.vector_load_idx %arg6[%add3A_3181] : memref<640xf32, #tpu.memory_space<vmem>>[vector<16xi32>], vector<16xf32>,
          %get3A_3183 = arith.constant 4 : i32
          %get3A_3184 = arith.constant 5 : i32
          %get3A_3185 = arith.constant 0 : i32
          %get3A_3186 = arith.constant 0 : i32
          %get3A_3187 = arith.constant 0 : i32
          %get3A_3188 = tpu.memref_slice %run_scoped3A_50[%rem3A_670, %get3A_3185, %get3A_3186, %get3A_3187] : memref<2x8x24x256xf32, #tpu.memory_space<vmem>> -> memref<1x8x24x256xf32, #tpu.memory_space<vmem>>
          %get3A_3189 = tpu.memref_squeeze %get3A_3188 : memref<1x8x24x256xf32, #tpu.memory_space<vmem>> -> memref<8x24x256xf32, #tpu.memory_space<vmem>>
          %get3A_3190 = arith.index_cast %get3A_3183 : i32 to index
          %get3A_3191 = arith.index_cast %get3A_3184 : i32 to index
          %get3A_3192 = arith.index_cast %mul3A_1248 : i32 to index
          %get3A_3193 = tpu.vector_load %get3A_3189[%get3A_3190, %get3A_3191, %get3A_3192] {strides = array<i32>} : memref<8x24x256xf32, #tpu.memory_space<vmem>>, vector<16xf32>,
          %mul3A_3194 = arith.mulf %gather3A_3182, %get3A_3193 : vector<16xf32>
          %add3A_3195 = arith.addf %add3A_3127, %mul3A_3194 : vector<16xf32>
          %add3A_3196 = arith.constant 6 : i32
          %add3A_3197 = vector.broadcast %add3A_3196 : i32 to vector<16xi32>
          %add3A_3198 = arith.addi %mul3A_3077, %add3A_3197 : vector<16xi32>
          %gather3A_3199 = tpu.vector_load_idx %arg6[%add3A_3198] : memref<640xf32, #tpu.memory_space<vmem>>[vector<16xi32>], vector<16xf32>,
          %get3A_3200 = arith.constant 4 : i32
          %get3A_3201 = arith.constant 6 : i32
          %get3A_3202 = arith.constant 0 : i32
          %get3A_3203 = arith.constant 0 : i32
          %get3A_3204 = arith.constant 0 : i32
          %get3A_3205 = tpu.memref_slice %run_scoped3A_50[%rem3A_670, %get3A_3202, %get3A_3203, %get3A_3204] : memref<2x8x24x256xf32, #tpu.memory_space<vmem>> -> memref<1x8x24x256xf32, #tpu.memory_space<vmem>>
          %get3A_3206 = tpu.memref_squeeze %get3A_3205 : memref<1x8x24x256xf32, #tpu.memory_space<vmem>> -> memref<8x24x256xf32, #tpu.memory_space<vmem>>
          %get3A_3207 = arith.index_cast %get3A_3200 : i32 to index
          %get3A_3208 = arith.index_cast %get3A_3201 : i32 to index
          %get3A_3209 = arith.index_cast %mul3A_1248 : i32 to index
          %get3A_3210 = tpu.vector_load %get3A_3206[%get3A_3207, %get3A_3208, %get3A_3209] {strides = array<i32>} : memref<8x24x256xf32, #tpu.memory_space<vmem>>, vector<16xf32>,
          %mul3A_3211 = arith.mulf %gather3A_3199, %get3A_3210 : vector<16xf32>
          %add3A_3212 = arith.addf %add3A_3144, %mul3A_3211 : vector<16xf32>
          %add3A_3213 = arith.constant 7 : i32
          %add3A_3214 = vector.broadcast %add3A_3213 : i32 to vector<16xi32>
          %add3A_3215 = arith.addi %mul3A_3077, %add3A_3214 : vector<16xi32>
          %gather3A_3216 = tpu.vector_load_idx %arg6[%add3A_3215] : memref<640xf32, #tpu.memory_space<vmem>>[vector<16xi32>], vector<16xf32>,
          %get3A_3217 = arith.constant 4 : i32
          %get3A_3218 = arith.constant 7 : i32
          %get3A_3219 = arith.constant 0 : i32
          %get3A_3220 = arith.constant 0 : i32
          %get3A_3221 = arith.constant 0 : i32
          %get3A_3222 = tpu.memref_slice %run_scoped3A_50[%rem3A_670, %get3A_3219, %get3A_3220, %get3A_3221] : memref<2x8x24x256xf32, #tpu.memory_space<vmem>> -> memref<1x8x24x256xf32, #tpu.memory_space<vmem>>
          %get3A_3223 = tpu.memref_squeeze %get3A_3222 : memref<1x8x24x256xf32, #tpu.memory_space<vmem>> -> memref<8x24x256xf32, #tpu.memory_space<vmem>>
          %get3A_3224 = arith.index_cast %get3A_3217 : i32 to index
          %get3A_3225 = arith.index_cast %get3A_3218 : i32 to index
          %get3A_3226 = arith.index_cast %mul3A_1248 : i32 to index
          %get3A_3227 = tpu.vector_load %get3A_3223[%get3A_3224, %get3A_3225, %get3A_3226] {strides = array<i32>} : memref<8x24x256xf32, #tpu.memory_space<vmem>>, vector<16xf32>,
          %mul3A_3228 = arith.mulf %gather3A_3216, %get3A_3227 : vector<16xf32>
          %add3A_3229 = arith.addf %add3A_3161, %mul3A_3228 : vector<16xf32>
          %add3A_3230 = arith.constant 8 : i32
          %add3A_3231 = vector.broadcast %add3A_3230 : i32 to vector<16xi32>
          %add3A_3232 = arith.addi %mul3A_3077, %add3A_3231 : vector<16xi32>
          %gather3A_3233 = tpu.vector_load_idx %arg6[%add3A_3232] : memref<640xf32, #tpu.memory_space<vmem>>[vector<16xi32>], vector<16xf32>,
          %get3A_3234 = arith.constant 4 : i32
          %get3A_3235 = arith.constant 8 : i32
          %get3A_3236 = arith.constant 0 : i32
          %get3A_3237 = arith.constant 0 : i32
          %get3A_3238 = arith.constant 0 : i32
          %get3A_3239 = tpu.memref_slice %run_scoped3A_50[%rem3A_670, %get3A_3236, %get3A_3237, %get3A_3238] : memref<2x8x24x256xf32, #tpu.memory_space<vmem>> -> memref<1x8x24x256xf32, #tpu.memory_space<vmem>>
          %get3A_3240 = tpu.memref_squeeze %get3A_3239 : memref<1x8x24x256xf32, #tpu.memory_space<vmem>> -> memref<8x24x256xf32, #tpu.memory_space<vmem>>
          %get3A_3241 = arith.index_cast %get3A_3234 : i32 to index
          %get3A_3242 = arith.index_cast %get3A_3235 : i32 to index
          %get3A_3243 = arith.index_cast %mul3A_1248 : i32 to index
          %get3A_3244 = tpu.vector_load %get3A_3240[%get3A_3241, %get3A_3242, %get3A_3243] {strides = array<i32>} : memref<8x24x256xf32, #tpu.memory_space<vmem>>, vector<16xf32>,
          %mul3A_3245 = arith.mulf %gather3A_3233, %get3A_3244 : vector<16xf32>
          %add3A_3246 = arith.addf %add3A_3178, %mul3A_3245 : vector<16xf32>
          %add3A_3247 = arith.constant 9 : i32
          %add3A_3248 = vector.broadcast %add3A_3247 : i32 to vector<16xi32>
          %add3A_3249 = arith.addi %mul3A_3077, %add3A_3248 : vector<16xi32>
          %gather3A_3250 = tpu.vector_load_idx %arg6[%add3A_3249] : memref<640xf32, #tpu.memory_space<vmem>>[vector<16xi32>], vector<16xf32>,
          %get3A_3251 = arith.constant 4 : i32
          %get3A_3252 = arith.constant 9 : i32
          %get3A_3253 = arith.constant 0 : i32
          %get3A_3254 = arith.constant 0 : i32
          %get3A_3255 = arith.constant 0 : i32
          %get3A_3256 = tpu.memref_slice %run_scoped3A_50[%rem3A_670, %get3A_3253, %get3A_3254, %get3A_3255] : memref<2x8x24x256xf32, #tpu.memory_space<vmem>> -> memref<1x8x24x256xf32, #tpu.memory_space<vmem>>
          %get3A_3257 = tpu.memref_squeeze %get3A_3256 : memref<1x8x24x256xf32, #tpu.memory_space<vmem>> -> memref<8x24x256xf32, #tpu.memory_space<vmem>>
          %get3A_3258 = arith.index_cast %get3A_3251 : i32 to index
          %get3A_3259 = arith.index_cast %get3A_3252 : i32 to index
          %get3A_3260 = arith.index_cast %mul3A_1248 : i32 to index
          %get3A_3261 = tpu.vector_load %get3A_3257[%get3A_3258, %get3A_3259, %get3A_3260] {strides = array<i32>} : memref<8x24x256xf32, #tpu.memory_space<vmem>>, vector<16xf32>,
          %mul3A_3262 = arith.mulf %gather3A_3250, %get3A_3261 : vector<16xf32>
          %add3A_3263 = arith.addf %add3A_3195, %mul3A_3262 : vector<16xf32>
          %add3A_3264 = arith.constant 10 : i32
          %add3A_3265 = vector.broadcast %add3A_3264 : i32 to vector<16xi32>
          %add3A_3266 = arith.addi %mul3A_3077, %add3A_3265 : vector<16xi32>
          %gather3A_3267 = tpu.vector_load_idx %arg6[%add3A_3266] : memref<640xf32, #tpu.memory_space<vmem>>[vector<16xi32>], vector<16xf32>,
          %get3A_3268 = arith.constant 4 : i32
          %get3A_3269 = arith.constant 10 : i32
          %get3A_3270 = arith.constant 0 : i32
          %get3A_3271 = arith.constant 0 : i32
          %get3A_3272 = arith.constant 0 : i32
          %get3A_3273 = tpu.memref_slice %run_scoped3A_50[%rem3A_670, %get3A_3270, %get3A_3271, %get3A_3272] : memref<2x8x24x256xf32, #tpu.memory_space<vmem>> -> memref<1x8x24x256xf32, #tpu.memory_space<vmem>>
          %get3A_3274 = tpu.memref_squeeze %get3A_3273 : memref<1x8x24x256xf32, #tpu.memory_space<vmem>> -> memref<8x24x256xf32, #tpu.memory_space<vmem>>
          %get3A_3275 = arith.index_cast %get3A_3268 : i32 to index
          %get3A_3276 = arith.index_cast %get3A_3269 : i32 to index
          %get3A_3277 = arith.index_cast %mul3A_1248 : i32 to index
          %get3A_3278 = tpu.vector_load %get3A_3274[%get3A_3275, %get3A_3276, %get3A_3277] {strides = array<i32>} : memref<8x24x256xf32, #tpu.memory_space<vmem>>, vector<16xf32>,
          %mul3A_3279 = arith.mulf %gather3A_3267, %get3A_3278 : vector<16xf32>
          %add3A_3280 = arith.addf %add3A_3212, %mul3A_3279 : vector<16xf32>
          %add3A_3281 = arith.constant 11 : i32
          %add3A_3282 = vector.broadcast %add3A_3281 : i32 to vector<16xi32>
          %add3A_3283 = arith.addi %mul3A_3077, %add3A_3282 : vector<16xi32>
          %gather3A_3284 = tpu.vector_load_idx %arg6[%add3A_3283] : memref<640xf32, #tpu.memory_space<vmem>>[vector<16xi32>], vector<16xf32>,
          %get3A_3285 = arith.constant 4 : i32
          %get3A_3286 = arith.constant 11 : i32
          %get3A_3287 = arith.constant 0 : i32
          %get3A_3288 = arith.constant 0 : i32
          %get3A_3289 = arith.constant 0 : i32
          %get3A_3290 = tpu.memref_slice %run_scoped3A_50[%rem3A_670, %get3A_3287, %get3A_3288, %get3A_3289] : memref<2x8x24x256xf32, #tpu.memory_space<vmem>> -> memref<1x8x24x256xf32, #tpu.memory_space<vmem>>
          %get3A_3291 = tpu.memref_squeeze %get3A_3290 : memref<1x8x24x256xf32, #tpu.memory_space<vmem>> -> memref<8x24x256xf32, #tpu.memory_space<vmem>>
          %get3A_3292 = arith.index_cast %get3A_3285 : i32 to index
          %get3A_3293 = arith.index_cast %get3A_3286 : i32 to index
          %get3A_3294 = arith.index_cast %mul3A_1248 : i32 to index
          %get3A_3295 = tpu.vector_load %get3A_3291[%get3A_3292, %get3A_3293, %get3A_3294] {strides = array<i32>} : memref<8x24x256xf32, #tpu.memory_space<vmem>>, vector<16xf32>,
          %mul3A_3296 = arith.mulf %gather3A_3284, %get3A_3295 : vector<16xf32>
          %add3A_3297 = arith.addf %add3A_3229, %mul3A_3296 : vector<16xf32>
          %add3A_3298 = arith.constant 12 : i32
          %add3A_3299 = vector.broadcast %add3A_3298 : i32 to vector<16xi32>
          %add3A_3300 = arith.addi %mul3A_3077, %add3A_3299 : vector<16xi32>
          %gather3A_3301 = tpu.vector_load_idx %arg6[%add3A_3300] : memref<640xf32, #tpu.memory_space<vmem>>[vector<16xi32>], vector<16xf32>,
          %get3A_3302 = arith.constant 4 : i32
          %get3A_3303 = arith.constant 12 : i32
          %get3A_3304 = arith.constant 0 : i32
          %get3A_3305 = arith.constant 0 : i32
          %get3A_3306 = arith.constant 0 : i32
          %get3A_3307 = tpu.memref_slice %run_scoped3A_50[%rem3A_670, %get3A_3304, %get3A_3305, %get3A_3306] : memref<2x8x24x256xf32, #tpu.memory_space<vmem>> -> memref<1x8x24x256xf32, #tpu.memory_space<vmem>>
          %get3A_3308 = tpu.memref_squeeze %get3A_3307 : memref<1x8x24x256xf32, #tpu.memory_space<vmem>> -> memref<8x24x256xf32, #tpu.memory_space<vmem>>
          %get3A_3309 = arith.index_cast %get3A_3302 : i32 to index
          %get3A_3310 = arith.index_cast %get3A_3303 : i32 to index
          %get3A_3311 = arith.index_cast %mul3A_1248 : i32 to index
          %get3A_3312 = tpu.vector_load %get3A_3308[%get3A_3309, %get3A_3310, %get3A_3311] {strides = array<i32>} : memref<8x24x256xf32, #tpu.memory_space<vmem>>, vector<16xf32>,
          %mul3A_3313 = arith.mulf %gather3A_3301, %get3A_3312 : vector<16xf32>
          %add3A_3314 = arith.addf %add3A_3246, %mul3A_3313 : vector<16xf32>
          %add3A_3315 = arith.constant 13 : i32
          %add3A_3316 = vector.broadcast %add3A_3315 : i32 to vector<16xi32>
          %add3A_3317 = arith.addi %mul3A_3077, %add3A_3316 : vector<16xi32>
          %gather3A_3318 = tpu.vector_load_idx %arg6[%add3A_3317] : memref<640xf32, #tpu.memory_space<vmem>>[vector<16xi32>], vector<16xf32>,
          %get3A_3319 = arith.constant 4 : i32
          %get3A_3320 = arith.constant 13 : i32
          %get3A_3321 = arith.constant 0 : i32
          %get3A_3322 = arith.constant 0 : i32
          %get3A_3323 = arith.constant 0 : i32
          %get3A_3324 = tpu.memref_slice %run_scoped3A_50[%rem3A_670, %get3A_3321, %get3A_3322, %get3A_3323] : memref<2x8x24x256xf32, #tpu.memory_space<vmem>> -> memref<1x8x24x256xf32, #tpu.memory_space<vmem>>
          %get3A_3325 = tpu.memref_squeeze %get3A_3324 : memref<1x8x24x256xf32, #tpu.memory_space<vmem>> -> memref<8x24x256xf32, #tpu.memory_space<vmem>>
          %get3A_3326 = arith.index_cast %get3A_3319 : i32 to index
          %get3A_3327 = arith.index_cast %get3A_3320 : i32 to index
          %get3A_3328 = arith.index_cast %mul3A_1248 : i32 to index
          %get3A_3329 = tpu.vector_load %get3A_3325[%get3A_3326, %get3A_3327, %get3A_3328] {strides = array<i32>} : memref<8x24x256xf32, #tpu.memory_space<vmem>>, vector<16xf32>,
          %mul3A_3330 = arith.mulf %gather3A_3318, %get3A_3329 : vector<16xf32>
          %add3A_3331 = arith.addf %add3A_3263, %mul3A_3330 : vector<16xf32>
          %add3A_3332 = arith.constant 14 : i32
          %add3A_3333 = vector.broadcast %add3A_3332 : i32 to vector<16xi32>
          %add3A_3334 = arith.addi %mul3A_3077, %add3A_3333 : vector<16xi32>
          %gather3A_3335 = tpu.vector_load_idx %arg6[%add3A_3334] : memref<640xf32, #tpu.memory_space<vmem>>[vector<16xi32>], vector<16xf32>,
          %get3A_3336 = arith.constant 4 : i32
          %get3A_3337 = arith.constant 14 : i32
          %get3A_3338 = arith.constant 0 : i32
          %get3A_3339 = arith.constant 0 : i32
          %get3A_3340 = arith.constant 0 : i32
          %get3A_3341 = tpu.memref_slice %run_scoped3A_50[%rem3A_670, %get3A_3338, %get3A_3339, %get3A_3340] : memref<2x8x24x256xf32, #tpu.memory_space<vmem>> -> memref<1x8x24x256xf32, #tpu.memory_space<vmem>>
          %get3A_3342 = tpu.memref_squeeze %get3A_3341 : memref<1x8x24x256xf32, #tpu.memory_space<vmem>> -> memref<8x24x256xf32, #tpu.memory_space<vmem>>
          %get3A_3343 = arith.index_cast %get3A_3336 : i32 to index
          %get3A_3344 = arith.index_cast %get3A_3337 : i32 to index
          %get3A_3345 = arith.index_cast %mul3A_1248 : i32 to index
          %get3A_3346 = tpu.vector_load %get3A_3342[%get3A_3343, %get3A_3344, %get3A_3345] {strides = array<i32>} : memref<8x24x256xf32, #tpu.memory_space<vmem>>, vector<16xf32>,
          %mul3A_3347 = arith.mulf %gather3A_3335, %get3A_3346 : vector<16xf32>
          %add3A_3348 = arith.addf %add3A_3280, %mul3A_3347 : vector<16xf32>
          %add3A_3349 = arith.constant 15 : i32
          %add3A_3350 = vector.broadcast %add3A_3349 : i32 to vector<16xi32>
          %add3A_3351 = arith.addi %mul3A_3077, %add3A_3350 : vector<16xi32>
          %gather3A_3352 = tpu.vector_load_idx %arg6[%add3A_3351] : memref<640xf32, #tpu.memory_space<vmem>>[vector<16xi32>], vector<16xf32>,
          %get3A_3353 = arith.constant 4 : i32
          %get3A_3354 = arith.constant 15 : i32
          %get3A_3355 = arith.constant 0 : i32
          %get3A_3356 = arith.constant 0 : i32
          %get3A_3357 = arith.constant 0 : i32
          %get3A_3358 = tpu.memref_slice %run_scoped3A_50[%rem3A_670, %get3A_3355, %get3A_3356, %get3A_3357] : memref<2x8x24x256xf32, #tpu.memory_space<vmem>> -> memref<1x8x24x256xf32, #tpu.memory_space<vmem>>
          %get3A_3359 = tpu.memref_squeeze %get3A_3358 : memref<1x8x24x256xf32, #tpu.memory_space<vmem>> -> memref<8x24x256xf32, #tpu.memory_space<vmem>>
          %get3A_3360 = arith.index_cast %get3A_3353 : i32 to index
          %get3A_3361 = arith.index_cast %get3A_3354 : i32 to index
          %get3A_3362 = arith.index_cast %mul3A_1248 : i32 to index
          %get3A_3363 = tpu.vector_load %get3A_3359[%get3A_3360, %get3A_3361, %get3A_3362] {strides = array<i32>} : memref<8x24x256xf32, #tpu.memory_space<vmem>>, vector<16xf32>,
          %mul3A_3364 = arith.mulf %gather3A_3352, %get3A_3363 : vector<16xf32>
          %add3A_3365 = arith.addf %add3A_3297, %mul3A_3364 : vector<16xf32>
          %add3A_3366 = arith.constant 16 : i32
          %add3A_3367 = vector.broadcast %add3A_3366 : i32 to vector<16xi32>
          %add3A_3368 = arith.addi %mul3A_3077, %add3A_3367 : vector<16xi32>
          %gather3A_3369 = tpu.vector_load_idx %arg6[%add3A_3368] : memref<640xf32, #tpu.memory_space<vmem>>[vector<16xi32>], vector<16xf32>,
          %get3A_3370 = arith.constant 4 : i32
          %get3A_3371 = arith.constant 16 : i32
          %get3A_3372 = arith.constant 0 : i32
          %get3A_3373 = arith.constant 0 : i32
          %get3A_3374 = arith.constant 0 : i32
          %get3A_3375 = tpu.memref_slice %run_scoped3A_50[%rem3A_670, %get3A_3372, %get3A_3373, %get3A_3374] : memref<2x8x24x256xf32, #tpu.memory_space<vmem>> -> memref<1x8x24x256xf32, #tpu.memory_space<vmem>>
          %get3A_3376 = tpu.memref_squeeze %get3A_3375 : memref<1x8x24x256xf32, #tpu.memory_space<vmem>> -> memref<8x24x256xf32, #tpu.memory_space<vmem>>
          %get3A_3377 = arith.index_cast %get3A_3370 : i32 to index
          %get3A_3378 = arith.index_cast %get3A_3371 : i32 to index
          %get3A_3379 = arith.index_cast %mul3A_1248 : i32 to index
          %get3A_3380 = tpu.vector_load %get3A_3376[%get3A_3377, %get3A_3378, %get3A_3379] {strides = array<i32>} : memref<8x24x256xf32, #tpu.memory_space<vmem>>, vector<16xf32>,
          %mul3A_3381 = arith.mulf %gather3A_3369, %get3A_3380 : vector<16xf32>
          %add3A_3382 = arith.addf %add3A_3314, %mul3A_3381 : vector<16xf32>
          %add3A_3383 = arith.constant 17 : i32
          %add3A_3384 = vector.broadcast %add3A_3383 : i32 to vector<16xi32>
          %add3A_3385 = arith.addi %mul3A_3077, %add3A_3384 : vector<16xi32>
          %gather3A_3386 = tpu.vector_load_idx %arg6[%add3A_3385] : memref<640xf32, #tpu.memory_space<vmem>>[vector<16xi32>], vector<16xf32>,
          %get3A_3387 = arith.constant 4 : i32
          %get3A_3388 = arith.constant 17 : i32
          %get3A_3389 = arith.constant 0 : i32
          %get3A_3390 = arith.constant 0 : i32
          %get3A_3391 = arith.constant 0 : i32
          %get3A_3392 = tpu.memref_slice %run_scoped3A_50[%rem3A_670, %get3A_3389, %get3A_3390, %get3A_3391] : memref<2x8x24x256xf32, #tpu.memory_space<vmem>> -> memref<1x8x24x256xf32, #tpu.memory_space<vmem>>
          %get3A_3393 = tpu.memref_squeeze %get3A_3392 : memref<1x8x24x256xf32, #tpu.memory_space<vmem>> -> memref<8x24x256xf32, #tpu.memory_space<vmem>>
          %get3A_3394 = arith.index_cast %get3A_3387 : i32 to index
          %get3A_3395 = arith.index_cast %get3A_3388 : i32 to index
          %get3A_3396 = arith.index_cast %mul3A_1248 : i32 to index
          %get3A_3397 = tpu.vector_load %get3A_3393[%get3A_3394, %get3A_3395, %get3A_3396] {strides = array<i32>} : memref<8x24x256xf32, #tpu.memory_space<vmem>>, vector<16xf32>,
          %mul3A_3398 = arith.mulf %gather3A_3386, %get3A_3397 : vector<16xf32>
          %add3A_3399 = arith.addf %add3A_3331, %mul3A_3398 : vector<16xf32>
          %add3A_3400 = arith.constant 18 : i32
          %add3A_3401 = vector.broadcast %add3A_3400 : i32 to vector<16xi32>
          %add3A_3402 = arith.addi %mul3A_3077, %add3A_3401 : vector<16xi32>
          %gather3A_3403 = tpu.vector_load_idx %arg6[%add3A_3402] : memref<640xf32, #tpu.memory_space<vmem>>[vector<16xi32>], vector<16xf32>,
          %get3A_3404 = arith.constant 4 : i32
          %get3A_3405 = arith.constant 18 : i32
          %get3A_3406 = arith.constant 0 : i32
          %get3A_3407 = arith.constant 0 : i32
          %get3A_3408 = arith.constant 0 : i32
          %get3A_3409 = tpu.memref_slice %run_scoped3A_50[%rem3A_670, %get3A_3406, %get3A_3407, %get3A_3408] : memref<2x8x24x256xf32, #tpu.memory_space<vmem>> -> memref<1x8x24x256xf32, #tpu.memory_space<vmem>>
          %get3A_3410 = tpu.memref_squeeze %get3A_3409 : memref<1x8x24x256xf32, #tpu.memory_space<vmem>> -> memref<8x24x256xf32, #tpu.memory_space<vmem>>
          %get3A_3411 = arith.index_cast %get3A_3404 : i32 to index
          %get3A_3412 = arith.index_cast %get3A_3405 : i32 to index
          %get3A_3413 = arith.index_cast %mul3A_1248 : i32 to index
          %get3A_3414 = tpu.vector_load %get3A_3410[%get3A_3411, %get3A_3412, %get3A_3413] {strides = array<i32>} : memref<8x24x256xf32, #tpu.memory_space<vmem>>, vector<16xf32>,
          %mul3A_3415 = arith.mulf %gather3A_3403, %get3A_3414 : vector<16xf32>
          %add3A_3416 = arith.addf %add3A_3348, %mul3A_3415 : vector<16xf32>
          %add3A_3417 = arith.constant 19 : i32
          %add3A_3418 = vector.broadcast %add3A_3417 : i32 to vector<16xi32>
          %add3A_3419 = arith.addi %mul3A_3077, %add3A_3418 : vector<16xi32>
          %gather3A_3420 = tpu.vector_load_idx %arg6[%add3A_3419] : memref<640xf32, #tpu.memory_space<vmem>>[vector<16xi32>], vector<16xf32>,
          %get3A_3421 = arith.constant 4 : i32
          %get3A_3422 = arith.constant 19 : i32
          %get3A_3423 = arith.constant 0 : i32
          %get3A_3424 = arith.constant 0 : i32
          %get3A_3425 = arith.constant 0 : i32
          %get3A_3426 = tpu.memref_slice %run_scoped3A_50[%rem3A_670, %get3A_3423, %get3A_3424, %get3A_3425] : memref<2x8x24x256xf32, #tpu.memory_space<vmem>> -> memref<1x8x24x256xf32, #tpu.memory_space<vmem>>
          %get3A_3427 = tpu.memref_squeeze %get3A_3426 : memref<1x8x24x256xf32, #tpu.memory_space<vmem>> -> memref<8x24x256xf32, #tpu.memory_space<vmem>>
          %get3A_3428 = arith.index_cast %get3A_3421 : i32 to index
          %get3A_3429 = arith.index_cast %get3A_3422 : i32 to index
          %get3A_3430 = arith.index_cast %mul3A_1248 : i32 to index
          %get3A_3431 = tpu.vector_load %get3A_3427[%get3A_3428, %get3A_3429, %get3A_3430] {strides = array<i32>} : memref<8x24x256xf32, #tpu.memory_space<vmem>>, vector<16xf32>,
          %mul3A_3432 = arith.mulf %gather3A_3420, %get3A_3431 : vector<16xf32>
          %add3A_3433 = arith.addf %add3A_3365, %mul3A_3432 : vector<16xf32>
          %add3A_3434 = arith.constant 20 : i32
          %add3A_3435 = vector.broadcast %add3A_3434 : i32 to vector<16xi32>
          %add3A_3436 = arith.addi %mul3A_3077, %add3A_3435 : vector<16xi32>
          %gather3A_3437 = tpu.vector_load_idx %arg6[%add3A_3436] : memref<640xf32, #tpu.memory_space<vmem>>[vector<16xi32>], vector<16xf32>,
          %get3A_3438 = arith.constant 4 : i32
          %get3A_3439 = arith.constant 20 : i32
          %get3A_3440 = arith.constant 0 : i32
          %get3A_3441 = arith.constant 0 : i32
          %get3A_3442 = arith.constant 0 : i32
          %get3A_3443 = tpu.memref_slice %run_scoped3A_50[%rem3A_670, %get3A_3440, %get3A_3441, %get3A_3442] : memref<2x8x24x256xf32, #tpu.memory_space<vmem>> -> memref<1x8x24x256xf32, #tpu.memory_space<vmem>>
          %get3A_3444 = tpu.memref_squeeze %get3A_3443 : memref<1x8x24x256xf32, #tpu.memory_space<vmem>> -> memref<8x24x256xf32, #tpu.memory_space<vmem>>
          %get3A_3445 = arith.index_cast %get3A_3438 : i32 to index
          %get3A_3446 = arith.index_cast %get3A_3439 : i32 to index
          %get3A_3447 = arith.index_cast %mul3A_1248 : i32 to index
          %get3A_3448 = tpu.vector_load %get3A_3444[%get3A_3445, %get3A_3446, %get3A_3447] {strides = array<i32>} : memref<8x24x256xf32, #tpu.memory_space<vmem>>, vector<16xf32>,
          %mul3A_3449 = arith.mulf %gather3A_3437, %get3A_3448 : vector<16xf32>
          %add3A_3450 = arith.addf %add3A_3382, %mul3A_3449 : vector<16xf32>
          %add3A_3451 = arith.constant 21 : i32
          %add3A_3452 = vector.broadcast %add3A_3451 : i32 to vector<16xi32>
          %add3A_3453 = arith.addi %mul3A_3077, %add3A_3452 : vector<16xi32>
          %gather3A_3454 = tpu.vector_load_idx %arg6[%add3A_3453] : memref<640xf32, #tpu.memory_space<vmem>>[vector<16xi32>], vector<16xf32>,
          %get3A_3455 = arith.constant 4 : i32
          %get3A_3456 = arith.constant 21 : i32
          %get3A_3457 = arith.constant 0 : i32
          %get3A_3458 = arith.constant 0 : i32
          %get3A_3459 = arith.constant 0 : i32
          %get3A_3460 = tpu.memref_slice %run_scoped3A_50[%rem3A_670, %get3A_3457, %get3A_3458, %get3A_3459] : memref<2x8x24x256xf32, #tpu.memory_space<vmem>> -> memref<1x8x24x256xf32, #tpu.memory_space<vmem>>
          %get3A_3461 = tpu.memref_squeeze %get3A_3460 : memref<1x8x24x256xf32, #tpu.memory_space<vmem>> -> memref<8x24x256xf32, #tpu.memory_space<vmem>>
          %get3A_3462 = arith.index_cast %get3A_3455 : i32 to index
          %get3A_3463 = arith.index_cast %get3A_3456 : i32 to index
          %get3A_3464 = arith.index_cast %mul3A_1248 : i32 to index
          %get3A_3465 = tpu.vector_load %get3A_3461[%get3A_3462, %get3A_3463, %get3A_3464] {strides = array<i32>} : memref<8x24x256xf32, #tpu.memory_space<vmem>>, vector<16xf32>,
          %mul3A_3466 = arith.mulf %gather3A_3454, %get3A_3465 : vector<16xf32>
          %add3A_3467 = arith.addf %add3A_3399, %mul3A_3466 : vector<16xf32>
          %add3A_3468 = arith.constant 22 : i32
          %add3A_3469 = vector.broadcast %add3A_3468 : i32 to vector<16xi32>
          %add3A_3470 = arith.addi %mul3A_3077, %add3A_3469 : vector<16xi32>
          %gather3A_3471 = tpu.vector_load_idx %arg6[%add3A_3470] : memref<640xf32, #tpu.memory_space<vmem>>[vector<16xi32>], vector<16xf32>,
          %get3A_3472 = arith.constant 4 : i32
          %get3A_3473 = arith.constant 22 : i32
          %get3A_3474 = arith.constant 0 : i32
          %get3A_3475 = arith.constant 0 : i32
          %get3A_3476 = arith.constant 0 : i32
          %get3A_3477 = tpu.memref_slice %run_scoped3A_50[%rem3A_670, %get3A_3474, %get3A_3475, %get3A_3476] : memref<2x8x24x256xf32, #tpu.memory_space<vmem>> -> memref<1x8x24x256xf32, #tpu.memory_space<vmem>>
          %get3A_3478 = tpu.memref_squeeze %get3A_3477 : memref<1x8x24x256xf32, #tpu.memory_space<vmem>> -> memref<8x24x256xf32, #tpu.memory_space<vmem>>
          %get3A_3479 = arith.index_cast %get3A_3472 : i32 to index
          %get3A_3480 = arith.index_cast %get3A_3473 : i32 to index
          %get3A_3481 = arith.index_cast %mul3A_1248 : i32 to index
          %get3A_3482 = tpu.vector_load %get3A_3478[%get3A_3479, %get3A_3480, %get3A_3481] {strides = array<i32>} : memref<8x24x256xf32, #tpu.memory_space<vmem>>, vector<16xf32>,
          %mul3A_3483 = arith.mulf %gather3A_3471, %get3A_3482 : vector<16xf32>
          %add3A_3484 = arith.addf %add3A_3416, %mul3A_3483 : vector<16xf32>
          %add3A_3485 = arith.constant 23 : i32
          %add3A_3486 = vector.broadcast %add3A_3485 : i32 to vector<16xi32>
          %add3A_3487 = arith.addi %mul3A_3077, %add3A_3486 : vector<16xi32>
          %gather3A_3488 = tpu.vector_load_idx %arg6[%add3A_3487] : memref<640xf32, #tpu.memory_space<vmem>>[vector<16xi32>], vector<16xf32>,
          %get3A_3489 = arith.constant 4 : i32
          %get3A_3490 = arith.constant 23 : i32
          %get3A_3491 = arith.constant 0 : i32
          %get3A_3492 = arith.constant 0 : i32
          %get3A_3493 = arith.constant 0 : i32
          %get3A_3494 = tpu.memref_slice %run_scoped3A_50[%rem3A_670, %get3A_3491, %get3A_3492, %get3A_3493] : memref<2x8x24x256xf32, #tpu.memory_space<vmem>> -> memref<1x8x24x256xf32, #tpu.memory_space<vmem>>
          %get3A_3495 = tpu.memref_squeeze %get3A_3494 : memref<1x8x24x256xf32, #tpu.memory_space<vmem>> -> memref<8x24x256xf32, #tpu.memory_space<vmem>>
          %get3A_3496 = arith.index_cast %get3A_3489 : i32 to index
          %get3A_3497 = arith.index_cast %get3A_3490 : i32 to index
          %get3A_3498 = arith.index_cast %mul3A_1248 : i32 to index
          %get3A_3499 = tpu.vector_load %get3A_3495[%get3A_3496, %get3A_3497, %get3A_3498] {strides = array<i32>} : memref<8x24x256xf32, #tpu.memory_space<vmem>>, vector<16xf32>,
          %mul3A_3500 = arith.mulf %gather3A_3488, %get3A_3499 : vector<16xf32>
          %add3A_3501 = arith.addf %add3A_3433, %mul3A_3500 : vector<16xf32>
          %swap3A_3502 = arith.constant 0 : i32
          %swap3A_3503 = arith.index_cast %swap3A_3502 : i32 to index
          %swap3A_3504 = arith.constant 0 : index
          %swap3A_3505 = tpu.vector_load %arg7[%swap3A_3503, %swap3A_3504] {strides = array<i32>} : memref<4x16xf32, #tpu.memory_space<vmem>>, vector<16xf32>,
          tpu.vector_store %arg7[%swap3A_3503, %swap3A_3504], %add3A_3450 {strides = array<i32>} : memref<4x16xf32, #tpu.memory_space<vmem>>, vector<16xf32>,
          %swap3A_3506 = arith.constant 1 : i32
          %swap3A_3507 = arith.index_cast %swap3A_3506 : i32 to index
          %swap3A_3508 = arith.constant 0 : index
          %swap3A_3509 = tpu.vector_load %arg7[%swap3A_3507, %swap3A_3508] {strides = array<i32>} : memref<4x16xf32, #tpu.memory_space<vmem>>, vector<16xf32>,
          tpu.vector_store %arg7[%swap3A_3507, %swap3A_3508], %add3A_3467 {strides = array<i32>} : memref<4x16xf32, #tpu.memory_space<vmem>>, vector<16xf32>,
          %swap3A_3510 = arith.constant 2 : i32
          %swap3A_3511 = arith.index_cast %swap3A_3510 : i32 to index
          %swap3A_3512 = arith.constant 0 : index
          %swap3A_3513 = tpu.vector_load %arg7[%swap3A_3511, %swap3A_3512] {strides = array<i32>} : memref<4x16xf32, #tpu.memory_space<vmem>>, vector<16xf32>,
          tpu.vector_store %arg7[%swap3A_3511, %swap3A_3512], %add3A_3484 {strides = array<i32>} : memref<4x16xf32, #tpu.memory_space<vmem>>, vector<16xf32>,
          %swap3A_3514 = arith.constant 3 : i32
          %swap3A_3515 = arith.index_cast %swap3A_3514 : i32 to index
          %swap3A_3516 = arith.constant 0 : index
          %swap3A_3517 = tpu.vector_load %arg7[%swap3A_3515, %swap3A_3516] {strides = array<i32>} : memref<4x16xf32, #tpu.memory_space<vmem>>, vector<16xf32>,
          tpu.vector_store %arg7[%swap3A_3515, %swap3A_3516], %add3A_3501 {strides = array<i32>} : memref<4x16xf32, #tpu.memory_space<vmem>>, vector<16xf32>,
          %get3A_3518 = arith.constant 0 : i32
          %get3A_3519 = arith.constant 5 : i32
          %get3A_3520 = arith.constant 0 : i32
          %get3A_3521 = arith.constant 0 : i32
          %get3A_3522 = arith.constant 0 : i32
          %get3A_3523 = tpu.memref_slice %run_scoped3A_48[%rem3A_668, %get3A_3520, %get3A_3521, %get3A_3522] : memref<2x1x8x256xi32, #tpu.memory_space<vmem>> -> memref<1x1x8x256xi32, #tpu.memory_space<vmem>>
          %get3A_3524 = tpu.memref_squeeze %get3A_3523 : memref<1x1x8x256xi32, #tpu.memory_space<vmem>> -> memref<1x8x256xi32, #tpu.memory_space<vmem>>
          %get3A_3525 = arith.index_cast %get3A_3518 : i32 to index
          %get3A_3526 = arith.index_cast %get3A_3519 : i32 to index
          %get3A_3527 = arith.index_cast %mul3A_1248 : i32 to index
          %get3A_3528 = tpu.vector_load %get3A_3524[%get3A_3525, %get3A_3526, %get3A_3527] {strides = array<i32>} : memref<1x8x256xi32, #tpu.memory_space<vmem>>, vector<16xi32>,
          %mul3A_3529 = arith.constant 25 : i32
          %mul3A_3530 = vector.broadcast %mul3A_3529 : i32 to vector<16xi32>
          %mul3A_3531 = arith.muli %get3A_3528, %mul3A_3530 : vector<16xi32>
          %get3A_3532 = arith.constant 0 : i32
          %get3A_3533 = arith.index_cast %get3A_3532 : i32 to index
          %get3A_3534 = arith.constant 0 : index
          %get3A_3535 = tpu.vector_load %arg7[%get3A_3533, %get3A_3534] {strides = array<i32>} : memref<4x16xf32, #tpu.memory_space<vmem>>, vector<16xf32>,
          %get3A_3536 = arith.constant 1 : i32
          %get3A_3537 = arith.index_cast %get3A_3536 : i32 to index
          %get3A_3538 = arith.constant 0 : index
          %get3A_3539 = tpu.vector_load %arg7[%get3A_3537, %get3A_3538] {strides = array<i32>} : memref<4x16xf32, #tpu.memory_space<vmem>>, vector<16xf32>,
          %get3A_3540 = arith.constant 2 : i32
          %get3A_3541 = arith.index_cast %get3A_3540 : i32 to index
          %get3A_3542 = arith.constant 0 : index
          %get3A_3543 = tpu.vector_load %arg7[%get3A_3541, %get3A_3542] {strides = array<i32>} : memref<4x16xf32, #tpu.memory_space<vmem>>, vector<16xf32>,
          %get3A_3544 = arith.constant 3 : i32
          %get3A_3545 = arith.index_cast %get3A_3544 : i32 to index
          %get3A_3546 = arith.constant 0 : index
          %get3A_3547 = tpu.vector_load %arg7[%get3A_3545, %get3A_3546] {strides = array<i32>} : memref<4x16xf32, #tpu.memory_space<vmem>>, vector<16xf32>,
          %add3A_3548 = arith.constant 0 : i32
          %add3A_3549 = vector.broadcast %add3A_3548 : i32 to vector<16xi32>
          %add3A_3550 = arith.addi %mul3A_3531, %add3A_3549 : vector<16xi32>
          %gather3A_3551 = tpu.vector_load_idx %arg6[%add3A_3550] : memref<640xf32, #tpu.memory_space<vmem>>[vector<16xi32>], vector<16xf32>,
          %get3A_3552 = arith.constant 5 : i32
          %get3A_3553 = arith.constant 0 : i32
          %get3A_3554 = arith.constant 0 : i32
          %get3A_3555 = arith.constant 0 : i32
          %get3A_3556 = arith.constant 0 : i32
          %get3A_3557 = tpu.memref_slice %run_scoped3A_50[%rem3A_670, %get3A_3554, %get3A_3555, %get3A_3556] : memref<2x8x24x256xf32, #tpu.memory_space<vmem>> -> memref<1x8x24x256xf32, #tpu.memory_space<vmem>>
          %get3A_3558 = tpu.memref_squeeze %get3A_3557 : memref<1x8x24x256xf32, #tpu.memory_space<vmem>> -> memref<8x24x256xf32, #tpu.memory_space<vmem>>
          %get3A_3559 = arith.index_cast %get3A_3552 : i32 to index
          %get3A_3560 = arith.index_cast %get3A_3553 : i32 to index
          %get3A_3561 = arith.index_cast %mul3A_1248 : i32 to index
          %get3A_3562 = tpu.vector_load %get3A_3558[%get3A_3559, %get3A_3560, %get3A_3561] {strides = array<i32>} : memref<8x24x256xf32, #tpu.memory_space<vmem>>, vector<16xf32>,
          %mul3A_3563 = arith.mulf %gather3A_3551, %get3A_3562 : vector<16xf32>
          %add3A_3564 = arith.addf %get3A_3535, %mul3A_3563 : vector<16xf32>
          %add3A_3565 = arith.constant 1 : i32
          %add3A_3566 = vector.broadcast %add3A_3565 : i32 to vector<16xi32>
          %add3A_3567 = arith.addi %mul3A_3531, %add3A_3566 : vector<16xi32>
          %gather3A_3568 = tpu.vector_load_idx %arg6[%add3A_3567] : memref<640xf32, #tpu.memory_space<vmem>>[vector<16xi32>], vector<16xf32>,
          %get3A_3569 = arith.constant 5 : i32
          %get3A_3570 = arith.constant 1 : i32
          %get3A_3571 = arith.constant 0 : i32
          %get3A_3572 = arith.constant 0 : i32
          %get3A_3573 = arith.constant 0 : i32
          %get3A_3574 = tpu.memref_slice %run_scoped3A_50[%rem3A_670, %get3A_3571, %get3A_3572, %get3A_3573] : memref<2x8x24x256xf32, #tpu.memory_space<vmem>> -> memref<1x8x24x256xf32, #tpu.memory_space<vmem>>
          %get3A_3575 = tpu.memref_squeeze %get3A_3574 : memref<1x8x24x256xf32, #tpu.memory_space<vmem>> -> memref<8x24x256xf32, #tpu.memory_space<vmem>>
          %get3A_3576 = arith.index_cast %get3A_3569 : i32 to index
          %get3A_3577 = arith.index_cast %get3A_3570 : i32 to index
          %get3A_3578 = arith.index_cast %mul3A_1248 : i32 to index
          %get3A_3579 = tpu.vector_load %get3A_3575[%get3A_3576, %get3A_3577, %get3A_3578] {strides = array<i32>} : memref<8x24x256xf32, #tpu.memory_space<vmem>>, vector<16xf32>,
          %mul3A_3580 = arith.mulf %gather3A_3568, %get3A_3579 : vector<16xf32>
          %add3A_3581 = arith.addf %get3A_3539, %mul3A_3580 : vector<16xf32>
          %add3A_3582 = arith.constant 2 : i32
          %add3A_3583 = vector.broadcast %add3A_3582 : i32 to vector<16xi32>
          %add3A_3584 = arith.addi %mul3A_3531, %add3A_3583 : vector<16xi32>
          %gather3A_3585 = tpu.vector_load_idx %arg6[%add3A_3584] : memref<640xf32, #tpu.memory_space<vmem>>[vector<16xi32>], vector<16xf32>,
          %get3A_3586 = arith.constant 5 : i32
          %get3A_3587 = arith.constant 2 : i32
          %get3A_3588 = arith.constant 0 : i32
          %get3A_3589 = arith.constant 0 : i32
          %get3A_3590 = arith.constant 0 : i32
          %get3A_3591 = tpu.memref_slice %run_scoped3A_50[%rem3A_670, %get3A_3588, %get3A_3589, %get3A_3590] : memref<2x8x24x256xf32, #tpu.memory_space<vmem>> -> memref<1x8x24x256xf32, #tpu.memory_space<vmem>>
          %get3A_3592 = tpu.memref_squeeze %get3A_3591 : memref<1x8x24x256xf32, #tpu.memory_space<vmem>> -> memref<8x24x256xf32, #tpu.memory_space<vmem>>
          %get3A_3593 = arith.index_cast %get3A_3586 : i32 to index
          %get3A_3594 = arith.index_cast %get3A_3587 : i32 to index
          %get3A_3595 = arith.index_cast %mul3A_1248 : i32 to index
          %get3A_3596 = tpu.vector_load %get3A_3592[%get3A_3593, %get3A_3594, %get3A_3595] {strides = array<i32>} : memref<8x24x256xf32, #tpu.memory_space<vmem>>, vector<16xf32>,
          %mul3A_3597 = arith.mulf %gather3A_3585, %get3A_3596 : vector<16xf32>
          %add3A_3598 = arith.addf %get3A_3543, %mul3A_3597 : vector<16xf32>
          %add3A_3599 = arith.constant 3 : i32
          %add3A_3600 = vector.broadcast %add3A_3599 : i32 to vector<16xi32>
          %add3A_3601 = arith.addi %mul3A_3531, %add3A_3600 : vector<16xi32>
          %gather3A_3602 = tpu.vector_load_idx %arg6[%add3A_3601] : memref<640xf32, #tpu.memory_space<vmem>>[vector<16xi32>], vector<16xf32>,
          %get3A_3603 = arith.constant 5 : i32
          %get3A_3604 = arith.constant 3 : i32
          %get3A_3605 = arith.constant 0 : i32
          %get3A_3606 = arith.constant 0 : i32
          %get3A_3607 = arith.constant 0 : i32
          %get3A_3608 = tpu.memref_slice %run_scoped3A_50[%rem3A_670, %get3A_3605, %get3A_3606, %get3A_3607] : memref<2x8x24x256xf32, #tpu.memory_space<vmem>> -> memref<1x8x24x256xf32, #tpu.memory_space<vmem>>
          %get3A_3609 = tpu.memref_squeeze %get3A_3608 : memref<1x8x24x256xf32, #tpu.memory_space<vmem>> -> memref<8x24x256xf32, #tpu.memory_space<vmem>>
          %get3A_3610 = arith.index_cast %get3A_3603 : i32 to index
          %get3A_3611 = arith.index_cast %get3A_3604 : i32 to index
          %get3A_3612 = arith.index_cast %mul3A_1248 : i32 to index
          %get3A_3613 = tpu.vector_load %get3A_3609[%get3A_3610, %get3A_3611, %get3A_3612] {strides = array<i32>} : memref<8x24x256xf32, #tpu.memory_space<vmem>>, vector<16xf32>,
          %mul3A_3614 = arith.mulf %gather3A_3602, %get3A_3613 : vector<16xf32>
          %add3A_3615 = arith.addf %get3A_3547, %mul3A_3614 : vector<16xf32>
          %add3A_3616 = arith.constant 4 : i32
          %add3A_3617 = vector.broadcast %add3A_3616 : i32 to vector<16xi32>
          %add3A_3618 = arith.addi %mul3A_3531, %add3A_3617 : vector<16xi32>
          %gather3A_3619 = tpu.vector_load_idx %arg6[%add3A_3618] : memref<640xf32, #tpu.memory_space<vmem>>[vector<16xi32>], vector<16xf32>,
          %get3A_3620 = arith.constant 5 : i32
          %get3A_3621 = arith.constant 4 : i32
          %get3A_3622 = arith.constant 0 : i32
          %get3A_3623 = arith.constant 0 : i32
          %get3A_3624 = arith.constant 0 : i32
          %get3A_3625 = tpu.memref_slice %run_scoped3A_50[%rem3A_670, %get3A_3622, %get3A_3623, %get3A_3624] : memref<2x8x24x256xf32, #tpu.memory_space<vmem>> -> memref<1x8x24x256xf32, #tpu.memory_space<vmem>>
          %get3A_3626 = tpu.memref_squeeze %get3A_3625 : memref<1x8x24x256xf32, #tpu.memory_space<vmem>> -> memref<8x24x256xf32, #tpu.memory_space<vmem>>
          %get3A_3627 = arith.index_cast %get3A_3620 : i32 to index
          %get3A_3628 = arith.index_cast %get3A_3621 : i32 to index
          %get3A_3629 = arith.index_cast %mul3A_1248 : i32 to index
          %get3A_3630 = tpu.vector_load %get3A_3626[%get3A_3627, %get3A_3628, %get3A_3629] {strides = array<i32>} : memref<8x24x256xf32, #tpu.memory_space<vmem>>, vector<16xf32>,
          %mul3A_3631 = arith.mulf %gather3A_3619, %get3A_3630 : vector<16xf32>
          %add3A_3632 = arith.addf %add3A_3564, %mul3A_3631 : vector<16xf32>
          %add3A_3633 = arith.constant 5 : i32
          %add3A_3634 = vector.broadcast %add3A_3633 : i32 to vector<16xi32>
          %add3A_3635 = arith.addi %mul3A_3531, %add3A_3634 : vector<16xi32>
          %gather3A_3636 = tpu.vector_load_idx %arg6[%add3A_3635] : memref<640xf32, #tpu.memory_space<vmem>>[vector<16xi32>], vector<16xf32>,
          %get3A_3637 = arith.constant 5 : i32
          %get3A_3638 = arith.constant 5 : i32
          %get3A_3639 = arith.constant 0 : i32
          %get3A_3640 = arith.constant 0 : i32
          %get3A_3641 = arith.constant 0 : i32
          %get3A_3642 = tpu.memref_slice %run_scoped3A_50[%rem3A_670, %get3A_3639, %get3A_3640, %get3A_3641] : memref<2x8x24x256xf32, #tpu.memory_space<vmem>> -> memref<1x8x24x256xf32, #tpu.memory_space<vmem>>
          %get3A_3643 = tpu.memref_squeeze %get3A_3642 : memref<1x8x24x256xf32, #tpu.memory_space<vmem>> -> memref<8x24x256xf32, #tpu.memory_space<vmem>>
          %get3A_3644 = arith.index_cast %get3A_3637 : i32 to index
          %get3A_3645 = arith.index_cast %get3A_3638 : i32 to index
          %get3A_3646 = arith.index_cast %mul3A_1248 : i32 to index
          %get3A_3647 = tpu.vector_load %get3A_3643[%get3A_3644, %get3A_3645, %get3A_3646] {strides = array<i32>} : memref<8x24x256xf32, #tpu.memory_space<vmem>>, vector<16xf32>,
          %mul3A_3648 = arith.mulf %gather3A_3636, %get3A_3647 : vector<16xf32>
          %add3A_3649 = arith.addf %add3A_3581, %mul3A_3648 : vector<16xf32>
          %add3A_3650 = arith.constant 6 : i32
          %add3A_3651 = vector.broadcast %add3A_3650 : i32 to vector<16xi32>
          %add3A_3652 = arith.addi %mul3A_3531, %add3A_3651 : vector<16xi32>
          %gather3A_3653 = tpu.vector_load_idx %arg6[%add3A_3652] : memref<640xf32, #tpu.memory_space<vmem>>[vector<16xi32>], vector<16xf32>,
          %get3A_3654 = arith.constant 5 : i32
          %get3A_3655 = arith.constant 6 : i32
          %get3A_3656 = arith.constant 0 : i32
          %get3A_3657 = arith.constant 0 : i32
          %get3A_3658 = arith.constant 0 : i32
          %get3A_3659 = tpu.memref_slice %run_scoped3A_50[%rem3A_670, %get3A_3656, %get3A_3657, %get3A_3658] : memref<2x8x24x256xf32, #tpu.memory_space<vmem>> -> memref<1x8x24x256xf32, #tpu.memory_space<vmem>>
          %get3A_3660 = tpu.memref_squeeze %get3A_3659 : memref<1x8x24x256xf32, #tpu.memory_space<vmem>> -> memref<8x24x256xf32, #tpu.memory_space<vmem>>
          %get3A_3661 = arith.index_cast %get3A_3654 : i32 to index
          %get3A_3662 = arith.index_cast %get3A_3655 : i32 to index
          %get3A_3663 = arith.index_cast %mul3A_1248 : i32 to index
          %get3A_3664 = tpu.vector_load %get3A_3660[%get3A_3661, %get3A_3662, %get3A_3663] {strides = array<i32>} : memref<8x24x256xf32, #tpu.memory_space<vmem>>, vector<16xf32>,
          %mul3A_3665 = arith.mulf %gather3A_3653, %get3A_3664 : vector<16xf32>
          %add3A_3666 = arith.addf %add3A_3598, %mul3A_3665 : vector<16xf32>
          %add3A_3667 = arith.constant 7 : i32
          %add3A_3668 = vector.broadcast %add3A_3667 : i32 to vector<16xi32>
          %add3A_3669 = arith.addi %mul3A_3531, %add3A_3668 : vector<16xi32>
          %gather3A_3670 = tpu.vector_load_idx %arg6[%add3A_3669] : memref<640xf32, #tpu.memory_space<vmem>>[vector<16xi32>], vector<16xf32>,
          %get3A_3671 = arith.constant 5 : i32
          %get3A_3672 = arith.constant 7 : i32
          %get3A_3673 = arith.constant 0 : i32
          %get3A_3674 = arith.constant 0 : i32
          %get3A_3675 = arith.constant 0 : i32
          %get3A_3676 = tpu.memref_slice %run_scoped3A_50[%rem3A_670, %get3A_3673, %get3A_3674, %get3A_3675] : memref<2x8x24x256xf32, #tpu.memory_space<vmem>> -> memref<1x8x24x256xf32, #tpu.memory_space<vmem>>
          %get3A_3677 = tpu.memref_squeeze %get3A_3676 : memref<1x8x24x256xf32, #tpu.memory_space<vmem>> -> memref<8x24x256xf32, #tpu.memory_space<vmem>>
          %get3A_3678 = arith.index_cast %get3A_3671 : i32 to index
          %get3A_3679 = arith.index_cast %get3A_3672 : i32 to index
          %get3A_3680 = arith.index_cast %mul3A_1248 : i32 to index
          %get3A_3681 = tpu.vector_load %get3A_3677[%get3A_3678, %get3A_3679, %get3A_3680] {strides = array<i32>} : memref<8x24x256xf32, #tpu.memory_space<vmem>>, vector<16xf32>,
          %mul3A_3682 = arith.mulf %gather3A_3670, %get3A_3681 : vector<16xf32>
          %add3A_3683 = arith.addf %add3A_3615, %mul3A_3682 : vector<16xf32>
          %add3A_3684 = arith.constant 8 : i32
          %add3A_3685 = vector.broadcast %add3A_3684 : i32 to vector<16xi32>
          %add3A_3686 = arith.addi %mul3A_3531, %add3A_3685 : vector<16xi32>
          %gather3A_3687 = tpu.vector_load_idx %arg6[%add3A_3686] : memref<640xf32, #tpu.memory_space<vmem>>[vector<16xi32>], vector<16xf32>,
          %get3A_3688 = arith.constant 5 : i32
          %get3A_3689 = arith.constant 8 : i32
          %get3A_3690 = arith.constant 0 : i32
          %get3A_3691 = arith.constant 0 : i32
          %get3A_3692 = arith.constant 0 : i32
          %get3A_3693 = tpu.memref_slice %run_scoped3A_50[%rem3A_670, %get3A_3690, %get3A_3691, %get3A_3692] : memref<2x8x24x256xf32, #tpu.memory_space<vmem>> -> memref<1x8x24x256xf32, #tpu.memory_space<vmem>>
          %get3A_3694 = tpu.memref_squeeze %get3A_3693 : memref<1x8x24x256xf32, #tpu.memory_space<vmem>> -> memref<8x24x256xf32, #tpu.memory_space<vmem>>
          %get3A_3695 = arith.index_cast %get3A_3688 : i32 to index
          %get3A_3696 = arith.index_cast %get3A_3689 : i32 to index
          %get3A_3697 = arith.index_cast %mul3A_1248 : i32 to index
          %get3A_3698 = tpu.vector_load %get3A_3694[%get3A_3695, %get3A_3696, %get3A_3697] {strides = array<i32>} : memref<8x24x256xf32, #tpu.memory_space<vmem>>, vector<16xf32>,
          %mul3A_3699 = arith.mulf %gather3A_3687, %get3A_3698 : vector<16xf32>
          %add3A_3700 = arith.addf %add3A_3632, %mul3A_3699 : vector<16xf32>
          %add3A_3701 = arith.constant 9 : i32
          %add3A_3702 = vector.broadcast %add3A_3701 : i32 to vector<16xi32>
          %add3A_3703 = arith.addi %mul3A_3531, %add3A_3702 : vector<16xi32>
          %gather3A_3704 = tpu.vector_load_idx %arg6[%add3A_3703] : memref<640xf32, #tpu.memory_space<vmem>>[vector<16xi32>], vector<16xf32>,
          %get3A_3705 = arith.constant 5 : i32
          %get3A_3706 = arith.constant 9 : i32
          %get3A_3707 = arith.constant 0 : i32
          %get3A_3708 = arith.constant 0 : i32
          %get3A_3709 = arith.constant 0 : i32
          %get3A_3710 = tpu.memref_slice %run_scoped3A_50[%rem3A_670, %get3A_3707, %get3A_3708, %get3A_3709] : memref<2x8x24x256xf32, #tpu.memory_space<vmem>> -> memref<1x8x24x256xf32, #tpu.memory_space<vmem>>
          %get3A_3711 = tpu.memref_squeeze %get3A_3710 : memref<1x8x24x256xf32, #tpu.memory_space<vmem>> -> memref<8x24x256xf32, #tpu.memory_space<vmem>>
          %get3A_3712 = arith.index_cast %get3A_3705 : i32 to index
          %get3A_3713 = arith.index_cast %get3A_3706 : i32 to index
          %get3A_3714 = arith.index_cast %mul3A_1248 : i32 to index
          %get3A_3715 = tpu.vector_load %get3A_3711[%get3A_3712, %get3A_3713, %get3A_3714] {strides = array<i32>} : memref<8x24x256xf32, #tpu.memory_space<vmem>>, vector<16xf32>,
          %mul3A_3716 = arith.mulf %gather3A_3704, %get3A_3715 : vector<16xf32>
          %add3A_3717 = arith.addf %add3A_3649, %mul3A_3716 : vector<16xf32>
          %add3A_3718 = arith.constant 10 : i32
          %add3A_3719 = vector.broadcast %add3A_3718 : i32 to vector<16xi32>
          %add3A_3720 = arith.addi %mul3A_3531, %add3A_3719 : vector<16xi32>
          %gather3A_3721 = tpu.vector_load_idx %arg6[%add3A_3720] : memref<640xf32, #tpu.memory_space<vmem>>[vector<16xi32>], vector<16xf32>,
          %get3A_3722 = arith.constant 5 : i32
          %get3A_3723 = arith.constant 10 : i32
          %get3A_3724 = arith.constant 0 : i32
          %get3A_3725 = arith.constant 0 : i32
          %get3A_3726 = arith.constant 0 : i32
          %get3A_3727 = tpu.memref_slice %run_scoped3A_50[%rem3A_670, %get3A_3724, %get3A_3725, %get3A_3726] : memref<2x8x24x256xf32, #tpu.memory_space<vmem>> -> memref<1x8x24x256xf32, #tpu.memory_space<vmem>>
          %get3A_3728 = tpu.memref_squeeze %get3A_3727 : memref<1x8x24x256xf32, #tpu.memory_space<vmem>> -> memref<8x24x256xf32, #tpu.memory_space<vmem>>
          %get3A_3729 = arith.index_cast %get3A_3722 : i32 to index
          %get3A_3730 = arith.index_cast %get3A_3723 : i32 to index
          %get3A_3731 = arith.index_cast %mul3A_1248 : i32 to index
          %get3A_3732 = tpu.vector_load %get3A_3728[%get3A_3729, %get3A_3730, %get3A_3731] {strides = array<i32>} : memref<8x24x256xf32, #tpu.memory_space<vmem>>, vector<16xf32>,
          %mul3A_3733 = arith.mulf %gather3A_3721, %get3A_3732 : vector<16xf32>
          %add3A_3734 = arith.addf %add3A_3666, %mul3A_3733 : vector<16xf32>
          %add3A_3735 = arith.constant 11 : i32
          %add3A_3736 = vector.broadcast %add3A_3735 : i32 to vector<16xi32>
          %add3A_3737 = arith.addi %mul3A_3531, %add3A_3736 : vector<16xi32>
          %gather3A_3738 = tpu.vector_load_idx %arg6[%add3A_3737] : memref<640xf32, #tpu.memory_space<vmem>>[vector<16xi32>], vector<16xf32>,
          %get3A_3739 = arith.constant 5 : i32
          %get3A_3740 = arith.constant 11 : i32
          %get3A_3741 = arith.constant 0 : i32
          %get3A_3742 = arith.constant 0 : i32
          %get3A_3743 = arith.constant 0 : i32
          %get3A_3744 = tpu.memref_slice %run_scoped3A_50[%rem3A_670, %get3A_3741, %get3A_3742, %get3A_3743] : memref<2x8x24x256xf32, #tpu.memory_space<vmem>> -> memref<1x8x24x256xf32, #tpu.memory_space<vmem>>
          %get3A_3745 = tpu.memref_squeeze %get3A_3744 : memref<1x8x24x256xf32, #tpu.memory_space<vmem>> -> memref<8x24x256xf32, #tpu.memory_space<vmem>>
          %get3A_3746 = arith.index_cast %get3A_3739 : i32 to index
          %get3A_3747 = arith.index_cast %get3A_3740 : i32 to index
          %get3A_3748 = arith.index_cast %mul3A_1248 : i32 to index
          %get3A_3749 = tpu.vector_load %get3A_3745[%get3A_3746, %get3A_3747, %get3A_3748] {strides = array<i32>} : memref<8x24x256xf32, #tpu.memory_space<vmem>>, vector<16xf32>,
          %mul3A_3750 = arith.mulf %gather3A_3738, %get3A_3749 : vector<16xf32>
          %add3A_3751 = arith.addf %add3A_3683, %mul3A_3750 : vector<16xf32>
          %add3A_3752 = arith.constant 12 : i32
          %add3A_3753 = vector.broadcast %add3A_3752 : i32 to vector<16xi32>
          %add3A_3754 = arith.addi %mul3A_3531, %add3A_3753 : vector<16xi32>
          %gather3A_3755 = tpu.vector_load_idx %arg6[%add3A_3754] : memref<640xf32, #tpu.memory_space<vmem>>[vector<16xi32>], vector<16xf32>,
          %get3A_3756 = arith.constant 5 : i32
          %get3A_3757 = arith.constant 12 : i32
          %get3A_3758 = arith.constant 0 : i32
          %get3A_3759 = arith.constant 0 : i32
          %get3A_3760 = arith.constant 0 : i32
          %get3A_3761 = tpu.memref_slice %run_scoped3A_50[%rem3A_670, %get3A_3758, %get3A_3759, %get3A_3760] : memref<2x8x24x256xf32, #tpu.memory_space<vmem>> -> memref<1x8x24x256xf32, #tpu.memory_space<vmem>>
          %get3A_3762 = tpu.memref_squeeze %get3A_3761 : memref<1x8x24x256xf32, #tpu.memory_space<vmem>> -> memref<8x24x256xf32, #tpu.memory_space<vmem>>
          %get3A_3763 = arith.index_cast %get3A_3756 : i32 to index
          %get3A_3764 = arith.index_cast %get3A_3757 : i32 to index
          %get3A_3765 = arith.index_cast %mul3A_1248 : i32 to index
          %get3A_3766 = tpu.vector_load %get3A_3762[%get3A_3763, %get3A_3764, %get3A_3765] {strides = array<i32>} : memref<8x24x256xf32, #tpu.memory_space<vmem>>, vector<16xf32>,
          %mul3A_3767 = arith.mulf %gather3A_3755, %get3A_3766 : vector<16xf32>
          %add3A_3768 = arith.addf %add3A_3700, %mul3A_3767 : vector<16xf32>
          %add3A_3769 = arith.constant 13 : i32
          %add3A_3770 = vector.broadcast %add3A_3769 : i32 to vector<16xi32>
          %add3A_3771 = arith.addi %mul3A_3531, %add3A_3770 : vector<16xi32>
          %gather3A_3772 = tpu.vector_load_idx %arg6[%add3A_3771] : memref<640xf32, #tpu.memory_space<vmem>>[vector<16xi32>], vector<16xf32>,
          %get3A_3773 = arith.constant 5 : i32
          %get3A_3774 = arith.constant 13 : i32
          %get3A_3775 = arith.constant 0 : i32
          %get3A_3776 = arith.constant 0 : i32
          %get3A_3777 = arith.constant 0 : i32
          %get3A_3778 = tpu.memref_slice %run_scoped3A_50[%rem3A_670, %get3A_3775, %get3A_3776, %get3A_3777] : memref<2x8x24x256xf32, #tpu.memory_space<vmem>> -> memref<1x8x24x256xf32, #tpu.memory_space<vmem>>
          %get3A_3779 = tpu.memref_squeeze %get3A_3778 : memref<1x8x24x256xf32, #tpu.memory_space<vmem>> -> memref<8x24x256xf32, #tpu.memory_space<vmem>>
          %get3A_3780 = arith.index_cast %get3A_3773 : i32 to index
          %get3A_3781 = arith.index_cast %get3A_3774 : i32 to index
          %get3A_3782 = arith.index_cast %mul3A_1248 : i32 to index
          %get3A_3783 = tpu.vector_load %get3A_3779[%get3A_3780, %get3A_3781, %get3A_3782] {strides = array<i32>} : memref<8x24x256xf32, #tpu.memory_space<vmem>>, vector<16xf32>,
          %mul3A_3784 = arith.mulf %gather3A_3772, %get3A_3783 : vector<16xf32>
          %add3A_3785 = arith.addf %add3A_3717, %mul3A_3784 : vector<16xf32>
          %add3A_3786 = arith.constant 14 : i32
          %add3A_3787 = vector.broadcast %add3A_3786 : i32 to vector<16xi32>
          %add3A_3788 = arith.addi %mul3A_3531, %add3A_3787 : vector<16xi32>
          %gather3A_3789 = tpu.vector_load_idx %arg6[%add3A_3788] : memref<640xf32, #tpu.memory_space<vmem>>[vector<16xi32>], vector<16xf32>,
          %get3A_3790 = arith.constant 5 : i32
          %get3A_3791 = arith.constant 14 : i32
          %get3A_3792 = arith.constant 0 : i32
          %get3A_3793 = arith.constant 0 : i32
          %get3A_3794 = arith.constant 0 : i32
          %get3A_3795 = tpu.memref_slice %run_scoped3A_50[%rem3A_670, %get3A_3792, %get3A_3793, %get3A_3794] : memref<2x8x24x256xf32, #tpu.memory_space<vmem>> -> memref<1x8x24x256xf32, #tpu.memory_space<vmem>>
          %get3A_3796 = tpu.memref_squeeze %get3A_3795 : memref<1x8x24x256xf32, #tpu.memory_space<vmem>> -> memref<8x24x256xf32, #tpu.memory_space<vmem>>
          %get3A_3797 = arith.index_cast %get3A_3790 : i32 to index
          %get3A_3798 = arith.index_cast %get3A_3791 : i32 to index
          %get3A_3799 = arith.index_cast %mul3A_1248 : i32 to index
          %get3A_3800 = tpu.vector_load %get3A_3796[%get3A_3797, %get3A_3798, %get3A_3799] {strides = array<i32>} : memref<8x24x256xf32, #tpu.memory_space<vmem>>, vector<16xf32>,
          %mul3A_3801 = arith.mulf %gather3A_3789, %get3A_3800 : vector<16xf32>
          %add3A_3802 = arith.addf %add3A_3734, %mul3A_3801 : vector<16xf32>
          %add3A_3803 = arith.constant 15 : i32
          %add3A_3804 = vector.broadcast %add3A_3803 : i32 to vector<16xi32>
          %add3A_3805 = arith.addi %mul3A_3531, %add3A_3804 : vector<16xi32>
          %gather3A_3806 = tpu.vector_load_idx %arg6[%add3A_3805] : memref<640xf32, #tpu.memory_space<vmem>>[vector<16xi32>], vector<16xf32>,
          %get3A_3807 = arith.constant 5 : i32
          %get3A_3808 = arith.constant 15 : i32
          %get3A_3809 = arith.constant 0 : i32
          %get3A_3810 = arith.constant 0 : i32
          %get3A_3811 = arith.constant 0 : i32
          %get3A_3812 = tpu.memref_slice %run_scoped3A_50[%rem3A_670, %get3A_3809, %get3A_3810, %get3A_3811] : memref<2x8x24x256xf32, #tpu.memory_space<vmem>> -> memref<1x8x24x256xf32, #tpu.memory_space<vmem>>
          %get3A_3813 = tpu.memref_squeeze %get3A_3812 : memref<1x8x24x256xf32, #tpu.memory_space<vmem>> -> memref<8x24x256xf32, #tpu.memory_space<vmem>>
          %get3A_3814 = arith.index_cast %get3A_3807 : i32 to index
          %get3A_3815 = arith.index_cast %get3A_3808 : i32 to index
          %get3A_3816 = arith.index_cast %mul3A_1248 : i32 to index
          %get3A_3817 = tpu.vector_load %get3A_3813[%get3A_3814, %get3A_3815, %get3A_3816] {strides = array<i32>} : memref<8x24x256xf32, #tpu.memory_space<vmem>>, vector<16xf32>,
          %mul3A_3818 = arith.mulf %gather3A_3806, %get3A_3817 : vector<16xf32>
          %add3A_3819 = arith.addf %add3A_3751, %mul3A_3818 : vector<16xf32>
          %add3A_3820 = arith.constant 16 : i32
          %add3A_3821 = vector.broadcast %add3A_3820 : i32 to vector<16xi32>
          %add3A_3822 = arith.addi %mul3A_3531, %add3A_3821 : vector<16xi32>
          %gather3A_3823 = tpu.vector_load_idx %arg6[%add3A_3822] : memref<640xf32, #tpu.memory_space<vmem>>[vector<16xi32>], vector<16xf32>,
          %get3A_3824 = arith.constant 5 : i32
          %get3A_3825 = arith.constant 16 : i32
          %get3A_3826 = arith.constant 0 : i32
          %get3A_3827 = arith.constant 0 : i32
          %get3A_3828 = arith.constant 0 : i32
          %get3A_3829 = tpu.memref_slice %run_scoped3A_50[%rem3A_670, %get3A_3826, %get3A_3827, %get3A_3828] : memref<2x8x24x256xf32, #tpu.memory_space<vmem>> -> memref<1x8x24x256xf32, #tpu.memory_space<vmem>>
          %get3A_3830 = tpu.memref_squeeze %get3A_3829 : memref<1x8x24x256xf32, #tpu.memory_space<vmem>> -> memref<8x24x256xf32, #tpu.memory_space<vmem>>
          %get3A_3831 = arith.index_cast %get3A_3824 : i32 to index
          %get3A_3832 = arith.index_cast %get3A_3825 : i32 to index
          %get3A_3833 = arith.index_cast %mul3A_1248 : i32 to index
          %get3A_3834 = tpu.vector_load %get3A_3830[%get3A_3831, %get3A_3832, %get3A_3833] {strides = array<i32>} : memref<8x24x256xf32, #tpu.memory_space<vmem>>, vector<16xf32>,
          %mul3A_3835 = arith.mulf %gather3A_3823, %get3A_3834 : vector<16xf32>
          %add3A_3836 = arith.addf %add3A_3768, %mul3A_3835 : vector<16xf32>
          %add3A_3837 = arith.constant 17 : i32
          %add3A_3838 = vector.broadcast %add3A_3837 : i32 to vector<16xi32>
          %add3A_3839 = arith.addi %mul3A_3531, %add3A_3838 : vector<16xi32>
          %gather3A_3840 = tpu.vector_load_idx %arg6[%add3A_3839] : memref<640xf32, #tpu.memory_space<vmem>>[vector<16xi32>], vector<16xf32>,
          %get3A_3841 = arith.constant 5 : i32
          %get3A_3842 = arith.constant 17 : i32
          %get3A_3843 = arith.constant 0 : i32
          %get3A_3844 = arith.constant 0 : i32
          %get3A_3845 = arith.constant 0 : i32
          %get3A_3846 = tpu.memref_slice %run_scoped3A_50[%rem3A_670, %get3A_3843, %get3A_3844, %get3A_3845] : memref<2x8x24x256xf32, #tpu.memory_space<vmem>> -> memref<1x8x24x256xf32, #tpu.memory_space<vmem>>
          %get3A_3847 = tpu.memref_squeeze %get3A_3846 : memref<1x8x24x256xf32, #tpu.memory_space<vmem>> -> memref<8x24x256xf32, #tpu.memory_space<vmem>>
          %get3A_3848 = arith.index_cast %get3A_3841 : i32 to index
          %get3A_3849 = arith.index_cast %get3A_3842 : i32 to index
          %get3A_3850 = arith.index_cast %mul3A_1248 : i32 to index
          %get3A_3851 = tpu.vector_load %get3A_3847[%get3A_3848, %get3A_3849, %get3A_3850] {strides = array<i32>} : memref<8x24x256xf32, #tpu.memory_space<vmem>>, vector<16xf32>,
          %mul3A_3852 = arith.mulf %gather3A_3840, %get3A_3851 : vector<16xf32>
          %add3A_3853 = arith.addf %add3A_3785, %mul3A_3852 : vector<16xf32>
          %add3A_3854 = arith.constant 18 : i32
          %add3A_3855 = vector.broadcast %add3A_3854 : i32 to vector<16xi32>
          %add3A_3856 = arith.addi %mul3A_3531, %add3A_3855 : vector<16xi32>
          %gather3A_3857 = tpu.vector_load_idx %arg6[%add3A_3856] : memref<640xf32, #tpu.memory_space<vmem>>[vector<16xi32>], vector<16xf32>,
          %get3A_3858 = arith.constant 5 : i32
          %get3A_3859 = arith.constant 18 : i32
          %get3A_3860 = arith.constant 0 : i32
          %get3A_3861 = arith.constant 0 : i32
          %get3A_3862 = arith.constant 0 : i32
          %get3A_3863 = tpu.memref_slice %run_scoped3A_50[%rem3A_670, %get3A_3860, %get3A_3861, %get3A_3862] : memref<2x8x24x256xf32, #tpu.memory_space<vmem>> -> memref<1x8x24x256xf32, #tpu.memory_space<vmem>>
          %get3A_3864 = tpu.memref_squeeze %get3A_3863 : memref<1x8x24x256xf32, #tpu.memory_space<vmem>> -> memref<8x24x256xf32, #tpu.memory_space<vmem>>
          %get3A_3865 = arith.index_cast %get3A_3858 : i32 to index
          %get3A_3866 = arith.index_cast %get3A_3859 : i32 to index
          %get3A_3867 = arith.index_cast %mul3A_1248 : i32 to index
          %get3A_3868 = tpu.vector_load %get3A_3864[%get3A_3865, %get3A_3866, %get3A_3867] {strides = array<i32>} : memref<8x24x256xf32, #tpu.memory_space<vmem>>, vector<16xf32>,
          %mul3A_3869 = arith.mulf %gather3A_3857, %get3A_3868 : vector<16xf32>
          %add3A_3870 = arith.addf %add3A_3802, %mul3A_3869 : vector<16xf32>
          %add3A_3871 = arith.constant 19 : i32
          %add3A_3872 = vector.broadcast %add3A_3871 : i32 to vector<16xi32>
          %add3A_3873 = arith.addi %mul3A_3531, %add3A_3872 : vector<16xi32>
          %gather3A_3874 = tpu.vector_load_idx %arg6[%add3A_3873] : memref<640xf32, #tpu.memory_space<vmem>>[vector<16xi32>], vector<16xf32>,
          %get3A_3875 = arith.constant 5 : i32
          %get3A_3876 = arith.constant 19 : i32
          %get3A_3877 = arith.constant 0 : i32
          %get3A_3878 = arith.constant 0 : i32
          %get3A_3879 = arith.constant 0 : i32
          %get3A_3880 = tpu.memref_slice %run_scoped3A_50[%rem3A_670, %get3A_3877, %get3A_3878, %get3A_3879] : memref<2x8x24x256xf32, #tpu.memory_space<vmem>> -> memref<1x8x24x256xf32, #tpu.memory_space<vmem>>
          %get3A_3881 = tpu.memref_squeeze %get3A_3880 : memref<1x8x24x256xf32, #tpu.memory_space<vmem>> -> memref<8x24x256xf32, #tpu.memory_space<vmem>>
          %get3A_3882 = arith.index_cast %get3A_3875 : i32 to index
          %get3A_3883 = arith.index_cast %get3A_3876 : i32 to index
          %get3A_3884 = arith.index_cast %mul3A_1248 : i32 to index
          %get3A_3885 = tpu.vector_load %get3A_3881[%get3A_3882, %get3A_3883, %get3A_3884] {strides = array<i32>} : memref<8x24x256xf32, #tpu.memory_space<vmem>>, vector<16xf32>,
          %mul3A_3886 = arith.mulf %gather3A_3874, %get3A_3885 : vector<16xf32>
          %add3A_3887 = arith.addf %add3A_3819, %mul3A_3886 : vector<16xf32>
          %add3A_3888 = arith.constant 20 : i32
          %add3A_3889 = vector.broadcast %add3A_3888 : i32 to vector<16xi32>
          %add3A_3890 = arith.addi %mul3A_3531, %add3A_3889 : vector<16xi32>
          %gather3A_3891 = tpu.vector_load_idx %arg6[%add3A_3890] : memref<640xf32, #tpu.memory_space<vmem>>[vector<16xi32>], vector<16xf32>,
          %get3A_3892 = arith.constant 5 : i32
          %get3A_3893 = arith.constant 20 : i32
          %get3A_3894 = arith.constant 0 : i32
          %get3A_3895 = arith.constant 0 : i32
          %get3A_3896 = arith.constant 0 : i32
          %get3A_3897 = tpu.memref_slice %run_scoped3A_50[%rem3A_670, %get3A_3894, %get3A_3895, %get3A_3896] : memref<2x8x24x256xf32, #tpu.memory_space<vmem>> -> memref<1x8x24x256xf32, #tpu.memory_space<vmem>>
          %get3A_3898 = tpu.memref_squeeze %get3A_3897 : memref<1x8x24x256xf32, #tpu.memory_space<vmem>> -> memref<8x24x256xf32, #tpu.memory_space<vmem>>
          %get3A_3899 = arith.index_cast %get3A_3892 : i32 to index
          %get3A_3900 = arith.index_cast %get3A_3893 : i32 to index
          %get3A_3901 = arith.index_cast %mul3A_1248 : i32 to index
          %get3A_3902 = tpu.vector_load %get3A_3898[%get3A_3899, %get3A_3900, %get3A_3901] {strides = array<i32>} : memref<8x24x256xf32, #tpu.memory_space<vmem>>, vector<16xf32>,
          %mul3A_3903 = arith.mulf %gather3A_3891, %get3A_3902 : vector<16xf32>
          %add3A_3904 = arith.addf %add3A_3836, %mul3A_3903 : vector<16xf32>
          %add3A_3905 = arith.constant 21 : i32
          %add3A_3906 = vector.broadcast %add3A_3905 : i32 to vector<16xi32>
          %add3A_3907 = arith.addi %mul3A_3531, %add3A_3906 : vector<16xi32>
          %gather3A_3908 = tpu.vector_load_idx %arg6[%add3A_3907] : memref<640xf32, #tpu.memory_space<vmem>>[vector<16xi32>], vector<16xf32>,
          %get3A_3909 = arith.constant 5 : i32
          %get3A_3910 = arith.constant 21 : i32
          %get3A_3911 = arith.constant 0 : i32
          %get3A_3912 = arith.constant 0 : i32
          %get3A_3913 = arith.constant 0 : i32
          %get3A_3914 = tpu.memref_slice %run_scoped3A_50[%rem3A_670, %get3A_3911, %get3A_3912, %get3A_3913] : memref<2x8x24x256xf32, #tpu.memory_space<vmem>> -> memref<1x8x24x256xf32, #tpu.memory_space<vmem>>
          %get3A_3915 = tpu.memref_squeeze %get3A_3914 : memref<1x8x24x256xf32, #tpu.memory_space<vmem>> -> memref<8x24x256xf32, #tpu.memory_space<vmem>>
          %get3A_3916 = arith.index_cast %get3A_3909 : i32 to index
          %get3A_3917 = arith.index_cast %get3A_3910 : i32 to index
          %get3A_3918 = arith.index_cast %mul3A_1248 : i32 to index
          %get3A_3919 = tpu.vector_load %get3A_3915[%get3A_3916, %get3A_3917, %get3A_3918] {strides = array<i32>} : memref<8x24x256xf32, #tpu.memory_space<vmem>>, vector<16xf32>,
          %mul3A_3920 = arith.mulf %gather3A_3908, %get3A_3919 : vector<16xf32>
          %add3A_3921 = arith.addf %add3A_3853, %mul3A_3920 : vector<16xf32>
          %add3A_3922 = arith.constant 22 : i32
          %add3A_3923 = vector.broadcast %add3A_3922 : i32 to vector<16xi32>
          %add3A_3924 = arith.addi %mul3A_3531, %add3A_3923 : vector<16xi32>
          %gather3A_3925 = tpu.vector_load_idx %arg6[%add3A_3924] : memref<640xf32, #tpu.memory_space<vmem>>[vector<16xi32>], vector<16xf32>,
          %get3A_3926 = arith.constant 5 : i32
          %get3A_3927 = arith.constant 22 : i32
          %get3A_3928 = arith.constant 0 : i32
          %get3A_3929 = arith.constant 0 : i32
          %get3A_3930 = arith.constant 0 : i32
          %get3A_3931 = tpu.memref_slice %run_scoped3A_50[%rem3A_670, %get3A_3928, %get3A_3929, %get3A_3930] : memref<2x8x24x256xf32, #tpu.memory_space<vmem>> -> memref<1x8x24x256xf32, #tpu.memory_space<vmem>>
          %get3A_3932 = tpu.memref_squeeze %get3A_3931 : memref<1x8x24x256xf32, #tpu.memory_space<vmem>> -> memref<8x24x256xf32, #tpu.memory_space<vmem>>
          %get3A_3933 = arith.index_cast %get3A_3926 : i32 to index
          %get3A_3934 = arith.index_cast %get3A_3927 : i32 to index
          %get3A_3935 = arith.index_cast %mul3A_1248 : i32 to index
          %get3A_3936 = tpu.vector_load %get3A_3932[%get3A_3933, %get3A_3934, %get3A_3935] {strides = array<i32>} : memref<8x24x256xf32, #tpu.memory_space<vmem>>, vector<16xf32>,
          %mul3A_3937 = arith.mulf %gather3A_3925, %get3A_3936 : vector<16xf32>
          %add3A_3938 = arith.addf %add3A_3870, %mul3A_3937 : vector<16xf32>
          %add3A_3939 = arith.constant 23 : i32
          %add3A_3940 = vector.broadcast %add3A_3939 : i32 to vector<16xi32>
          %add3A_3941 = arith.addi %mul3A_3531, %add3A_3940 : vector<16xi32>
          %gather3A_3942 = tpu.vector_load_idx %arg6[%add3A_3941] : memref<640xf32, #tpu.memory_space<vmem>>[vector<16xi32>], vector<16xf32>,
          %get3A_3943 = arith.constant 5 : i32
          %get3A_3944 = arith.constant 23 : i32
          %get3A_3945 = arith.constant 0 : i32
          %get3A_3946 = arith.constant 0 : i32
          %get3A_3947 = arith.constant 0 : i32
          %get3A_3948 = tpu.memref_slice %run_scoped3A_50[%rem3A_670, %get3A_3945, %get3A_3946, %get3A_3947] : memref<2x8x24x256xf32, #tpu.memory_space<vmem>> -> memref<1x8x24x256xf32, #tpu.memory_space<vmem>>
          %get3A_3949 = tpu.memref_squeeze %get3A_3948 : memref<1x8x24x256xf32, #tpu.memory_space<vmem>> -> memref<8x24x256xf32, #tpu.memory_space<vmem>>
          %get3A_3950 = arith.index_cast %get3A_3943 : i32 to index
          %get3A_3951 = arith.index_cast %get3A_3944 : i32 to index
          %get3A_3952 = arith.index_cast %mul3A_1248 : i32 to index
          %get3A_3953 = tpu.vector_load %get3A_3949[%get3A_3950, %get3A_3951, %get3A_3952] {strides = array<i32>} : memref<8x24x256xf32, #tpu.memory_space<vmem>>, vector<16xf32>,
          %mul3A_3954 = arith.mulf %gather3A_3942, %get3A_3953 : vector<16xf32>
          %add3A_3955 = arith.addf %add3A_3887, %mul3A_3954 : vector<16xf32>
          %swap3A_3956 = arith.constant 0 : i32
          %swap3A_3957 = arith.index_cast %swap3A_3956 : i32 to index
          %swap3A_3958 = arith.constant 0 : index
          %swap3A_3959 = tpu.vector_load %arg7[%swap3A_3957, %swap3A_3958] {strides = array<i32>} : memref<4x16xf32, #tpu.memory_space<vmem>>, vector<16xf32>,
          tpu.vector_store %arg7[%swap3A_3957, %swap3A_3958], %add3A_3904 {strides = array<i32>} : memref<4x16xf32, #tpu.memory_space<vmem>>, vector<16xf32>,
          %swap3A_3960 = arith.constant 1 : i32
          %swap3A_3961 = arith.index_cast %swap3A_3960 : i32 to index
          %swap3A_3962 = arith.constant 0 : index
          %swap3A_3963 = tpu.vector_load %arg7[%swap3A_3961, %swap3A_3962] {strides = array<i32>} : memref<4x16xf32, #tpu.memory_space<vmem>>, vector<16xf32>,
          tpu.vector_store %arg7[%swap3A_3961, %swap3A_3962], %add3A_3921 {strides = array<i32>} : memref<4x16xf32, #tpu.memory_space<vmem>>, vector<16xf32>,
          %swap3A_3964 = arith.constant 2 : i32
          %swap3A_3965 = arith.index_cast %swap3A_3964 : i32 to index
          %swap3A_3966 = arith.constant 0 : index
          %swap3A_3967 = tpu.vector_load %arg7[%swap3A_3965, %swap3A_3966] {strides = array<i32>} : memref<4x16xf32, #tpu.memory_space<vmem>>, vector<16xf32>,
          tpu.vector_store %arg7[%swap3A_3965, %swap3A_3966], %add3A_3938 {strides = array<i32>} : memref<4x16xf32, #tpu.memory_space<vmem>>, vector<16xf32>,
          %swap3A_3968 = arith.constant 3 : i32
          %swap3A_3969 = arith.index_cast %swap3A_3968 : i32 to index
          %swap3A_3970 = arith.constant 0 : index
          %swap3A_3971 = tpu.vector_load %arg7[%swap3A_3969, %swap3A_3970] {strides = array<i32>} : memref<4x16xf32, #tpu.memory_space<vmem>>, vector<16xf32>,
          tpu.vector_store %arg7[%swap3A_3969, %swap3A_3970], %add3A_3955 {strides = array<i32>} : memref<4x16xf32, #tpu.memory_space<vmem>>, vector<16xf32>,
          %get3A_3972 = arith.constant 0 : i32
          %get3A_3973 = arith.constant 6 : i32
          %get3A_3974 = arith.constant 0 : i32
          %get3A_3975 = arith.constant 0 : i32
          %get3A_3976 = arith.constant 0 : i32
          %get3A_3977 = tpu.memref_slice %run_scoped3A_48[%rem3A_668, %get3A_3974, %get3A_3975, %get3A_3976] : memref<2x1x8x256xi32, #tpu.memory_space<vmem>> -> memref<1x1x8x256xi32, #tpu.memory_space<vmem>>
          %get3A_3978 = tpu.memref_squeeze %get3A_3977 : memref<1x1x8x256xi32, #tpu.memory_space<vmem>> -> memref<1x8x256xi32, #tpu.memory_space<vmem>>
          %get3A_3979 = arith.index_cast %get3A_3972 : i32 to index
          %get3A_3980 = arith.index_cast %get3A_3973 : i32 to index
          %get3A_3981 = arith.index_cast %mul3A_1248 : i32 to index
          %get3A_3982 = tpu.vector_load %get3A_3978[%get3A_3979, %get3A_3980, %get3A_3981] {strides = array<i32>} : memref<1x8x256xi32, #tpu.memory_space<vmem>>, vector<16xi32>,
          %mul3A_3983 = arith.constant 25 : i32
          %mul3A_3984 = vector.broadcast %mul3A_3983 : i32 to vector<16xi32>
          %mul3A_3985 = arith.muli %get3A_3982, %mul3A_3984 : vector<16xi32>
          %get3A_3986 = arith.constant 0 : i32
          %get3A_3987 = arith.index_cast %get3A_3986 : i32 to index
          %get3A_3988 = arith.constant 0 : index
          %get3A_3989 = tpu.vector_load %arg7[%get3A_3987, %get3A_3988] {strides = array<i32>} : memref<4x16xf32, #tpu.memory_space<vmem>>, vector<16xf32>,
          %get3A_3990 = arith.constant 1 : i32
          %get3A_3991 = arith.index_cast %get3A_3990 : i32 to index
          %get3A_3992 = arith.constant 0 : index
          %get3A_3993 = tpu.vector_load %arg7[%get3A_3991, %get3A_3992] {strides = array<i32>} : memref<4x16xf32, #tpu.memory_space<vmem>>, vector<16xf32>,
          %get3A_3994 = arith.constant 2 : i32
          %get3A_3995 = arith.index_cast %get3A_3994 : i32 to index
          %get3A_3996 = arith.constant 0 : index
          %get3A_3997 = tpu.vector_load %arg7[%get3A_3995, %get3A_3996] {strides = array<i32>} : memref<4x16xf32, #tpu.memory_space<vmem>>, vector<16xf32>,
          %get3A_3998 = arith.constant 3 : i32
          %get3A_3999 = arith.index_cast %get3A_3998 : i32 to index
          %get3A_4000 = arith.constant 0 : index
          %get3A_4001 = tpu.vector_load %arg7[%get3A_3999, %get3A_4000] {strides = array<i32>} : memref<4x16xf32, #tpu.memory_space<vmem>>, vector<16xf32>,
          %add3A_4002 = arith.constant 0 : i32
          %add3A_4003 = vector.broadcast %add3A_4002 : i32 to vector<16xi32>
          %add3A_4004 = arith.addi %mul3A_3985, %add3A_4003 : vector<16xi32>
          %gather3A_4005 = tpu.vector_load_idx %arg6[%add3A_4004] : memref<640xf32, #tpu.memory_space<vmem>>[vector<16xi32>], vector<16xf32>,
          %get3A_4006 = arith.constant 6 : i32
          %get3A_4007 = arith.constant 0 : i32
          %get3A_4008 = arith.constant 0 : i32
          %get3A_4009 = arith.constant 0 : i32
          %get3A_4010 = arith.constant 0 : i32
          %get3A_4011 = tpu.memref_slice %run_scoped3A_50[%rem3A_670, %get3A_4008, %get3A_4009, %get3A_4010] : memref<2x8x24x256xf32, #tpu.memory_space<vmem>> -> memref<1x8x24x256xf32, #tpu.memory_space<vmem>>
          %get3A_4012 = tpu.memref_squeeze %get3A_4011 : memref<1x8x24x256xf32, #tpu.memory_space<vmem>> -> memref<8x24x256xf32, #tpu.memory_space<vmem>>
          %get3A_4013 = arith.index_cast %get3A_4006 : i32 to index
          %get3A_4014 = arith.index_cast %get3A_4007 : i32 to index
          %get3A_4015 = arith.index_cast %mul3A_1248 : i32 to index
          %get3A_4016 = tpu.vector_load %get3A_4012[%get3A_4013, %get3A_4014, %get3A_4015] {strides = array<i32>} : memref<8x24x256xf32, #tpu.memory_space<vmem>>, vector<16xf32>,
          %mul3A_4017 = arith.mulf %gather3A_4005, %get3A_4016 : vector<16xf32>
          %add3A_4018 = arith.addf %get3A_3989, %mul3A_4017 : vector<16xf32>
          %add3A_4019 = arith.constant 1 : i32
          %add3A_4020 = vector.broadcast %add3A_4019 : i32 to vector<16xi32>
          %add3A_4021 = arith.addi %mul3A_3985, %add3A_4020 : vector<16xi32>
          %gather3A_4022 = tpu.vector_load_idx %arg6[%add3A_4021] : memref<640xf32, #tpu.memory_space<vmem>>[vector<16xi32>], vector<16xf32>,
          %get3A_4023 = arith.constant 6 : i32
          %get3A_4024 = arith.constant 1 : i32
          %get3A_4025 = arith.constant 0 : i32
          %get3A_4026 = arith.constant 0 : i32
          %get3A_4027 = arith.constant 0 : i32
          %get3A_4028 = tpu.memref_slice %run_scoped3A_50[%rem3A_670, %get3A_4025, %get3A_4026, %get3A_4027] : memref<2x8x24x256xf32, #tpu.memory_space<vmem>> -> memref<1x8x24x256xf32, #tpu.memory_space<vmem>>
          %get3A_4029 = tpu.memref_squeeze %get3A_4028 : memref<1x8x24x256xf32, #tpu.memory_space<vmem>> -> memref<8x24x256xf32, #tpu.memory_space<vmem>>
          %get3A_4030 = arith.index_cast %get3A_4023 : i32 to index
          %get3A_4031 = arith.index_cast %get3A_4024 : i32 to index
          %get3A_4032 = arith.index_cast %mul3A_1248 : i32 to index
          %get3A_4033 = tpu.vector_load %get3A_4029[%get3A_4030, %get3A_4031, %get3A_4032] {strides = array<i32>} : memref<8x24x256xf32, #tpu.memory_space<vmem>>, vector<16xf32>,
          %mul3A_4034 = arith.mulf %gather3A_4022, %get3A_4033 : vector<16xf32>
          %add3A_4035 = arith.addf %get3A_3993, %mul3A_4034 : vector<16xf32>
          %add3A_4036 = arith.constant 2 : i32
          %add3A_4037 = vector.broadcast %add3A_4036 : i32 to vector<16xi32>
          %add3A_4038 = arith.addi %mul3A_3985, %add3A_4037 : vector<16xi32>
          %gather3A_4039 = tpu.vector_load_idx %arg6[%add3A_4038] : memref<640xf32, #tpu.memory_space<vmem>>[vector<16xi32>], vector<16xf32>,
          %get3A_4040 = arith.constant 6 : i32
          %get3A_4041 = arith.constant 2 : i32
          %get3A_4042 = arith.constant 0 : i32
          %get3A_4043 = arith.constant 0 : i32
          %get3A_4044 = arith.constant 0 : i32
          %get3A_4045 = tpu.memref_slice %run_scoped3A_50[%rem3A_670, %get3A_4042, %get3A_4043, %get3A_4044] : memref<2x8x24x256xf32, #tpu.memory_space<vmem>> -> memref<1x8x24x256xf32, #tpu.memory_space<vmem>>
          %get3A_4046 = tpu.memref_squeeze %get3A_4045 : memref<1x8x24x256xf32, #tpu.memory_space<vmem>> -> memref<8x24x256xf32, #tpu.memory_space<vmem>>
          %get3A_4047 = arith.index_cast %get3A_4040 : i32 to index
          %get3A_4048 = arith.index_cast %get3A_4041 : i32 to index
          %get3A_4049 = arith.index_cast %mul3A_1248 : i32 to index
          %get3A_4050 = tpu.vector_load %get3A_4046[%get3A_4047, %get3A_4048, %get3A_4049] {strides = array<i32>} : memref<8x24x256xf32, #tpu.memory_space<vmem>>, vector<16xf32>,
          %mul3A_4051 = arith.mulf %gather3A_4039, %get3A_4050 : vector<16xf32>
          %add3A_4052 = arith.addf %get3A_3997, %mul3A_4051 : vector<16xf32>
          %add3A_4053 = arith.constant 3 : i32
          %add3A_4054 = vector.broadcast %add3A_4053 : i32 to vector<16xi32>
          %add3A_4055 = arith.addi %mul3A_3985, %add3A_4054 : vector<16xi32>
          %gather3A_4056 = tpu.vector_load_idx %arg6[%add3A_4055] : memref<640xf32, #tpu.memory_space<vmem>>[vector<16xi32>], vector<16xf32>,
          %get3A_4057 = arith.constant 6 : i32
          %get3A_4058 = arith.constant 3 : i32
          %get3A_4059 = arith.constant 0 : i32
          %get3A_4060 = arith.constant 0 : i32
          %get3A_4061 = arith.constant 0 : i32
          %get3A_4062 = tpu.memref_slice %run_scoped3A_50[%rem3A_670, %get3A_4059, %get3A_4060, %get3A_4061] : memref<2x8x24x256xf32, #tpu.memory_space<vmem>> -> memref<1x8x24x256xf32, #tpu.memory_space<vmem>>
          %get3A_4063 = tpu.memref_squeeze %get3A_4062 : memref<1x8x24x256xf32, #tpu.memory_space<vmem>> -> memref<8x24x256xf32, #tpu.memory_space<vmem>>
          %get3A_4064 = arith.index_cast %get3A_4057 : i32 to index
          %get3A_4065 = arith.index_cast %get3A_4058 : i32 to index
          %get3A_4066 = arith.index_cast %mul3A_1248 : i32 to index
          %get3A_4067 = tpu.vector_load %get3A_4063[%get3A_4064, %get3A_4065, %get3A_4066] {strides = array<i32>} : memref<8x24x256xf32, #tpu.memory_space<vmem>>, vector<16xf32>,
          %mul3A_4068 = arith.mulf %gather3A_4056, %get3A_4067 : vector<16xf32>
          %add3A_4069 = arith.addf %get3A_4001, %mul3A_4068 : vector<16xf32>
          %add3A_4070 = arith.constant 4 : i32
          %add3A_4071 = vector.broadcast %add3A_4070 : i32 to vector<16xi32>
          %add3A_4072 = arith.addi %mul3A_3985, %add3A_4071 : vector<16xi32>
          %gather3A_4073 = tpu.vector_load_idx %arg6[%add3A_4072] : memref<640xf32, #tpu.memory_space<vmem>>[vector<16xi32>], vector<16xf32>,
          %get3A_4074 = arith.constant 6 : i32
          %get3A_4075 = arith.constant 4 : i32
          %get3A_4076 = arith.constant 0 : i32
          %get3A_4077 = arith.constant 0 : i32
          %get3A_4078 = arith.constant 0 : i32
          %get3A_4079 = tpu.memref_slice %run_scoped3A_50[%rem3A_670, %get3A_4076, %get3A_4077, %get3A_4078] : memref<2x8x24x256xf32, #tpu.memory_space<vmem>> -> memref<1x8x24x256xf32, #tpu.memory_space<vmem>>
          %get3A_4080 = tpu.memref_squeeze %get3A_4079 : memref<1x8x24x256xf32, #tpu.memory_space<vmem>> -> memref<8x24x256xf32, #tpu.memory_space<vmem>>
          %get3A_4081 = arith.index_cast %get3A_4074 : i32 to index
          %get3A_4082 = arith.index_cast %get3A_4075 : i32 to index
          %get3A_4083 = arith.index_cast %mul3A_1248 : i32 to index
          %get3A_4084 = tpu.vector_load %get3A_4080[%get3A_4081, %get3A_4082, %get3A_4083] {strides = array<i32>} : memref<8x24x256xf32, #tpu.memory_space<vmem>>, vector<16xf32>,
          %mul3A_4085 = arith.mulf %gather3A_4073, %get3A_4084 : vector<16xf32>
          %add3A_4086 = arith.addf %add3A_4018, %mul3A_4085 : vector<16xf32>
          %add3A_4087 = arith.constant 5 : i32
          %add3A_4088 = vector.broadcast %add3A_4087 : i32 to vector<16xi32>
          %add3A_4089 = arith.addi %mul3A_3985, %add3A_4088 : vector<16xi32>
          %gather3A_4090 = tpu.vector_load_idx %arg6[%add3A_4089] : memref<640xf32, #tpu.memory_space<vmem>>[vector<16xi32>], vector<16xf32>,
          %get3A_4091 = arith.constant 6 : i32
          %get3A_4092 = arith.constant 5 : i32
          %get3A_4093 = arith.constant 0 : i32
          %get3A_4094 = arith.constant 0 : i32
          %get3A_4095 = arith.constant 0 : i32
          %get3A_4096 = tpu.memref_slice %run_scoped3A_50[%rem3A_670, %get3A_4093, %get3A_4094, %get3A_4095] : memref<2x8x24x256xf32, #tpu.memory_space<vmem>> -> memref<1x8x24x256xf32, #tpu.memory_space<vmem>>
          %get3A_4097 = tpu.memref_squeeze %get3A_4096 : memref<1x8x24x256xf32, #tpu.memory_space<vmem>> -> memref<8x24x256xf32, #tpu.memory_space<vmem>>
          %get3A_4098 = arith.index_cast %get3A_4091 : i32 to index
          %get3A_4099 = arith.index_cast %get3A_4092 : i32 to index
          %get3A_4100 = arith.index_cast %mul3A_1248 : i32 to index
          %get3A_4101 = tpu.vector_load %get3A_4097[%get3A_4098, %get3A_4099, %get3A_4100] {strides = array<i32>} : memref<8x24x256xf32, #tpu.memory_space<vmem>>, vector<16xf32>,
          %mul3A_4102 = arith.mulf %gather3A_4090, %get3A_4101 : vector<16xf32>
          %add3A_4103 = arith.addf %add3A_4035, %mul3A_4102 : vector<16xf32>
          %add3A_4104 = arith.constant 6 : i32
          %add3A_4105 = vector.broadcast %add3A_4104 : i32 to vector<16xi32>
          %add3A_4106 = arith.addi %mul3A_3985, %add3A_4105 : vector<16xi32>
          %gather3A_4107 = tpu.vector_load_idx %arg6[%add3A_4106] : memref<640xf32, #tpu.memory_space<vmem>>[vector<16xi32>], vector<16xf32>,
          %get3A_4108 = arith.constant 6 : i32
          %get3A_4109 = arith.constant 6 : i32
          %get3A_4110 = arith.constant 0 : i32
          %get3A_4111 = arith.constant 0 : i32
          %get3A_4112 = arith.constant 0 : i32
          %get3A_4113 = tpu.memref_slice %run_scoped3A_50[%rem3A_670, %get3A_4110, %get3A_4111, %get3A_4112] : memref<2x8x24x256xf32, #tpu.memory_space<vmem>> -> memref<1x8x24x256xf32, #tpu.memory_space<vmem>>
          %get3A_4114 = tpu.memref_squeeze %get3A_4113 : memref<1x8x24x256xf32, #tpu.memory_space<vmem>> -> memref<8x24x256xf32, #tpu.memory_space<vmem>>
          %get3A_4115 = arith.index_cast %get3A_4108 : i32 to index
          %get3A_4116 = arith.index_cast %get3A_4109 : i32 to index
          %get3A_4117 = arith.index_cast %mul3A_1248 : i32 to index
          %get3A_4118 = tpu.vector_load %get3A_4114[%get3A_4115, %get3A_4116, %get3A_4117] {strides = array<i32>} : memref<8x24x256xf32, #tpu.memory_space<vmem>>, vector<16xf32>,
          %mul3A_4119 = arith.mulf %gather3A_4107, %get3A_4118 : vector<16xf32>
          %add3A_4120 = arith.addf %add3A_4052, %mul3A_4119 : vector<16xf32>
          %add3A_4121 = arith.constant 7 : i32
          %add3A_4122 = vector.broadcast %add3A_4121 : i32 to vector<16xi32>
          %add3A_4123 = arith.addi %mul3A_3985, %add3A_4122 : vector<16xi32>
          %gather3A_4124 = tpu.vector_load_idx %arg6[%add3A_4123] : memref<640xf32, #tpu.memory_space<vmem>>[vector<16xi32>], vector<16xf32>,
          %get3A_4125 = arith.constant 6 : i32
          %get3A_4126 = arith.constant 7 : i32
          %get3A_4127 = arith.constant 0 : i32
          %get3A_4128 = arith.constant 0 : i32
          %get3A_4129 = arith.constant 0 : i32
          %get3A_4130 = tpu.memref_slice %run_scoped3A_50[%rem3A_670, %get3A_4127, %get3A_4128, %get3A_4129] : memref<2x8x24x256xf32, #tpu.memory_space<vmem>> -> memref<1x8x24x256xf32, #tpu.memory_space<vmem>>
          %get3A_4131 = tpu.memref_squeeze %get3A_4130 : memref<1x8x24x256xf32, #tpu.memory_space<vmem>> -> memref<8x24x256xf32, #tpu.memory_space<vmem>>
          %get3A_4132 = arith.index_cast %get3A_4125 : i32 to index
          %get3A_4133 = arith.index_cast %get3A_4126 : i32 to index
          %get3A_4134 = arith.index_cast %mul3A_1248 : i32 to index
          %get3A_4135 = tpu.vector_load %get3A_4131[%get3A_4132, %get3A_4133, %get3A_4134] {strides = array<i32>} : memref<8x24x256xf32, #tpu.memory_space<vmem>>, vector<16xf32>,
          %mul3A_4136 = arith.mulf %gather3A_4124, %get3A_4135 : vector<16xf32>
          %add3A_4137 = arith.addf %add3A_4069, %mul3A_4136 : vector<16xf32>
          %add3A_4138 = arith.constant 8 : i32
          %add3A_4139 = vector.broadcast %add3A_4138 : i32 to vector<16xi32>
          %add3A_4140 = arith.addi %mul3A_3985, %add3A_4139 : vector<16xi32>
          %gather3A_4141 = tpu.vector_load_idx %arg6[%add3A_4140] : memref<640xf32, #tpu.memory_space<vmem>>[vector<16xi32>], vector<16xf32>,
          %get3A_4142 = arith.constant 6 : i32
          %get3A_4143 = arith.constant 8 : i32
          %get3A_4144 = arith.constant 0 : i32
          %get3A_4145 = arith.constant 0 : i32
          %get3A_4146 = arith.constant 0 : i32
          %get3A_4147 = tpu.memref_slice %run_scoped3A_50[%rem3A_670, %get3A_4144, %get3A_4145, %get3A_4146] : memref<2x8x24x256xf32, #tpu.memory_space<vmem>> -> memref<1x8x24x256xf32, #tpu.memory_space<vmem>>
          %get3A_4148 = tpu.memref_squeeze %get3A_4147 : memref<1x8x24x256xf32, #tpu.memory_space<vmem>> -> memref<8x24x256xf32, #tpu.memory_space<vmem>>
          %get3A_4149 = arith.index_cast %get3A_4142 : i32 to index
          %get3A_4150 = arith.index_cast %get3A_4143 : i32 to index
          %get3A_4151 = arith.index_cast %mul3A_1248 : i32 to index
          %get3A_4152 = tpu.vector_load %get3A_4148[%get3A_4149, %get3A_4150, %get3A_4151] {strides = array<i32>} : memref<8x24x256xf32, #tpu.memory_space<vmem>>, vector<16xf32>,
          %mul3A_4153 = arith.mulf %gather3A_4141, %get3A_4152 : vector<16xf32>
          %add3A_4154 = arith.addf %add3A_4086, %mul3A_4153 : vector<16xf32>
          %add3A_4155 = arith.constant 9 : i32
          %add3A_4156 = vector.broadcast %add3A_4155 : i32 to vector<16xi32>
          %add3A_4157 = arith.addi %mul3A_3985, %add3A_4156 : vector<16xi32>
          %gather3A_4158 = tpu.vector_load_idx %arg6[%add3A_4157] : memref<640xf32, #tpu.memory_space<vmem>>[vector<16xi32>], vector<16xf32>,
          %get3A_4159 = arith.constant 6 : i32
          %get3A_4160 = arith.constant 9 : i32
          %get3A_4161 = arith.constant 0 : i32
          %get3A_4162 = arith.constant 0 : i32
          %get3A_4163 = arith.constant 0 : i32
          %get3A_4164 = tpu.memref_slice %run_scoped3A_50[%rem3A_670, %get3A_4161, %get3A_4162, %get3A_4163] : memref<2x8x24x256xf32, #tpu.memory_space<vmem>> -> memref<1x8x24x256xf32, #tpu.memory_space<vmem>>
          %get3A_4165 = tpu.memref_squeeze %get3A_4164 : memref<1x8x24x256xf32, #tpu.memory_space<vmem>> -> memref<8x24x256xf32, #tpu.memory_space<vmem>>
          %get3A_4166 = arith.index_cast %get3A_4159 : i32 to index
          %get3A_4167 = arith.index_cast %get3A_4160 : i32 to index
          %get3A_4168 = arith.index_cast %mul3A_1248 : i32 to index
          %get3A_4169 = tpu.vector_load %get3A_4165[%get3A_4166, %get3A_4167, %get3A_4168] {strides = array<i32>} : memref<8x24x256xf32, #tpu.memory_space<vmem>>, vector<16xf32>,
          %mul3A_4170 = arith.mulf %gather3A_4158, %get3A_4169 : vector<16xf32>
          %add3A_4171 = arith.addf %add3A_4103, %mul3A_4170 : vector<16xf32>
          %add3A_4172 = arith.constant 10 : i32
          %add3A_4173 = vector.broadcast %add3A_4172 : i32 to vector<16xi32>
          %add3A_4174 = arith.addi %mul3A_3985, %add3A_4173 : vector<16xi32>
          %gather3A_4175 = tpu.vector_load_idx %arg6[%add3A_4174] : memref<640xf32, #tpu.memory_space<vmem>>[vector<16xi32>], vector<16xf32>,
          %get3A_4176 = arith.constant 6 : i32
          %get3A_4177 = arith.constant 10 : i32
          %get3A_4178 = arith.constant 0 : i32
          %get3A_4179 = arith.constant 0 : i32
          %get3A_4180 = arith.constant 0 : i32
          %get3A_4181 = tpu.memref_slice %run_scoped3A_50[%rem3A_670, %get3A_4178, %get3A_4179, %get3A_4180] : memref<2x8x24x256xf32, #tpu.memory_space<vmem>> -> memref<1x8x24x256xf32, #tpu.memory_space<vmem>>
          %get3A_4182 = tpu.memref_squeeze %get3A_4181 : memref<1x8x24x256xf32, #tpu.memory_space<vmem>> -> memref<8x24x256xf32, #tpu.memory_space<vmem>>
          %get3A_4183 = arith.index_cast %get3A_4176 : i32 to index
          %get3A_4184 = arith.index_cast %get3A_4177 : i32 to index
          %get3A_4185 = arith.index_cast %mul3A_1248 : i32 to index
          %get3A_4186 = tpu.vector_load %get3A_4182[%get3A_4183, %get3A_4184, %get3A_4185] {strides = array<i32>} : memref<8x24x256xf32, #tpu.memory_space<vmem>>, vector<16xf32>,
          %mul3A_4187 = arith.mulf %gather3A_4175, %get3A_4186 : vector<16xf32>
          %add3A_4188 = arith.addf %add3A_4120, %mul3A_4187 : vector<16xf32>
          %add3A_4189 = arith.constant 11 : i32
          %add3A_4190 = vector.broadcast %add3A_4189 : i32 to vector<16xi32>
          %add3A_4191 = arith.addi %mul3A_3985, %add3A_4190 : vector<16xi32>
          %gather3A_4192 = tpu.vector_load_idx %arg6[%add3A_4191] : memref<640xf32, #tpu.memory_space<vmem>>[vector<16xi32>], vector<16xf32>,
          %get3A_4193 = arith.constant 6 : i32
          %get3A_4194 = arith.constant 11 : i32
          %get3A_4195 = arith.constant 0 : i32
          %get3A_4196 = arith.constant 0 : i32
          %get3A_4197 = arith.constant 0 : i32
          %get3A_4198 = tpu.memref_slice %run_scoped3A_50[%rem3A_670, %get3A_4195, %get3A_4196, %get3A_4197] : memref<2x8x24x256xf32, #tpu.memory_space<vmem>> -> memref<1x8x24x256xf32, #tpu.memory_space<vmem>>
          %get3A_4199 = tpu.memref_squeeze %get3A_4198 : memref<1x8x24x256xf32, #tpu.memory_space<vmem>> -> memref<8x24x256xf32, #tpu.memory_space<vmem>>
          %get3A_4200 = arith.index_cast %get3A_4193 : i32 to index
          %get3A_4201 = arith.index_cast %get3A_4194 : i32 to index
          %get3A_4202 = arith.index_cast %mul3A_1248 : i32 to index
          %get3A_4203 = tpu.vector_load %get3A_4199[%get3A_4200, %get3A_4201, %get3A_4202] {strides = array<i32>} : memref<8x24x256xf32, #tpu.memory_space<vmem>>, vector<16xf32>,
          %mul3A_4204 = arith.mulf %gather3A_4192, %get3A_4203 : vector<16xf32>
          %add3A_4205 = arith.addf %add3A_4137, %mul3A_4204 : vector<16xf32>
          %add3A_4206 = arith.constant 12 : i32
          %add3A_4207 = vector.broadcast %add3A_4206 : i32 to vector<16xi32>
          %add3A_4208 = arith.addi %mul3A_3985, %add3A_4207 : vector<16xi32>
          %gather3A_4209 = tpu.vector_load_idx %arg6[%add3A_4208] : memref<640xf32, #tpu.memory_space<vmem>>[vector<16xi32>], vector<16xf32>,
          %get3A_4210 = arith.constant 6 : i32
          %get3A_4211 = arith.constant 12 : i32
          %get3A_4212 = arith.constant 0 : i32
          %get3A_4213 = arith.constant 0 : i32
          %get3A_4214 = arith.constant 0 : i32
          %get3A_4215 = tpu.memref_slice %run_scoped3A_50[%rem3A_670, %get3A_4212, %get3A_4213, %get3A_4214] : memref<2x8x24x256xf32, #tpu.memory_space<vmem>> -> memref<1x8x24x256xf32, #tpu.memory_space<vmem>>
          %get3A_4216 = tpu.memref_squeeze %get3A_4215 : memref<1x8x24x256xf32, #tpu.memory_space<vmem>> -> memref<8x24x256xf32, #tpu.memory_space<vmem>>
          %get3A_4217 = arith.index_cast %get3A_4210 : i32 to index
          %get3A_4218 = arith.index_cast %get3A_4211 : i32 to index
          %get3A_4219 = arith.index_cast %mul3A_1248 : i32 to index
          %get3A_4220 = tpu.vector_load %get3A_4216[%get3A_4217, %get3A_4218, %get3A_4219] {strides = array<i32>} : memref<8x24x256xf32, #tpu.memory_space<vmem>>, vector<16xf32>,
          %mul3A_4221 = arith.mulf %gather3A_4209, %get3A_4220 : vector<16xf32>
          %add3A_4222 = arith.addf %add3A_4154, %mul3A_4221 : vector<16xf32>
          %add3A_4223 = arith.constant 13 : i32
          %add3A_4224 = vector.broadcast %add3A_4223 : i32 to vector<16xi32>
          %add3A_4225 = arith.addi %mul3A_3985, %add3A_4224 : vector<16xi32>
          %gather3A_4226 = tpu.vector_load_idx %arg6[%add3A_4225] : memref<640xf32, #tpu.memory_space<vmem>>[vector<16xi32>], vector<16xf32>,
          %get3A_4227 = arith.constant 6 : i32
          %get3A_4228 = arith.constant 13 : i32
          %get3A_4229 = arith.constant 0 : i32
          %get3A_4230 = arith.constant 0 : i32
          %get3A_4231 = arith.constant 0 : i32
          %get3A_4232 = tpu.memref_slice %run_scoped3A_50[%rem3A_670, %get3A_4229, %get3A_4230, %get3A_4231] : memref<2x8x24x256xf32, #tpu.memory_space<vmem>> -> memref<1x8x24x256xf32, #tpu.memory_space<vmem>>
          %get3A_4233 = tpu.memref_squeeze %get3A_4232 : memref<1x8x24x256xf32, #tpu.memory_space<vmem>> -> memref<8x24x256xf32, #tpu.memory_space<vmem>>
          %get3A_4234 = arith.index_cast %get3A_4227 : i32 to index
          %get3A_4235 = arith.index_cast %get3A_4228 : i32 to index
          %get3A_4236 = arith.index_cast %mul3A_1248 : i32 to index
          %get3A_4237 = tpu.vector_load %get3A_4233[%get3A_4234, %get3A_4235, %get3A_4236] {strides = array<i32>} : memref<8x24x256xf32, #tpu.memory_space<vmem>>, vector<16xf32>,
          %mul3A_4238 = arith.mulf %gather3A_4226, %get3A_4237 : vector<16xf32>
          %add3A_4239 = arith.addf %add3A_4171, %mul3A_4238 : vector<16xf32>
          %add3A_4240 = arith.constant 14 : i32
          %add3A_4241 = vector.broadcast %add3A_4240 : i32 to vector<16xi32>
          %add3A_4242 = arith.addi %mul3A_3985, %add3A_4241 : vector<16xi32>
          %gather3A_4243 = tpu.vector_load_idx %arg6[%add3A_4242] : memref<640xf32, #tpu.memory_space<vmem>>[vector<16xi32>], vector<16xf32>,
          %get3A_4244 = arith.constant 6 : i32
          %get3A_4245 = arith.constant 14 : i32
          %get3A_4246 = arith.constant 0 : i32
          %get3A_4247 = arith.constant 0 : i32
          %get3A_4248 = arith.constant 0 : i32
          %get3A_4249 = tpu.memref_slice %run_scoped3A_50[%rem3A_670, %get3A_4246, %get3A_4247, %get3A_4248] : memref<2x8x24x256xf32, #tpu.memory_space<vmem>> -> memref<1x8x24x256xf32, #tpu.memory_space<vmem>>
          %get3A_4250 = tpu.memref_squeeze %get3A_4249 : memref<1x8x24x256xf32, #tpu.memory_space<vmem>> -> memref<8x24x256xf32, #tpu.memory_space<vmem>>
          %get3A_4251 = arith.index_cast %get3A_4244 : i32 to index
          %get3A_4252 = arith.index_cast %get3A_4245 : i32 to index
          %get3A_4253 = arith.index_cast %mul3A_1248 : i32 to index
          %get3A_4254 = tpu.vector_load %get3A_4250[%get3A_4251, %get3A_4252, %get3A_4253] {strides = array<i32>} : memref<8x24x256xf32, #tpu.memory_space<vmem>>, vector<16xf32>,
          %mul3A_4255 = arith.mulf %gather3A_4243, %get3A_4254 : vector<16xf32>
          %add3A_4256 = arith.addf %add3A_4188, %mul3A_4255 : vector<16xf32>
          %add3A_4257 = arith.constant 15 : i32
          %add3A_4258 = vector.broadcast %add3A_4257 : i32 to vector<16xi32>
          %add3A_4259 = arith.addi %mul3A_3985, %add3A_4258 : vector<16xi32>
          %gather3A_4260 = tpu.vector_load_idx %arg6[%add3A_4259] : memref<640xf32, #tpu.memory_space<vmem>>[vector<16xi32>], vector<16xf32>,
          %get3A_4261 = arith.constant 6 : i32
          %get3A_4262 = arith.constant 15 : i32
          %get3A_4263 = arith.constant 0 : i32
          %get3A_4264 = arith.constant 0 : i32
          %get3A_4265 = arith.constant 0 : i32
          %get3A_4266 = tpu.memref_slice %run_scoped3A_50[%rem3A_670, %get3A_4263, %get3A_4264, %get3A_4265] : memref<2x8x24x256xf32, #tpu.memory_space<vmem>> -> memref<1x8x24x256xf32, #tpu.memory_space<vmem>>
          %get3A_4267 = tpu.memref_squeeze %get3A_4266 : memref<1x8x24x256xf32, #tpu.memory_space<vmem>> -> memref<8x24x256xf32, #tpu.memory_space<vmem>>
          %get3A_4268 = arith.index_cast %get3A_4261 : i32 to index
          %get3A_4269 = arith.index_cast %get3A_4262 : i32 to index
          %get3A_4270 = arith.index_cast %mul3A_1248 : i32 to index
          %get3A_4271 = tpu.vector_load %get3A_4267[%get3A_4268, %get3A_4269, %get3A_4270] {strides = array<i32>} : memref<8x24x256xf32, #tpu.memory_space<vmem>>, vector<16xf32>,
          %mul3A_4272 = arith.mulf %gather3A_4260, %get3A_4271 : vector<16xf32>
          %add3A_4273 = arith.addf %add3A_4205, %mul3A_4272 : vector<16xf32>
          %add3A_4274 = arith.constant 16 : i32
          %add3A_4275 = vector.broadcast %add3A_4274 : i32 to vector<16xi32>
          %add3A_4276 = arith.addi %mul3A_3985, %add3A_4275 : vector<16xi32>
          %gather3A_4277 = tpu.vector_load_idx %arg6[%add3A_4276] : memref<640xf32, #tpu.memory_space<vmem>>[vector<16xi32>], vector<16xf32>,
          %get3A_4278 = arith.constant 6 : i32
          %get3A_4279 = arith.constant 16 : i32
          %get3A_4280 = arith.constant 0 : i32
          %get3A_4281 = arith.constant 0 : i32
          %get3A_4282 = arith.constant 0 : i32
          %get3A_4283 = tpu.memref_slice %run_scoped3A_50[%rem3A_670, %get3A_4280, %get3A_4281, %get3A_4282] : memref<2x8x24x256xf32, #tpu.memory_space<vmem>> -> memref<1x8x24x256xf32, #tpu.memory_space<vmem>>
          %get3A_4284 = tpu.memref_squeeze %get3A_4283 : memref<1x8x24x256xf32, #tpu.memory_space<vmem>> -> memref<8x24x256xf32, #tpu.memory_space<vmem>>
          %get3A_4285 = arith.index_cast %get3A_4278 : i32 to index
          %get3A_4286 = arith.index_cast %get3A_4279 : i32 to index
          %get3A_4287 = arith.index_cast %mul3A_1248 : i32 to index
          %get3A_4288 = tpu.vector_load %get3A_4284[%get3A_4285, %get3A_4286, %get3A_4287] {strides = array<i32>} : memref<8x24x256xf32, #tpu.memory_space<vmem>>, vector<16xf32>,
          %mul3A_4289 = arith.mulf %gather3A_4277, %get3A_4288 : vector<16xf32>
          %add3A_4290 = arith.addf %add3A_4222, %mul3A_4289 : vector<16xf32>
          %add3A_4291 = arith.constant 17 : i32
          %add3A_4292 = vector.broadcast %add3A_4291 : i32 to vector<16xi32>
          %add3A_4293 = arith.addi %mul3A_3985, %add3A_4292 : vector<16xi32>
          %gather3A_4294 = tpu.vector_load_idx %arg6[%add3A_4293] : memref<640xf32, #tpu.memory_space<vmem>>[vector<16xi32>], vector<16xf32>,
          %get3A_4295 = arith.constant 6 : i32
          %get3A_4296 = arith.constant 17 : i32
          %get3A_4297 = arith.constant 0 : i32
          %get3A_4298 = arith.constant 0 : i32
          %get3A_4299 = arith.constant 0 : i32
          %get3A_4300 = tpu.memref_slice %run_scoped3A_50[%rem3A_670, %get3A_4297, %get3A_4298, %get3A_4299] : memref<2x8x24x256xf32, #tpu.memory_space<vmem>> -> memref<1x8x24x256xf32, #tpu.memory_space<vmem>>
          %get3A_4301 = tpu.memref_squeeze %get3A_4300 : memref<1x8x24x256xf32, #tpu.memory_space<vmem>> -> memref<8x24x256xf32, #tpu.memory_space<vmem>>
          %get3A_4302 = arith.index_cast %get3A_4295 : i32 to index
          %get3A_4303 = arith.index_cast %get3A_4296 : i32 to index
          %get3A_4304 = arith.index_cast %mul3A_1248 : i32 to index
          %get3A_4305 = tpu.vector_load %get3A_4301[%get3A_4302, %get3A_4303, %get3A_4304] {strides = array<i32>} : memref<8x24x256xf32, #tpu.memory_space<vmem>>, vector<16xf32>,
          %mul3A_4306 = arith.mulf %gather3A_4294, %get3A_4305 : vector<16xf32>
          %add3A_4307 = arith.addf %add3A_4239, %mul3A_4306 : vector<16xf32>
          %add3A_4308 = arith.constant 18 : i32
          %add3A_4309 = vector.broadcast %add3A_4308 : i32 to vector<16xi32>
          %add3A_4310 = arith.addi %mul3A_3985, %add3A_4309 : vector<16xi32>
          %gather3A_4311 = tpu.vector_load_idx %arg6[%add3A_4310] : memref<640xf32, #tpu.memory_space<vmem>>[vector<16xi32>], vector<16xf32>,
          %get3A_4312 = arith.constant 6 : i32
          %get3A_4313 = arith.constant 18 : i32
          %get3A_4314 = arith.constant 0 : i32
          %get3A_4315 = arith.constant 0 : i32
          %get3A_4316 = arith.constant 0 : i32
          %get3A_4317 = tpu.memref_slice %run_scoped3A_50[%rem3A_670, %get3A_4314, %get3A_4315, %get3A_4316] : memref<2x8x24x256xf32, #tpu.memory_space<vmem>> -> memref<1x8x24x256xf32, #tpu.memory_space<vmem>>
          %get3A_4318 = tpu.memref_squeeze %get3A_4317 : memref<1x8x24x256xf32, #tpu.memory_space<vmem>> -> memref<8x24x256xf32, #tpu.memory_space<vmem>>
          %get3A_4319 = arith.index_cast %get3A_4312 : i32 to index
          %get3A_4320 = arith.index_cast %get3A_4313 : i32 to index
          %get3A_4321 = arith.index_cast %mul3A_1248 : i32 to index
          %get3A_4322 = tpu.vector_load %get3A_4318[%get3A_4319, %get3A_4320, %get3A_4321] {strides = array<i32>} : memref<8x24x256xf32, #tpu.memory_space<vmem>>, vector<16xf32>,
          %mul3A_4323 = arith.mulf %gather3A_4311, %get3A_4322 : vector<16xf32>
          %add3A_4324 = arith.addf %add3A_4256, %mul3A_4323 : vector<16xf32>
          %add3A_4325 = arith.constant 19 : i32
          %add3A_4326 = vector.broadcast %add3A_4325 : i32 to vector<16xi32>
          %add3A_4327 = arith.addi %mul3A_3985, %add3A_4326 : vector<16xi32>
          %gather3A_4328 = tpu.vector_load_idx %arg6[%add3A_4327] : memref<640xf32, #tpu.memory_space<vmem>>[vector<16xi32>], vector<16xf32>,
          %get3A_4329 = arith.constant 6 : i32
          %get3A_4330 = arith.constant 19 : i32
          %get3A_4331 = arith.constant 0 : i32
          %get3A_4332 = arith.constant 0 : i32
          %get3A_4333 = arith.constant 0 : i32
          %get3A_4334 = tpu.memref_slice %run_scoped3A_50[%rem3A_670, %get3A_4331, %get3A_4332, %get3A_4333] : memref<2x8x24x256xf32, #tpu.memory_space<vmem>> -> memref<1x8x24x256xf32, #tpu.memory_space<vmem>>
          %get3A_4335 = tpu.memref_squeeze %get3A_4334 : memref<1x8x24x256xf32, #tpu.memory_space<vmem>> -> memref<8x24x256xf32, #tpu.memory_space<vmem>>
          %get3A_4336 = arith.index_cast %get3A_4329 : i32 to index
          %get3A_4337 = arith.index_cast %get3A_4330 : i32 to index
          %get3A_4338 = arith.index_cast %mul3A_1248 : i32 to index
          %get3A_4339 = tpu.vector_load %get3A_4335[%get3A_4336, %get3A_4337, %get3A_4338] {strides = array<i32>} : memref<8x24x256xf32, #tpu.memory_space<vmem>>, vector<16xf32>,
          %mul3A_4340 = arith.mulf %gather3A_4328, %get3A_4339 : vector<16xf32>
          %add3A_4341 = arith.addf %add3A_4273, %mul3A_4340 : vector<16xf32>
          %add3A_4342 = arith.constant 20 : i32
          %add3A_4343 = vector.broadcast %add3A_4342 : i32 to vector<16xi32>
          %add3A_4344 = arith.addi %mul3A_3985, %add3A_4343 : vector<16xi32>
          %gather3A_4345 = tpu.vector_load_idx %arg6[%add3A_4344] : memref<640xf32, #tpu.memory_space<vmem>>[vector<16xi32>], vector<16xf32>,
          %get3A_4346 = arith.constant 6 : i32
          %get3A_4347 = arith.constant 20 : i32
          %get3A_4348 = arith.constant 0 : i32
          %get3A_4349 = arith.constant 0 : i32
          %get3A_4350 = arith.constant 0 : i32
          %get3A_4351 = tpu.memref_slice %run_scoped3A_50[%rem3A_670, %get3A_4348, %get3A_4349, %get3A_4350] : memref<2x8x24x256xf32, #tpu.memory_space<vmem>> -> memref<1x8x24x256xf32, #tpu.memory_space<vmem>>
          %get3A_4352 = tpu.memref_squeeze %get3A_4351 : memref<1x8x24x256xf32, #tpu.memory_space<vmem>> -> memref<8x24x256xf32, #tpu.memory_space<vmem>>
          %get3A_4353 = arith.index_cast %get3A_4346 : i32 to index
          %get3A_4354 = arith.index_cast %get3A_4347 : i32 to index
          %get3A_4355 = arith.index_cast %mul3A_1248 : i32 to index
          %get3A_4356 = tpu.vector_load %get3A_4352[%get3A_4353, %get3A_4354, %get3A_4355] {strides = array<i32>} : memref<8x24x256xf32, #tpu.memory_space<vmem>>, vector<16xf32>,
          %mul3A_4357 = arith.mulf %gather3A_4345, %get3A_4356 : vector<16xf32>
          %add3A_4358 = arith.addf %add3A_4290, %mul3A_4357 : vector<16xf32>
          %add3A_4359 = arith.constant 21 : i32
          %add3A_4360 = vector.broadcast %add3A_4359 : i32 to vector<16xi32>
          %add3A_4361 = arith.addi %mul3A_3985, %add3A_4360 : vector<16xi32>
          %gather3A_4362 = tpu.vector_load_idx %arg6[%add3A_4361] : memref<640xf32, #tpu.memory_space<vmem>>[vector<16xi32>], vector<16xf32>,
          %get3A_4363 = arith.constant 6 : i32
          %get3A_4364 = arith.constant 21 : i32
          %get3A_4365 = arith.constant 0 : i32
          %get3A_4366 = arith.constant 0 : i32
          %get3A_4367 = arith.constant 0 : i32
          %get3A_4368 = tpu.memref_slice %run_scoped3A_50[%rem3A_670, %get3A_4365, %get3A_4366, %get3A_4367] : memref<2x8x24x256xf32, #tpu.memory_space<vmem>> -> memref<1x8x24x256xf32, #tpu.memory_space<vmem>>
          %get3A_4369 = tpu.memref_squeeze %get3A_4368 : memref<1x8x24x256xf32, #tpu.memory_space<vmem>> -> memref<8x24x256xf32, #tpu.memory_space<vmem>>
          %get3A_4370 = arith.index_cast %get3A_4363 : i32 to index
          %get3A_4371 = arith.index_cast %get3A_4364 : i32 to index
          %get3A_4372 = arith.index_cast %mul3A_1248 : i32 to index
          %get3A_4373 = tpu.vector_load %get3A_4369[%get3A_4370, %get3A_4371, %get3A_4372] {strides = array<i32>} : memref<8x24x256xf32, #tpu.memory_space<vmem>>, vector<16xf32>,
          %mul3A_4374 = arith.mulf %gather3A_4362, %get3A_4373 : vector<16xf32>
          %add3A_4375 = arith.addf %add3A_4307, %mul3A_4374 : vector<16xf32>
          %add3A_4376 = arith.constant 22 : i32
          %add3A_4377 = vector.broadcast %add3A_4376 : i32 to vector<16xi32>
          %add3A_4378 = arith.addi %mul3A_3985, %add3A_4377 : vector<16xi32>
          %gather3A_4379 = tpu.vector_load_idx %arg6[%add3A_4378] : memref<640xf32, #tpu.memory_space<vmem>>[vector<16xi32>], vector<16xf32>,
          %get3A_4380 = arith.constant 6 : i32
          %get3A_4381 = arith.constant 22 : i32
          %get3A_4382 = arith.constant 0 : i32
          %get3A_4383 = arith.constant 0 : i32
          %get3A_4384 = arith.constant 0 : i32
          %get3A_4385 = tpu.memref_slice %run_scoped3A_50[%rem3A_670, %get3A_4382, %get3A_4383, %get3A_4384] : memref<2x8x24x256xf32, #tpu.memory_space<vmem>> -> memref<1x8x24x256xf32, #tpu.memory_space<vmem>>
          %get3A_4386 = tpu.memref_squeeze %get3A_4385 : memref<1x8x24x256xf32, #tpu.memory_space<vmem>> -> memref<8x24x256xf32, #tpu.memory_space<vmem>>
          %get3A_4387 = arith.index_cast %get3A_4380 : i32 to index
          %get3A_4388 = arith.index_cast %get3A_4381 : i32 to index
          %get3A_4389 = arith.index_cast %mul3A_1248 : i32 to index
          %get3A_4390 = tpu.vector_load %get3A_4386[%get3A_4387, %get3A_4388, %get3A_4389] {strides = array<i32>} : memref<8x24x256xf32, #tpu.memory_space<vmem>>, vector<16xf32>,
          %mul3A_4391 = arith.mulf %gather3A_4379, %get3A_4390 : vector<16xf32>
          %add3A_4392 = arith.addf %add3A_4324, %mul3A_4391 : vector<16xf32>
          %add3A_4393 = arith.constant 23 : i32
          %add3A_4394 = vector.broadcast %add3A_4393 : i32 to vector<16xi32>
          %add3A_4395 = arith.addi %mul3A_3985, %add3A_4394 : vector<16xi32>
          %gather3A_4396 = tpu.vector_load_idx %arg6[%add3A_4395] : memref<640xf32, #tpu.memory_space<vmem>>[vector<16xi32>], vector<16xf32>,
          %get3A_4397 = arith.constant 6 : i32
          %get3A_4398 = arith.constant 23 : i32
          %get3A_4399 = arith.constant 0 : i32
          %get3A_4400 = arith.constant 0 : i32
          %get3A_4401 = arith.constant 0 : i32
          %get3A_4402 = tpu.memref_slice %run_scoped3A_50[%rem3A_670, %get3A_4399, %get3A_4400, %get3A_4401] : memref<2x8x24x256xf32, #tpu.memory_space<vmem>> -> memref<1x8x24x256xf32, #tpu.memory_space<vmem>>
          %get3A_4403 = tpu.memref_squeeze %get3A_4402 : memref<1x8x24x256xf32, #tpu.memory_space<vmem>> -> memref<8x24x256xf32, #tpu.memory_space<vmem>>
          %get3A_4404 = arith.index_cast %get3A_4397 : i32 to index
          %get3A_4405 = arith.index_cast %get3A_4398 : i32 to index
          %get3A_4406 = arith.index_cast %mul3A_1248 : i32 to index
          %get3A_4407 = tpu.vector_load %get3A_4403[%get3A_4404, %get3A_4405, %get3A_4406] {strides = array<i32>} : memref<8x24x256xf32, #tpu.memory_space<vmem>>, vector<16xf32>,
          %mul3A_4408 = arith.mulf %gather3A_4396, %get3A_4407 : vector<16xf32>
          %add3A_4409 = arith.addf %add3A_4341, %mul3A_4408 : vector<16xf32>
          %swap3A_4410 = arith.constant 0 : i32
          %swap3A_4411 = arith.index_cast %swap3A_4410 : i32 to index
          %swap3A_4412 = arith.constant 0 : index
          %swap3A_4413 = tpu.vector_load %arg7[%swap3A_4411, %swap3A_4412] {strides = array<i32>} : memref<4x16xf32, #tpu.memory_space<vmem>>, vector<16xf32>,
          tpu.vector_store %arg7[%swap3A_4411, %swap3A_4412], %add3A_4358 {strides = array<i32>} : memref<4x16xf32, #tpu.memory_space<vmem>>, vector<16xf32>,
          %swap3A_4414 = arith.constant 1 : i32
          %swap3A_4415 = arith.index_cast %swap3A_4414 : i32 to index
          %swap3A_4416 = arith.constant 0 : index
          %swap3A_4417 = tpu.vector_load %arg7[%swap3A_4415, %swap3A_4416] {strides = array<i32>} : memref<4x16xf32, #tpu.memory_space<vmem>>, vector<16xf32>,
          tpu.vector_store %arg7[%swap3A_4415, %swap3A_4416], %add3A_4375 {strides = array<i32>} : memref<4x16xf32, #tpu.memory_space<vmem>>, vector<16xf32>,
          %swap3A_4418 = arith.constant 2 : i32
          %swap3A_4419 = arith.index_cast %swap3A_4418 : i32 to index
          %swap3A_4420 = arith.constant 0 : index
          %swap3A_4421 = tpu.vector_load %arg7[%swap3A_4419, %swap3A_4420] {strides = array<i32>} : memref<4x16xf32, #tpu.memory_space<vmem>>, vector<16xf32>,
          tpu.vector_store %arg7[%swap3A_4419, %swap3A_4420], %add3A_4392 {strides = array<i32>} : memref<4x16xf32, #tpu.memory_space<vmem>>, vector<16xf32>,
          %swap3A_4422 = arith.constant 3 : i32
          %swap3A_4423 = arith.index_cast %swap3A_4422 : i32 to index
          %swap3A_4424 = arith.constant 0 : index
          %swap3A_4425 = tpu.vector_load %arg7[%swap3A_4423, %swap3A_4424] {strides = array<i32>} : memref<4x16xf32, #tpu.memory_space<vmem>>, vector<16xf32>,
          tpu.vector_store %arg7[%swap3A_4423, %swap3A_4424], %add3A_4409 {strides = array<i32>} : memref<4x16xf32, #tpu.memory_space<vmem>>, vector<16xf32>,
          %get3A_4426 = arith.constant 0 : i32
          %get3A_4427 = arith.constant 7 : i32
          %get3A_4428 = arith.constant 0 : i32
          %get3A_4429 = arith.constant 0 : i32
          %get3A_4430 = arith.constant 0 : i32
          %get3A_4431 = tpu.memref_slice %run_scoped3A_48[%rem3A_668, %get3A_4428, %get3A_4429, %get3A_4430] : memref<2x1x8x256xi32, #tpu.memory_space<vmem>> -> memref<1x1x8x256xi32, #tpu.memory_space<vmem>>
          %get3A_4432 = tpu.memref_squeeze %get3A_4431 : memref<1x1x8x256xi32, #tpu.memory_space<vmem>> -> memref<1x8x256xi32, #tpu.memory_space<vmem>>
          %get3A_4433 = arith.index_cast %get3A_4426 : i32 to index
          %get3A_4434 = arith.index_cast %get3A_4427 : i32 to index
          %get3A_4435 = arith.index_cast %mul3A_1248 : i32 to index
          %get3A_4436 = tpu.vector_load %get3A_4432[%get3A_4433, %get3A_4434, %get3A_4435] {strides = array<i32>} : memref<1x8x256xi32, #tpu.memory_space<vmem>>, vector<16xi32>,
          %mul3A_4437 = arith.constant 25 : i32
          %mul3A_4438 = vector.broadcast %mul3A_4437 : i32 to vector<16xi32>
          %mul3A_4439 = arith.muli %get3A_4436, %mul3A_4438 : vector<16xi32>
          %get3A_4440 = arith.constant 0 : i32
          %get3A_4441 = arith.index_cast %get3A_4440 : i32 to index
          %get3A_4442 = arith.constant 0 : index
          %get3A_4443 = tpu.vector_load %arg7[%get3A_4441, %get3A_4442] {strides = array<i32>} : memref<4x16xf32, #tpu.memory_space<vmem>>, vector<16xf32>,
          %get3A_4444 = arith.constant 1 : i32
          %get3A_4445 = arith.index_cast %get3A_4444 : i32 to index
          %get3A_4446 = arith.constant 0 : index
          %get3A_4447 = tpu.vector_load %arg7[%get3A_4445, %get3A_4446] {strides = array<i32>} : memref<4x16xf32, #tpu.memory_space<vmem>>, vector<16xf32>,
          %get3A_4448 = arith.constant 2 : i32
          %get3A_4449 = arith.index_cast %get3A_4448 : i32 to index
          %get3A_4450 = arith.constant 0 : index
          %get3A_4451 = tpu.vector_load %arg7[%get3A_4449, %get3A_4450] {strides = array<i32>} : memref<4x16xf32, #tpu.memory_space<vmem>>, vector<16xf32>,
          %get3A_4452 = arith.constant 3 : i32
          %get3A_4453 = arith.index_cast %get3A_4452 : i32 to index
          %get3A_4454 = arith.constant 0 : index
          %get3A_4455 = tpu.vector_load %arg7[%get3A_4453, %get3A_4454] {strides = array<i32>} : memref<4x16xf32, #tpu.memory_space<vmem>>, vector<16xf32>,
          %add3A_4456 = arith.constant 0 : i32
          %add3A_4457 = vector.broadcast %add3A_4456 : i32 to vector<16xi32>
          %add3A_4458 = arith.addi %mul3A_4439, %add3A_4457 : vector<16xi32>
          %gather3A_4459 = tpu.vector_load_idx %arg6[%add3A_4458] : memref<640xf32, #tpu.memory_space<vmem>>[vector<16xi32>], vector<16xf32>,
          %get3A_4460 = arith.constant 7 : i32
          %get3A_4461 = arith.constant 0 : i32
          %get3A_4462 = arith.constant 0 : i32
          %get3A_4463 = arith.constant 0 : i32
          %get3A_4464 = arith.constant 0 : i32
          %get3A_4465 = tpu.memref_slice %run_scoped3A_50[%rem3A_670, %get3A_4462, %get3A_4463, %get3A_4464] : memref<2x8x24x256xf32, #tpu.memory_space<vmem>> -> memref<1x8x24x256xf32, #tpu.memory_space<vmem>>
          %get3A_4466 = tpu.memref_squeeze %get3A_4465 : memref<1x8x24x256xf32, #tpu.memory_space<vmem>> -> memref<8x24x256xf32, #tpu.memory_space<vmem>>
          %get3A_4467 = arith.index_cast %get3A_4460 : i32 to index
          %get3A_4468 = arith.index_cast %get3A_4461 : i32 to index
          %get3A_4469 = arith.index_cast %mul3A_1248 : i32 to index
          %get3A_4470 = tpu.vector_load %get3A_4466[%get3A_4467, %get3A_4468, %get3A_4469] {strides = array<i32>} : memref<8x24x256xf32, #tpu.memory_space<vmem>>, vector<16xf32>,
          %mul3A_4471 = arith.mulf %gather3A_4459, %get3A_4470 : vector<16xf32>
          %add3A_4472 = arith.addf %get3A_4443, %mul3A_4471 : vector<16xf32>
          %add3A_4473 = arith.constant 1 : i32
          %add3A_4474 = vector.broadcast %add3A_4473 : i32 to vector<16xi32>
          %add3A_4475 = arith.addi %mul3A_4439, %add3A_4474 : vector<16xi32>
          %gather3A_4476 = tpu.vector_load_idx %arg6[%add3A_4475] : memref<640xf32, #tpu.memory_space<vmem>>[vector<16xi32>], vector<16xf32>,
          %get3A_4477 = arith.constant 7 : i32
          %get3A_4478 = arith.constant 1 : i32
          %get3A_4479 = arith.constant 0 : i32
          %get3A_4480 = arith.constant 0 : i32
          %get3A_4481 = arith.constant 0 : i32
          %get3A_4482 = tpu.memref_slice %run_scoped3A_50[%rem3A_670, %get3A_4479, %get3A_4480, %get3A_4481] : memref<2x8x24x256xf32, #tpu.memory_space<vmem>> -> memref<1x8x24x256xf32, #tpu.memory_space<vmem>>
          %get3A_4483 = tpu.memref_squeeze %get3A_4482 : memref<1x8x24x256xf32, #tpu.memory_space<vmem>> -> memref<8x24x256xf32, #tpu.memory_space<vmem>>
          %get3A_4484 = arith.index_cast %get3A_4477 : i32 to index
          %get3A_4485 = arith.index_cast %get3A_4478 : i32 to index
          %get3A_4486 = arith.index_cast %mul3A_1248 : i32 to index
          %get3A_4487 = tpu.vector_load %get3A_4483[%get3A_4484, %get3A_4485, %get3A_4486] {strides = array<i32>} : memref<8x24x256xf32, #tpu.memory_space<vmem>>, vector<16xf32>,
          %mul3A_4488 = arith.mulf %gather3A_4476, %get3A_4487 : vector<16xf32>
          %add3A_4489 = arith.addf %get3A_4447, %mul3A_4488 : vector<16xf32>
          %add3A_4490 = arith.constant 2 : i32
          %add3A_4491 = vector.broadcast %add3A_4490 : i32 to vector<16xi32>
          %add3A_4492 = arith.addi %mul3A_4439, %add3A_4491 : vector<16xi32>
          %gather3A_4493 = tpu.vector_load_idx %arg6[%add3A_4492] : memref<640xf32, #tpu.memory_space<vmem>>[vector<16xi32>], vector<16xf32>,
          %get3A_4494 = arith.constant 7 : i32
          %get3A_4495 = arith.constant 2 : i32
          %get3A_4496 = arith.constant 0 : i32
          %get3A_4497 = arith.constant 0 : i32
          %get3A_4498 = arith.constant 0 : i32
          %get3A_4499 = tpu.memref_slice %run_scoped3A_50[%rem3A_670, %get3A_4496, %get3A_4497, %get3A_4498] : memref<2x8x24x256xf32, #tpu.memory_space<vmem>> -> memref<1x8x24x256xf32, #tpu.memory_space<vmem>>
          %get3A_4500 = tpu.memref_squeeze %get3A_4499 : memref<1x8x24x256xf32, #tpu.memory_space<vmem>> -> memref<8x24x256xf32, #tpu.memory_space<vmem>>
          %get3A_4501 = arith.index_cast %get3A_4494 : i32 to index
          %get3A_4502 = arith.index_cast %get3A_4495 : i32 to index
          %get3A_4503 = arith.index_cast %mul3A_1248 : i32 to index
          %get3A_4504 = tpu.vector_load %get3A_4500[%get3A_4501, %get3A_4502, %get3A_4503] {strides = array<i32>} : memref<8x24x256xf32, #tpu.memory_space<vmem>>, vector<16xf32>,
          %mul3A_4505 = arith.mulf %gather3A_4493, %get3A_4504 : vector<16xf32>
          %add3A_4506 = arith.addf %get3A_4451, %mul3A_4505 : vector<16xf32>
          %add3A_4507 = arith.constant 3 : i32
          %add3A_4508 = vector.broadcast %add3A_4507 : i32 to vector<16xi32>
          %add3A_4509 = arith.addi %mul3A_4439, %add3A_4508 : vector<16xi32>
          %gather3A_4510 = tpu.vector_load_idx %arg6[%add3A_4509] : memref<640xf32, #tpu.memory_space<vmem>>[vector<16xi32>], vector<16xf32>,
          %get3A_4511 = arith.constant 7 : i32
          %get3A_4512 = arith.constant 3 : i32
          %get3A_4513 = arith.constant 0 : i32
          %get3A_4514 = arith.constant 0 : i32
          %get3A_4515 = arith.constant 0 : i32
          %get3A_4516 = tpu.memref_slice %run_scoped3A_50[%rem3A_670, %get3A_4513, %get3A_4514, %get3A_4515] : memref<2x8x24x256xf32, #tpu.memory_space<vmem>> -> memref<1x8x24x256xf32, #tpu.memory_space<vmem>>
          %get3A_4517 = tpu.memref_squeeze %get3A_4516 : memref<1x8x24x256xf32, #tpu.memory_space<vmem>> -> memref<8x24x256xf32, #tpu.memory_space<vmem>>
          %get3A_4518 = arith.index_cast %get3A_4511 : i32 to index
          %get3A_4519 = arith.index_cast %get3A_4512 : i32 to index
          %get3A_4520 = arith.index_cast %mul3A_1248 : i32 to index
          %get3A_4521 = tpu.vector_load %get3A_4517[%get3A_4518, %get3A_4519, %get3A_4520] {strides = array<i32>} : memref<8x24x256xf32, #tpu.memory_space<vmem>>, vector<16xf32>,
          %mul3A_4522 = arith.mulf %gather3A_4510, %get3A_4521 : vector<16xf32>
          %add3A_4523 = arith.addf %get3A_4455, %mul3A_4522 : vector<16xf32>
          %add3A_4524 = arith.constant 4 : i32
          %add3A_4525 = vector.broadcast %add3A_4524 : i32 to vector<16xi32>
          %add3A_4526 = arith.addi %mul3A_4439, %add3A_4525 : vector<16xi32>
          %gather3A_4527 = tpu.vector_load_idx %arg6[%add3A_4526] : memref<640xf32, #tpu.memory_space<vmem>>[vector<16xi32>], vector<16xf32>,
          %get3A_4528 = arith.constant 7 : i32
          %get3A_4529 = arith.constant 4 : i32
          %get3A_4530 = arith.constant 0 : i32
          %get3A_4531 = arith.constant 0 : i32
          %get3A_4532 = arith.constant 0 : i32
          %get3A_4533 = tpu.memref_slice %run_scoped3A_50[%rem3A_670, %get3A_4530, %get3A_4531, %get3A_4532] : memref<2x8x24x256xf32, #tpu.memory_space<vmem>> -> memref<1x8x24x256xf32, #tpu.memory_space<vmem>>
          %get3A_4534 = tpu.memref_squeeze %get3A_4533 : memref<1x8x24x256xf32, #tpu.memory_space<vmem>> -> memref<8x24x256xf32, #tpu.memory_space<vmem>>
          %get3A_4535 = arith.index_cast %get3A_4528 : i32 to index
          %get3A_4536 = arith.index_cast %get3A_4529 : i32 to index
          %get3A_4537 = arith.index_cast %mul3A_1248 : i32 to index
          %get3A_4538 = tpu.vector_load %get3A_4534[%get3A_4535, %get3A_4536, %get3A_4537] {strides = array<i32>} : memref<8x24x256xf32, #tpu.memory_space<vmem>>, vector<16xf32>,
          %mul3A_4539 = arith.mulf %gather3A_4527, %get3A_4538 : vector<16xf32>
          %add3A_4540 = arith.addf %add3A_4472, %mul3A_4539 : vector<16xf32>
          %add3A_4541 = arith.constant 5 : i32
          %add3A_4542 = vector.broadcast %add3A_4541 : i32 to vector<16xi32>
          %add3A_4543 = arith.addi %mul3A_4439, %add3A_4542 : vector<16xi32>
          %gather3A_4544 = tpu.vector_load_idx %arg6[%add3A_4543] : memref<640xf32, #tpu.memory_space<vmem>>[vector<16xi32>], vector<16xf32>,
          %get3A_4545 = arith.constant 7 : i32
          %get3A_4546 = arith.constant 5 : i32
          %get3A_4547 = arith.constant 0 : i32
          %get3A_4548 = arith.constant 0 : i32
          %get3A_4549 = arith.constant 0 : i32
          %get3A_4550 = tpu.memref_slice %run_scoped3A_50[%rem3A_670, %get3A_4547, %get3A_4548, %get3A_4549] : memref<2x8x24x256xf32, #tpu.memory_space<vmem>> -> memref<1x8x24x256xf32, #tpu.memory_space<vmem>>
          %get3A_4551 = tpu.memref_squeeze %get3A_4550 : memref<1x8x24x256xf32, #tpu.memory_space<vmem>> -> memref<8x24x256xf32, #tpu.memory_space<vmem>>
          %get3A_4552 = arith.index_cast %get3A_4545 : i32 to index
          %get3A_4553 = arith.index_cast %get3A_4546 : i32 to index
          %get3A_4554 = arith.index_cast %mul3A_1248 : i32 to index
          %get3A_4555 = tpu.vector_load %get3A_4551[%get3A_4552, %get3A_4553, %get3A_4554] {strides = array<i32>} : memref<8x24x256xf32, #tpu.memory_space<vmem>>, vector<16xf32>,
          %mul3A_4556 = arith.mulf %gather3A_4544, %get3A_4555 : vector<16xf32>
          %add3A_4557 = arith.addf %add3A_4489, %mul3A_4556 : vector<16xf32>
          %add3A_4558 = arith.constant 6 : i32
          %add3A_4559 = vector.broadcast %add3A_4558 : i32 to vector<16xi32>
          %add3A_4560 = arith.addi %mul3A_4439, %add3A_4559 : vector<16xi32>
          %gather3A_4561 = tpu.vector_load_idx %arg6[%add3A_4560] : memref<640xf32, #tpu.memory_space<vmem>>[vector<16xi32>], vector<16xf32>,
          %get3A_4562 = arith.constant 7 : i32
          %get3A_4563 = arith.constant 6 : i32
          %get3A_4564 = arith.constant 0 : i32
          %get3A_4565 = arith.constant 0 : i32
          %get3A_4566 = arith.constant 0 : i32
          %get3A_4567 = tpu.memref_slice %run_scoped3A_50[%rem3A_670, %get3A_4564, %get3A_4565, %get3A_4566] : memref<2x8x24x256xf32, #tpu.memory_space<vmem>> -> memref<1x8x24x256xf32, #tpu.memory_space<vmem>>
          %get3A_4568 = tpu.memref_squeeze %get3A_4567 : memref<1x8x24x256xf32, #tpu.memory_space<vmem>> -> memref<8x24x256xf32, #tpu.memory_space<vmem>>
          %get3A_4569 = arith.index_cast %get3A_4562 : i32 to index
          %get3A_4570 = arith.index_cast %get3A_4563 : i32 to index
          %get3A_4571 = arith.index_cast %mul3A_1248 : i32 to index
          %get3A_4572 = tpu.vector_load %get3A_4568[%get3A_4569, %get3A_4570, %get3A_4571] {strides = array<i32>} : memref<8x24x256xf32, #tpu.memory_space<vmem>>, vector<16xf32>,
          %mul3A_4573 = arith.mulf %gather3A_4561, %get3A_4572 : vector<16xf32>
          %add3A_4574 = arith.addf %add3A_4506, %mul3A_4573 : vector<16xf32>
          %add3A_4575 = arith.constant 7 : i32
          %add3A_4576 = vector.broadcast %add3A_4575 : i32 to vector<16xi32>
          %add3A_4577 = arith.addi %mul3A_4439, %add3A_4576 : vector<16xi32>
          %gather3A_4578 = tpu.vector_load_idx %arg6[%add3A_4577] : memref<640xf32, #tpu.memory_space<vmem>>[vector<16xi32>], vector<16xf32>,
          %get3A_4579 = arith.constant 7 : i32
          %get3A_4580 = arith.constant 7 : i32
          %get3A_4581 = arith.constant 0 : i32
          %get3A_4582 = arith.constant 0 : i32
          %get3A_4583 = arith.constant 0 : i32
          %get3A_4584 = tpu.memref_slice %run_scoped3A_50[%rem3A_670, %get3A_4581, %get3A_4582, %get3A_4583] : memref<2x8x24x256xf32, #tpu.memory_space<vmem>> -> memref<1x8x24x256xf32, #tpu.memory_space<vmem>>
          %get3A_4585 = tpu.memref_squeeze %get3A_4584 : memref<1x8x24x256xf32, #tpu.memory_space<vmem>> -> memref<8x24x256xf32, #tpu.memory_space<vmem>>
          %get3A_4586 = arith.index_cast %get3A_4579 : i32 to index
          %get3A_4587 = arith.index_cast %get3A_4580 : i32 to index
          %get3A_4588 = arith.index_cast %mul3A_1248 : i32 to index
          %get3A_4589 = tpu.vector_load %get3A_4585[%get3A_4586, %get3A_4587, %get3A_4588] {strides = array<i32>} : memref<8x24x256xf32, #tpu.memory_space<vmem>>, vector<16xf32>,
          %mul3A_4590 = arith.mulf %gather3A_4578, %get3A_4589 : vector<16xf32>
          %add3A_4591 = arith.addf %add3A_4523, %mul3A_4590 : vector<16xf32>
          %add3A_4592 = arith.constant 8 : i32
          %add3A_4593 = vector.broadcast %add3A_4592 : i32 to vector<16xi32>
          %add3A_4594 = arith.addi %mul3A_4439, %add3A_4593 : vector<16xi32>
          %gather3A_4595 = tpu.vector_load_idx %arg6[%add3A_4594] : memref<640xf32, #tpu.memory_space<vmem>>[vector<16xi32>], vector<16xf32>,
          %get3A_4596 = arith.constant 7 : i32
          %get3A_4597 = arith.constant 8 : i32
          %get3A_4598 = arith.constant 0 : i32
          %get3A_4599 = arith.constant 0 : i32
          %get3A_4600 = arith.constant 0 : i32
          %get3A_4601 = tpu.memref_slice %run_scoped3A_50[%rem3A_670, %get3A_4598, %get3A_4599, %get3A_4600] : memref<2x8x24x256xf32, #tpu.memory_space<vmem>> -> memref<1x8x24x256xf32, #tpu.memory_space<vmem>>
          %get3A_4602 = tpu.memref_squeeze %get3A_4601 : memref<1x8x24x256xf32, #tpu.memory_space<vmem>> -> memref<8x24x256xf32, #tpu.memory_space<vmem>>
          %get3A_4603 = arith.index_cast %get3A_4596 : i32 to index
          %get3A_4604 = arith.index_cast %get3A_4597 : i32 to index
          %get3A_4605 = arith.index_cast %mul3A_1248 : i32 to index
          %get3A_4606 = tpu.vector_load %get3A_4602[%get3A_4603, %get3A_4604, %get3A_4605] {strides = array<i32>} : memref<8x24x256xf32, #tpu.memory_space<vmem>>, vector<16xf32>,
          %mul3A_4607 = arith.mulf %gather3A_4595, %get3A_4606 : vector<16xf32>
          %add3A_4608 = arith.addf %add3A_4540, %mul3A_4607 : vector<16xf32>
          %add3A_4609 = arith.constant 9 : i32
          %add3A_4610 = vector.broadcast %add3A_4609 : i32 to vector<16xi32>
          %add3A_4611 = arith.addi %mul3A_4439, %add3A_4610 : vector<16xi32>
          %gather3A_4612 = tpu.vector_load_idx %arg6[%add3A_4611] : memref<640xf32, #tpu.memory_space<vmem>>[vector<16xi32>], vector<16xf32>,
          %get3A_4613 = arith.constant 7 : i32
          %get3A_4614 = arith.constant 9 : i32
          %get3A_4615 = arith.constant 0 : i32
          %get3A_4616 = arith.constant 0 : i32
          %get3A_4617 = arith.constant 0 : i32
          %get3A_4618 = tpu.memref_slice %run_scoped3A_50[%rem3A_670, %get3A_4615, %get3A_4616, %get3A_4617] : memref<2x8x24x256xf32, #tpu.memory_space<vmem>> -> memref<1x8x24x256xf32, #tpu.memory_space<vmem>>
          %get3A_4619 = tpu.memref_squeeze %get3A_4618 : memref<1x8x24x256xf32, #tpu.memory_space<vmem>> -> memref<8x24x256xf32, #tpu.memory_space<vmem>>
          %get3A_4620 = arith.index_cast %get3A_4613 : i32 to index
          %get3A_4621 = arith.index_cast %get3A_4614 : i32 to index
          %get3A_4622 = arith.index_cast %mul3A_1248 : i32 to index
          %get3A_4623 = tpu.vector_load %get3A_4619[%get3A_4620, %get3A_4621, %get3A_4622] {strides = array<i32>} : memref<8x24x256xf32, #tpu.memory_space<vmem>>, vector<16xf32>,
          %mul3A_4624 = arith.mulf %gather3A_4612, %get3A_4623 : vector<16xf32>
          %add3A_4625 = arith.addf %add3A_4557, %mul3A_4624 : vector<16xf32>
          %add3A_4626 = arith.constant 10 : i32
          %add3A_4627 = vector.broadcast %add3A_4626 : i32 to vector<16xi32>
          %add3A_4628 = arith.addi %mul3A_4439, %add3A_4627 : vector<16xi32>
          %gather3A_4629 = tpu.vector_load_idx %arg6[%add3A_4628] : memref<640xf32, #tpu.memory_space<vmem>>[vector<16xi32>], vector<16xf32>,
          %get3A_4630 = arith.constant 7 : i32
          %get3A_4631 = arith.constant 10 : i32
          %get3A_4632 = arith.constant 0 : i32
          %get3A_4633 = arith.constant 0 : i32
          %get3A_4634 = arith.constant 0 : i32
          %get3A_4635 = tpu.memref_slice %run_scoped3A_50[%rem3A_670, %get3A_4632, %get3A_4633, %get3A_4634] : memref<2x8x24x256xf32, #tpu.memory_space<vmem>> -> memref<1x8x24x256xf32, #tpu.memory_space<vmem>>
          %get3A_4636 = tpu.memref_squeeze %get3A_4635 : memref<1x8x24x256xf32, #tpu.memory_space<vmem>> -> memref<8x24x256xf32, #tpu.memory_space<vmem>>
          %get3A_4637 = arith.index_cast %get3A_4630 : i32 to index
          %get3A_4638 = arith.index_cast %get3A_4631 : i32 to index
          %get3A_4639 = arith.index_cast %mul3A_1248 : i32 to index
          %get3A_4640 = tpu.vector_load %get3A_4636[%get3A_4637, %get3A_4638, %get3A_4639] {strides = array<i32>} : memref<8x24x256xf32, #tpu.memory_space<vmem>>, vector<16xf32>,
          %mul3A_4641 = arith.mulf %gather3A_4629, %get3A_4640 : vector<16xf32>
          %add3A_4642 = arith.addf %add3A_4574, %mul3A_4641 : vector<16xf32>
          %add3A_4643 = arith.constant 11 : i32
          %add3A_4644 = vector.broadcast %add3A_4643 : i32 to vector<16xi32>
          %add3A_4645 = arith.addi %mul3A_4439, %add3A_4644 : vector<16xi32>
          %gather3A_4646 = tpu.vector_load_idx %arg6[%add3A_4645] : memref<640xf32, #tpu.memory_space<vmem>>[vector<16xi32>], vector<16xf32>,
          %get3A_4647 = arith.constant 7 : i32
          %get3A_4648 = arith.constant 11 : i32
          %get3A_4649 = arith.constant 0 : i32
          %get3A_4650 = arith.constant 0 : i32
          %get3A_4651 = arith.constant 0 : i32
          %get3A_4652 = tpu.memref_slice %run_scoped3A_50[%rem3A_670, %get3A_4649, %get3A_4650, %get3A_4651] : memref<2x8x24x256xf32, #tpu.memory_space<vmem>> -> memref<1x8x24x256xf32, #tpu.memory_space<vmem>>
          %get3A_4653 = tpu.memref_squeeze %get3A_4652 : memref<1x8x24x256xf32, #tpu.memory_space<vmem>> -> memref<8x24x256xf32, #tpu.memory_space<vmem>>
          %get3A_4654 = arith.index_cast %get3A_4647 : i32 to index
          %get3A_4655 = arith.index_cast %get3A_4648 : i32 to index
          %get3A_4656 = arith.index_cast %mul3A_1248 : i32 to index
          %get3A_4657 = tpu.vector_load %get3A_4653[%get3A_4654, %get3A_4655, %get3A_4656] {strides = array<i32>} : memref<8x24x256xf32, #tpu.memory_space<vmem>>, vector<16xf32>,
          %mul3A_4658 = arith.mulf %gather3A_4646, %get3A_4657 : vector<16xf32>
          %add3A_4659 = arith.addf %add3A_4591, %mul3A_4658 : vector<16xf32>
          %add3A_4660 = arith.constant 12 : i32
          %add3A_4661 = vector.broadcast %add3A_4660 : i32 to vector<16xi32>
          %add3A_4662 = arith.addi %mul3A_4439, %add3A_4661 : vector<16xi32>
          %gather3A_4663 = tpu.vector_load_idx %arg6[%add3A_4662] : memref<640xf32, #tpu.memory_space<vmem>>[vector<16xi32>], vector<16xf32>,
          %get3A_4664 = arith.constant 7 : i32
          %get3A_4665 = arith.constant 12 : i32
          %get3A_4666 = arith.constant 0 : i32
          %get3A_4667 = arith.constant 0 : i32
          %get3A_4668 = arith.constant 0 : i32
          %get3A_4669 = tpu.memref_slice %run_scoped3A_50[%rem3A_670, %get3A_4666, %get3A_4667, %get3A_4668] : memref<2x8x24x256xf32, #tpu.memory_space<vmem>> -> memref<1x8x24x256xf32, #tpu.memory_space<vmem>>
          %get3A_4670 = tpu.memref_squeeze %get3A_4669 : memref<1x8x24x256xf32, #tpu.memory_space<vmem>> -> memref<8x24x256xf32, #tpu.memory_space<vmem>>
          %get3A_4671 = arith.index_cast %get3A_4664 : i32 to index
          %get3A_4672 = arith.index_cast %get3A_4665 : i32 to index
          %get3A_4673 = arith.index_cast %mul3A_1248 : i32 to index
          %get3A_4674 = tpu.vector_load %get3A_4670[%get3A_4671, %get3A_4672, %get3A_4673] {strides = array<i32>} : memref<8x24x256xf32, #tpu.memory_space<vmem>>, vector<16xf32>,
          %mul3A_4675 = arith.mulf %gather3A_4663, %get3A_4674 : vector<16xf32>
          %add3A_4676 = arith.addf %add3A_4608, %mul3A_4675 : vector<16xf32>
          %add3A_4677 = arith.constant 13 : i32
          %add3A_4678 = vector.broadcast %add3A_4677 : i32 to vector<16xi32>
          %add3A_4679 = arith.addi %mul3A_4439, %add3A_4678 : vector<16xi32>
          %gather3A_4680 = tpu.vector_load_idx %arg6[%add3A_4679] : memref<640xf32, #tpu.memory_space<vmem>>[vector<16xi32>], vector<16xf32>,
          %get3A_4681 = arith.constant 7 : i32
          %get3A_4682 = arith.constant 13 : i32
          %get3A_4683 = arith.constant 0 : i32
          %get3A_4684 = arith.constant 0 : i32
          %get3A_4685 = arith.constant 0 : i32
          %get3A_4686 = tpu.memref_slice %run_scoped3A_50[%rem3A_670, %get3A_4683, %get3A_4684, %get3A_4685] : memref<2x8x24x256xf32, #tpu.memory_space<vmem>> -> memref<1x8x24x256xf32, #tpu.memory_space<vmem>>
          %get3A_4687 = tpu.memref_squeeze %get3A_4686 : memref<1x8x24x256xf32, #tpu.memory_space<vmem>> -> memref<8x24x256xf32, #tpu.memory_space<vmem>>
          %get3A_4688 = arith.index_cast %get3A_4681 : i32 to index
          %get3A_4689 = arith.index_cast %get3A_4682 : i32 to index
          %get3A_4690 = arith.index_cast %mul3A_1248 : i32 to index
          %get3A_4691 = tpu.vector_load %get3A_4687[%get3A_4688, %get3A_4689, %get3A_4690] {strides = array<i32>} : memref<8x24x256xf32, #tpu.memory_space<vmem>>, vector<16xf32>,
          %mul3A_4692 = arith.mulf %gather3A_4680, %get3A_4691 : vector<16xf32>
          %add3A_4693 = arith.addf %add3A_4625, %mul3A_4692 : vector<16xf32>
          %add3A_4694 = arith.constant 14 : i32
          %add3A_4695 = vector.broadcast %add3A_4694 : i32 to vector<16xi32>
          %add3A_4696 = arith.addi %mul3A_4439, %add3A_4695 : vector<16xi32>
          %gather3A_4697 = tpu.vector_load_idx %arg6[%add3A_4696] : memref<640xf32, #tpu.memory_space<vmem>>[vector<16xi32>], vector<16xf32>,
          %get3A_4698 = arith.constant 7 : i32
          %get3A_4699 = arith.constant 14 : i32
          %get3A_4700 = arith.constant 0 : i32
          %get3A_4701 = arith.constant 0 : i32
          %get3A_4702 = arith.constant 0 : i32
          %get3A_4703 = tpu.memref_slice %run_scoped3A_50[%rem3A_670, %get3A_4700, %get3A_4701, %get3A_4702] : memref<2x8x24x256xf32, #tpu.memory_space<vmem>> -> memref<1x8x24x256xf32, #tpu.memory_space<vmem>>
          %get3A_4704 = tpu.memref_squeeze %get3A_4703 : memref<1x8x24x256xf32, #tpu.memory_space<vmem>> -> memref<8x24x256xf32, #tpu.memory_space<vmem>>
          %get3A_4705 = arith.index_cast %get3A_4698 : i32 to index
          %get3A_4706 = arith.index_cast %get3A_4699 : i32 to index
          %get3A_4707 = arith.index_cast %mul3A_1248 : i32 to index
          %get3A_4708 = tpu.vector_load %get3A_4704[%get3A_4705, %get3A_4706, %get3A_4707] {strides = array<i32>} : memref<8x24x256xf32, #tpu.memory_space<vmem>>, vector<16xf32>,
          %mul3A_4709 = arith.mulf %gather3A_4697, %get3A_4708 : vector<16xf32>
          %add3A_4710 = arith.addf %add3A_4642, %mul3A_4709 : vector<16xf32>
          %add3A_4711 = arith.constant 15 : i32
          %add3A_4712 = vector.broadcast %add3A_4711 : i32 to vector<16xi32>
          %add3A_4713 = arith.addi %mul3A_4439, %add3A_4712 : vector<16xi32>
          %gather3A_4714 = tpu.vector_load_idx %arg6[%add3A_4713] : memref<640xf32, #tpu.memory_space<vmem>>[vector<16xi32>], vector<16xf32>,
          %get3A_4715 = arith.constant 7 : i32
          %get3A_4716 = arith.constant 15 : i32
          %get3A_4717 = arith.constant 0 : i32
          %get3A_4718 = arith.constant 0 : i32
          %get3A_4719 = arith.constant 0 : i32
          %get3A_4720 = tpu.memref_slice %run_scoped3A_50[%rem3A_670, %get3A_4717, %get3A_4718, %get3A_4719] : memref<2x8x24x256xf32, #tpu.memory_space<vmem>> -> memref<1x8x24x256xf32, #tpu.memory_space<vmem>>
          %get3A_4721 = tpu.memref_squeeze %get3A_4720 : memref<1x8x24x256xf32, #tpu.memory_space<vmem>> -> memref<8x24x256xf32, #tpu.memory_space<vmem>>
          %get3A_4722 = arith.index_cast %get3A_4715 : i32 to index
          %get3A_4723 = arith.index_cast %get3A_4716 : i32 to index
          %get3A_4724 = arith.index_cast %mul3A_1248 : i32 to index
          %get3A_4725 = tpu.vector_load %get3A_4721[%get3A_4722, %get3A_4723, %get3A_4724] {strides = array<i32>} : memref<8x24x256xf32, #tpu.memory_space<vmem>>, vector<16xf32>,
          %mul3A_4726 = arith.mulf %gather3A_4714, %get3A_4725 : vector<16xf32>
          %add3A_4727 = arith.addf %add3A_4659, %mul3A_4726 : vector<16xf32>
          %add3A_4728 = arith.constant 16 : i32
          %add3A_4729 = vector.broadcast %add3A_4728 : i32 to vector<16xi32>
          %add3A_4730 = arith.addi %mul3A_4439, %add3A_4729 : vector<16xi32>
          %gather3A_4731 = tpu.vector_load_idx %arg6[%add3A_4730] : memref<640xf32, #tpu.memory_space<vmem>>[vector<16xi32>], vector<16xf32>,
          %get3A_4732 = arith.constant 7 : i32
          %get3A_4733 = arith.constant 16 : i32
          %get3A_4734 = arith.constant 0 : i32
          %get3A_4735 = arith.constant 0 : i32
          %get3A_4736 = arith.constant 0 : i32
          %get3A_4737 = tpu.memref_slice %run_scoped3A_50[%rem3A_670, %get3A_4734, %get3A_4735, %get3A_4736] : memref<2x8x24x256xf32, #tpu.memory_space<vmem>> -> memref<1x8x24x256xf32, #tpu.memory_space<vmem>>
          %get3A_4738 = tpu.memref_squeeze %get3A_4737 : memref<1x8x24x256xf32, #tpu.memory_space<vmem>> -> memref<8x24x256xf32, #tpu.memory_space<vmem>>
          %get3A_4739 = arith.index_cast %get3A_4732 : i32 to index
          %get3A_4740 = arith.index_cast %get3A_4733 : i32 to index
          %get3A_4741 = arith.index_cast %mul3A_1248 : i32 to index
          %get3A_4742 = tpu.vector_load %get3A_4738[%get3A_4739, %get3A_4740, %get3A_4741] {strides = array<i32>} : memref<8x24x256xf32, #tpu.memory_space<vmem>>, vector<16xf32>,
          %mul3A_4743 = arith.mulf %gather3A_4731, %get3A_4742 : vector<16xf32>
          %add3A_4744 = arith.addf %add3A_4676, %mul3A_4743 : vector<16xf32>
          %add3A_4745 = arith.constant 17 : i32
          %add3A_4746 = vector.broadcast %add3A_4745 : i32 to vector<16xi32>
          %add3A_4747 = arith.addi %mul3A_4439, %add3A_4746 : vector<16xi32>
          %gather3A_4748 = tpu.vector_load_idx %arg6[%add3A_4747] : memref<640xf32, #tpu.memory_space<vmem>>[vector<16xi32>], vector<16xf32>,
          %get3A_4749 = arith.constant 7 : i32
          %get3A_4750 = arith.constant 17 : i32
          %get3A_4751 = arith.constant 0 : i32
          %get3A_4752 = arith.constant 0 : i32
          %get3A_4753 = arith.constant 0 : i32
          %get3A_4754 = tpu.memref_slice %run_scoped3A_50[%rem3A_670, %get3A_4751, %get3A_4752, %get3A_4753] : memref<2x8x24x256xf32, #tpu.memory_space<vmem>> -> memref<1x8x24x256xf32, #tpu.memory_space<vmem>>
          %get3A_4755 = tpu.memref_squeeze %get3A_4754 : memref<1x8x24x256xf32, #tpu.memory_space<vmem>> -> memref<8x24x256xf32, #tpu.memory_space<vmem>>
          %get3A_4756 = arith.index_cast %get3A_4749 : i32 to index
          %get3A_4757 = arith.index_cast %get3A_4750 : i32 to index
          %get3A_4758 = arith.index_cast %mul3A_1248 : i32 to index
          %get3A_4759 = tpu.vector_load %get3A_4755[%get3A_4756, %get3A_4757, %get3A_4758] {strides = array<i32>} : memref<8x24x256xf32, #tpu.memory_space<vmem>>, vector<16xf32>,
          %mul3A_4760 = arith.mulf %gather3A_4748, %get3A_4759 : vector<16xf32>
          %add3A_4761 = arith.addf %add3A_4693, %mul3A_4760 : vector<16xf32>
          %add3A_4762 = arith.constant 18 : i32
          %add3A_4763 = vector.broadcast %add3A_4762 : i32 to vector<16xi32>
          %add3A_4764 = arith.addi %mul3A_4439, %add3A_4763 : vector<16xi32>
          %gather3A_4765 = tpu.vector_load_idx %arg6[%add3A_4764] : memref<640xf32, #tpu.memory_space<vmem>>[vector<16xi32>], vector<16xf32>,
          %get3A_4766 = arith.constant 7 : i32
          %get3A_4767 = arith.constant 18 : i32
          %get3A_4768 = arith.constant 0 : i32
          %get3A_4769 = arith.constant 0 : i32
          %get3A_4770 = arith.constant 0 : i32
          %get3A_4771 = tpu.memref_slice %run_scoped3A_50[%rem3A_670, %get3A_4768, %get3A_4769, %get3A_4770] : memref<2x8x24x256xf32, #tpu.memory_space<vmem>> -> memref<1x8x24x256xf32, #tpu.memory_space<vmem>>
          %get3A_4772 = tpu.memref_squeeze %get3A_4771 : memref<1x8x24x256xf32, #tpu.memory_space<vmem>> -> memref<8x24x256xf32, #tpu.memory_space<vmem>>
          %get3A_4773 = arith.index_cast %get3A_4766 : i32 to index
          %get3A_4774 = arith.index_cast %get3A_4767 : i32 to index
          %get3A_4775 = arith.index_cast %mul3A_1248 : i32 to index
          %get3A_4776 = tpu.vector_load %get3A_4772[%get3A_4773, %get3A_4774, %get3A_4775] {strides = array<i32>} : memref<8x24x256xf32, #tpu.memory_space<vmem>>, vector<16xf32>,
          %mul3A_4777 = arith.mulf %gather3A_4765, %get3A_4776 : vector<16xf32>
          %add3A_4778 = arith.addf %add3A_4710, %mul3A_4777 : vector<16xf32>
          %add3A_4779 = arith.constant 19 : i32
          %add3A_4780 = vector.broadcast %add3A_4779 : i32 to vector<16xi32>
          %add3A_4781 = arith.addi %mul3A_4439, %add3A_4780 : vector<16xi32>
          %gather3A_4782 = tpu.vector_load_idx %arg6[%add3A_4781] : memref<640xf32, #tpu.memory_space<vmem>>[vector<16xi32>], vector<16xf32>,
          %get3A_4783 = arith.constant 7 : i32
          %get3A_4784 = arith.constant 19 : i32
          %get3A_4785 = arith.constant 0 : i32
          %get3A_4786 = arith.constant 0 : i32
          %get3A_4787 = arith.constant 0 : i32
          %get3A_4788 = tpu.memref_slice %run_scoped3A_50[%rem3A_670, %get3A_4785, %get3A_4786, %get3A_4787] : memref<2x8x24x256xf32, #tpu.memory_space<vmem>> -> memref<1x8x24x256xf32, #tpu.memory_space<vmem>>
          %get3A_4789 = tpu.memref_squeeze %get3A_4788 : memref<1x8x24x256xf32, #tpu.memory_space<vmem>> -> memref<8x24x256xf32, #tpu.memory_space<vmem>>
          %get3A_4790 = arith.index_cast %get3A_4783 : i32 to index
          %get3A_4791 = arith.index_cast %get3A_4784 : i32 to index
          %get3A_4792 = arith.index_cast %mul3A_1248 : i32 to index
          %get3A_4793 = tpu.vector_load %get3A_4789[%get3A_4790, %get3A_4791, %get3A_4792] {strides = array<i32>} : memref<8x24x256xf32, #tpu.memory_space<vmem>>, vector<16xf32>,
          %mul3A_4794 = arith.mulf %gather3A_4782, %get3A_4793 : vector<16xf32>
          %add3A_4795 = arith.addf %add3A_4727, %mul3A_4794 : vector<16xf32>
          %add3A_4796 = arith.constant 20 : i32
          %add3A_4797 = vector.broadcast %add3A_4796 : i32 to vector<16xi32>
          %add3A_4798 = arith.addi %mul3A_4439, %add3A_4797 : vector<16xi32>
          %gather3A_4799 = tpu.vector_load_idx %arg6[%add3A_4798] : memref<640xf32, #tpu.memory_space<vmem>>[vector<16xi32>], vector<16xf32>,
          %get3A_4800 = arith.constant 7 : i32
          %get3A_4801 = arith.constant 20 : i32
          %get3A_4802 = arith.constant 0 : i32
          %get3A_4803 = arith.constant 0 : i32
          %get3A_4804 = arith.constant 0 : i32
          %get3A_4805 = tpu.memref_slice %run_scoped3A_50[%rem3A_670, %get3A_4802, %get3A_4803, %get3A_4804] : memref<2x8x24x256xf32, #tpu.memory_space<vmem>> -> memref<1x8x24x256xf32, #tpu.memory_space<vmem>>
          %get3A_4806 = tpu.memref_squeeze %get3A_4805 : memref<1x8x24x256xf32, #tpu.memory_space<vmem>> -> memref<8x24x256xf32, #tpu.memory_space<vmem>>
          %get3A_4807 = arith.index_cast %get3A_4800 : i32 to index
          %get3A_4808 = arith.index_cast %get3A_4801 : i32 to index
          %get3A_4809 = arith.index_cast %mul3A_1248 : i32 to index
          %get3A_4810 = tpu.vector_load %get3A_4806[%get3A_4807, %get3A_4808, %get3A_4809] {strides = array<i32>} : memref<8x24x256xf32, #tpu.memory_space<vmem>>, vector<16xf32>,
          %mul3A_4811 = arith.mulf %gather3A_4799, %get3A_4810 : vector<16xf32>
          %add3A_4812 = arith.addf %add3A_4744, %mul3A_4811 : vector<16xf32>
          %add3A_4813 = arith.constant 21 : i32
          %add3A_4814 = vector.broadcast %add3A_4813 : i32 to vector<16xi32>
          %add3A_4815 = arith.addi %mul3A_4439, %add3A_4814 : vector<16xi32>
          %gather3A_4816 = tpu.vector_load_idx %arg6[%add3A_4815] : memref<640xf32, #tpu.memory_space<vmem>>[vector<16xi32>], vector<16xf32>,
          %get3A_4817 = arith.constant 7 : i32
          %get3A_4818 = arith.constant 21 : i32
          %get3A_4819 = arith.constant 0 : i32
          %get3A_4820 = arith.constant 0 : i32
          %get3A_4821 = arith.constant 0 : i32
          %get3A_4822 = tpu.memref_slice %run_scoped3A_50[%rem3A_670, %get3A_4819, %get3A_4820, %get3A_4821] : memref<2x8x24x256xf32, #tpu.memory_space<vmem>> -> memref<1x8x24x256xf32, #tpu.memory_space<vmem>>
          %get3A_4823 = tpu.memref_squeeze %get3A_4822 : memref<1x8x24x256xf32, #tpu.memory_space<vmem>> -> memref<8x24x256xf32, #tpu.memory_space<vmem>>
          %get3A_4824 = arith.index_cast %get3A_4817 : i32 to index
          %get3A_4825 = arith.index_cast %get3A_4818 : i32 to index
          %get3A_4826 = arith.index_cast %mul3A_1248 : i32 to index
          %get3A_4827 = tpu.vector_load %get3A_4823[%get3A_4824, %get3A_4825, %get3A_4826] {strides = array<i32>} : memref<8x24x256xf32, #tpu.memory_space<vmem>>, vector<16xf32>,
          %mul3A_4828 = arith.mulf %gather3A_4816, %get3A_4827 : vector<16xf32>
          %add3A_4829 = arith.addf %add3A_4761, %mul3A_4828 : vector<16xf32>
          %add3A_4830 = arith.constant 22 : i32
          %add3A_4831 = vector.broadcast %add3A_4830 : i32 to vector<16xi32>
          %add3A_4832 = arith.addi %mul3A_4439, %add3A_4831 : vector<16xi32>
          %gather3A_4833 = tpu.vector_load_idx %arg6[%add3A_4832] : memref<640xf32, #tpu.memory_space<vmem>>[vector<16xi32>], vector<16xf32>,
          %get3A_4834 = arith.constant 7 : i32
          %get3A_4835 = arith.constant 22 : i32
          %get3A_4836 = arith.constant 0 : i32
          %get3A_4837 = arith.constant 0 : i32
          %get3A_4838 = arith.constant 0 : i32
          %get3A_4839 = tpu.memref_slice %run_scoped3A_50[%rem3A_670, %get3A_4836, %get3A_4837, %get3A_4838] : memref<2x8x24x256xf32, #tpu.memory_space<vmem>> -> memref<1x8x24x256xf32, #tpu.memory_space<vmem>>
          %get3A_4840 = tpu.memref_squeeze %get3A_4839 : memref<1x8x24x256xf32, #tpu.memory_space<vmem>> -> memref<8x24x256xf32, #tpu.memory_space<vmem>>
          %get3A_4841 = arith.index_cast %get3A_4834 : i32 to index
          %get3A_4842 = arith.index_cast %get3A_4835 : i32 to index
          %get3A_4843 = arith.index_cast %mul3A_1248 : i32 to index
          %get3A_4844 = tpu.vector_load %get3A_4840[%get3A_4841, %get3A_4842, %get3A_4843] {strides = array<i32>} : memref<8x24x256xf32, #tpu.memory_space<vmem>>, vector<16xf32>,
          %mul3A_4845 = arith.mulf %gather3A_4833, %get3A_4844 : vector<16xf32>
          %add3A_4846 = arith.addf %add3A_4778, %mul3A_4845 : vector<16xf32>
          %add3A_4847 = arith.constant 23 : i32
          %add3A_4848 = vector.broadcast %add3A_4847 : i32 to vector<16xi32>
          %add3A_4849 = arith.addi %mul3A_4439, %add3A_4848 : vector<16xi32>
          %gather3A_4850 = tpu.vector_load_idx %arg6[%add3A_4849] : memref<640xf32, #tpu.memory_space<vmem>>[vector<16xi32>], vector<16xf32>,
          %get3A_4851 = arith.constant 7 : i32
          %get3A_4852 = arith.constant 23 : i32
          %get3A_4853 = arith.constant 0 : i32
          %get3A_4854 = arith.constant 0 : i32
          %get3A_4855 = arith.constant 0 : i32
          %get3A_4856 = tpu.memref_slice %run_scoped3A_50[%rem3A_670, %get3A_4853, %get3A_4854, %get3A_4855] : memref<2x8x24x256xf32, #tpu.memory_space<vmem>> -> memref<1x8x24x256xf32, #tpu.memory_space<vmem>>
          %get3A_4857 = tpu.memref_squeeze %get3A_4856 : memref<1x8x24x256xf32, #tpu.memory_space<vmem>> -> memref<8x24x256xf32, #tpu.memory_space<vmem>>
          %get3A_4858 = arith.index_cast %get3A_4851 : i32 to index
          %get3A_4859 = arith.index_cast %get3A_4852 : i32 to index
          %get3A_4860 = arith.index_cast %mul3A_1248 : i32 to index
          %get3A_4861 = tpu.vector_load %get3A_4857[%get3A_4858, %get3A_4859, %get3A_4860] {strides = array<i32>} : memref<8x24x256xf32, #tpu.memory_space<vmem>>, vector<16xf32>,
          %mul3A_4862 = arith.mulf %gather3A_4850, %get3A_4861 : vector<16xf32>
          %add3A_4863 = arith.addf %add3A_4795, %mul3A_4862 : vector<16xf32>
          %swap3A_4864 = arith.constant 0 : i32
          %swap3A_4865 = arith.index_cast %swap3A_4864 : i32 to index
          %swap3A_4866 = arith.constant 0 : index
          %swap3A_4867 = tpu.vector_load %arg7[%swap3A_4865, %swap3A_4866] {strides = array<i32>} : memref<4x16xf32, #tpu.memory_space<vmem>>, vector<16xf32>,
          tpu.vector_store %arg7[%swap3A_4865, %swap3A_4866], %add3A_4812 {strides = array<i32>} : memref<4x16xf32, #tpu.memory_space<vmem>>, vector<16xf32>,
          %swap3A_4868 = arith.constant 1 : i32
          %swap3A_4869 = arith.index_cast %swap3A_4868 : i32 to index
          %swap3A_4870 = arith.constant 0 : index
          %swap3A_4871 = tpu.vector_load %arg7[%swap3A_4869, %swap3A_4870] {strides = array<i32>} : memref<4x16xf32, #tpu.memory_space<vmem>>, vector<16xf32>,
          tpu.vector_store %arg7[%swap3A_4869, %swap3A_4870], %add3A_4829 {strides = array<i32>} : memref<4x16xf32, #tpu.memory_space<vmem>>, vector<16xf32>,
          %swap3A_4872 = arith.constant 2 : i32
          %swap3A_4873 = arith.index_cast %swap3A_4872 : i32 to index
          %swap3A_4874 = arith.constant 0 : index
          %swap3A_4875 = tpu.vector_load %arg7[%swap3A_4873, %swap3A_4874] {strides = array<i32>} : memref<4x16xf32, #tpu.memory_space<vmem>>, vector<16xf32>,
          tpu.vector_store %arg7[%swap3A_4873, %swap3A_4874], %add3A_4846 {strides = array<i32>} : memref<4x16xf32, #tpu.memory_space<vmem>>, vector<16xf32>,
          %swap3A_4876 = arith.constant 3 : i32
          %swap3A_4877 = arith.index_cast %swap3A_4876 : i32 to index
          %swap3A_4878 = arith.constant 0 : index
          %swap3A_4879 = tpu.vector_load %arg7[%swap3A_4877, %swap3A_4878] {strides = array<i32>} : memref<4x16xf32, #tpu.memory_space<vmem>>, vector<16xf32>,
          tpu.vector_store %arg7[%swap3A_4877, %swap3A_4878], %add3A_4863 {strides = array<i32>} : memref<4x16xf32, #tpu.memory_space<vmem>>, vector<16xf32>,
        }
        %scan3A_675 = arith.constant 16 : i32
        %jit3A_676 = arith.constant 25 : i32
        "tpu.trace_stop"() : () -> ()
        %eq3A_677 = arith.constant 0 : i32
        %eq3A_678 = arith.cmpi eq, %jit3A_676, %eq3A_677 : i32
        %jit3A_679 = arith.constant 1 : i32
        %select_n3A_680 = arith.select %eq3A_678, %jit3A_679, %jit3A_676 : i32
        %rem3A_681 = arith.remsi %add3A_262, %select_n3A_680 : i32
        %ne3A_682 = arith.constant 0 : i32
        %ne3A_683 = arith.cmpi ne, %rem3A_681, %ne3A_682 : i32
        %lt3A_684 = arith.constant 0 : i32
        %lt3A_685 = arith.cmpi slt, %rem3A_681, %lt3A_684 : i32
        %lt3A_686 = arith.constant 0 : i32
        %lt3A_687 = arith.cmpi slt, %select_n3A_680, %lt3A_686 : i32
        %ne3A_688 = arith.xori %lt3A_685, %lt3A_687 : i1
        %and3A_689 = arith.andi %ne3A_688, %ne3A_683 : i1
        %add3A_690 = arith.addi %rem3A_681, %select_n3A_680 : i32
        %select_n3A_691 = arith.select %and3A_689, %add3A_690, %rem3A_681 : i32
        %jit3A_692 = arith.constant 25 : i32
        %div3A_693 = arith.divsi %add3A_262, %jit3A_692 : i32
        %sign3A_694 = arith.constant 0 : i32
        %sign3A_695 = arith.cmpi sgt, %add3A_262, %sign3A_694 : i32
        %sign3A_696 = arith.extui %sign3A_695 : i1 to i32
        %sign3A_697 = arith.constant 0 : i32
        %sign3A_698 = arith.cmpi slt, %add3A_262, %sign3A_697 : i32
        %sign3A_699 = arith.extui %sign3A_698 : i1 to i32
        %sign3A_700 = arith.subi %sign3A_696, %sign3A_699 : i32
        %sign3A_701 = arith.constant 0 : i32
        %sign3A_702 = arith.cmpi sgt, %jit3A_692, %sign3A_701 : i32
        %sign3A_703 = arith.extui %sign3A_702 : i1 to i32
        %sign3A_704 = arith.constant 0 : i32
        %sign3A_705 = arith.cmpi slt, %jit3A_692, %sign3A_704 : i32
        %sign3A_706 = arith.extui %sign3A_705 : i1 to i32
        %sign3A_707 = arith.subi %sign3A_703, %sign3A_706 : i32
        %ne3A_708 = arith.cmpi ne, %sign3A_700, %sign3A_707 : i32
        %rem3A_709 = arith.remsi %add3A_262, %jit3A_692 : i32
        %ne3A_710 = arith.constant 0 : i32
        %ne3A_711 = arith.cmpi ne, %rem3A_709, %ne3A_710 : i32
        %and3A_712 = arith.andi %ne3A_708, %ne3A_711 : i1
        %sub3A_713 = arith.constant 1 : i32
        %sub3A_714 = arith.subi %div3A_693, %sub3A_713 : i32
        %select_n3A_715 = arith.select %and3A_712, %sub3A_714, %div3A_693 : i32
        %jit3A_716 = arith.constant 25 : i32
        %eq3A_717 = arith.constant 0 : i32
        %eq3A_718 = arith.cmpi eq, %jit3A_716, %eq3A_717 : i32
        %jit3A_719 = arith.constant 1 : i32
        %select_n3A_720 = arith.select %eq3A_718, %jit3A_719, %jit3A_716 : i32
        %rem3A_721 = arith.remsi %add3A_280, %select_n3A_720 : i32
        %ne3A_722 = arith.constant 0 : i32
        %ne3A_723 = arith.cmpi ne, %rem3A_721, %ne3A_722 : i32
        %lt3A_724 = arith.constant 0 : i32
        %lt3A_725 = arith.cmpi slt, %rem3A_721, %lt3A_724 : i32
        %lt3A_726 = arith.constant 0 : i32
        %lt3A_727 = arith.cmpi slt, %select_n3A_720, %lt3A_726 : i32
        %ne3A_728 = arith.xori %lt3A_725, %lt3A_727 : i1
        %and3A_729 = arith.andi %ne3A_728, %ne3A_723 : i1
        %add3A_730 = arith.addi %rem3A_721, %select_n3A_720 : i32
        %select_n3A_731 = arith.select %and3A_729, %add3A_730, %rem3A_721 : i32
        %jit3A_732 = arith.constant 25 : i32
        %div3A_733 = arith.divsi %add3A_280, %jit3A_732 : i32
        %sign3A_734 = arith.constant 0 : i32
        %sign3A_735 = arith.cmpi sgt, %add3A_280, %sign3A_734 : i32
        %sign3A_736 = arith.extui %sign3A_735 : i1 to i32
        %sign3A_737 = arith.constant 0 : i32
        %sign3A_738 = arith.cmpi slt, %add3A_280, %sign3A_737 : i32
        %sign3A_739 = arith.extui %sign3A_738 : i1 to i32
        %sign3A_740 = arith.subi %sign3A_736, %sign3A_739 : i32
        %sign3A_741 = arith.constant 0 : i32
        %sign3A_742 = arith.cmpi sgt, %jit3A_732, %sign3A_741 : i32
        %sign3A_743 = arith.extui %sign3A_742 : i1 to i32
        %sign3A_744 = arith.constant 0 : i32
        %sign3A_745 = arith.cmpi slt, %jit3A_732, %sign3A_744 : i32
        %sign3A_746 = arith.extui %sign3A_745 : i1 to i32
        %sign3A_747 = arith.subi %sign3A_743, %sign3A_746 : i32
        %ne3A_748 = arith.cmpi ne, %sign3A_740, %sign3A_747 : i32
        %rem3A_749 = arith.remsi %add3A_280, %jit3A_732 : i32
        %ne3A_750 = arith.constant 0 : i32
        %ne3A_751 = arith.cmpi ne, %rem3A_749, %ne3A_750 : i32
        %and3A_752 = arith.andi %ne3A_748, %ne3A_751 : i1
        %sub3A_753 = arith.constant 1 : i32
        %sub3A_754 = arith.subi %div3A_733, %sub3A_753 : i32
        %select_n3A_755 = arith.select %and3A_752, %sub3A_754, %div3A_733 : i32
        %ne3A_756 = arith.cmpi ne, %select_n3A_691, %select_n3A_731 : i32
        %ne3A_757 = arith.cmpi ne, %select_n3A_715, %select_n3A_755 : i32
        %or3A_758 = arith.constant false
        %or3A_759 = arith.ori %or3A_758, %ne3A_756 : i1
        %or3A_760 = arith.constant false
        %or3A_761 = arith.ori %or3A_759, %or3A_760 : i1
        %or3A_762 = arith.ori %or3A_761, %ne3A_757 : i1
        %or3A_763 = arith.ori %or3A_762, %eq3A_261 : i1
        %convert_element_type3A_764 = arith.extui %or3A_763 : i1 to i32
        %cond3A_765 = arith.constant 0 : i32
        %cond3A_766 = arith.cmpi ne, %convert_element_type3A_764, %cond3A_765 : i32
        scf.if %cond3A_766 {
        } else {
        }
        %and3A_767 = arith.constant false
        %and3A_768 = arith.andi %or3A_763, %and3A_767 : i1
        %jit3A_769 = arith.constant 25 : i32
        %eq3A_770 = arith.constant 0 : i32
        %eq3A_771 = arith.cmpi eq, %jit3A_769, %eq3A_770 : i32
        %jit3A_772 = arith.constant 1 : i32
        %select_n3A_773 = arith.select %eq3A_771, %jit3A_772, %jit3A_769 : i32
        %rem3A_774 = arith.remsi %add3A_262, %select_n3A_773 : i32
        %ne3A_775 = arith.constant 0 : i32
        %ne3A_776 = arith.cmpi ne, %rem3A_774, %ne3A_775 : i32
        %lt3A_777 = arith.constant 0 : i32
        %lt3A_778 = arith.cmpi slt, %rem3A_774, %lt3A_777 : i32
        %lt3A_779 = arith.constant 0 : i32
        %lt3A_780 = arith.cmpi slt, %select_n3A_773, %lt3A_779 : i32
        %ne3A_781 = arith.xori %lt3A_778, %lt3A_780 : i1
        %and3A_782 = arith.andi %ne3A_781, %ne3A_776 : i1
        %add3A_783 = arith.addi %rem3A_774, %select_n3A_773 : i32
        %select_n3A_784 = arith.select %and3A_782, %add3A_783, %rem3A_774 : i32
        %jit3A_785 = arith.constant 25 : i32
        %div3A_786 = arith.divsi %add3A_262, %jit3A_785 : i32
        %sign3A_787 = arith.constant 0 : i32
        %sign3A_788 = arith.cmpi sgt, %add3A_262, %sign3A_787 : i32
        %sign3A_789 = arith.extui %sign3A_788 : i1 to i32
        %sign3A_790 = arith.constant 0 : i32
        %sign3A_791 = arith.cmpi slt, %add3A_262, %sign3A_790 : i32
        %sign3A_792 = arith.extui %sign3A_791 : i1 to i32
        %sign3A_793 = arith.subi %sign3A_789, %sign3A_792 : i32
        %sign3A_794 = arith.constant 0 : i32
        %sign3A_795 = arith.cmpi sgt, %jit3A_785, %sign3A_794 : i32
        %sign3A_796 = arith.extui %sign3A_795 : i1 to i32
        %sign3A_797 = arith.constant 0 : i32
        %sign3A_798 = arith.cmpi slt, %jit3A_785, %sign3A_797 : i32
        %sign3A_799 = arith.extui %sign3A_798 : i1 to i32
        %sign3A_800 = arith.subi %sign3A_796, %sign3A_799 : i32
        %ne3A_801 = arith.cmpi ne, %sign3A_793, %sign3A_800 : i32
        %rem3A_802 = arith.remsi %add3A_262, %jit3A_785 : i32
        %ne3A_803 = arith.constant 0 : i32
        %ne3A_804 = arith.cmpi ne, %rem3A_802, %ne3A_803 : i32
        %and3A_805 = arith.andi %ne3A_801, %ne3A_804 : i1
        %sub3A_806 = arith.constant 1 : i32
        %sub3A_807 = arith.subi %div3A_786, %sub3A_806 : i32
        %select_n3A_808 = arith.select %and3A_805, %sub3A_807, %div3A_786 : i32
        %jit3A_809 = arith.constant 25 : i32
        %eq3A_810 = arith.constant 0 : i32
        %eq3A_811 = arith.cmpi eq, %jit3A_809, %eq3A_810 : i32
        %jit3A_812 = arith.constant 1 : i32
        %select_n3A_813 = arith.select %eq3A_811, %jit3A_812, %jit3A_809 : i32
        %rem3A_814 = arith.remsi %add3A_280, %select_n3A_813 : i32
        %ne3A_815 = arith.constant 0 : i32
        %ne3A_816 = arith.cmpi ne, %rem3A_814, %ne3A_815 : i32
        %lt3A_817 = arith.constant 0 : i32
        %lt3A_818 = arith.cmpi slt, %rem3A_814, %lt3A_817 : i32
        %lt3A_819 = arith.constant 0 : i32
        %lt3A_820 = arith.cmpi slt, %select_n3A_813, %lt3A_819 : i32
        %ne3A_821 = arith.xori %lt3A_818, %lt3A_820 : i1
        %and3A_822 = arith.andi %ne3A_821, %ne3A_816 : i1
        %add3A_823 = arith.addi %rem3A_814, %select_n3A_813 : i32
        %select_n3A_824 = arith.select %and3A_822, %add3A_823, %rem3A_814 : i32
        %jit3A_825 = arith.constant 25 : i32
        %div3A_826 = arith.divsi %add3A_280, %jit3A_825 : i32
        %sign3A_827 = arith.constant 0 : i32
        %sign3A_828 = arith.cmpi sgt, %add3A_280, %sign3A_827 : i32
        %sign3A_829 = arith.extui %sign3A_828 : i1 to i32
        %sign3A_830 = arith.constant 0 : i32
        %sign3A_831 = arith.cmpi slt, %add3A_280, %sign3A_830 : i32
        %sign3A_832 = arith.extui %sign3A_831 : i1 to i32
        %sign3A_833 = arith.subi %sign3A_829, %sign3A_832 : i32
        %sign3A_834 = arith.constant 0 : i32
        %sign3A_835 = arith.cmpi sgt, %jit3A_825, %sign3A_834 : i32
        %sign3A_836 = arith.extui %sign3A_835 : i1 to i32
        %sign3A_837 = arith.constant 0 : i32
        %sign3A_838 = arith.cmpi slt, %jit3A_825, %sign3A_837 : i32
        %sign3A_839 = arith.extui %sign3A_838 : i1 to i32
        %sign3A_840 = arith.subi %sign3A_836, %sign3A_839 : i32
        %ne3A_841 = arith.cmpi ne, %sign3A_833, %sign3A_840 : i32
        %rem3A_842 = arith.remsi %add3A_280, %jit3A_825 : i32
        %ne3A_843 = arith.constant 0 : i32
        %ne3A_844 = arith.cmpi ne, %rem3A_842, %ne3A_843 : i32
        %and3A_845 = arith.andi %ne3A_841, %ne3A_844 : i1
        %sub3A_846 = arith.constant 1 : i32
        %sub3A_847 = arith.subi %div3A_826, %sub3A_846 : i32
        %select_n3A_848 = arith.select %and3A_845, %sub3A_847, %div3A_826 : i32
        %ne3A_849 = arith.cmpi ne, %select_n3A_784, %select_n3A_824 : i32
        %ne3A_850 = arith.cmpi ne, %select_n3A_808, %select_n3A_848 : i32
        %or3A_851 = arith.constant false
        %or3A_852 = arith.ori %or3A_851, %ne3A_849 : i1
        %or3A_853 = arith.constant false
        %or3A_854 = arith.ori %or3A_852, %or3A_853 : i1
        %or3A_855 = arith.ori %or3A_854, %ne3A_850 : i1
        %or3A_856 = arith.ori %or3A_855, %eq3A_261 : i1
        %convert_element_type3A_857 = arith.extui %or3A_856 : i1 to i32
        %cond3A_858 = arith.constant 0 : i32
        %cond3A_859 = arith.cmpi ne, %convert_element_type3A_857, %cond3A_858 : i32
        scf.if %cond3A_859 {
        } else {
        }
        %and3A_860 = arith.constant false
        %and3A_861 = arith.andi %or3A_856, %and3A_860 : i1
        %jit3A_862 = arith.constant 25 : i32
        %eq3A_863 = arith.constant 0 : i32
        %eq3A_864 = arith.cmpi eq, %jit3A_862, %eq3A_863 : i32
        %jit3A_865 = arith.constant 1 : i32
        %select_n3A_866 = arith.select %eq3A_864, %jit3A_865, %jit3A_862 : i32
        %rem3A_867 = arith.remsi %add3A_262, %select_n3A_866 : i32
        %ne3A_868 = arith.constant 0 : i32
        %ne3A_869 = arith.cmpi ne, %rem3A_867, %ne3A_868 : i32
        %lt3A_870 = arith.constant 0 : i32
        %lt3A_871 = arith.cmpi slt, %rem3A_867, %lt3A_870 : i32
        %lt3A_872 = arith.constant 0 : i32
        %lt3A_873 = arith.cmpi slt, %select_n3A_866, %lt3A_872 : i32
        %ne3A_874 = arith.xori %lt3A_871, %lt3A_873 : i1
        %and3A_875 = arith.andi %ne3A_874, %ne3A_869 : i1
        %add3A_876 = arith.addi %rem3A_867, %select_n3A_866 : i32
        %select_n3A_877 = arith.select %and3A_875, %add3A_876, %rem3A_867 : i32
        %jit3A_878 = arith.constant 25 : i32
        %div3A_879 = arith.divsi %add3A_262, %jit3A_878 : i32
        %sign3A_880 = arith.constant 0 : i32
        %sign3A_881 = arith.cmpi sgt, %add3A_262, %sign3A_880 : i32
        %sign3A_882 = arith.extui %sign3A_881 : i1 to i32
        %sign3A_883 = arith.constant 0 : i32
        %sign3A_884 = arith.cmpi slt, %add3A_262, %sign3A_883 : i32
        %sign3A_885 = arith.extui %sign3A_884 : i1 to i32
        %sign3A_886 = arith.subi %sign3A_882, %sign3A_885 : i32
        %sign3A_887 = arith.constant 0 : i32
        %sign3A_888 = arith.cmpi sgt, %jit3A_878, %sign3A_887 : i32
        %sign3A_889 = arith.extui %sign3A_888 : i1 to i32
        %sign3A_890 = arith.constant 0 : i32
        %sign3A_891 = arith.cmpi slt, %jit3A_878, %sign3A_890 : i32
        %sign3A_892 = arith.extui %sign3A_891 : i1 to i32
        %sign3A_893 = arith.subi %sign3A_889, %sign3A_892 : i32
        %ne3A_894 = arith.cmpi ne, %sign3A_886, %sign3A_893 : i32
        %rem3A_895 = arith.remsi %add3A_262, %jit3A_878 : i32
        %ne3A_896 = arith.constant 0 : i32
        %ne3A_897 = arith.cmpi ne, %rem3A_895, %ne3A_896 : i32
        %and3A_898 = arith.andi %ne3A_894, %ne3A_897 : i1
        %sub3A_899 = arith.constant 1 : i32
        %sub3A_900 = arith.subi %div3A_879, %sub3A_899 : i32
        %select_n3A_901 = arith.select %and3A_898, %sub3A_900, %div3A_879 : i32
        %jit3A_902 = arith.constant 25 : i32
        %eq3A_903 = arith.constant 0 : i32
        %eq3A_904 = arith.cmpi eq, %jit3A_902, %eq3A_903 : i32
        %jit3A_905 = arith.constant 1 : i32
        %select_n3A_906 = arith.select %eq3A_904, %jit3A_905, %jit3A_902 : i32
        %rem3A_907 = arith.remsi %add3A_271, %select_n3A_906 : i32
        %ne3A_908 = arith.constant 0 : i32
        %ne3A_909 = arith.cmpi ne, %rem3A_907, %ne3A_908 : i32
        %lt3A_910 = arith.constant 0 : i32
        %lt3A_911 = arith.cmpi slt, %rem3A_907, %lt3A_910 : i32
        %lt3A_912 = arith.constant 0 : i32
        %lt3A_913 = arith.cmpi slt, %select_n3A_906, %lt3A_912 : i32
        %ne3A_914 = arith.xori %lt3A_911, %lt3A_913 : i1
        %and3A_915 = arith.andi %ne3A_914, %ne3A_909 : i1
        %add3A_916 = arith.addi %rem3A_907, %select_n3A_906 : i32
        %select_n3A_917 = arith.select %and3A_915, %add3A_916, %rem3A_907 : i32
        %jit3A_918 = arith.constant 25 : i32
        %div3A_919 = arith.divsi %add3A_271, %jit3A_918 : i32
        %sign3A_920 = arith.constant 0 : i32
        %sign3A_921 = arith.cmpi sgt, %add3A_271, %sign3A_920 : i32
        %sign3A_922 = arith.extui %sign3A_921 : i1 to i32
        %sign3A_923 = arith.constant 0 : i32
        %sign3A_924 = arith.cmpi slt, %add3A_271, %sign3A_923 : i32
        %sign3A_925 = arith.extui %sign3A_924 : i1 to i32
        %sign3A_926 = arith.subi %sign3A_922, %sign3A_925 : i32
        %sign3A_927 = arith.constant 0 : i32
        %sign3A_928 = arith.cmpi sgt, %jit3A_918, %sign3A_927 : i32
        %sign3A_929 = arith.extui %sign3A_928 : i1 to i32
        %sign3A_930 = arith.constant 0 : i32
        %sign3A_931 = arith.cmpi slt, %jit3A_918, %sign3A_930 : i32
        %sign3A_932 = arith.extui %sign3A_931 : i1 to i32
        %sign3A_933 = arith.subi %sign3A_929, %sign3A_932 : i32
        %ne3A_934 = arith.cmpi ne, %sign3A_926, %sign3A_933 : i32
        %rem3A_935 = arith.remsi %add3A_271, %jit3A_918 : i32
        %ne3A_936 = arith.constant 0 : i32
        %ne3A_937 = arith.cmpi ne, %rem3A_935, %ne3A_936 : i32
        %and3A_938 = arith.andi %ne3A_934, %ne3A_937 : i1
        %sub3A_939 = arith.constant 1 : i32
        %sub3A_940 = arith.subi %div3A_919, %sub3A_939 : i32
        %select_n3A_941 = arith.select %and3A_938, %sub3A_940, %div3A_919 : i32
        %ne3A_942 = arith.cmpi ne, %select_n3A_877, %select_n3A_917 : i32
        %ne3A_943 = arith.cmpi ne, %select_n3A_901, %select_n3A_941 : i32
        %or3A_944 = arith.constant false
        %or3A_945 = arith.ori %or3A_944, %ne3A_942 : i1
        %or3A_946 = arith.constant false
        %or3A_947 = arith.ori %or3A_945, %or3A_946 : i1
        %or3A_948 = arith.ori %or3A_947, %ne3A_943 : i1
        %not3A_949 = arith.constant true
        %not3A_950 = arith.xori %eq3A_259, %not3A_949 : i1
        %and3A_951 = arith.andi %or3A_948, %not3A_950 : i1
        %convert_element_type3A_952 = arith.extui %and3A_951 : i1 to i32
        %cond3A_953 = arith.constant 0 : i32
        %cond3A_954 = arith.cmpi ne, %convert_element_type3A_952, %cond3A_953 : i32
        scf.if %cond3A_954 {
        } else {
        }
        %and3A_955 = arith.constant false
        %and3A_956 = arith.andi %and3A_951, %and3A_955 : i1
        %jit3A_957 = arith.constant 25 : i32
        %eq3A_958 = arith.constant 0 : i32
        %eq3A_959 = arith.cmpi eq, %jit3A_957, %eq3A_958 : i32
        %jit3A_960 = arith.constant 1 : i32
        %select_n3A_961 = arith.select %eq3A_959, %jit3A_960, %jit3A_957 : i32
        %rem3A_962 = arith.remsi %add3A_262, %select_n3A_961 : i32
        %ne3A_963 = arith.constant 0 : i32
        %ne3A_964 = arith.cmpi ne, %rem3A_962, %ne3A_963 : i32
        %lt3A_965 = arith.constant 0 : i32
        %lt3A_966 = arith.cmpi slt, %rem3A_962, %lt3A_965 : i32
        %lt3A_967 = arith.constant 0 : i32
        %lt3A_968 = arith.cmpi slt, %select_n3A_961, %lt3A_967 : i32
        %ne3A_969 = arith.xori %lt3A_966, %lt3A_968 : i1
        %and3A_970 = arith.andi %ne3A_969, %ne3A_964 : i1
        %add3A_971 = arith.addi %rem3A_962, %select_n3A_961 : i32
        %select_n3A_972 = arith.select %and3A_970, %add3A_971, %rem3A_962 : i32
        %jit3A_973 = arith.constant 25 : i32
        %div3A_974 = arith.divsi %add3A_262, %jit3A_973 : i32
        %sign3A_975 = arith.constant 0 : i32
        %sign3A_976 = arith.cmpi sgt, %add3A_262, %sign3A_975 : i32
        %sign3A_977 = arith.extui %sign3A_976 : i1 to i32
        %sign3A_978 = arith.constant 0 : i32
        %sign3A_979 = arith.cmpi slt, %add3A_262, %sign3A_978 : i32
        %sign3A_980 = arith.extui %sign3A_979 : i1 to i32
        %sign3A_981 = arith.subi %sign3A_977, %sign3A_980 : i32
        %sign3A_982 = arith.constant 0 : i32
        %sign3A_983 = arith.cmpi sgt, %jit3A_973, %sign3A_982 : i32
        %sign3A_984 = arith.extui %sign3A_983 : i1 to i32
        %sign3A_985 = arith.constant 0 : i32
        %sign3A_986 = arith.cmpi slt, %jit3A_973, %sign3A_985 : i32
        %sign3A_987 = arith.extui %sign3A_986 : i1 to i32
        %sign3A_988 = arith.subi %sign3A_984, %sign3A_987 : i32
        %ne3A_989 = arith.cmpi ne, %sign3A_981, %sign3A_988 : i32
        %rem3A_990 = arith.remsi %add3A_262, %jit3A_973 : i32
        %ne3A_991 = arith.constant 0 : i32
        %ne3A_992 = arith.cmpi ne, %rem3A_990, %ne3A_991 : i32
        %and3A_993 = arith.andi %ne3A_989, %ne3A_992 : i1
        %sub3A_994 = arith.constant 1 : i32
        %sub3A_995 = arith.subi %div3A_974, %sub3A_994 : i32
        %select_n3A_996 = arith.select %and3A_993, %sub3A_995, %div3A_974 : i32
        %jit3A_997 = arith.constant 25 : i32
        %eq3A_998 = arith.constant 0 : i32
        %eq3A_999 = arith.cmpi eq, %jit3A_997, %eq3A_998 : i32
        %jit3A_1000 = arith.constant 1 : i32
        %select_n3A_1001 = arith.select %eq3A_999, %jit3A_1000, %jit3A_997 : i32
        %rem3A_1002 = arith.remsi %add3A_271, %select_n3A_1001 : i32
        %ne3A_1003 = arith.constant 0 : i32
        %ne3A_1004 = arith.cmpi ne, %rem3A_1002, %ne3A_1003 : i32
        %lt3A_1005 = arith.constant 0 : i32
        %lt3A_1006 = arith.cmpi slt, %rem3A_1002, %lt3A_1005 : i32
        %lt3A_1007 = arith.constant 0 : i32
        %lt3A_1008 = arith.cmpi slt, %select_n3A_1001, %lt3A_1007 : i32
        %ne3A_1009 = arith.xori %lt3A_1006, %lt3A_1008 : i1
        %and3A_1010 = arith.andi %ne3A_1009, %ne3A_1004 : i1
        %add3A_1011 = arith.addi %rem3A_1002, %select_n3A_1001 : i32
        %select_n3A_1012 = arith.select %and3A_1010, %add3A_1011, %rem3A_1002 : i32
        %jit3A_1013 = arith.constant 25 : i32
        %div3A_1014 = arith.divsi %add3A_271, %jit3A_1013 : i32
        %sign3A_1015 = arith.constant 0 : i32
        %sign3A_1016 = arith.cmpi sgt, %add3A_271, %sign3A_1015 : i32
        %sign3A_1017 = arith.extui %sign3A_1016 : i1 to i32
        %sign3A_1018 = arith.constant 0 : i32
        %sign3A_1019 = arith.cmpi slt, %add3A_271, %sign3A_1018 : i32
        %sign3A_1020 = arith.extui %sign3A_1019 : i1 to i32
        %sign3A_1021 = arith.subi %sign3A_1017, %sign3A_1020 : i32
        %sign3A_1022 = arith.constant 0 : i32
        %sign3A_1023 = arith.cmpi sgt, %jit3A_1013, %sign3A_1022 : i32
        %sign3A_1024 = arith.extui %sign3A_1023 : i1 to i32
        %sign3A_1025 = arith.constant 0 : i32
        %sign3A_1026 = arith.cmpi slt, %jit3A_1013, %sign3A_1025 : i32
        %sign3A_1027 = arith.extui %sign3A_1026 : i1 to i32
        %sign3A_1028 = arith.subi %sign3A_1024, %sign3A_1027 : i32
        %ne3A_1029 = arith.cmpi ne, %sign3A_1021, %sign3A_1028 : i32
        %rem3A_1030 = arith.remsi %add3A_271, %jit3A_1013 : i32
        %ne3A_1031 = arith.constant 0 : i32
        %ne3A_1032 = arith.cmpi ne, %rem3A_1030, %ne3A_1031 : i32
        %and3A_1033 = arith.andi %ne3A_1029, %ne3A_1032 : i1
        %sub3A_1034 = arith.constant 1 : i32
        %sub3A_1035 = arith.subi %div3A_1014, %sub3A_1034 : i32
        %select_n3A_1036 = arith.select %and3A_1033, %sub3A_1035, %div3A_1014 : i32
        %ne3A_1037 = arith.cmpi ne, %select_n3A_972, %select_n3A_1012 : i32
        %ne3A_1038 = arith.cmpi ne, %select_n3A_996, %select_n3A_1036 : i32
        %or3A_1039 = arith.constant false
        %or3A_1040 = arith.ori %or3A_1039, %ne3A_1037 : i1
        %or3A_1041 = arith.constant false
        %or3A_1042 = arith.ori %or3A_1040, %or3A_1041 : i1
        %or3A_1043 = arith.ori %or3A_1042, %ne3A_1038 : i1
        %not3A_1044 = arith.constant true
        %not3A_1045 = arith.xori %eq3A_259, %not3A_1044 : i1
        %and3A_1046 = arith.andi %or3A_1043, %not3A_1045 : i1
        %convert_element_type3A_1047 = arith.extui %and3A_1046 : i1 to i32
        %cond3A_1048 = arith.constant 0 : i32
        %cond3A_1049 = arith.cmpi ne, %convert_element_type3A_1047, %cond3A_1048 : i32
        scf.if %cond3A_1049 {
        } else {
        }
        %and3A_1050 = arith.constant false
        %and3A_1051 = arith.andi %and3A_1046, %and3A_1050 : i1
        %jit3A_1052 = arith.constant 25 : i32
        %eq3A_1053 = arith.constant 0 : i32
        %eq3A_1054 = arith.cmpi eq, %jit3A_1052, %eq3A_1053 : i32
        %jit3A_1055 = arith.constant 1 : i32
        %select_n3A_1056 = arith.select %eq3A_1054, %jit3A_1055, %jit3A_1052 : i32
        %rem3A_1057 = arith.remsi %add3A_262, %select_n3A_1056 : i32
        %ne3A_1058 = arith.constant 0 : i32
        %ne3A_1059 = arith.cmpi ne, %rem3A_1057, %ne3A_1058 : i32
        %lt3A_1060 = arith.constant 0 : i32
        %lt3A_1061 = arith.cmpi slt, %rem3A_1057, %lt3A_1060 : i32
        %lt3A_1062 = arith.constant 0 : i32
        %lt3A_1063 = arith.cmpi slt, %select_n3A_1056, %lt3A_1062 : i32
        %ne3A_1064 = arith.xori %lt3A_1061, %lt3A_1063 : i1
        %and3A_1065 = arith.andi %ne3A_1064, %ne3A_1059 : i1
        %add3A_1066 = arith.addi %rem3A_1057, %select_n3A_1056 : i32
        %select_n3A_1067 = arith.select %and3A_1065, %add3A_1066, %rem3A_1057 : i32
        %jit3A_1068 = arith.constant 25 : i32
        %div3A_1069 = arith.divsi %add3A_262, %jit3A_1068 : i32
        %sign3A_1070 = arith.constant 0 : i32
        %sign3A_1071 = arith.cmpi sgt, %add3A_262, %sign3A_1070 : i32
        %sign3A_1072 = arith.extui %sign3A_1071 : i1 to i32
        %sign3A_1073 = arith.constant 0 : i32
        %sign3A_1074 = arith.cmpi slt, %add3A_262, %sign3A_1073 : i32
        %sign3A_1075 = arith.extui %sign3A_1074 : i1 to i32
        %sign3A_1076 = arith.subi %sign3A_1072, %sign3A_1075 : i32
        %sign3A_1077 = arith.constant 0 : i32
        %sign3A_1078 = arith.cmpi sgt, %jit3A_1068, %sign3A_1077 : i32
        %sign3A_1079 = arith.extui %sign3A_1078 : i1 to i32
        %sign3A_1080 = arith.constant 0 : i32
        %sign3A_1081 = arith.cmpi slt, %jit3A_1068, %sign3A_1080 : i32
        %sign3A_1082 = arith.extui %sign3A_1081 : i1 to i32
        %sign3A_1083 = arith.subi %sign3A_1079, %sign3A_1082 : i32
        %ne3A_1084 = arith.cmpi ne, %sign3A_1076, %sign3A_1083 : i32
        %rem3A_1085 = arith.remsi %add3A_262, %jit3A_1068 : i32
        %ne3A_1086 = arith.constant 0 : i32
        %ne3A_1087 = arith.cmpi ne, %rem3A_1085, %ne3A_1086 : i32
        %and3A_1088 = arith.andi %ne3A_1084, %ne3A_1087 : i1
        %sub3A_1089 = arith.constant 1 : i32
        %sub3A_1090 = arith.subi %div3A_1069, %sub3A_1089 : i32
        %select_n3A_1091 = arith.select %and3A_1088, %sub3A_1090, %div3A_1069 : i32
        %jit3A_1092 = arith.constant 25 : i32
        %eq3A_1093 = arith.constant 0 : i32
        %eq3A_1094 = arith.cmpi eq, %jit3A_1092, %eq3A_1093 : i32
        %jit3A_1095 = arith.constant 1 : i32
        %select_n3A_1096 = arith.select %eq3A_1094, %jit3A_1095, %jit3A_1092 : i32
        %rem3A_1097 = arith.remsi %add3A_280, %select_n3A_1096 : i32
        %ne3A_1098 = arith.constant 0 : i32
        %ne3A_1099 = arith.cmpi ne, %rem3A_1097, %ne3A_1098 : i32
        %lt3A_1100 = arith.constant 0 : i32
        %lt3A_1101 = arith.cmpi slt, %rem3A_1097, %lt3A_1100 : i32
        %lt3A_1102 = arith.constant 0 : i32
        %lt3A_1103 = arith.cmpi slt, %select_n3A_1096, %lt3A_1102 : i32
        %ne3A_1104 = arith.xori %lt3A_1101, %lt3A_1103 : i1
        %and3A_1105 = arith.andi %ne3A_1104, %ne3A_1099 : i1
        %add3A_1106 = arith.addi %rem3A_1097, %select_n3A_1096 : i32
        %select_n3A_1107 = arith.select %and3A_1105, %add3A_1106, %rem3A_1097 : i32
        %jit3A_1108 = arith.constant 25 : i32
        %div3A_1109 = arith.divsi %add3A_280, %jit3A_1108 : i32
        %sign3A_1110 = arith.constant 0 : i32
        %sign3A_1111 = arith.cmpi sgt, %add3A_280, %sign3A_1110 : i32
        %sign3A_1112 = arith.extui %sign3A_1111 : i1 to i32
        %sign3A_1113 = arith.constant 0 : i32
        %sign3A_1114 = arith.cmpi slt, %add3A_280, %sign3A_1113 : i32
        %sign3A_1115 = arith.extui %sign3A_1114 : i1 to i32
        %sign3A_1116 = arith.subi %sign3A_1112, %sign3A_1115 : i32
        %sign3A_1117 = arith.constant 0 : i32
        %sign3A_1118 = arith.cmpi sgt, %jit3A_1108, %sign3A_1117 : i32
        %sign3A_1119 = arith.extui %sign3A_1118 : i1 to i32
        %sign3A_1120 = arith.constant 0 : i32
        %sign3A_1121 = arith.cmpi slt, %jit3A_1108, %sign3A_1120 : i32
        %sign3A_1122 = arith.extui %sign3A_1121 : i1 to i32
        %sign3A_1123 = arith.subi %sign3A_1119, %sign3A_1122 : i32
        %ne3A_1124 = arith.cmpi ne, %sign3A_1116, %sign3A_1123 : i32
        %rem3A_1125 = arith.remsi %add3A_280, %jit3A_1108 : i32
        %ne3A_1126 = arith.constant 0 : i32
        %ne3A_1127 = arith.cmpi ne, %rem3A_1125, %ne3A_1126 : i32
        %and3A_1128 = arith.andi %ne3A_1124, %ne3A_1127 : i1
        %sub3A_1129 = arith.constant 1 : i32
        %sub3A_1130 = arith.subi %div3A_1109, %sub3A_1129 : i32
        %select_n3A_1131 = arith.select %and3A_1128, %sub3A_1130, %div3A_1109 : i32
        %ne3A_1132 = arith.cmpi ne, %select_n3A_1067, %select_n3A_1107 : i32
        %ne3A_1133 = arith.cmpi ne, %select_n3A_1091, %select_n3A_1131 : i32
        %or3A_1134 = arith.constant false
        %or3A_1135 = arith.ori %or3A_1134, %ne3A_1132 : i1
        %or3A_1136 = arith.constant false
        %or3A_1137 = arith.ori %or3A_1135, %or3A_1136 : i1
        %or3A_1138 = arith.ori %or3A_1137, %ne3A_1133 : i1
        %or3A_1139 = arith.ori %or3A_1138, %eq3A_261 : i1
        %add3A_1140 = arith.constant 1 : i32
        %add3A_1141 = arith.addi %scan3A_254, %add3A_1140 : i32
        %select_n3A_1142 = arith.select %or3A_1139, %add3A_1141, %scan3A_254 : i32
        %jit3A_1143 = arith.constant 25 : i32
        %eq3A_1144 = arith.constant 0 : i32
        %eq3A_1145 = arith.cmpi eq, %jit3A_1143, %eq3A_1144 : i32
        %jit3A_1146 = arith.constant 1 : i32
        %select_n3A_1147 = arith.select %eq3A_1145, %jit3A_1146, %jit3A_1143 : i32
        %rem3A_1148 = arith.remsi %add3A_262, %select_n3A_1147 : i32
        %ne3A_1149 = arith.constant 0 : i32
        %ne3A_1150 = arith.cmpi ne, %rem3A_1148, %ne3A_1149 : i32
        %lt3A_1151 = arith.constant 0 : i32
        %lt3A_1152 = arith.cmpi slt, %rem3A_1148, %lt3A_1151 : i32
        %lt3A_1153 = arith.constant 0 : i32
        %lt3A_1154 = arith.cmpi slt, %select_n3A_1147, %lt3A_1153 : i32
        %ne3A_1155 = arith.xori %lt3A_1152, %lt3A_1154 : i1
        %and3A_1156 = arith.andi %ne3A_1155, %ne3A_1150 : i1
        %add3A_1157 = arith.addi %rem3A_1148, %select_n3A_1147 : i32
        %select_n3A_1158 = arith.select %and3A_1156, %add3A_1157, %rem3A_1148 : i32
        %jit3A_1159 = arith.constant 25 : i32
        %div3A_1160 = arith.divsi %add3A_262, %jit3A_1159 : i32
        %sign3A_1161 = arith.constant 0 : i32
        %sign3A_1162 = arith.cmpi sgt, %add3A_262, %sign3A_1161 : i32
        %sign3A_1163 = arith.extui %sign3A_1162 : i1 to i32
        %sign3A_1164 = arith.constant 0 : i32
        %sign3A_1165 = arith.cmpi slt, %add3A_262, %sign3A_1164 : i32
        %sign3A_1166 = arith.extui %sign3A_1165 : i1 to i32
        %sign3A_1167 = arith.subi %sign3A_1163, %sign3A_1166 : i32
        %sign3A_1168 = arith.constant 0 : i32
        %sign3A_1169 = arith.cmpi sgt, %jit3A_1159, %sign3A_1168 : i32
        %sign3A_1170 = arith.extui %sign3A_1169 : i1 to i32
        %sign3A_1171 = arith.constant 0 : i32
        %sign3A_1172 = arith.cmpi slt, %jit3A_1159, %sign3A_1171 : i32
        %sign3A_1173 = arith.extui %sign3A_1172 : i1 to i32
        %sign3A_1174 = arith.subi %sign3A_1170, %sign3A_1173 : i32
        %ne3A_1175 = arith.cmpi ne, %sign3A_1167, %sign3A_1174 : i32
        %rem3A_1176 = arith.remsi %add3A_262, %jit3A_1159 : i32
        %ne3A_1177 = arith.constant 0 : i32
        %ne3A_1178 = arith.cmpi ne, %rem3A_1176, %ne3A_1177 : i32
        %and3A_1179 = arith.andi %ne3A_1175, %ne3A_1178 : i1
        %sub3A_1180 = arith.constant 1 : i32
        %sub3A_1181 = arith.subi %div3A_1160, %sub3A_1180 : i32
        %select_n3A_1182 = arith.select %and3A_1179, %sub3A_1181, %div3A_1160 : i32
        %jit3A_1183 = arith.constant 25 : i32
        %eq3A_1184 = arith.constant 0 : i32
        %eq3A_1185 = arith.cmpi eq, %jit3A_1183, %eq3A_1184 : i32
        %jit3A_1186 = arith.constant 1 : i32
        %select_n3A_1187 = arith.select %eq3A_1185, %jit3A_1186, %jit3A_1183 : i32
        %rem3A_1188 = arith.remsi %add3A_280, %select_n3A_1187 : i32
        %ne3A_1189 = arith.constant 0 : i32
        %ne3A_1190 = arith.cmpi ne, %rem3A_1188, %ne3A_1189 : i32
        %lt3A_1191 = arith.constant 0 : i32
        %lt3A_1192 = arith.cmpi slt, %rem3A_1188, %lt3A_1191 : i32
        %lt3A_1193 = arith.constant 0 : i32
        %lt3A_1194 = arith.cmpi slt, %select_n3A_1187, %lt3A_1193 : i32
        %ne3A_1195 = arith.xori %lt3A_1192, %lt3A_1194 : i1
        %and3A_1196 = arith.andi %ne3A_1195, %ne3A_1190 : i1
        %add3A_1197 = arith.addi %rem3A_1188, %select_n3A_1187 : i32
        %select_n3A_1198 = arith.select %and3A_1196, %add3A_1197, %rem3A_1188 : i32
        %jit3A_1199 = arith.constant 25 : i32
        %div3A_1200 = arith.divsi %add3A_280, %jit3A_1199 : i32
        %sign3A_1201 = arith.constant 0 : i32
        %sign3A_1202 = arith.cmpi sgt, %add3A_280, %sign3A_1201 : i32
        %sign3A_1203 = arith.extui %sign3A_1202 : i1 to i32
        %sign3A_1204 = arith.constant 0 : i32
        %sign3A_1205 = arith.cmpi slt, %add3A_280, %sign3A_1204 : i32
        %sign3A_1206 = arith.extui %sign3A_1205 : i1 to i32
        %sign3A_1207 = arith.subi %sign3A_1203, %sign3A_1206 : i32
        %sign3A_1208 = arith.constant 0 : i32
        %sign3A_1209 = arith.cmpi sgt, %jit3A_1199, %sign3A_1208 : i32
        %sign3A_1210 = arith.extui %sign3A_1209 : i1 to i32
        %sign3A_1211 = arith.constant 0 : i32
        %sign3A_1212 = arith.cmpi slt, %jit3A_1199, %sign3A_1211 : i32
        %sign3A_1213 = arith.extui %sign3A_1212 : i1 to i32
        %sign3A_1214 = arith.subi %sign3A_1210, %sign3A_1213 : i32
        %ne3A_1215 = arith.cmpi ne, %sign3A_1207, %sign3A_1214 : i32
        %rem3A_1216 = arith.remsi %add3A_280, %jit3A_1199 : i32
        %ne3A_1217 = arith.constant 0 : i32
        %ne3A_1218 = arith.cmpi ne, %rem3A_1216, %ne3A_1217 : i32
        %and3A_1219 = arith.andi %ne3A_1215, %ne3A_1218 : i1
        %sub3A_1220 = arith.constant 1 : i32
        %sub3A_1221 = arith.subi %div3A_1200, %sub3A_1220 : i32
        %select_n3A_1222 = arith.select %and3A_1219, %sub3A_1221, %div3A_1200 : i32
        %ne3A_1223 = arith.cmpi ne, %select_n3A_1158, %select_n3A_1198 : i32
        %ne3A_1224 = arith.cmpi ne, %select_n3A_1182, %select_n3A_1222 : i32
        %or3A_1225 = arith.constant false
        %or3A_1226 = arith.ori %or3A_1225, %ne3A_1223 : i1
        %or3A_1227 = arith.constant false
        %or3A_1228 = arith.ori %or3A_1226, %or3A_1227 : i1
        %or3A_1229 = arith.ori %or3A_1228, %ne3A_1224 : i1
        %or3A_1230 = arith.ori %or3A_1229, %eq3A_261 : i1
        %add3A_1231 = arith.constant 1 : i32
        %add3A_1232 = arith.addi %scan3A_256, %add3A_1231 : i32
        %select_n3A_1233 = arith.select %or3A_1230, %add3A_1232, %scan3A_256 : i32
        %add3A_1234 = arith.constant 1 : i32
        %add3A_1235 = arith.addi %scan3A_257, %add3A_1234 : i32
        %select_n3A_1236 = arith.constant true
        %select_n3A_1237 = arith.select %select_n3A_1236, %add3A_1235, %scan3A_257 : i32
        %eq3A_1238 = arith.constant 25 : i32
        %eq3A_1239 = arith.cmpi eq, %select_n3A_1237, %eq3A_1238 : i32
        %select_n3A_1240 = arith.constant 0 : i32
        %select_n3A_1241 = arith.select %eq3A_1239, %select_n3A_1240, %select_n3A_1237 : i32
        scf.yield %select_n3A_384, %select_n3A_1142, %select_n3A_484, %select_n3A_1233, %select_n3A_1241 : i32, i32, i32, i32, i32
      }
      %scan3A_215 = arith.constant 25 : i32
      %sub3A_216 = arith.constant 1 : i32
      %sub3A_217 = arith.subi %scan3A_214#4, %sub3A_216 : i32
      %select_n3A_218 = arith.constant true
      %select_n3A_219 = arith.select %select_n3A_218, %sub3A_217, %scan3A_214#4 : i32
      %eq3A_220 = arith.constant -1 : i32
      %eq3A_221 = arith.cmpi eq, %select_n3A_219, %eq3A_220 : i32
      %select_n3A_222 = arith.constant 24 : i32
      %select_n3A_223 = arith.select %eq3A_221, %select_n3A_222, %select_n3A_219 : i32
      %add3A_224 = arith.addi %select_n3A_223, %mul3A_25 : i32
      %sub3A_225 = arith.constant 1 : i32
      %sub3A_226 = arith.subi %select_n3A_223, %sub3A_225 : i32
      %select_n3A_227 = arith.constant true
      %select_n3A_228 = arith.select %select_n3A_227, %sub3A_226, %select_n3A_223 : i32
      %eq3A_229 = arith.constant -1 : i32
      %eq3A_230 = arith.cmpi eq, %select_n3A_228, %eq3A_229 : i32
      %select_n3A_231 = arith.constant 24 : i32
      %select_n3A_232 = arith.select %eq3A_230, %select_n3A_231, %select_n3A_228 : i32
      %add3A_233 = arith.addi %select_n3A_232, %mul3A_25 : i32
      %add3A_234 = arith.constant 1 : i32
      %add3A_235 = arith.addi %select_n3A_223, %add3A_234 : i32
      %select_n3A_236 = arith.constant true
      %select_n3A_237 = arith.select %select_n3A_236, %add3A_235, %select_n3A_223 : i32
      %eq3A_238 = arith.constant 25 : i32
      %eq3A_239 = arith.cmpi eq, %select_n3A_237, %eq3A_238 : i32
      %select_n3A_240 = arith.constant 0 : i32
      %select_n3A_241 = arith.select %eq3A_239, %select_n3A_240, %select_n3A_237 : i32
      %add3A_242 = arith.addi %select_n3A_241, %mul3A_25 : i32
      %add3A_243 = arith.constant 1 : i32
      %add3A_244 = arith.addi %select_n3A_241, %add3A_243 : i32
      %select_n3A_245 = arith.constant true
      %select_n3A_246 = arith.select %select_n3A_245, %add3A_244, %select_n3A_241 : i32
      %eq3A_247 = arith.constant 25 : i32
      %eq3A_248 = arith.cmpi eq, %select_n3A_246, %eq3A_247 : i32
      %select_n3A_249 = arith.constant 0 : i32
      %select_n3A_250 = arith.select %eq3A_248, %select_n3A_249, %select_n3A_246 : i32
      %add3A_251 = arith.addi %select_n3A_250, %mul3A_25 : i32
      tpu.yield
    }) : () -> ()
    %get3A = arith.constant 0 : i32
    %get3A_26 = arith.index_cast %get3A : i32 to index
    %get3A_27 = arith.constant 0 : index
    %get3A_28 = tpu.vector_load %arg7[%get3A_26, %get3A_27] {strides = array<i32>} : memref<4x16xf32, #tpu.memory_space<vmem>>, vector<16xf32>,
    %get3A_29 = arith.constant 1 : i32
    %get3A_30 = arith.index_cast %get3A_29 : i32 to index
    %get3A_31 = arith.constant 0 : index
    %get3A_32 = tpu.vector_load %arg7[%get3A_30, %get3A_31] {strides = array<i32>} : memref<4x16xf32, #tpu.memory_space<vmem>>, vector<16xf32>,
    %add3A_33 = arith.addf %get3A_28, %get3A_32 : vector<16xf32>
    %get3A_34 = arith.constant 2 : i32
    %get3A_35 = arith.index_cast %get3A_34 : i32 to index
    %get3A_36 = arith.constant 0 : index
    %get3A_37 = tpu.vector_load %arg7[%get3A_35, %get3A_36] {strides = array<i32>} : memref<4x16xf32, #tpu.memory_space<vmem>>, vector<16xf32>,
    %get3A_38 = arith.constant 3 : i32
    %get3A_39 = arith.index_cast %get3A_38 : i32 to index
    %get3A_40 = arith.constant 0 : index
    %get3A_41 = tpu.vector_load %arg7[%get3A_39, %get3A_40] {strides = array<i32>} : memref<4x16xf32, #tpu.memory_space<vmem>>, vector<16xf32>,
    %add3A_42 = arith.addf %get3A_37, %get3A_41 : vector<16xf32>
    %add3A_43 = arith.addf %add3A_33, %add3A_42 : vector<16xf32>
    %swap3A_44 = arith.constant 0 : i32
    %swap3A_45 = arith.index_cast %swap3A_44 : i32 to index
    %swap3A_46 = arith.constant 0 : index
    %swap3A_47 = tpu.vector_load %arg7[%swap3A_45, %swap3A_46] {strides = array<i32>} : memref<4x16xf32, #tpu.memory_space<vmem>>, vector<16xf32>,
    tpu.vector_store %arg7[%swap3A_45, %swap3A_46], %add3A_43 {strides = array<i32>} : memref<4x16xf32, #tpu.memory_space<vmem>>, vector<16xf32>,
    %run_scoped3A = arith.constant 0 : i32
    "tpu.region"() ({
      %run_scoped3A_48 = tpu.sem_alloc : memref<!tpu.dma_semaphore, #tpu.memory_space<semaphore_mem>>
      %dma_start3A = arith.constant 0 : i32
      %dma_start3A_49 = tpu.memref_slice %arg7[%run_scoped3A, %dma_start3A] : memref<4x16xf32, #tpu.memory_space<vmem>> -> memref<1x16xf32, #tpu.memory_space<vmem>>
      %dma_start3A_50 = tpu.memref_squeeze %dma_start3A_49 : memref<1x16xf32, #tpu.memory_space<vmem>> -> memref<16xf32, #tpu.memory_space<vmem>>
      %dma_start3A_51 = arith.constant 0 : i32
      %dma_start3A_52 = tpu.memref_slice %arg5[%add3A, %dma_start3A_51] : memref<32x16xf32, #tpu.memory_space<hbm>> -> memref<1x16xf32, #tpu.memory_space<hbm>>
      %dma_start3A_53 = tpu.memref_squeeze %dma_start3A_52 : memref<1x16xf32, #tpu.memory_space<hbm>> -> memref<16xf32, #tpu.memory_space<hbm>>
      %dma_start3A_54 = arith.constant 0 : i32
      %dma_start3A_55 = tpu.memref_slice %arg5[%add3A, %dma_start3A_54] : memref<32x16xf32, #tpu.memory_space<hbm>> -> memref<1x16xf32, #tpu.memory_space<hbm>>
      %dma_start3A_56 = tpu.memref_squeeze %dma_start3A_55 : memref<1x16xf32, #tpu.memory_space<hbm>> -> memref<16xf32, #tpu.memory_space<hbm>>
      %dma_start3A_57 = arith.constant 0 : i32
      %dma_start3A_58 = tpu.memref_slice %arg7[%run_scoped3A, %dma_start3A_57] : memref<4x16xf32, #tpu.memory_space<vmem>> -> memref<1x16xf32, #tpu.memory_space<vmem>>
      %dma_start3A_59 = tpu.memref_squeeze %dma_start3A_58 : memref<1x16xf32, #tpu.memory_space<vmem>> -> memref<16xf32, #tpu.memory_space<vmem>>
      tpu.enqueue_dma source(%dma_start3A_59 : memref<16xf32, #tpu.memory_space<vmem>>) target(%dma_start3A_56 : memref<16xf32, #tpu.memory_space<hbm>>) target_semaphore(%run_scoped3A_48 : memref<!tpu.dma_semaphore, #tpu.memory_space<semaphore_mem>>)
      %dma_wait3A = arith.constant 0 : i32
      %dma_wait3A_60 = tpu.memref_slice %arg7[%run_scoped3A, %dma_wait3A] : memref<4x16xf32, #tpu.memory_space<vmem>> -> memref<1x16xf32, #tpu.memory_space<vmem>>
      %dma_wait3A_61 = tpu.memref_squeeze %dma_wait3A_60 : memref<1x16xf32, #tpu.memory_space<vmem>> -> memref<16xf32, #tpu.memory_space<vmem>>
      %dma_wait3A_62 = arith.constant 0 : i32
      %dma_wait3A_63 = tpu.memref_slice %arg5[%add3A, %dma_wait3A_62] : memref<32x16xf32, #tpu.memory_space<hbm>> -> memref<1x16xf32, #tpu.memory_space<hbm>>
      %dma_wait3A_64 = tpu.memref_squeeze %dma_wait3A_63 : memref<1x16xf32, #tpu.memory_space<hbm>> -> memref<16xf32, #tpu.memory_space<hbm>>
      %dma_wait3A_65 = arith.constant 0 : i32
      %dma_wait3A_66 = tpu.memref_slice %arg5[%add3A, %dma_wait3A_65] : memref<32x16xf32, #tpu.memory_space<hbm>> -> memref<1x16xf32, #tpu.memory_space<hbm>>
      %dma_wait3A_67 = tpu.memref_squeeze %dma_wait3A_66 : memref<1x16xf32, #tpu.memory_space<hbm>> -> memref<16xf32, #tpu.memory_space<hbm>>
      %dma_wait3A_68 = arith.constant 0 : i32
      %dma_wait3A_69 = tpu.memref_slice %arg7[%run_scoped3A, %dma_wait3A_68] : memref<4x16xf32, #tpu.memory_space<vmem>> -> memref<1x16xf32, #tpu.memory_space<vmem>>
      %dma_wait3A_70 = tpu.memref_squeeze %dma_wait3A_69 : memref<1x16xf32, #tpu.memory_space<vmem>> -> memref<16xf32, #tpu.memory_space<vmem>>
      tpu.wait_dma2 semaphore(%run_scoped3A_48 : memref<!tpu.dma_semaphore, #tpu.memory_space<semaphore_mem>>) src(%dma_wait3A_70 : memref<16xf32, #tpu.memory_space<vmem>>) dst(%dma_wait3A_67 : memref<16xf32, #tpu.memory_space<hbm>>)
      tpu.yield
    }) : () -> ()
    return
  }
}

module attributes {stable_mosaic.version = 14 : i64} {
  func.func @body(%arg0: i32, %arg1: i32, %arg2: memref<1x8x2048xi32, #tpu.memory_space<vmem>>, %arg3: memref<8x24x2048xf32, #tpu.memory_space<vmem>>, %arg4: memref<24x24xf32, #tpu.memory_space<vmem>>, %arg5: memref<1x1xf32, #tpu.memory_space<smem>>, %arg6: memref<24x2048xf32, #tpu.memory_space<vmem>>) attributes {dimension_semantics = [#tpu.dimension_semantics<arbitrary>, #tpu.dimension_semantics<arbitrary>], iteration_bounds = array<i64: 4, 25>, scalar_prefetch = 0 : i64, scratch_operands = 1 : i64, tpu.core_type = #tpu.core_type<tc>, window_params = [{transform_indices = @transform_0, window_bounds = array<i64: 1, 8, 2048>}, {transform_indices = @transform_1, window_bounds = array<i64: 8, 24, 2048>}, {pipeline_mode = #tpu.pipeline_mode<synchronous>, transform_indices = @transform_2, window_bounds = array<i64: 24, 24>}, {transform_indices = @transform_3, window_bounds = array<i64: 1, 1>}]} {
    %eq3A = arith.constant 0 : i32
    %eq3A_0 = arith.cmpi eq, %arg0, %eq3A : i32
    %eq3A_1 = arith.constant 0 : i32
    %eq3A_2 = arith.cmpi eq, %arg1, %eq3A_1 : i32
    %and3A = arith.andi %eq3A_0, %eq3A_2 : i1
    %convert_element_type3A = arith.extui %and3A : i1 to i32
    %cond3A = arith.constant 0 : i32
    %cond3A_3 = arith.cmpi ne, %convert_element_type3A, %cond3A : i32
    scf.if %cond3A_3 {
      %broadcast_in_dim3A_216 = arith.constant 0.000000e+00 : f32
      %broadcast_in_dim3A_217 = vector.broadcast %broadcast_in_dim3A_216 : f32 to vector<24x2048xf32>
      %swap3A_218 = arith.constant 0 : index
      %swap3A_219 = arith.constant 0 : index
      %swap3A_220 = vector.load %arg6[%swap3A_218, %swap3A_219] : memref<24x2048xf32, #tpu.memory_space<vmem>>, vector<24x2048xf32>
      tpu.vector_store %arg6[%swap3A_218, %swap3A_219], %broadcast_in_dim3A_217 {strides = array<i32>} : memref<24x2048xf32, #tpu.memory_space<vmem>>, vector<24x2048xf32>,
    } else {
    }
    %get3A = arith.constant 0 : index
    %get3A_4 = arith.constant 0 : index
    %get3A_5 = vector.load %arg4[%get3A, %get3A_4] : memref<24x24xf32, #tpu.memory_space<vmem>>, vector<24x24xf32>
    %transpose3A = tpu.transpose %get3A_5, [1, 0] : vector<24x24xf32> -> vector<24x24xf32>
    %get3A_6 = arith.constant 0 : index
    %get3A_7 = arith.constant 0 : index
    %get3A_8 = arith.constant 0 : index
    %get3A_9 = vector.load %arg2[%get3A_6, %get3A_7, %get3A_8] : memref<1x8x2048xi32, #tpu.memory_space<vmem>>, vector<1x1x2048xi32>
    %get3A_10 = vector.shape_cast %get3A_9 : vector<1x1x2048xi32> to vector<2048xi32>
    %iota3A = tpu.iota {dimensions = array<i32: 0>} : vector<24x2048xi32>
    %broadcast_in_dim3A = vector.shape_cast %get3A_10 : vector<2048xi32> to vector<1x2048xi32>
    %eq3A_11 = vector.broadcast %broadcast_in_dim3A : vector<1x2048xi32> to vector<24x2048xi32>
    %eq3A_12 = arith.cmpi eq, %iota3A, %eq3A_11 : vector<24x2048xi32>
    %convert_element_type3A_13 = arith.extui %eq3A_12 : vector<24x2048xi1> to vector<24x2048xi32>
    %convert_element_type3A_14 = arith.sitofp %convert_element_type3A_13 : vector<24x2048xi32> to vector<24x2048xf32>
    %dot_general3A = arith.constant dense<0.000000e+00> : vector<24x2048xf32>
    %dot_general3A_15 = tpu.matmul %transpose3A, %convert_element_type3A_14, %dot_general3A {dimension_numbers = #tpu.dot_dimension_numbers<[1], [0], [0], [1], [0, 0, 1, 1], [], []>, precision = #tpu.contract_precision<fp32>, transpose_lhs_hint = false} : vector<24x24xf32>, vector<24x2048xf32>, vector<24x2048xf32> -> vector<24x2048xf32>
    %get3A_16 = arith.constant 0 : index
    %get3A_17 = arith.constant 0 : index
    %get3A_18 = vector.load %arg6[%get3A_16, %get3A_17] : memref<24x2048xf32, #tpu.memory_space<vmem>>, vector<24x2048xf32>
    %get3A_19 = arith.constant 0 : index
    %get3A_20 = arith.constant 0 : index
    %get3A_21 = arith.constant 0 : index
    %get3A_22 = vector.load %arg3[%get3A_19, %get3A_20, %get3A_21] : memref<8x24x2048xf32, #tpu.memory_space<vmem>>, vector<1x24x2048xf32>
    %get3A_23 = vector.shape_cast %get3A_22 : vector<1x24x2048xf32> to vector<24x2048xf32>
    %mul3A = arith.mulf %dot_general3A_15, %get3A_23 : vector<24x2048xf32>
    %add3A = arith.addf %get3A_18, %mul3A : vector<24x2048xf32>
    %swap3A = arith.constant 0 : index
    %swap3A_24 = arith.constant 0 : index
    %swap3A_25 = vector.load %arg6[%swap3A, %swap3A_24] : memref<24x2048xf32, #tpu.memory_space<vmem>>, vector<24x2048xf32>
    tpu.vector_store %arg6[%swap3A, %swap3A_24], %add3A {strides = array<i32>} : memref<24x2048xf32, #tpu.memory_space<vmem>>, vector<24x2048xf32>,
    %get3A_26 = arith.constant 0 : index
    %get3A_27 = arith.constant 1 : index
    %get3A_28 = arith.constant 0 : index
    %get3A_29 = vector.load %arg2[%get3A_26, %get3A_27, %get3A_28] : memref<1x8x2048xi32, #tpu.memory_space<vmem>>, vector<1x1x2048xi32>
    %get3A_30 = vector.shape_cast %get3A_29 : vector<1x1x2048xi32> to vector<2048xi32>
    %iota3A_31 = tpu.iota {dimensions = array<i32: 0>} : vector<24x2048xi32>
    %broadcast_in_dim3A_32 = vector.shape_cast %get3A_30 : vector<2048xi32> to vector<1x2048xi32>
    %eq3A_33 = vector.broadcast %broadcast_in_dim3A_32 : vector<1x2048xi32> to vector<24x2048xi32>
    %eq3A_34 = arith.cmpi eq, %iota3A_31, %eq3A_33 : vector<24x2048xi32>
    %convert_element_type3A_35 = arith.extui %eq3A_34 : vector<24x2048xi1> to vector<24x2048xi32>
    %convert_element_type3A_36 = arith.sitofp %convert_element_type3A_35 : vector<24x2048xi32> to vector<24x2048xf32>
    %dot_general3A_37 = arith.constant dense<0.000000e+00> : vector<24x2048xf32>
    %dot_general3A_38 = tpu.matmul %transpose3A, %convert_element_type3A_36, %dot_general3A_37 {dimension_numbers = #tpu.dot_dimension_numbers<[1], [0], [0], [1], [0, 0, 1, 1], [], []>, precision = #tpu.contract_precision<fp32>, transpose_lhs_hint = false} : vector<24x24xf32>, vector<24x2048xf32>, vector<24x2048xf32> -> vector<24x2048xf32>
    %get3A_39 = arith.constant 0 : index
    %get3A_40 = arith.constant 0 : index
    %get3A_41 = vector.load %arg6[%get3A_39, %get3A_40] : memref<24x2048xf32, #tpu.memory_space<vmem>>, vector<24x2048xf32>
    %get3A_42 = arith.constant 1 : index
    %get3A_43 = arith.constant 0 : index
    %get3A_44 = arith.constant 0 : index
    %get3A_45 = vector.load %arg3[%get3A_42, %get3A_43, %get3A_44] : memref<8x24x2048xf32, #tpu.memory_space<vmem>>, vector<1x24x2048xf32>
    %get3A_46 = vector.shape_cast %get3A_45 : vector<1x24x2048xf32> to vector<24x2048xf32>
    %mul3A_47 = arith.mulf %dot_general3A_38, %get3A_46 : vector<24x2048xf32>
    %add3A_48 = arith.addf %get3A_41, %mul3A_47 : vector<24x2048xf32>
    %swap3A_49 = arith.constant 0 : index
    %swap3A_50 = arith.constant 0 : index
    %swap3A_51 = vector.load %arg6[%swap3A_49, %swap3A_50] : memref<24x2048xf32, #tpu.memory_space<vmem>>, vector<24x2048xf32>
    tpu.vector_store %arg6[%swap3A_49, %swap3A_50], %add3A_48 {strides = array<i32>} : memref<24x2048xf32, #tpu.memory_space<vmem>>, vector<24x2048xf32>,
    %get3A_52 = arith.constant 0 : index
    %get3A_53 = arith.constant 2 : index
    %get3A_54 = arith.constant 0 : index
    %get3A_55 = vector.load %arg2[%get3A_52, %get3A_53, %get3A_54] : memref<1x8x2048xi32, #tpu.memory_space<vmem>>, vector<1x1x2048xi32>
    %get3A_56 = vector.shape_cast %get3A_55 : vector<1x1x2048xi32> to vector<2048xi32>
    %iota3A_57 = tpu.iota {dimensions = array<i32: 0>} : vector<24x2048xi32>
    %broadcast_in_dim3A_58 = vector.shape_cast %get3A_56 : vector<2048xi32> to vector<1x2048xi32>
    %eq3A_59 = vector.broadcast %broadcast_in_dim3A_58 : vector<1x2048xi32> to vector<24x2048xi32>
    %eq3A_60 = arith.cmpi eq, %iota3A_57, %eq3A_59 : vector<24x2048xi32>
    %convert_element_type3A_61 = arith.extui %eq3A_60 : vector<24x2048xi1> to vector<24x2048xi32>
    %convert_element_type3A_62 = arith.sitofp %convert_element_type3A_61 : vector<24x2048xi32> to vector<24x2048xf32>
    %dot_general3A_63 = arith.constant dense<0.000000e+00> : vector<24x2048xf32>
    %dot_general3A_64 = tpu.matmul %transpose3A, %convert_element_type3A_62, %dot_general3A_63 {dimension_numbers = #tpu.dot_dimension_numbers<[1], [0], [0], [1], [0, 0, 1, 1], [], []>, precision = #tpu.contract_precision<fp32>, transpose_lhs_hint = false} : vector<24x24xf32>, vector<24x2048xf32>, vector<24x2048xf32> -> vector<24x2048xf32>
    %get3A_65 = arith.constant 0 : index
    %get3A_66 = arith.constant 0 : index
    %get3A_67 = vector.load %arg6[%get3A_65, %get3A_66] : memref<24x2048xf32, #tpu.memory_space<vmem>>, vector<24x2048xf32>
    %get3A_68 = arith.constant 2 : index
    %get3A_69 = arith.constant 0 : index
    %get3A_70 = arith.constant 0 : index
    %get3A_71 = vector.load %arg3[%get3A_68, %get3A_69, %get3A_70] : memref<8x24x2048xf32, #tpu.memory_space<vmem>>, vector<1x24x2048xf32>
    %get3A_72 = vector.shape_cast %get3A_71 : vector<1x24x2048xf32> to vector<24x2048xf32>
    %mul3A_73 = arith.mulf %dot_general3A_64, %get3A_72 : vector<24x2048xf32>
    %add3A_74 = arith.addf %get3A_67, %mul3A_73 : vector<24x2048xf32>
    %swap3A_75 = arith.constant 0 : index
    %swap3A_76 = arith.constant 0 : index
    %swap3A_77 = vector.load %arg6[%swap3A_75, %swap3A_76] : memref<24x2048xf32, #tpu.memory_space<vmem>>, vector<24x2048xf32>
    tpu.vector_store %arg6[%swap3A_75, %swap3A_76], %add3A_74 {strides = array<i32>} : memref<24x2048xf32, #tpu.memory_space<vmem>>, vector<24x2048xf32>,
    %get3A_78 = arith.constant 0 : index
    %get3A_79 = arith.constant 3 : index
    %get3A_80 = arith.constant 0 : index
    %get3A_81 = vector.load %arg2[%get3A_78, %get3A_79, %get3A_80] : memref<1x8x2048xi32, #tpu.memory_space<vmem>>, vector<1x1x2048xi32>
    %get3A_82 = vector.shape_cast %get3A_81 : vector<1x1x2048xi32> to vector<2048xi32>
    %iota3A_83 = tpu.iota {dimensions = array<i32: 0>} : vector<24x2048xi32>
    %broadcast_in_dim3A_84 = vector.shape_cast %get3A_82 : vector<2048xi32> to vector<1x2048xi32>
    %eq3A_85 = vector.broadcast %broadcast_in_dim3A_84 : vector<1x2048xi32> to vector<24x2048xi32>
    %eq3A_86 = arith.cmpi eq, %iota3A_83, %eq3A_85 : vector<24x2048xi32>
    %convert_element_type3A_87 = arith.extui %eq3A_86 : vector<24x2048xi1> to vector<24x2048xi32>
    %convert_element_type3A_88 = arith.sitofp %convert_element_type3A_87 : vector<24x2048xi32> to vector<24x2048xf32>
    %dot_general3A_89 = arith.constant dense<0.000000e+00> : vector<24x2048xf32>
    %dot_general3A_90 = tpu.matmul %transpose3A, %convert_element_type3A_88, %dot_general3A_89 {dimension_numbers = #tpu.dot_dimension_numbers<[1], [0], [0], [1], [0, 0, 1, 1], [], []>, precision = #tpu.contract_precision<fp32>, transpose_lhs_hint = false} : vector<24x24xf32>, vector<24x2048xf32>, vector<24x2048xf32> -> vector<24x2048xf32>
    %get3A_91 = arith.constant 0 : index
    %get3A_92 = arith.constant 0 : index
    %get3A_93 = vector.load %arg6[%get3A_91, %get3A_92] : memref<24x2048xf32, #tpu.memory_space<vmem>>, vector<24x2048xf32>
    %get3A_94 = arith.constant 3 : index
    %get3A_95 = arith.constant 0 : index
    %get3A_96 = arith.constant 0 : index
    %get3A_97 = vector.load %arg3[%get3A_94, %get3A_95, %get3A_96] : memref<8x24x2048xf32, #tpu.memory_space<vmem>>, vector<1x24x2048xf32>
    %get3A_98 = vector.shape_cast %get3A_97 : vector<1x24x2048xf32> to vector<24x2048xf32>
    %mul3A_99 = arith.mulf %dot_general3A_90, %get3A_98 : vector<24x2048xf32>
    %add3A_100 = arith.addf %get3A_93, %mul3A_99 : vector<24x2048xf32>
    %swap3A_101 = arith.constant 0 : index
    %swap3A_102 = arith.constant 0 : index
    %swap3A_103 = vector.load %arg6[%swap3A_101, %swap3A_102] : memref<24x2048xf32, #tpu.memory_space<vmem>>, vector<24x2048xf32>
    tpu.vector_store %arg6[%swap3A_101, %swap3A_102], %add3A_100 {strides = array<i32>} : memref<24x2048xf32, #tpu.memory_space<vmem>>, vector<24x2048xf32>,
    %get3A_104 = arith.constant 0 : index
    %get3A_105 = arith.constant 4 : index
    %get3A_106 = arith.constant 0 : index
    %get3A_107 = vector.load %arg2[%get3A_104, %get3A_105, %get3A_106] : memref<1x8x2048xi32, #tpu.memory_space<vmem>>, vector<1x1x2048xi32>
    %get3A_108 = vector.shape_cast %get3A_107 : vector<1x1x2048xi32> to vector<2048xi32>
    %iota3A_109 = tpu.iota {dimensions = array<i32: 0>} : vector<24x2048xi32>
    %broadcast_in_dim3A_110 = vector.shape_cast %get3A_108 : vector<2048xi32> to vector<1x2048xi32>
    %eq3A_111 = vector.broadcast %broadcast_in_dim3A_110 : vector<1x2048xi32> to vector<24x2048xi32>
    %eq3A_112 = arith.cmpi eq, %iota3A_109, %eq3A_111 : vector<24x2048xi32>
    %convert_element_type3A_113 = arith.extui %eq3A_112 : vector<24x2048xi1> to vector<24x2048xi32>
    %convert_element_type3A_114 = arith.sitofp %convert_element_type3A_113 : vector<24x2048xi32> to vector<24x2048xf32>
    %dot_general3A_115 = arith.constant dense<0.000000e+00> : vector<24x2048xf32>
    %dot_general3A_116 = tpu.matmul %transpose3A, %convert_element_type3A_114, %dot_general3A_115 {dimension_numbers = #tpu.dot_dimension_numbers<[1], [0], [0], [1], [0, 0, 1, 1], [], []>, precision = #tpu.contract_precision<fp32>, transpose_lhs_hint = false} : vector<24x24xf32>, vector<24x2048xf32>, vector<24x2048xf32> -> vector<24x2048xf32>
    %get3A_117 = arith.constant 0 : index
    %get3A_118 = arith.constant 0 : index
    %get3A_119 = vector.load %arg6[%get3A_117, %get3A_118] : memref<24x2048xf32, #tpu.memory_space<vmem>>, vector<24x2048xf32>
    %get3A_120 = arith.constant 4 : index
    %get3A_121 = arith.constant 0 : index
    %get3A_122 = arith.constant 0 : index
    %get3A_123 = vector.load %arg3[%get3A_120, %get3A_121, %get3A_122] : memref<8x24x2048xf32, #tpu.memory_space<vmem>>, vector<1x24x2048xf32>
    %get3A_124 = vector.shape_cast %get3A_123 : vector<1x24x2048xf32> to vector<24x2048xf32>
    %mul3A_125 = arith.mulf %dot_general3A_116, %get3A_124 : vector<24x2048xf32>
    %add3A_126 = arith.addf %get3A_119, %mul3A_125 : vector<24x2048xf32>
    %swap3A_127 = arith.constant 0 : index
    %swap3A_128 = arith.constant 0 : index
    %swap3A_129 = vector.load %arg6[%swap3A_127, %swap3A_128] : memref<24x2048xf32, #tpu.memory_space<vmem>>, vector<24x2048xf32>
    tpu.vector_store %arg6[%swap3A_127, %swap3A_128], %add3A_126 {strides = array<i32>} : memref<24x2048xf32, #tpu.memory_space<vmem>>, vector<24x2048xf32>,
    %get3A_130 = arith.constant 0 : index
    %get3A_131 = arith.constant 5 : index
    %get3A_132 = arith.constant 0 : index
    %get3A_133 = vector.load %arg2[%get3A_130, %get3A_131, %get3A_132] : memref<1x8x2048xi32, #tpu.memory_space<vmem>>, vector<1x1x2048xi32>
    %get3A_134 = vector.shape_cast %get3A_133 : vector<1x1x2048xi32> to vector<2048xi32>
    %iota3A_135 = tpu.iota {dimensions = array<i32: 0>} : vector<24x2048xi32>
    %broadcast_in_dim3A_136 = vector.shape_cast %get3A_134 : vector<2048xi32> to vector<1x2048xi32>
    %eq3A_137 = vector.broadcast %broadcast_in_dim3A_136 : vector<1x2048xi32> to vector<24x2048xi32>
    %eq3A_138 = arith.cmpi eq, %iota3A_135, %eq3A_137 : vector<24x2048xi32>
    %convert_element_type3A_139 = arith.extui %eq3A_138 : vector<24x2048xi1> to vector<24x2048xi32>
    %convert_element_type3A_140 = arith.sitofp %convert_element_type3A_139 : vector<24x2048xi32> to vector<24x2048xf32>
    %dot_general3A_141 = arith.constant dense<0.000000e+00> : vector<24x2048xf32>
    %dot_general3A_142 = tpu.matmul %transpose3A, %convert_element_type3A_140, %dot_general3A_141 {dimension_numbers = #tpu.dot_dimension_numbers<[1], [0], [0], [1], [0, 0, 1, 1], [], []>, precision = #tpu.contract_precision<fp32>, transpose_lhs_hint = false} : vector<24x24xf32>, vector<24x2048xf32>, vector<24x2048xf32> -> vector<24x2048xf32>
    %get3A_143 = arith.constant 0 : index
    %get3A_144 = arith.constant 0 : index
    %get3A_145 = vector.load %arg6[%get3A_143, %get3A_144] : memref<24x2048xf32, #tpu.memory_space<vmem>>, vector<24x2048xf32>
    %get3A_146 = arith.constant 5 : index
    %get3A_147 = arith.constant 0 : index
    %get3A_148 = arith.constant 0 : index
    %get3A_149 = vector.load %arg3[%get3A_146, %get3A_147, %get3A_148] : memref<8x24x2048xf32, #tpu.memory_space<vmem>>, vector<1x24x2048xf32>
    %get3A_150 = vector.shape_cast %get3A_149 : vector<1x24x2048xf32> to vector<24x2048xf32>
    %mul3A_151 = arith.mulf %dot_general3A_142, %get3A_150 : vector<24x2048xf32>
    %add3A_152 = arith.addf %get3A_145, %mul3A_151 : vector<24x2048xf32>
    %swap3A_153 = arith.constant 0 : index
    %swap3A_154 = arith.constant 0 : index
    %swap3A_155 = vector.load %arg6[%swap3A_153, %swap3A_154] : memref<24x2048xf32, #tpu.memory_space<vmem>>, vector<24x2048xf32>
    tpu.vector_store %arg6[%swap3A_153, %swap3A_154], %add3A_152 {strides = array<i32>} : memref<24x2048xf32, #tpu.memory_space<vmem>>, vector<24x2048xf32>,
    %get3A_156 = arith.constant 0 : index
    %get3A_157 = arith.constant 6 : index
    %get3A_158 = arith.constant 0 : index
    %get3A_159 = vector.load %arg2[%get3A_156, %get3A_157, %get3A_158] : memref<1x8x2048xi32, #tpu.memory_space<vmem>>, vector<1x1x2048xi32>
    %get3A_160 = vector.shape_cast %get3A_159 : vector<1x1x2048xi32> to vector<2048xi32>
    %iota3A_161 = tpu.iota {dimensions = array<i32: 0>} : vector<24x2048xi32>
    %broadcast_in_dim3A_162 = vector.shape_cast %get3A_160 : vector<2048xi32> to vector<1x2048xi32>
    %eq3A_163 = vector.broadcast %broadcast_in_dim3A_162 : vector<1x2048xi32> to vector<24x2048xi32>
    %eq3A_164 = arith.cmpi eq, %iota3A_161, %eq3A_163 : vector<24x2048xi32>
    %convert_element_type3A_165 = arith.extui %eq3A_164 : vector<24x2048xi1> to vector<24x2048xi32>
    %convert_element_type3A_166 = arith.sitofp %convert_element_type3A_165 : vector<24x2048xi32> to vector<24x2048xf32>
    %dot_general3A_167 = arith.constant dense<0.000000e+00> : vector<24x2048xf32>
    %dot_general3A_168 = tpu.matmul %transpose3A, %convert_element_type3A_166, %dot_general3A_167 {dimension_numbers = #tpu.dot_dimension_numbers<[1], [0], [0], [1], [0, 0, 1, 1], [], []>, precision = #tpu.contract_precision<fp32>, transpose_lhs_hint = false} : vector<24x24xf32>, vector<24x2048xf32>, vector<24x2048xf32> -> vector<24x2048xf32>
    %get3A_169 = arith.constant 0 : index
    %get3A_170 = arith.constant 0 : index
    %get3A_171 = vector.load %arg6[%get3A_169, %get3A_170] : memref<24x2048xf32, #tpu.memory_space<vmem>>, vector<24x2048xf32>
    %get3A_172 = arith.constant 6 : index
    %get3A_173 = arith.constant 0 : index
    %get3A_174 = arith.constant 0 : index
    %get3A_175 = vector.load %arg3[%get3A_172, %get3A_173, %get3A_174] : memref<8x24x2048xf32, #tpu.memory_space<vmem>>, vector<1x24x2048xf32>
    %get3A_176 = vector.shape_cast %get3A_175 : vector<1x24x2048xf32> to vector<24x2048xf32>
    %mul3A_177 = arith.mulf %dot_general3A_168, %get3A_176 : vector<24x2048xf32>
    %add3A_178 = arith.addf %get3A_171, %mul3A_177 : vector<24x2048xf32>
    %swap3A_179 = arith.constant 0 : index
    %swap3A_180 = arith.constant 0 : index
    %swap3A_181 = vector.load %arg6[%swap3A_179, %swap3A_180] : memref<24x2048xf32, #tpu.memory_space<vmem>>, vector<24x2048xf32>
    tpu.vector_store %arg6[%swap3A_179, %swap3A_180], %add3A_178 {strides = array<i32>} : memref<24x2048xf32, #tpu.memory_space<vmem>>, vector<24x2048xf32>,
    %get3A_182 = arith.constant 0 : index
    %get3A_183 = arith.constant 7 : index
    %get3A_184 = arith.constant 0 : index
    %get3A_185 = vector.load %arg2[%get3A_182, %get3A_183, %get3A_184] : memref<1x8x2048xi32, #tpu.memory_space<vmem>>, vector<1x1x2048xi32>
    %get3A_186 = vector.shape_cast %get3A_185 : vector<1x1x2048xi32> to vector<2048xi32>
    %iota3A_187 = tpu.iota {dimensions = array<i32: 0>} : vector<24x2048xi32>
    %broadcast_in_dim3A_188 = vector.shape_cast %get3A_186 : vector<2048xi32> to vector<1x2048xi32>
    %eq3A_189 = vector.broadcast %broadcast_in_dim3A_188 : vector<1x2048xi32> to vector<24x2048xi32>
    %eq3A_190 = arith.cmpi eq, %iota3A_187, %eq3A_189 : vector<24x2048xi32>
    %convert_element_type3A_191 = arith.extui %eq3A_190 : vector<24x2048xi1> to vector<24x2048xi32>
    %convert_element_type3A_192 = arith.sitofp %convert_element_type3A_191 : vector<24x2048xi32> to vector<24x2048xf32>
    %dot_general3A_193 = arith.constant dense<0.000000e+00> : vector<24x2048xf32>
    %dot_general3A_194 = tpu.matmul %transpose3A, %convert_element_type3A_192, %dot_general3A_193 {dimension_numbers = #tpu.dot_dimension_numbers<[1], [0], [0], [1], [0, 0, 1, 1], [], []>, precision = #tpu.contract_precision<fp32>, transpose_lhs_hint = false} : vector<24x24xf32>, vector<24x2048xf32>, vector<24x2048xf32> -> vector<24x2048xf32>
    %get3A_195 = arith.constant 0 : index
    %get3A_196 = arith.constant 0 : index
    %get3A_197 = vector.load %arg6[%get3A_195, %get3A_196] : memref<24x2048xf32, #tpu.memory_space<vmem>>, vector<24x2048xf32>
    %get3A_198 = arith.constant 7 : index
    %get3A_199 = arith.constant 0 : index
    %get3A_200 = arith.constant 0 : index
    %get3A_201 = vector.load %arg3[%get3A_198, %get3A_199, %get3A_200] : memref<8x24x2048xf32, #tpu.memory_space<vmem>>, vector<1x24x2048xf32>
    %get3A_202 = vector.shape_cast %get3A_201 : vector<1x24x2048xf32> to vector<24x2048xf32>
    %mul3A_203 = arith.mulf %dot_general3A_194, %get3A_202 : vector<24x2048xf32>
    %add3A_204 = arith.addf %get3A_197, %mul3A_203 : vector<24x2048xf32>
    %swap3A_205 = arith.constant 0 : index
    %swap3A_206 = arith.constant 0 : index
    %swap3A_207 = vector.load %arg6[%swap3A_205, %swap3A_206] : memref<24x2048xf32, #tpu.memory_space<vmem>>, vector<24x2048xf32>
    tpu.vector_store %arg6[%swap3A_205, %swap3A_206], %add3A_204 {strides = array<i32>} : memref<24x2048xf32, #tpu.memory_space<vmem>>, vector<24x2048xf32>,
    %eq3A_208 = arith.constant 3 : i32
    %eq3A_209 = arith.cmpi eq, %arg0, %eq3A_208 : i32
    %eq3A_210 = arith.constant 24 : i32
    %eq3A_211 = arith.cmpi eq, %arg1, %eq3A_210 : i32
    %and3A_212 = arith.andi %eq3A_209, %eq3A_211 : i1
    %convert_element_type3A_213 = arith.extui %and3A_212 : i1 to i32
    %cond3A_214 = arith.constant 0 : i32
    %cond3A_215 = arith.cmpi ne, %convert_element_type3A_213, %cond3A_214 : i32
    scf.if %cond3A_215 {
      %get3A_216 = arith.constant 0 : index
      %get3A_217 = arith.constant 0 : index
      %get3A_218 = vector.load %arg6[%get3A_216, %get3A_217] : memref<24x2048xf32, #tpu.memory_space<vmem>>, vector<24x2048xf32>
      %reduce_sum3A = vector.shape_cast %get3A_218 : vector<24x2048xf32> to vector<1x24x2048xf32>
      %reduce_sum3A_219 = arith.constant dense<0.000000e+00> : vector<1xf32>
      %reduce_sum3A_220 = vector.multi_reduction <add>, %reduce_sum3A, %reduce_sum3A_219 [1, 2] : vector<1x24x2048xf32> to vector<1xf32>
      %reduce_sum3A_221 = vector.shape_cast %reduce_sum3A_220 : vector<1xf32> to vector<1x1x1xf32>
      %reduce_sum3A_222 = vector.extract %reduce_sum3A_221[0, 0, 0] : f32 from vector<1x1x1xf32>
      %swap3A_223 = arith.constant 0 : index
      %swap3A_224 = arith.constant 0 : index
      %swap3A_225 = memref.load %arg5[%swap3A_223, %swap3A_224] : memref<1x1xf32, #tpu.memory_space<smem>>
      memref.store %reduce_sum3A_222, %arg5[%swap3A_223, %swap3A_224] : memref<1x1xf32, #tpu.memory_space<smem>>
    } else {
    }
    return
  }
  func.func @transform_0(%arg0: i32, %arg1: i32) -> (i32, i32, i32) {
    %add3A = arith.constant 4 : i32
    %add3A_0 = arith.addi %arg0, %add3A : i32
    %c0_i32 = arith.constant 0 : i32
    %c0_i32_1 = arith.constant 0 : i32
    return %arg1, %c0_i32, %add3A_0 : i32, i32, i32
  }
  func.func @transform_1(%arg0: i32, %arg1: i32) -> (i32, i32, i32) {
    %add3A = arith.constant 4 : i32
    %add3A_0 = arith.addi %arg0, %add3A : i32
    %c0_i32 = arith.constant 0 : i32
    %c0_i32_1 = arith.constant 0 : i32
    return %arg1, %c0_i32, %add3A_0 : i32, i32, i32
  }
  func.func @transform_2(%arg0: i32, %arg1: i32) -> (i32, i32) {
    %c0_i32 = arith.constant 0 : i32
    %c0_i32_0 = arith.constant 0 : i32
    %c0_i32_1 = arith.constant 0 : i32
    return %c0_i32, %c0_i32_0 : i32, i32
  }
  func.func @transform_3(%arg0: i32, %arg1: i32) -> (i32, i32) {
    %c0_i32 = arith.constant 0 : i32
    %c0_i32_0 = arith.constant 0 : i32
    %c0_i32_1 = arith.constant 0 : i32
    return %c0_i32, %c0_i32_0 : i32, i32
  }
}

</mosaic_0001>

<sc_bundles>
// kernel: kernel.4.cloned.1.call-start
scs
__scs_entry_jumppad:
0x0: {  	(pc) =	sbr.rel $0x88, $3  }
0x1: {  	(tag) =	ssettag $0x0;
	lr =	simm.s32 $0x1  }
0x2: {  	[smem:$0x3F9E] =	sst lr;
	_ =	strace $0xD0000000  }
0x3: {  	_ = 	snop  }
0x4: {  	_ = 	snop  }
0x5: {  	_ = 	snop  }
0x6: {  	_ = 	snop  }
0x7: {  	_ = 	snop  }
__scs_overlays_trampoline_lowered:
0x8: {  	[smem:$0x3FAD] =	sst s0  }
0x9: {  	[smem:$0x3FAE] =	sst s1  }
0xa: {  	[smem:$0x3FAF] =	sst s2  }
0xb: {  	[smem:$0x3FB0] =	sst s3  }
0xc: {  	[smem:$0x3FB1] =	sst s4  }
0xd: {  	[smem:$0x3FB2] =	sst s5  }
0xe: {  	[smem:$0x3FB3] =	sst s6  }
0xf: {  	[smem:$0x3FB4] =	sst s7  }
0x10: {  	[smem:$0x3FB5] =	sst s8  }
0x11: {  	[smem:$0x3FB6] =	sst s9;
	s0 =	simm.s32 @!p0 $0x0  }
0x12: {  	s1 =	sld [smem:$0x3F9C];
	s0 =	simm.s32 @p0 $0x1  }
0x13: {  	[smem:$0x3FB7] =	sst s0;
	s0 =	simm.s32 @!p1 $0x0  }
0x14: {  	s2 =	sld [smem:$0x3F9B];
	s0 =	simm.s32 @p1 $0x1  }
0x15: {  	[smem:$0x3FB8] =	sst s0;
	s0 =	simm.s32 @!p2 $0x0  }
0x16: {  	s3 =	sld [smem:$0x3FDB];
	s0 =	simm.s32 @p2 $0x1  }
0x17: {  	s4 =	simm.s32 $0x1BF5;
	[smem:$0x3FBA] =	sst s0  }
0x18: {  	s0 =	sld [smem:$0x3F9D];
	_ =	swait.ge [sflag:s4], $0x0  }
0x19: {  	s7 =	sld [smem:$0x3F9E]  }
0x1a: {  	s8 =	sadd.s32 $0xFFFFE003, lr  }
0x1b: {  	s9 =	sadd.s32 $0xFFFFFEF7, lr;
	s5 =	simm.s32 $0xFFFFFFFF;
	p2 =	slt.u32 s8, $0xFFFFF086  }
0x1c: {  	p1 =	slt.u32 s9, $0xF7A;
	s5 =	simm.s32 @!p2 $0x0  }
0x1d: {  	s5 =	simm.s32 @p1 $0x1;
	p0 =	seq.s32 s7, s2  }
0x1e: {  	s7 =	smul.u32 @!p0 $0xF7A, s2;
	p2 =	seq.s32 @!p0 s5, $0x0  }
0x1f: {  	s9 =	smul.u32 $0xF7A, s1;
	s8 =	simm.s32 @!p0 $0x1BF5;
	p2 =	por !p2, p0  }
0x20: {  	[sflag:s8] =	ssyncset.s32 @!p0 $0xFFFFF086;
	s6 =	sadd.s32 @!p0 s3, s7;
	s7 =	simm.s32 @!p0 $0x108  }
0x21: {  	s3 =	sadd.s32 s3, s9;
	s6 =	sadd.s32 @!p0 $0x88, s6;
	s7 =	simm.s32 @p2 $0x1082  }
0x22: {  	[simem:s7], [sflag:s8] =	dma.local @!p0 [hbm:s6], $0xF7A  }
0x23: {  	s9 =	sor.u32 $0xD0000000, s2;
	s6 =	simm.s32 $0x108;
	_ =	swait.ge @!p0 [sflag:s8], $0x0  }
0x24: {  	s3 =	sadd.s32 $0x88, s3;
	s6 =	simm.s32 @!p1 $0x1082;
	[sflag:s4] =	ssyncset.s32 $0xFFFFF086  }
0x25: {  	[simem:s6], [sflag:s4] =	dma.local [hbm:s3], $0xF7A  }
0x26: {  	[smem:$0x3F9E] =	sst s1;
	(tag) =	ssettag s2;
	_ =	strace s9  }
0x27: {  	s1 =	sld [smem:$0x3FAE]  }
0x28: {  	s2 =	sld [smem:$0x3FAF]  }
0x29: {  	s4 =	sld [smem:$0x3FB1]  }
0x2a: {  	p0 =	seq.s32 s5, $0x0;
	s5 =	sld [smem:$0x3FB2]  }
0x2b: {  	s6 =	sld [smem:$0x3FB3]  }
0x2c: {  	s7 =	sld [smem:$0x3FB4]  }
0x2d: {  	s3 =	simm.s32 $0x108;
	s8 =	sld [smem:$0x3FB5]  }
0x2e: {  	s3 =	simm.s32 @!p0 $0x1082;
	s9 =	sld [smem:$0x3FB6]  }
0x2f: {  	lr =	sadd.s32 s0, s3;
	s0 =	sld [smem:$0x3FAD]  }
0x30: {  	s3 =	sld [smem:$0x3FB0]  }
0x31: {  	[smem:$0x3FB9] =	sst s10  }
0x32: {  	s10 =	sld [smem:$0x3FB7];
	_ =	sdelay $0x3  }
0x33: {  	p0 =	seq.s32 s10, $0x1;
	s10 =	sld [smem:$0x3FB9];
	_ =	sdelay $0x3  }
0x34: {  	[smem:$0x3FB9] =	sst s10  }
0x35: {  	s10 =	sld [smem:$0x3FB8];
	_ =	sdelay $0x3  }
0x36: {  	p1 =	seq.s32 s10, $0x1;
	s10 =	sld [smem:$0x3FB9];
	_ =	sdelay $0x3  }
0x37: {  	[smem:$0x3FB9] =	sst s10  }
0x38: {  	s10 =	sld [smem:$0x3FBA]  }
0x39: {  	_ = 	snop;
	(pc) =	sbr.ind lr, $3  }
0x3a: {  	_ = 	snop  }
0x3b: {  	_ = 	snop  }
0x3c: {  	p2 =	seq.s32 s10, $0x1;
	s10 =	sld [smem:$0x3FB9]  }
0x3d: {  	_ =	shalt  }
0x3e: {  	_ =	shalt  }
0x3f: {  	_ =	shalt  }
0x40: {  	_ =	shalt  }
0x41: {  	_ =	shalt  }
0x42: {  	_ =	shalt  }
0x43: {  	_ =	shalt  }
0x44: {  	_ =	shalt  }
0x45: {  	_ =	shalt  }
0x46: {  	_ =	shalt  }
0x47: {  	_ =	shalt  }
0x48: {  	_ =	shalt  }
0x49: {  	_ =	shalt  }
0x4a: {  	_ =	shalt  }
0x4b: {  	_ =	shalt  }
0x4c: {  	_ =	shalt  }
0x4d: {  	_ =	shalt  }
0x4e: {  	_ =	shalt  }
0x4f: {  	_ =	shalt  }
0x50: {  	_ =	shalt  }
0x51: {  	_ =	shalt  }
0x52: {  	_ =	shalt  }
0x53: {  	_ =	shalt  }
0x54: {  	_ =	shalt  }
0x55: {  	_ =	shalt  }
0x56: {  	_ =	shalt  }
0x57: {  	_ =	shalt  }
0x58: {  	_ =	shalt  }
0x59: {  	_ =	shalt  }
0x5a: {  	_ =	shalt  }
0x5b: {  	_ =	shalt  }
0x5c: {  	_ =	shalt  }
0x5d: {  	_ =	shalt  }
0x5e: {  	_ =	shalt  }
0x5f: {  	_ =	shalt  }
0x60: {  	_ =	shalt  }
0x61: {  	_ =	shalt  }
0x62: {  	_ =	shalt  }
0x63: {  	_ =	shalt  }
0x64: {  	_ =	shalt  }
0x65: {  	_ =	shalt  }
0x66: {  	_ =	shalt  }
0x67: {  	_ =	shalt  }
0x68: {  	_ =	shalt  }
0x69: {  	_ =	shalt  }
0x6a: {  	_ =	shalt  }
0x6b: {  	_ =	shalt  }
0x6c: {  	_ =	shalt  }
0x6d: {  	_ =	shalt  }
0x6e: {  	_ =	shalt  }
0x6f: {  	_ =	shalt  }
0x70: {  	_ =	shalt  }
0x71: {  	_ =	shalt  }
0x72: {  	_ =	shalt  }
0x73: {  	_ =	shalt  }
0x74: {  	_ =	shalt  }
0x75: {  	_ =	shalt  }
0x76: {  	_ =	shalt  }
0x77: {  	_ =	shalt  }
0x78: {  	_ =	shalt  }
0x79: {  	_ =	shalt  }
0x7a: {  	_ =	shalt  }
0x7b: {  	_ =	shalt  }
0x7c: {  	_ =	shalt  }
0x7d: {  	_ =	shalt  }
0x7e: {  	_ =	shalt  }
0x7f: {  	_ =	shalt  }
0x80: {  	_ =	shalt  }
0x81: {  	_ =	shalt  }
0x82: {  	_ =	shalt  }
0x83: {  	_ =	shalt  }
0x84: {  	_ =	shalt  }
0x85: {  	_ =	shalt  }
0x86: {  	_ =	shalt  }
0x87: {  	_ =	shalt  }
.Lfunc_end0:
.L_simem_size_0:
called_computation_lowered:
.L_overlay_start_0:
0x88: {  	s2 =	sld [smem:$0x3FD9]  }
0x89: {  	s3 =	sld [smem:$0x3FFE];
	_ =	sdelay $0x1  }
0x8a: {  	s1 =	srdreg.scid  }
0x8b: {  	s0 =	sand.u32 $0x1, s1  }
0x8c: {  	s17 =	sshll.u32 s0, $0xA;
	s2 =	sadd.s32 s3, s2  }
0x8d: {  	s2 =	sadd.s32 s2, s17  }
0x8e: {  	[smem:$0x3FC5] =	sst s2  }
0x8f: {  	_ = 	snop  }
0x90: {  	s2 =	sld [smem:$0x3FC9]  }
0x91: {  	s18 =	sld [smem:$0x3FC8];
	(tm) =	ssettm $0x1  }
0x92: {  	s4 =	sld [smem:$0x3FFB];
	_ =	sdelay $0x3  }
0x93: {  	_ =	strace s4  }
0x94: {  	s4 =	sld [smem:$0x3FFC];
	_ =	sdelay $0x3  }
0x95: {  	_ =	strace s4  }
0x96: {  	s4 =	sld [smem:$0x3FFD];
	_ =	sdelay $0x3  }
0x97: {  	_ =	strace s4  }
0x98: {  	_ =	strace $0x8FFFFFFF  }
0x99: {  	s19 =	sld [smem:$0x3FDB];
	_ =	sdelay $0x1  }
0x9a: {  	s5 =	simm.s32 $_scs_section_size  }
0x9b: {  	s6 =	simm.s32 $_size__tile_overlayer_lowered;
	s7 =	simm.s32 $_tile_overlayer_lowered  }
0x9c: {  	s22 =	simm.s32 $0x1BFF;
	s21 =	sshll.u32 s7, $0x1;
	s4 =	sadd.s32 s5, s19  }
0x9d: {  	s8 =	simm.s32 $0x0;
	s20 =	sshll.u32 s6, $0x1;
	s6 =	sadd.s32 s21, s4  }
0x9e: {  	[timem:s8], [sflag:s22] =	dma.local [hbm:s6], s20  }
0x9f: {  	_ =	swait.ge [sflag:s22], s20  }
0xa0: {  	s5 =	ssub.s32 $0x0, s20;
	[sflag:s22] =	ssyncset.done $0x0  }
0xa1: {  	[sflag:s22] =	ssyncadd.s32 s5;
	_ =	sdelay $0x1  }
0xa2: {  	s23 =	simm.s32 $0x1B8B  }
0xa3: {  	_ =	swait.ge [sflag:s23], $0x1  }
0xa4: {  	[sflag:s23] =	ssyncset.done $0x0  }
0xa5: {  	s25 =	simm.s32 $0x1B8E;
	s24 =	sld [smem:$0x3FFE];
	[sflag:s23] =	ssyncadd.s32 $0xFFFFFFFF  }
0xa6: {  	s26 =	simm.s32 $execute0_lowered;
	[smem:$0x3FD2] =	sst s25  }
0xa7: {  	s6 =	sshll.u32 s26, $0x1;
	_ =	strace $0x80000046;
	[dreg:$0x1] =	wrdreg $0xFFFFFFFF  }
0xa8: {  	s28 =	simm.s32 $_size_execute0_lowered;
	s4 =	sadd.s32 s4, s6;
	[dreg:$0x0] =	wrdreg $0x0  }
0xa9: {  	s6 =	sshll.u32 s28, $0x1;
	[dreg:$0x2] =	wrdreg s4  }
0xaa: {  	[dreg:$0x3] =	wrdreg s6  }
0xab: {  	[dreg:$0x4] =	wrdreg $0xC0  }
0xac: {  	_ =	task [dreg:s8], $0x5FFFF  }
0xad: {  	[dreg:$0x1] =	wrdreg $0xFFFFFFFF  }
0xae: {  	[dreg:$0x0] =	wrdreg $0x60  }
0xaf: {  	[dreg:$0x2] =	wrdreg s2  }
0xb0: {  	[dreg:$0x3] =	wrdreg s18  }
0xb1: {  	[dreg:$0x4] =	wrdreg s24  }
0xb2: {  	[dreg:$0x5] =	wrdreg $0x9  }
0xb3: {  	_ =	task.clear_ibuf [dreg:s8], $0x6FFFF;
	_ =	strace $0x90000046  }
0xb4: {  	s29 =	simm.s32 $0x9;
	_ =	strace $0x8000004E  }
0xb5: {  	_ =	swait.ge [sflag:s29], $0x1  }
0xb6: {  	[sflag:s29] =	ssyncadd.s32 $0xFFFFFFFF  }
0xb7: {  	_ =	strace $0x9000004E  }
0xb8: {  	_ =	sfence  }
0xb9: {  	s30 =	sld [smem:$0x0];
	_ =	sdelay $0x2  }
0xba: {  	s31 =	sshll.u32 s1, $0xD;
	s1 =	sshrl.u32 s1, $0x2  }
0xbb: {  	s3 =	sand.u32 $0x4000, s31;
	s1 =	sadd.s32 s1, s30  }
0xbc: {  	s0 =	sor.u32 s3, s0;
	s1 =	sshll.u32 s1, $0x11  }
0xbd: {  	s0 =	sor.u32 s1, s0  }
0xbe: {  	s0 =	sadd.s32 $0x8F2B, s0  }
0xbf: {  	[sflag:s0] =	ssyncadd.remote.s32 $0x1  }
0xc0: {  	_ =	sfence.sel $0xFFFF  }
0xc1: {  	[dreg:$0x0] =	wrdreg $0xFFFFFFFF;
	(pc) =	sbr.abs _section_cstart, $3  }
0xc2: {  	[dreg:$0x1] =	wrdreg $0xFFFFFFFF  }
0xc3: {  	_ =	task.clear_ibuf [dreg:s8], $0x2FFFF;
	_ =	strace $0x9FFFFFFF  }
0xc4: {  	(tm) =	ssettm $0x7FFFFFFF  }
0xc5: {  	_ =	shalt  }
tec
execute0_lowered:
.L_overlay_start_1:
0x0: {  	(tag) =	ssettag $0x1  }
0x1: {  	s1 =	rddreg [dreg:$0x0]  }
0x2: {  	s2 =	rddreg [dreg:$0x1]  }
0x3: {  	s0 =	rddreg [dreg:$0x2];
	s3 =	simm.s32 $0x0  }
0x4: {  	s4 =	srdreg.scid;
	s8 =	stileid.u32;
	s14 =	simm.s32 $0x1480  }
0x5: {  	s15 =	simm.s32 $0x1;
	s16 =	simm.s32 $0x280;
	s17 =	simm.s32 $0x0  }
0x6: {  	[smem:$0x7FF] =	sst s3;
	s4 =	sand.u32 $0x1, s4;
	s5 =	sadd.s32 $0x400, s0  }
0x7: {  	s9 =	sshll.u32 s8, $0x5;
	s6 =	ssub.s32 $0x2, s4;
	s4 =	sshll.u32 s4, $0x4  }
0x8: {  	s7 =	sshrl.u32 s6, $0x1;
	s0 =	sadd.s32 s4, s0;
	s4 =	sor.u32 s8, s4  }
0x9: {  	s10 =	ssub.s32 s6, s7;
	s6 =	smul.u32 $0x19, s4;
	s4 =	sshll.u32 s4, $0x8  }
0xa: {  	_ =	strace $0x80000047;
	s0 =	sadd.s32 s9, s0;
	s7 =	sadd.s32 s1, s4  }
0xb: {  	v0 =	vimm.f32 $0.0e+00;
	s8 =	sadd.s32 s2, s4;
	s9 =	sadd.s32 $0x600, s0;
	s10 =	smax.u32 s10, $0x1  }
.LBB2_1:
0xc: {  	[tilespmem:s3], [sflag:$0x1] =	stream.linear.gather [hbm4b:s5+s3], $0x280, $0x38;
	[tilespmem:$0x19480] =	vst v63  }
0xd: {  	_ =	swait.ge [sflag:s15], $0x280  }
0xe: {  	[sflag:s15] =	ssyncset.done $0x0  }
0xf: {  	[sflag:s15] =	ssyncadd.s32 $0xFFFFFD80  }
0x10: {  	[tilespmem:$0x280] =	vst v0  }
0x11: {  	[tilespmem:$0x300] =	vst v0  }
0x12: {  	[tilespmem:$0x380] =	vst v0  }
0x13: {  	s0 =	simm.s32 $0x480;
	s31 =	simm.s32 $0x800;
	[tilespmem:$0x400] =	vst v0  }
0x14: {  	s4 =	simm.s32 $0x20000;
	s18 =	simm.s32 $0x0;
	_ =	strace $0x80000048  }
0x15: {  	[tilespmem:s0], [sflag:$0x1] =	stream.linear.gather [hbm4b:s7+s3], $0x800, $0x200038;
	[tilespmem:$0x19480] =	vst v63  }
0x16: {  	s19 =	simm.s32 $0x0;
	s20 =	simm.s32 $0x1;
	s21 =	simm.s32 $0x0  }
0x17: {  	[tilespmem:s14], [sflag:$0x3] =	stream.strided.gather [hbm4b:s8+s31], $0xC000, s4, s31, $0x200038;
	[tilespmem:$0x19480] =	vst v63  }
0x18: {  	s22 =	simm.s32 $0x0;
	s0 =	simm.s32 $0x1;
	_ =	strace $0x90000048  }
.LBB2_2:
0x19: {  	s12 =	sadd.s32 s6, s18  }
0x1a: {  	s11 =	sadd.s32 $0xFFFFFFFF, s18;
	p3 =	seq.s32 s18, $0x0;
	s18 =	sadd.s32 $0x1, s18  }
0x1b: {  	p0 =	seq.s32 s18, $0x19  }
0x1c: {  	s4 =	smulhi.u32 $0x51EB851F, s12;
	s23 =	sshra.s32 s12, $0x1F;
	s18 =	simm.s32 @p0 $0x0  }
0x1d: {  	s23 =	smul.u32 $0x51EB851F, s23;
	s24 =	sadd.s32 s6, s18  }
0x1e: {  	s25 =	smulhi.u32 $0x51EB851F, s24;
	s26 =	sshra.s32 s24, $0x1F  }
0x1f: {  	s4 =	sadd.s32 s23, s4;
	s31 =	smul.u32 $0x51EB851F, s26  }
0x20: {  	s13 =	sshrl.u32 s4, $0x1F;
	s4 =	sshra.s32 s4, $0x3  }
0x21: {  	s26 =	sadd.s32 s13, s4;
	s28 =	sadd.s32 s31, s25  }
0x22: {  	s29 =	smul.u32 $0xFFFFFFE7, s26;
	s25 =	sshrl.u32 s28, $0x1F;
	s4 =	sshra.s32 s28, $0x3  }
0x23: {  	s25 =	sadd.s32 s25, s4  }
0x24: {  	s4 =	sadd.s32 s12, s29;
	s30 =	smul.u32 $0xFFFFFFE7, s25  }
0x25: {  	p2 =	slt.s32 s12, $0x1;
	s23 =	simm.s32 $0x1;
	p6 =	sne.s32 s4, $0x0  }
0x26: {  	p1 =	slt.s32 s4, $0x0;
	s28 =	sadd.s32 $0x19, s4;
	s12 =	sadd.s32 s24, s30  }
0x27: {  	p0 =	por !p2, !p6;
	p2 =	slt.s32 s24, $0x1;
	p4 =	sne.s32 s12, $0x0  }
0x28: {  	s4 =	smov.u32 @p1 s28;
	p0 =	por !p0, !p0;
	p1 =	por !p2, !p4  }
0x29: {  	s24 =	simm.s32 $0x1;
	s23 =	simm.s32 @!p0 $0x0;
	p0 =	por !p1, !p1  }
0x2a: {  	s28 =	sadd.s32 $0x19, s12;
	p1 =	slt.s32 s12, $0x0;
	s24 =	simm.s32 @!p0 $0x0  }
0x2b: {  	s23 =	ssub.s32 s26, s23;
	s12 =	smov.u32 @p1 s28;
	s24 =	ssub.s32 s25, s24  }
0x2c: {  	s11 =	simm.s32 @p3 $0x18;
	p5 =	sne.s32 s4, s12;
	p6 =	sne.s32 s23, s24  }
0x2d: {  	s11 =	sadd.s32 s6, s11;
	p1 =	seq.s32 s22, $0x18;
	p0 =	por p5, p6  }
0x2e: {  	s13 =	sshra.s32 s11, $0x1F;
	s31 =	smulhi.u32 $0x51EB851F, s11;
	p2 =	por !p0, p1  }
0x2f: {  	s25 =	sshll.u32 @!p2 s12, $0x11;
	s24 =	sshll.u32 @!p2 s24, $0xB;
	s26 =	sand.u32 @!p2 $0x1, s0  }
0x30: {  	_ =	strace @!p2 $0x80000049;
	s29 =	simm.s32 @!p2 $0x0;
	s25 =	sadd.s32 @!p2 s25, s24  }
0x31: {  	s12 =	smul.u32 @!p2 $0x300000, s12;
	s28 =	sshll.u32 @!p2 s26, $0xB;
	s25 =	sshrl.u32 @!p2 s25, $0x3  }
0x32: {  	s26 =	sadd.s32 @!p2 $0x1, s26;
	s28 =	sor.u32 @!p2 $0x480, s28;
	s25 =	sadd.s32 @!p2 s1, s25  }
0x33: {  	[tilespmem:s28], [sflag:s26] =	stream.linear.gather @!p2 [hbm4b:s25+s29], $0x800, $0x200038;
	[tilespmem:$0x19480] =	vst v63  }
0x34: {  	s12 =	sadd.s32 @!p2 s12, s24;
	s25 =	sand.u32 @!p2 $0x1, s20;
	s29 =	smul.u32 $0x51EB851F, s13  }
0x35: {  	s12 =	sshrl.u32 @!p2 s12, $0x3;
	s26 =	smul.u32 @!p2 $0x30000, s25  }
0x36: {  	s12 =	sadd.s32 @!p2 s2, s12  }
0x37: {  	_ =	strace @!p2 $0x90000049;
	s29 =	sadd.s32 s29, s31;
	s26 =	sshrl.u32 @!p2 s26, $0x2  }
0x38: {  	s28 =	sshrl.u32 s29, $0x1F;
	s24 =	sor.u32 @!p2 $0x1480, s26;
	s26 =	sshra.s32 s29, $0x3  }
0x39: {  	s25 =	sadd.s32 @!p2 $0x3, s25;
	_ =	strace @!p2 $0x8000004A;
	s26 =	sadd.s32 s28, s26  }
0x3a: {  	s29 =	simm.s32 @!p2 $0x20000;
	s28 =	simm.s32 @!p2 $0x800;
	s30 =	smul.u32 $0xFFFFFFE7, s26  }
0x3b: {  	[tilespmem:s24], [sflag:s25] =	stream.strided.gather @!p2 [hbm4b:s12+s28], $0xC000, s29, s28, $0x200038;
	[tilespmem:$0x19480] =	vst v63  }
0x3c: {  	s12 =	sadd.s32 s11, s30  }
0x3d: {  	p3 =	seq.s32 s22, $0x0;
	p5 =	slt.s32 s11, $0x1;
	p4 =	sne.s32 s12, $0x0  }
0x3e: {  	s11 =	sadd.s32 $0x19, s12;
	p4 =	por !p5, !p4;
	p5 =	slt.s32 s12, $0x0  }
0x3f: {  	s12 =	smov.u32 @p5 s11;
	p4 =	por !p4, !p4;
	s11 =	simm.s32 $0x1  }
0x40: {  	s11 =	simm.s32 @!p4 $0x0;
	p4 =	sne.s32 @!p3 s4, s12  }
0x41: {  	s4 =	ssub.s32 s26, s11;
	p3 =	por p3, p4  }
0x42: {  	p4 =	seq.s32 @!p3 s23, s4  }
0x43: {  	p3 =	por p3, !p4  }
0x44: {  	_ =	strace @!p2 $0x9000004A;
	s4 =	sand.u32 @p3 $0x1, s21  }
0x45: {  	_ =	strace @p3 $0x8000004B;
	s4 =	sadd.s32 @p3 $0x1, s4  }
0x46: {  	_ =	swait.ge @p3 [sflag:s4], $0x800  }
0x47: {  	[sflag:s4] =	ssyncset.done @p3 $0x0  }
0x48: {  	s31 =	sand.u32 $0x1, s19;
	[sflag:s4] =	ssyncadd.s32 @p3 $0xFFFFF800  }
0x49: {  	s24 =	simm.s32 $0xD480;
	s4 =	sand.u32 @p3 $0x1, s19;
	_ =	strace @p3 $0x9000004B  }
0x4a: {  	s23 =	sadd.s32 @!p2 $0x1, s0;
	s4 =	sadd.s32 @p3 $0x3, s4;
	_ =	strace @p3 $0x8000004C  }
0x4b: {  	s25 =	simm.s32 $0x0;
	s23 =	smov.u32 @p2 s0;
	_ =	swait.ge @p3 [sflag:s4], $0xC000  }
0x4c: {  	s30 =	sshll.u32 s21, $0xB;
	s23 =	smov.u32 @p1 s0;
	[sflag:s4] =	ssyncset.done @p3 $0x0  }
0x4d: {  	s0 =	sand.u32 $0x800, s30;
	[sflag:s4] =	ssyncadd.s32 @p3 $0xFFFF4000;
	s4 =	simm.s32 @!p2 $0x1  }
0x4e: {  	s0 =	sor.u32 $0x480, s0;
	s4 =	simm.s32 @p2 $0x0;
	p2 =	seq.s32 s31, $0x1  }
0x4f: {  	_ =	strace @p3 $0x9000004C;
	s4 =	simm.s32 @p1 $0x0;
	s24 =	simm.s32 @!p2 $0x1480  }
0x50: {  	s26 =	simm.s32 $0x0;
	v1 =	vmov s0;
	_ =	strace $0x8000004D;
	s20 =	sadd.s32 s20, s4;
	v2 =	vmov s24  }
.LBB2_3:
0x51: {  	v4 =	vld [tilespmem:$0x280]  }
0x52: {  	v5 =	vld [tilespmem:$0x300]  }
0x53: {  	s28 =	sand.u32 $0x70, s26;
	s13 =	sand.u32 $0x400, s25;
	v7 =	vld [tilespmem:$0x380]  }
0x54: {  	v8 =	vld [tilespmem:$0x400];
	s0 =	sand.u32 $0xFFFFFC00, s25;
	s29 =	sor.u32 s28, s13  }
0x55: {  	s30 =	sadd.s32 s0, s26;
	v3 =	vld.idx.msk [tilespmem:v1+s29+$0x0 ss:$0x1], $0xffff  }
0x56: {  	v11 =	vld.idx.msk [tilespmem:v2+s29+$0x0 ss:$0x1], $0xffff;
	s12 =	sor.u32 $0x80, s30  }
0x57: {  	s11 =	sor.u32 $0x100, s29;
	v13 =	vld.idx.msk [tilespmem:v2+s12+$0x0 ss:$0x1], $0xffff  }
0x58: {  	s4 =	sor.u32 $0x180, s30;
	v15 =	vld.idx.msk [tilespmem:v2+s11+$0x0 ss:$0x1], $0xffff  }
0x59: {  	s0 =	sor.u32 $0x200, s29;
	v17 =	vld.idx.msk [tilespmem:v2+s4+$0x0 ss:$0x1], $0xffff  }
0x5a: {  	s31 =	sor.u32 $0x280, s30;
	v19 =	vld.idx.msk [tilespmem:v2+s0+$0x0 ss:$0x1], $0xffff  }
0x5b: {  	s13 =	sadd.s32 s13, s24;
	s30 =	sor.u32 $0x300, s29;
	v21 =	vld.idx.msk [tilespmem:v2+s31+$0x0 ss:$0x1], $0xffff  }
0x5c: {  	s28 =	sadd.s32 s28, s13;
	v23 =	vld.idx.msk [tilespmem:v2+s30+$0x0 ss:$0x1], $0xffff  }
0x5d: {  	v27 =	vld [tilespmem:s28+$0x800]  }
0x5e: {  	v29 =	vld [tilespmem:s28+$0x880]  }
0x5f: {  	v31 =	vld [tilespmem:s28+$0x900]  }
0x60: {  	v33 =	vld [tilespmem:s28+$0x980]  }
0x61: {  	v35 =	vld [tilespmem:s28+$0xA00]  }
0x62: {  	v37 =	vld [tilespmem:s28+$0xA80]  }
0x63: {  	v39 =	vld [tilespmem:s28+$0xB00]  }
0x64: {  	v41 =	vld [tilespmem:s28+$0xB80]  }
0x65: {  	v43 =	vld [tilespmem:s28+$0x1000];
	v3 =	vmul.u32 $0x19, v3  }
0x66: {  	v45 =	vld [tilespmem:s28+$0x1080]  }
0x67: {  	v51 =	vld [tilespmem:s28+$0x1100];
	v6 =	vadd.s32 $0x1, v3  }
0x68: {  	s29 =	sor.u32 s25, s26;
	v57 =	vld [tilespmem:s28+$0x1180];
	v9 =	vadd.s32 $0x2, v3  }
0x69: {  	s29 =	sor.u32 $0x380, s29;
	v63 =	vld [tilespmem:s28+$0x1200];
	v12 =	vadd.s32 $0x3, v3  }
0x6a: {  	v25 =	vld.idx.msk [tilespmem:v2+s29+$0x0 ss:$0x1], $0xffff;
	v14 =	vadd.s32 $0x4, v3  }
0x6b: {  	v16 =	vadd.s32 $0x5, v3;
	v10 =	vld.idx.msk [tilespmem:v3+s3+$0x0], $0xffff  }
0x6c: {  	v18 =	vadd.s32 $0x6, v3;
	v6 =	vld.idx.msk [tilespmem:v6+s3+$0x0], $0xffff  }
0x6d: {  	v20 =	vadd.s32 $0x7, v3;
	v9 =	vld.idx.msk [tilespmem:v9+s3+$0x0], $0xffff  }
0x6e: {  	v22 =	vadd.s32 $0x8, v3;
	v12 =	vld.idx.msk [tilespmem:v12+s3+$0x0], $0xffff  }
0x6f: {  	v24 =	vadd.s32 $0x9, v3;
	v14 =	vld.idx.msk [tilespmem:v14+s3+$0x0], $0xffff  }
0x70: {  	v26 =	vadd.s32 $0xA, v3;
	v16 =	vld.idx.msk [tilespmem:v16+s3+$0x0], $0xffff  }
0x71: {  	v28 =	vadd.s32 $0xB, v3;
	v18 =	vld.idx.msk [tilespmem:v18+s3+$0x0], $0xffff  }
0x72: {  	v30 =	vadd.s32 $0xC, v3;
	v20 =	vld.idx.msk [tilespmem:v20+s3+$0x0], $0xffff  }
0x73: {  	v32 =	vadd.s32 $0xD, v3;
	v22 =	vld.idx.msk [tilespmem:v22+s3+$0x0], $0xffff  }
0x74: {  	v34 =	vadd.s32 $0xE, v3;
	v24 =	vld.idx.msk [tilespmem:v24+s3+$0x0], $0xffff  }
0x75: {  	v36 =	vadd.s32 $0xF, v3;
	v26 =	vld.idx.msk [tilespmem:v26+s3+$0x0], $0xffff  }
0x76: {  	v38 =	vadd.s32 $0x10, v3;
	v28 =	vld.idx.msk [tilespmem:v28+s3+$0x0], $0xffff  }
0x77: {  	v40 =	vadd.s32 $0x11, v3;
	v30 =	vld.idx.msk [tilespmem:v30+s3+$0x0], $0xffff  }
0x78: {  	v42 =	vadd.s32 $0x12, v3;
	v32 =	vld.idx.msk [tilespmem:v32+s3+$0x0], $0xffff  }
0x79: {  	v44 =	vadd.s32 $0x13, v3;
	v34 =	vld.idx.msk [tilespmem:v34+s3+$0x0], $0xffff  }
0x7a: {  	v46 =	vadd.s32 $0x14, v3;
	v36 =	vld.idx.msk [tilespmem:v36+s3+$0x0], $0xffff;
	v10 =	vmul.f32 v11, v10;
	v6 =	vmul.f32 v13, v6  }
0x7b: {  	v38 =	vld.idx.msk [tilespmem:v38+s3+$0x0], $0xffff;
	v9 =	vmul.f32 v15, v9;
	v53 =	vmul.f32 v17, v12  }
0x7c: {  	v52 =	vadd.s32 $0x15, v3;
	v40 =	vld.idx.msk [tilespmem:v40+s3+$0x0], $0xffff;
	v54 =	vmul.f32 v19, v14;
	v59 =	vmul.f32 v21, v16  }
0x7d: {  	v58 =	vadd.s32 $0x16, v3;
	v50 =	vld.idx.msk [tilespmem:v42+s3+$0x0], $0xffff;
	v61 =	vmul.f32 v23, v18;
	v62 =	vmul.f32 v25, v20  }
0x7e: {  	v3 =	vadd.s32 $0x17, v3;
	v55 =	vld.idx.msk [tilespmem:v44+s3+$0x0], $0xffff;
	v23 =	vmul.f32 v27, v22;
	v25 =	vmul.f32 v29, v24  }
0x7f: {  	v60 =	vld.idx.msk [tilespmem:v46+s3+$0x0], $0xffff;
	v26 =	vmul.f32 v31, v26;
	v29 =	vmul.f32 v33, v28;
	v4 =	vadd.f32 v10, v4  }
0x80: {  	v42 =	vld [tilespmem:s28+$0x1380];
	v31 =	vmul.f32 v35, v30;
	v33 =	vmul.f32 v37, v32;
	v5 =	vadd.f32 v6, v5  }
0x81: {  	v15 =	vld.idx.msk [tilespmem:v52+s3+$0x0], $0xffff;
	v37 =	vmul.f32 v39, v34;
	v56 =	vadd.f32 v9, v7;
	v4 =	vadd.f32 v54, v4  }
0x82: {  	v27 =	vld [tilespmem:s28+$0x1280];
	v39 =	vmul.f32 v41, v36;
	v8 =	vadd.f32 v53, v8;
	v5 =	vadd.f32 v59, v5  }
0x83: {  	v35 =	vld [tilespmem:s28+$0x1300];
	v41 =	vmul.f32 v43, v38;
	v6 =	vadd.f32 v61, v56;
	v4 =	vadd.f32 v23, v4  }
0x84: {  	v43 =	vmul.f32 v45, v40;
	v9 =	vld.idx.msk [tilespmem:v58+s3+$0x0], $0xffff;
	v8 =	vadd.f32 v62, v8;
	v5 =	vadd.f32 v25, v5  }
0x85: {  	v3 =	vld.idx.msk [tilespmem:v3+s3+$0x0], $0xffff;
	v11 =	vmul.f32 v51, v50;
	v6 =	vadd.f32 v26, v6;
	v4 =	vadd.f32 v31, v4  }
0x86: {  	v12 =	vmul.f32 v63, v60;
	v8 =	vadd.f32 v29, v8;
	v5 =	vadd.f32 v33, v5  }
0x87: {  	v7 =	vmul.f32 v57, v55;
	v6 =	vadd.f32 v37, v6;
	v4 =	vadd.f32 v41, v4  }
0x88: {  	v44 =	vmul.f32 v27, v15;
	v8 =	vadd.f32 v39, v8;
	v5 =	vadd.f32 v43, v5  }
0x89: {  	v9 =	vmul.f32 v35, v9;
	v6 =	vadd.f32 v11, v6;
	v4 =	vadd.f32 v12, v4  }
0x8a: {  	v3 =	vmul.f32 v42, v3;
	v7 =	vadd.f32 v7, v8;
	v5 =	vadd.f32 v44, v5  }
0x8b: {  	v6 =	vadd.f32 v9, v6;
	[tilespmem:$0x280] =	vst v4  }
0x8c: {  	v3 =	vadd.f32 v3, v7;
	[tilespmem:$0x300] =	vst v5  }
0x8d: {  	[tilespmem:$0x380] =	vst v6  }
0x8e: {  	[tilespmem:$0x400] =	vst v3  }
0x8f: {  	v45 =	vld.idx.msk [tilespmem:v1+s12+$0x0 ss:$0x1], $0xffff  }
0x90: {  	v11 =	vld [tilespmem:s28+$0x1800]  }
0x91: {  	v13 =	vld [tilespmem:s28+$0x1880]  }
0x92: {  	v15 =	vld [tilespmem:s28+$0x1900]  }
0x93: {  	v17 =	vld [tilespmem:s28+$0x1980]  }
0x94: {  	v19 =	vld [tilespmem:s28+$0x1A00]  }
0x95: {  	v21 =	vld [tilespmem:s28+$0x1A80]  }
0x96: {  	v23 =	vld [tilespmem:s28+$0x1B00]  }
0x97: {  	v25 =	vld [tilespmem:s28+$0x1B80]  }
0x98: {  	v27 =	vld [tilespmem:s28+$0x2000]  }
0x99: {  	v29 =	vld [tilespmem:s28+$0x2080]  }
0x9a: {  	v31 =	vld [tilespmem:s28+$0x2100]  }
0x9b: {  	v33 =	vld [tilespmem:s28+$0x2180]  }
0x9c: {  	v35 =	vld [tilespmem:s28+$0x2200];
	v7 =	vmul.u32 $0x19, v45  }
0x9d: {  	v37 =	vld [tilespmem:s28+$0x2280]  }
0x9e: {  	v39 =	vld [tilespmem:s28+$0x2300];
	v46 =	vadd.s32 $0x1, v7  }
0x9f: {  	v41 =	vld [tilespmem:s28+$0x2380];
	v47 =	vadd.s32 $0x2, v7  }
0xa0: {  	v43 =	vld [tilespmem:s28+$0x2800];
	v48 =	vadd.s32 $0x3, v7  }
0xa1: {  	v42 =	vld [tilespmem:s28+$0x2B80];
	v49 =	vadd.s32 $0x4, v7  }
0xa2: {  	v50 =	vadd.s32 $0x5, v7;
	v10 =	vld.idx.msk [tilespmem:v7+s3+$0x0], $0xffff  }
0xa3: {  	v51 =	vadd.s32 $0x6, v7;
	v8 =	vld.idx.msk [tilespmem:v46+s3+$0x0], $0xffff  }
0xa4: {  	v52 =	vadd.s32 $0x7, v7;
	v9 =	vld.idx.msk [tilespmem:v47+s3+$0x0], $0xffff  }
0xa5: {  	v53 =	vadd.s32 $0x8, v7;
	v12 =	vld.idx.msk [tilespmem:v48+s3+$0x0], $0xffff  }
0xa6: {  	v54 =	vadd.s32 $0x9, v7;
	v14 =	vld.idx.msk [tilespmem:v49+s3+$0x0], $0xffff  }
0xa7: {  	v55 =	vadd.s32 $0xA, v7;
	v16 =	vld.idx.msk [tilespmem:v50+s3+$0x0], $0xffff  }
0xa8: {  	v56 =	vadd.s32 $0xB, v7;
	v18 =	vld.idx.msk [tilespmem:v51+s3+$0x0], $0xffff  }
0xa9: {  	v57 =	vadd.s32 $0xC, v7;
	v20 =	vld.idx.msk [tilespmem:v52+s3+$0x0], $0xffff  }
0xaa: {  	v58 =	vadd.s32 $0xD, v7;
	v22 =	vld.idx.msk [tilespmem:v53+s3+$0x0], $0xffff  }
0xab: {  	v59 =	vadd.s32 $0xE, v7;
	v24 =	vld.idx.msk [tilespmem:v54+s3+$0x0], $0xffff  }
0xac: {  	v60 =	vadd.s32 $0xF, v7;
	v26 =	vld.idx.msk [tilespmem:v55+s3+$0x0], $0xffff  }
0xad: {  	v61 =	vadd.s32 $0x10, v7;
	v28 =	vld.idx.msk [tilespmem:v56+s3+$0x0], $0xffff  }
0xae: {  	v62 =	vadd.s32 $0x11, v7;
	v30 =	vld.idx.msk [tilespmem:v57+s3+$0x0], $0xffff  }
0xaf: {  	v32 =	vld.idx.msk [tilespmem:v58+s3+$0x0], $0xffff  }
0xb0: {  	v63 =	vadd.s32 $0x12, v7;
	v34 =	vld.idx.msk [tilespmem:v59+s3+$0x0], $0xffff  }
0xb1: {  	v36 =	vld.idx.msk [tilespmem:v60+s3+$0x0], $0xffff  }
0xb2: {  	v38 =	vld.idx.msk [tilespmem:v61+s3+$0x0], $0xffff  }
0xb3: {  	v40 =	vld.idx.msk [tilespmem:v62+s3+$0x0], $0xffff  }
0xb4: {  	v48 =	vadd.s32 $0x13, v7;
	v49 =	vld [tilespmem:s28+$0x2880];
	v10 =	vmul.f32 v11, v10;
	v8 =	vmul.f32 v13, v8  }
0xb5: {  	v50 =	vadd.s32 $0x14, v7;
	v51 =	vld.idx.msk [tilespmem:v63+s3+$0x0], $0xffff;
	v9 =	vmul.f32 v15, v9;
	v54 =	vmul.f32 v17, v12  }
0xb6: {  	v52 =	vld [tilespmem:s28+$0x2900];
	v53 =	vadd.s32 $0x15, v7;
	v55 =	vmul.f32 v19, v14;
	v59 =	vmul.f32 v21, v16  }
0xb7: {  	v57 =	vld [tilespmem:s28+$0x2980];
	v58 =	vadd.s32 $0x16, v7;
	v61 =	vmul.f32 v23, v18;
	v62 =	vmul.f32 v25, v20  }
0xb8: {  	v63 =	vld [tilespmem:s28+$0x2A00];
	v7 =	vadd.s32 $0x17, v7;
	v23 =	vmul.f32 v27, v22;
	v25 =	vmul.f32 v29, v24  }
0xb9: {  	v56 =	vld.idx.msk [tilespmem:v48+s3+$0x0], $0xffff;
	v26 =	vmul.f32 v31, v26;
	v29 =	vmul.f32 v33, v28;
	v4 =	vadd.f32 v10, v4  }
0xba: {  	v60 =	vld.idx.msk [tilespmem:v50+s3+$0x0], $0xffff;
	v31 =	vmul.f32 v35, v30;
	v33 =	vmul.f32 v37, v32;
	v5 =	vadd.f32 v8, v5  }
0xbb: {  	v15 =	vld.idx.msk [tilespmem:v53+s3+$0x0], $0xffff;
	v37 =	vmul.f32 v39, v34;
	v6 =	vadd.f32 v9, v6;
	v4 =	vadd.f32 v55, v4  }
0xbc: {  	v27 =	vld [tilespmem:s28+$0x2A80];
	v39 =	vmul.f32 v41, v36;
	v3 =	vadd.f32 v54, v3;
	v5 =	vadd.f32 v59, v5  }
0xbd: {  	v35 =	vld [tilespmem:s28+$0x2B00];
	v41 =	vmul.f32 v43, v38;
	v6 =	vadd.f32 v61, v6;
	v4 =	vadd.f32 v23, v4  }
0xbe: {  	v43 =	vmul.f32 v49, v40;
	v9 =	vld.idx.msk [tilespmem:v58+s3+$0x0], $0xffff;
	v3 =	vadd.f32 v62, v3;
	v5 =	vadd.f32 v25, v5  }
0xbf: {  	v7 =	vld.idx.msk [tilespmem:v7+s3+$0x0], $0xffff;
	v11 =	vmul.f32 v52, v51;
	v6 =	vadd.f32 v26, v6;
	v4 =	vadd.f32 v31, v4  }
0xc0: {  	v12 =	vmul.f32 v63, v60;
	v3 =	vadd.f32 v29, v3;
	v5 =	vadd.f32 v33, v5  }
0xc1: {  	v8 =	vmul.f32 v57, v56;
	v6 =	vadd.f32 v37, v6;
	v4 =	vadd.f32 v41, v4  }
0xc2: {  	v44 =	vmul.f32 v27, v15;
	v3 =	vadd.f32 v39, v3;
	v5 =	vadd.f32 v43, v5  }
0xc3: {  	v9 =	vmul.f32 v35, v9;
	v6 =	vadd.f32 v11, v6;
	v4 =	vadd.f32 v12, v4  }
0xc4: {  	v7 =	vmul.f32 v42, v7;
	v3 =	vadd.f32 v8, v3;
	v5 =	vadd.f32 v44, v5  }
0xc5: {  	v6 =	vadd.f32 v9, v6;
	[tilespmem:$0x280] =	vst v4  }
0xc6: {  	v3 =	vadd.f32 v7, v3;
	[tilespmem:$0x300] =	vst v5  }
0xc7: {  	[tilespmem:$0x380] =	vst v6  }
0xc8: {  	[tilespmem:$0x400] =	vst v3  }
0xc9: {  	v45 =	vld.idx.msk [tilespmem:v1+s11+$0x0 ss:$0x1], $0xffff  }
0xca: {  	v11 =	vld [tilespmem:s28+$0x3000]  }
0xcb: {  	v13 =	vld [tilespmem:s28+$0x3080]  }
0xcc: {  	v15 =	vld [tilespmem:s28+$0x3100]  }
0xcd: {  	v17 =	vld [tilespmem:s28+$0x3180]  }
0xce: {  	v19 =	vld [tilespmem:s28+$0x3200]  }
0xcf: {  	v21 =	vld [tilespmem:s28+$0x3280]  }
0xd0: {  	v23 =	vld [tilespmem:s28+$0x3300]  }
0xd1: {  	v25 =	vld [tilespmem:s28+$0x3380]  }
0xd2: {  	v27 =	vld [tilespmem:s28+$0x3800]  }
0xd3: {  	v29 =	vld [tilespmem:s28+$0x3880]  }
0xd4: {  	v31 =	vld [tilespmem:s28+$0x3900]  }
0xd5: {  	v33 =	vld [tilespmem:s28+$0x3980]  }
0xd6: {  	v35 =	vld [tilespmem:s28+$0x3A00];
	v7 =	vmul.u32 $0x19, v45  }
0xd7: {  	v37 =	vld [tilespmem:s28+$0x3A80]  }
0xd8: {  	v39 =	vld [tilespmem:s28+$0x3B00];
	v46 =	vadd.s32 $0x1, v7  }
0xd9: {  	v41 =	vld [tilespmem:s28+$0x3B80];
	v47 =	vadd.s32 $0x2, v7  }
0xda: {  	v43 =	vld [tilespmem:s28+$0x4000];
	v48 =	vadd.s32 $0x3, v7  }
0xdb: {  	v42 =	vld [tilespmem:s28+$0x4380];
	v49 =	vadd.s32 $0x4, v7  }
0xdc: {  	v50 =	vadd.s32 $0x5, v7;
	v10 =	vld.idx.msk [tilespmem:v7+s3+$0x0], $0xffff  }
0xdd: {  	v51 =	vadd.s32 $0x6, v7;
	v8 =	vld.idx.msk [tilespmem:v46+s3+$0x0], $0xffff  }
0xde: {  	v52 =	vadd.s32 $0x7, v7;
	v9 =	vld.idx.msk [tilespmem:v47+s3+$0x0], $0xffff  }
0xdf: {  	v53 =	vadd.s32 $0x8, v7;
	v12 =	vld.idx.msk [tilespmem:v48+s3+$0x0], $0xffff  }
0xe0: {  	v54 =	vadd.s32 $0x9, v7;
	v14 =	vld.idx.msk [tilespmem:v49+s3+$0x0], $0xffff  }
0xe1: {  	v55 =	vadd.s32 $0xA, v7;
	v16 =	vld.idx.msk [tilespmem:v50+s3+$0x0], $0xffff  }
0xe2: {  	v56 =	vadd.s32 $0xB, v7;
	v18 =	vld.idx.msk [tilespmem:v51+s3+$0x0], $0xffff  }
0xe3: {  	v57 =	vadd.s32 $0xC, v7;
	v20 =	vld.idx.msk [tilespmem:v52+s3+$0x0], $0xffff  }
0xe4: {  	v58 =	vadd.s32 $0xD, v7;
	v22 =	vld.idx.msk [tilespmem:v53+s3+$0x0], $0xffff  }
0xe5: {  	v59 =	vadd.s32 $0xE, v7;
	v24 =	vld.idx.msk [tilespmem:v54+s3+$0x0], $0xffff  }
0xe6: {  	v60 =	vadd.s32 $0xF, v7;
	v26 =	vld.idx.msk [tilespmem:v55+s3+$0x0], $0xffff  }
0xe7: {  	v61 =	vadd.s32 $0x10, v7;
	v28 =	vld.idx.msk [tilespmem:v56+s3+$0x0], $0xffff  }
0xe8: {  	v62 =	vadd.s32 $0x11, v7;
	v30 =	vld.idx.msk [tilespmem:v57+s3+$0x0], $0xffff  }
0xe9: {  	v32 =	vld.idx.msk [tilespmem:v58+s3+$0x0], $0xffff  }
0xea: {  	v63 =	vadd.s32 $0x12, v7;
	v34 =	vld.idx.msk [tilespmem:v59+s3+$0x0], $0xffff  }
0xeb: {  	v36 =	vld.idx.msk [tilespmem:v60+s3+$0x0], $0xffff  }
0xec: {  	v38 =	vld.idx.msk [tilespmem:v61+s3+$0x0], $0xffff  }
0xed: {  	v40 =	vld.idx.msk [tilespmem:v62+s3+$0x0], $0xffff  }
0xee: {  	v48 =	vadd.s32 $0x13, v7;
	v49 =	vld [tilespmem:s28+$0x4080];
	v10 =	vmul.f32 v11, v10;
	v8 =	vmul.f32 v13, v8  }
0xef: {  	v50 =	vadd.s32 $0x14, v7;
	v51 =	vld.idx.msk [tilespmem:v63+s3+$0x0], $0xffff;
	v9 =	vmul.f32 v15, v9;
	v54 =	vmul.f32 v17, v12  }
0xf0: {  	v52 =	vld [tilespmem:s28+$0x4100];
	v53 =	vadd.s32 $0x15, v7;
	v55 =	vmul.f32 v19, v14;
	v59 =	vmul.f32 v21, v16  }
0xf1: {  	v57 =	vld [tilespmem:s28+$0x4180];
	v58 =	vadd.s32 $0x16, v7;
	v61 =	vmul.f32 v23, v18;
	v62 =	vmul.f32 v25, v20  }
0xf2: {  	v63 =	vld [tilespmem:s28+$0x4200];
	v7 =	vadd.s32 $0x17, v7;
	v23 =	vmul.f32 v27, v22;
	v25 =	vmul.f32 v29, v24  }
0xf3: {  	v56 =	vld.idx.msk [tilespmem:v48+s3+$0x0], $0xffff;
	v26 =	vmul.f32 v31, v26;
	v29 =	vmul.f32 v33, v28;
	v4 =	vadd.f32 v10, v4  }
0xf4: {  	v60 =	vld.idx.msk [tilespmem:v50+s3+$0x0], $0xffff;
	v31 =	vmul.f32 v35, v30;
	v33 =	vmul.f32 v37, v32;
	v5 =	vadd.f32 v8, v5  }
0xf5: {  	v15 =	vld.idx.msk [tilespmem:v53+s3+$0x0], $0xffff;
	v37 =	vmul.f32 v39, v34;
	v6 =	vadd.f32 v9, v6;
	v4 =	vadd.f32 v55, v4  }
0xf6: {  	v27 =	vld [tilespmem:s28+$0x4280];
	v39 =	vmul.f32 v41, v36;
	v3 =	vadd.f32 v54, v3;
	v5 =	vadd.f32 v59, v5  }
0xf7: {  	v35 =	vld [tilespmem:s28+$0x4300];
	v41 =	vmul.f32 v43, v38;
	v6 =	vadd.f32 v61, v6;
	v4 =	vadd.f32 v23, v4  }
0xf8: {  	v43 =	vmul.f32 v49, v40;
	v9 =	vld.idx.msk [tilespmem:v58+s3+$0x0], $0xffff;
	v3 =	vadd.f32 v62, v3;
	v5 =	vadd.f32 v25, v5  }
0xf9: {  	v7 =	vld.idx.msk [tilespmem:v7+s3+$0x0], $0xffff;
	v11 =	vmul.f32 v52, v51;
	v6 =	vadd.f32 v26, v6;
	v4 =	vadd.f32 v31, v4  }
0xfa: {  	v12 =	vmul.f32 v63, v60;
	v3 =	vadd.f32 v29, v3;
	v5 =	vadd.f32 v33, v5  }
0xfb: {  	v8 =	vmul.f32 v57, v56;
	v6 =	vadd.f32 v37, v6;
	v4 =	vadd.f32 v41, v4  }
0xfc: {  	v44 =	vmul.f32 v27, v15;
	v3 =	vadd.f32 v39, v3;
	v5 =	vadd.f32 v43, v5  }
0xfd: {  	v9 =	vmul.f32 v35, v9;
	v6 =	vadd.f32 v11, v6;
	v4 =	vadd.f32 v12, v4  }
0xfe: {  	v7 =	vmul.f32 v42, v7;
	v3 =	vadd.f32 v8, v3;
	v5 =	vadd.f32 v44, v5  }
0xff: {  	v6 =	vadd.f32 v9, v6;
	[tilespmem:$0x280] =	vst v4  }
0x100: {  	v3 =	vadd.f32 v7, v3;
	[tilespmem:$0x300] =	vst v5  }
0x101: {  	[tilespmem:$0x380] =	vst v6  }
0x102: {  	[tilespmem:$0x400] =	vst v3  }
0x103: {  	v45 =	vld.idx.msk [tilespmem:v1+s4+$0x0 ss:$0x1], $0xffff  }
0x104: {  	v11 =	vld [tilespmem:s28+$0x4800]  }
0x105: {  	v13 =	vld [tilespmem:s28+$0x4880]  }
0x106: {  	v15 =	vld [tilespmem:s28+$0x4900]  }
0x107: {  	v17 =	vld [tilespmem:s28+$0x4980]  }
0x108: {  	v19 =	vld [tilespmem:s28+$0x4A00]  }
0x109: {  	v21 =	vld [tilespmem:s28+$0x4A80]  }
0x10a: {  	v23 =	vld [tilespmem:s28+$0x4B00]  }
0x10b: {  	v25 =	vld [tilespmem:s28+$0x4B80]  }
0x10c: {  	v27 =	vld [tilespmem:s28+$0x5000]  }
0x10d: {  	v29 =	vld [tilespmem:s28+$0x5080]  }
0x10e: {  	v31 =	vld [tilespmem:s28+$0x5100]  }
0x10f: {  	v33 =	vld [tilespmem:s28+$0x5180]  }
0x110: {  	v35 =	vld [tilespmem:s28+$0x5200];
	v7 =	vmul.u32 $0x19, v45  }
0x111: {  	v37 =	vld [tilespmem:s28+$0x5280]  }
0x112: {  	v39 =	vld [tilespmem:s28+$0x5300];
	v46 =	vadd.s32 $0x1, v7  }
0x113: {  	v41 =	vld [tilespmem:s28+$0x5380];
	v47 =	vadd.s32 $0x2, v7  }
0x114: {  	v43 =	vld [tilespmem:s28+$0x5800];
	v48 =	vadd.s32 $0x3, v7  }
0x115: {  	v42 =	vld [tilespmem:s28+$0x5B80];
	v49 =	vadd.s32 $0x4, v7  }
0x116: {  	v50 =	vadd.s32 $0x5, v7;
	v10 =	vld.idx.msk [tilespmem:v7+s3+$0x0], $0xffff  }
0x117: {  	v51 =	vadd.s32 $0x6, v7;
	v8 =	vld.idx.msk [tilespmem:v46+s3+$0x0], $0xffff  }
0x118: {  	v52 =	vadd.s32 $0x7, v7;
	v9 =	vld.idx.msk [tilespmem:v47+s3+$0x0], $0xffff  }
0x119: {  	v53 =	vadd.s32 $0x8, v7;
	v12 =	vld.idx.msk [tilespmem:v48+s3+$0x0], $0xffff  }
0x11a: {  	v54 =	vadd.s32 $0x9, v7;
	v14 =	vld.idx.msk [tilespmem:v49+s3+$0x0], $0xffff  }
0x11b: {  	v55 =	vadd.s32 $0xA, v7;
	v16 =	vld.idx.msk [tilespmem:v50+s3+$0x0], $0xffff  }
0x11c: {  	v56 =	vadd.s32 $0xB, v7;
	v18 =	vld.idx.msk [tilespmem:v51+s3+$0x0], $0xffff  }
0x11d: {  	v57 =	vadd.s32 $0xC, v7;
	v20 =	vld.idx.msk [tilespmem:v52+s3+$0x0], $0xffff  }
0x11e: {  	v58 =	vadd.s32 $0xD, v7;
	v22 =	vld.idx.msk [tilespmem:v53+s3+$0x0], $0xffff  }
0x11f: {  	v59 =	vadd.s32 $0xE, v7;
	v24 =	vld.idx.msk [tilespmem:v54+s3+$0x0], $0xffff  }
0x120: {  	v60 =	vadd.s32 $0xF, v7;
	v26 =	vld.idx.msk [tilespmem:v55+s3+$0x0], $0xffff  }
0x121: {  	v61 =	vadd.s32 $0x10, v7;
	v28 =	vld.idx.msk [tilespmem:v56+s3+$0x0], $0xffff  }
0x122: {  	v62 =	vadd.s32 $0x11, v7;
	v30 =	vld.idx.msk [tilespmem:v57+s3+$0x0], $0xffff  }
0x123: {  	v32 =	vld.idx.msk [tilespmem:v58+s3+$0x0], $0xffff  }
0x124: {  	v63 =	vadd.s32 $0x12, v7;
	v34 =	vld.idx.msk [tilespmem:v59+s3+$0x0], $0xffff  }
0x125: {  	v36 =	vld.idx.msk [tilespmem:v60+s3+$0x0], $0xffff  }
0x126: {  	v38 =	vld.idx.msk [tilespmem:v61+s3+$0x0], $0xffff  }
0x127: {  	v40 =	vld.idx.msk [tilespmem:v62+s3+$0x0], $0xffff  }
0x128: {  	v48 =	vadd.s32 $0x13, v7;
	v49 =	vld [tilespmem:s28+$0x5880];
	v10 =	vmul.f32 v11, v10;
	v8 =	vmul.f32 v13, v8  }
0x129: {  	v50 =	vadd.s32 $0x14, v7;
	v51 =	vld.idx.msk [tilespmem:v63+s3+$0x0], $0xffff;
	v9 =	vmul.f32 v15, v9;
	v54 =	vmul.f32 v17, v12  }
0x12a: {  	v52 =	vld [tilespmem:s28+$0x5900];
	v53 =	vadd.s32 $0x15, v7;
	v55 =	vmul.f32 v19, v14;
	v59 =	vmul.f32 v21, v16  }
0x12b: {  	v57 =	vld [tilespmem:s28+$0x5980];
	v58 =	vadd.s32 $0x16, v7;
	v61 =	vmul.f32 v23, v18;
	v62 =	vmul.f32 v25, v20  }
0x12c: {  	v63 =	vld [tilespmem:s28+$0x5A00];
	v7 =	vadd.s32 $0x17, v7;
	v23 =	vmul.f32 v27, v22;
	v25 =	vmul.f32 v29, v24  }
0x12d: {  	v56 =	vld.idx.msk [tilespmem:v48+s3+$0x0], $0xffff;
	v26 =	vmul.f32 v31, v26;
	v29 =	vmul.f32 v33, v28;
	v4 =	vadd.f32 v10, v4  }
0x12e: {  	v60 =	vld.idx.msk [tilespmem:v50+s3+$0x0], $0xffff;
	v31 =	vmul.f32 v35, v30;
	v33 =	vmul.f32 v37, v32;
	v5 =	vadd.f32 v8, v5  }
0x12f: {  	v15 =	vld.idx.msk [tilespmem:v53+s3+$0x0], $0xffff;
	v37 =	vmul.f32 v39, v34;
	v6 =	vadd.f32 v9, v6;
	v4 =	vadd.f32 v55, v4  }
0x130: {  	v27 =	vld [tilespmem:s28+$0x5A80];
	v39 =	vmul.f32 v41, v36;
	v3 =	vadd.f32 v54, v3;
	v5 =	vadd.f32 v59, v5  }
0x131: {  	v35 =	vld [tilespmem:s28+$0x5B00];
	v41 =	vmul.f32 v43, v38;
	v6 =	vadd.f32 v61, v6;
	v4 =	vadd.f32 v23, v4  }
0x132: {  	v43 =	vmul.f32 v49, v40;
	v9 =	vld.idx.msk [tilespmem:v58+s3+$0x0], $0xffff;
	v3 =	vadd.f32 v62, v3;
	v5 =	vadd.f32 v25, v5  }
0x133: {  	v7 =	vld.idx.msk [tilespmem:v7+s3+$0x0], $0xffff;
	v11 =	vmul.f32 v52, v51;
	v6 =	vadd.f32 v26, v6;
	v4 =	vadd.f32 v31, v4  }
0x134: {  	v12 =	vmul.f32 v63, v60;
	v3 =	vadd.f32 v29, v3;
	v5 =	vadd.f32 v33, v5  }
0x135: {  	v8 =	vmul.f32 v57, v56;
	v6 =	vadd.f32 v37, v6;
	v4 =	vadd.f32 v41, v4  }
0x136: {  	v44 =	vmul.f32 v27, v15;
	v3 =	vadd.f32 v39, v3;
	v5 =	vadd.f32 v43, v5  }
0x137: {  	v9 =	vmul.f32 v35, v9;
	v6 =	vadd.f32 v11, v6;
	v4 =	vadd.f32 v12, v4  }
0x138: {  	v7 =	vmul.f32 v42, v7;
	v3 =	vadd.f32 v8, v3;
	v5 =	vadd.f32 v44, v5  }
0x139: {  	v6 =	vadd.f32 v9, v6;
	[tilespmem:$0x280] =	vst v4  }
0x13a: {  	v3 =	vadd.f32 v7, v3;
	[tilespmem:$0x300] =	vst v5  }
0x13b: {  	[tilespmem:$0x380] =	vst v6  }
0x13c: {  	[tilespmem:$0x400] =	vst v3  }
0x13d: {  	v45 =	vld.idx.msk [tilespmem:v1+s0+$0x0 ss:$0x1], $0xffff  }
0x13e: {  	v11 =	vld [tilespmem:s28+$0x6000]  }
0x13f: {  	v13 =	vld [tilespmem:s28+$0x6080]  }
0x140: {  	v15 =	vld [tilespmem:s28+$0x6100]  }
0x141: {  	v17 =	vld [tilespmem:s28+$0x6180]  }
0x142: {  	v19 =	vld [tilespmem:s28+$0x6200]  }
0x143: {  	v21 =	vld [tilespmem:s28+$0x6280]  }
0x144: {  	v23 =	vld [tilespmem:s28+$0x6300]  }
0x145: {  	v25 =	vld [tilespmem:s28+$0x6380]  }
0x146: {  	v27 =	vld [tilespmem:s28+$0x6800]  }
0x147: {  	v29 =	vld [tilespmem:s28+$0x6880]  }
0x148: {  	v31 =	vld [tilespmem:s28+$0x6900]  }
0x149: {  	v33 =	vld [tilespmem:s28+$0x6980]  }
0x14a: {  	v35 =	vld [tilespmem:s28+$0x6A00];
	v7 =	vmul.u32 $0x19, v45  }
0x14b: {  	v37 =	vld [tilespmem:s28+$0x6A80]  }
0x14c: {  	v39 =	vld [tilespmem:s28+$0x6B00];
	v46 =	vadd.s32 $0x1, v7  }
0x14d: {  	v41 =	vld [tilespmem:s28+$0x6B80];
	v47 =	vadd.s32 $0x2, v7  }
0x14e: {  	v43 =	vld [tilespmem:s28+$0x7000];
	v48 =	vadd.s32 $0x3, v7  }
0x14f: {  	v42 =	vld [tilespmem:s28+$0x7380];
	v49 =	vadd.s32 $0x4, v7  }
0x150: {  	v50 =	vadd.s32 $0x5, v7;
	v10 =	vld.idx.msk [tilespmem:v7+s3+$0x0], $0xffff  }
0x151: {  	v51 =	vadd.s32 $0x6, v7;
	v8 =	vld.idx.msk [tilespmem:v46+s3+$0x0], $0xffff  }
0x152: {  	v52 =	vadd.s32 $0x7, v7;
	v9 =	vld.idx.msk [tilespmem:v47+s3+$0x0], $0xffff  }
0x153: {  	v53 =	vadd.s32 $0x8, v7;
	v12 =	vld.idx.msk [tilespmem:v48+s3+$0x0], $0xffff  }
0x154: {  	v54 =	vadd.s32 $0x9, v7;
	v14 =	vld.idx.msk [tilespmem:v49+s3+$0x0], $0xffff  }
0x155: {  	v55 =	vadd.s32 $0xA, v7;
	v16 =	vld.idx.msk [tilespmem:v50+s3+$0x0], $0xffff  }
0x156: {  	v56 =	vadd.s32 $0xB, v7;
	v18 =	vld.idx.msk [tilespmem:v51+s3+$0x0], $0xffff  }
0x157: {  	v57 =	vadd.s32 $0xC, v7;
	v20 =	vld.idx.msk [tilespmem:v52+s3+$0x0], $0xffff  }
0x158: {  	v58 =	vadd.s32 $0xD, v7;
	v22 =	vld.idx.msk [tilespmem:v53+s3+$0x0], $0xffff  }
0x159: {  	v59 =	vadd.s32 $0xE, v7;
	v24 =	vld.idx.msk [tilespmem:v54+s3+$0x0], $0xffff  }
0x15a: {  	v60 =	vadd.s32 $0xF, v7;
	v26 =	vld.idx.msk [tilespmem:v55+s3+$0x0], $0xffff  }
0x15b: {  	v61 =	vadd.s32 $0x10, v7;
	v28 =	vld.idx.msk [tilespmem:v56+s3+$0x0], $0xffff  }
0x15c: {  	v62 =	vadd.s32 $0x11, v7;
	v30 =	vld.idx.msk [tilespmem:v57+s3+$0x0], $0xffff  }
0x15d: {  	v32 =	vld.idx.msk [tilespmem:v58+s3+$0x0], $0xffff  }
0x15e: {  	v63 =	vadd.s32 $0x12, v7;
	v34 =	vld.idx.msk [tilespmem:v59+s3+$0x0], $0xffff  }
0x15f: {  	v36 =	vld.idx.msk [tilespmem:v60+s3+$0x0], $0xffff  }
0x160: {  	v38 =	vld.idx.msk [tilespmem:v61+s3+$0x0], $0xffff  }
0x161: {  	v40 =	vld.idx.msk [tilespmem:v62+s3+$0x0], $0xffff  }
0x162: {  	v48 =	vadd.s32 $0x13, v7;
	v49 =	vld [tilespmem:s28+$0x7080];
	v10 =	vmul.f32 v11, v10;
	v8 =	vmul.f32 v13, v8  }
0x163: {  	v50 =	vadd.s32 $0x14, v7;
	v51 =	vld.idx.msk [tilespmem:v63+s3+$0x0], $0xffff;
	v9 =	vmul.f32 v15, v9;
	v54 =	vmul.f32 v17, v12  }
0x164: {  	v52 =	vld [tilespmem:s28+$0x7100];
	v53 =	vadd.s32 $0x15, v7;
	v55 =	vmul.f32 v19, v14;
	v59 =	vmul.f32 v21, v16  }
0x165: {  	v57 =	vld [tilespmem:s28+$0x7180];
	v58 =	vadd.s32 $0x16, v7;
	v61 =	vmul.f32 v23, v18;
	v62 =	vmul.f32 v25, v20  }
0x166: {  	v63 =	vld [tilespmem:s28+$0x7200];
	v7 =	vadd.s32 $0x17, v7;
	v23 =	vmul.f32 v27, v22;
	v25 =	vmul.f32 v29, v24  }
0x167: {  	v56 =	vld.idx.msk [tilespmem:v48+s3+$0x0], $0xffff;
	v26 =	vmul.f32 v31, v26;
	v29 =	vmul.f32 v33, v28;
	v4 =	vadd.f32 v10, v4  }
0x168: {  	v60 =	vld.idx.msk [tilespmem:v50+s3+$0x0], $0xffff;
	v31 =	vmul.f32 v35, v30;
	v33 =	vmul.f32 v37, v32;
	v5 =	vadd.f32 v8, v5  }
0x169: {  	v15 =	vld.idx.msk [tilespmem:v53+s3+$0x0], $0xffff;
	v37 =	vmul.f32 v39, v34;
	v6 =	vadd.f32 v9, v6;
	v4 =	vadd.f32 v55, v4  }
0x16a: {  	v27 =	vld [tilespmem:s28+$0x7280];
	v39 =	vmul.f32 v41, v36;
	v3 =	vadd.f32 v54, v3;
	v5 =	vadd.f32 v59, v5  }
0x16b: {  	v35 =	vld [tilespmem:s28+$0x7300];
	v41 =	vmul.f32 v43, v38;
	v6 =	vadd.f32 v61, v6;
	v4 =	vadd.f32 v23, v4  }
0x16c: {  	v43 =	vmul.f32 v49, v40;
	v9 =	vld.idx.msk [tilespmem:v58+s3+$0x0], $0xffff;
	v3 =	vadd.f32 v62, v3;
	v5 =	vadd.f32 v25, v5  }
0x16d: {  	v7 =	vld.idx.msk [tilespmem:v7+s3+$0x0], $0xffff;
	v11 =	vmul.f32 v52, v51;
	v6 =	vadd.f32 v26, v6;
	v4 =	vadd.f32 v31, v4  }
0x16e: {  	v12 =	vmul.f32 v63, v60;
	v3 =	vadd.f32 v29, v3;
	v5 =	vadd.f32 v33, v5  }
0x16f: {  	v8 =	vmul.f32 v57, v56;
	v6 =	vadd.f32 v37, v6;
	v4 =	vadd.f32 v41, v4  }
0x170: {  	v44 =	vmul.f32 v27, v15;
	v3 =	vadd.f32 v39, v3;
	v5 =	vadd.f32 v43, v5  }
0x171: {  	v9 =	vmul.f32 v35, v9;
	v6 =	vadd.f32 v11, v6;
	v4 =	vadd.f32 v12, v4  }
0x172: {  	v7 =	vmul.f32 v42, v7;
	v3 =	vadd.f32 v8, v3;
	v5 =	vadd.f32 v44, v5  }
0x173: {  	v6 =	vadd.f32 v9, v6;
	[tilespmem:$0x280] =	vst v4  }
0x174: {  	v3 =	vadd.f32 v7, v3;
	[tilespmem:$0x300] =	vst v5  }
0x175: {  	[tilespmem:$0x380] =	vst v6  }
0x176: {  	[tilespmem:$0x400] =	vst v3  }
0x177: {  	v45 =	vld.idx.msk [tilespmem:v1+s31+$0x0 ss:$0x1], $0xffff  }
0x178: {  	v11 =	vld [tilespmem:s28+$0x7800]  }
0x179: {  	v13 =	vld [tilespmem:s28+$0x7880]  }
0x17a: {  	v15 =	vld [tilespmem:s28+$0x7900]  }
0x17b: {  	v17 =	vld [tilespmem:s28+$0x7980]  }
0x17c: {  	v19 =	vld [tilespmem:s28+$0x7A00]  }
0x17d: {  	v21 =	vld [tilespmem:s28+$0x7A80]  }
0x17e: {  	v23 =	vld [tilespmem:s28+$0x7B00]  }
0x17f: {  	v25 =	vld [tilespmem:s28+$0x7B80]  }
0x180: {  	v27 =	vld [tilespmem:s28+$0x8000]  }
0x181: {  	v29 =	vld [tilespmem:s28+$0x8080]  }
0x182: {  	v31 =	vld [tilespmem:s28+$0x8100]  }
0x183: {  	v33 =	vld [tilespmem:s28+$0x8180]  }
0x184: {  	v35 =	vld [tilespmem:s28+$0x8200];
	v7 =	vmul.u32 $0x19, v45  }
0x185: {  	v37 =	vld [tilespmem:s28+$0x8280]  }
0x186: {  	v39 =	vld [tilespmem:s28+$0x8300];
	v46 =	vadd.s32 $0x1, v7  }
0x187: {  	v41 =	vld [tilespmem:s28+$0x8380];
	v47 =	vadd.s32 $0x2, v7  }
0x188: {  	v43 =	vld [tilespmem:s28+$0x8800];
	v48 =	vadd.s32 $0x3, v7  }
0x189: {  	v42 =	vld [tilespmem:s28+$0x8B00];
	v49 =	vadd.s32 $0x4, v7  }
0x18a: {  	v50 =	vadd.s32 $0x5, v7;
	v10 =	vld.idx.msk [tilespmem:v7+s3+$0x0], $0xffff  }
0x18b: {  	v51 =	vadd.s32 $0x6, v7;
	v8 =	vld.idx.msk [tilespmem:v46+s3+$0x0], $0xffff  }
0x18c: {  	v52 =	vadd.s32 $0x7, v7;
	v9 =	vld.idx.msk [tilespmem:v47+s3+$0x0], $0xffff  }
0x18d: {  	v53 =	vadd.s32 $0x8, v7;
	v12 =	vld.idx.msk [tilespmem:v48+s3+$0x0], $0xffff  }
0x18e: {  	v54 =	vadd.s32 $0x9, v7;
	v14 =	vld.idx.msk [tilespmem:v49+s3+$0x0], $0xffff  }
0x18f: {  	v55 =	vadd.s32 $0xA, v7;
	v16 =	vld.idx.msk [tilespmem:v50+s3+$0x0], $0xffff  }
0x190: {  	v56 =	vadd.s32 $0xB, v7;
	v18 =	vld.idx.msk [tilespmem:v51+s3+$0x0], $0xffff  }
0x191: {  	v57 =	vadd.s32 $0xC, v7;
	v20 =	vld.idx.msk [tilespmem:v52+s3+$0x0], $0xffff  }
0x192: {  	v58 =	vadd.s32 $0xD, v7;
	v22 =	vld.idx.msk [tilespmem:v53+s3+$0x0], $0xffff  }
0x193: {  	v59 =	vadd.s32 $0xE, v7;
	v24 =	vld.idx.msk [tilespmem:v54+s3+$0x0], $0xffff  }
0x194: {  	v60 =	vadd.s32 $0xF, v7;
	v26 =	vld.idx.msk [tilespmem:v55+s3+$0x0], $0xffff  }
0x195: {  	v61 =	vadd.s32 $0x10, v7;
	v28 =	vld.idx.msk [tilespmem:v56+s3+$0x0], $0xffff  }
0x196: {  	v62 =	vadd.s32 $0x11, v7;
	v30 =	vld.idx.msk [tilespmem:v57+s3+$0x0], $0xffff  }
0x197: {  	v32 =	vld.idx.msk [tilespmem:v58+s3+$0x0], $0xffff  }
0x198: {  	v63 =	vadd.s32 $0x12, v7;
	v34 =	vld.idx.msk [tilespmem:v59+s3+$0x0], $0xffff  }
0x199: {  	v36 =	vld.idx.msk [tilespmem:v60+s3+$0x0], $0xffff  }
0x19a: {  	v38 =	vld.idx.msk [tilespmem:v61+s3+$0x0], $0xffff  }
0x19b: {  	v40 =	vld.idx.msk [tilespmem:v62+s3+$0x0], $0xffff  }
0x19c: {  	v48 =	vadd.s32 $0x13, v7;
	v49 =	vld [tilespmem:s28+$0x8880];
	v10 =	vmul.f32 v11, v10;
	v8 =	vmul.f32 v13, v8  }
0x19d: {  	v50 =	vadd.s32 $0x14, v7;
	v51 =	vld.idx.msk [tilespmem:v63+s3+$0x0], $0xffff;
	v9 =	vmul.f32 v15, v9;
	v54 =	vmul.f32 v17, v12  }
0x19e: {  	v52 =	vld [tilespmem:s28+$0x8900];
	v53 =	vadd.s32 $0x15, v7;
	v55 =	vmul.f32 v19, v14;
	v59 =	vmul.f32 v21, v16  }
0x19f: {  	v57 =	vld [tilespmem:s28+$0x8980];
	v58 =	vadd.s32 $0x16, v7;
	v61 =	vmul.f32 v23, v18;
	v62 =	vmul.f32 v25, v20  }
0x1a0: {  	v63 =	vld [tilespmem:s28+$0x8A00];
	v7 =	vadd.s32 $0x17, v7;
	v25 =	vmul.f32 v27, v22;
	v27 =	vmul.f32 v29, v24  }
0x1a1: {  	v56 =	vld.idx.msk [tilespmem:v48+s3+$0x0], $0xffff;
	v29 =	vmul.f32 v31, v26;
	v33 =	vmul.f32 v33, v28;
	v4 =	vadd.f32 v10, v4  }
0x1a2: {  	v60 =	vld.idx.msk [tilespmem:v50+s3+$0x0], $0xffff;
	v35 =	vmul.f32 v35, v30;
	v37 =	vmul.f32 v37, v32;
	v5 =	vadd.f32 v8, v5  }
0x1a3: {  	v15 =	vld.idx.msk [tilespmem:v53+s3+$0x0], $0xffff;
	v44 =	vmul.f32 v39, v34;
	v6 =	vadd.f32 v9, v6;
	v4 =	vadd.f32 v55, v4  }
0x1a4: {  	v31 =	vld [tilespmem:s28+$0x8A80];
	v46 =	vmul.f32 v41, v36;
	v3 =	vadd.f32 v54, v3;
	v5 =	vadd.f32 v59, v5  }
0x1a5: {  	v7 =	vld.idx.msk [tilespmem:v7+s3+$0x0], $0xffff;
	v47 =	vmul.f32 v43, v38;
	v6 =	vadd.f32 v61, v6;
	v4 =	vadd.f32 v25, v4  }
0x1a6: {  	v49 =	vmul.f32 v49, v40;
	v9 =	vld.idx.msk [tilespmem:v58+s3+$0x0], $0xffff;
	v3 =	vadd.f32 v62, v3;
	v5 =	vadd.f32 v27, v5  }
0x1a7: {  	v48 =	vld [tilespmem:s28+$0x8B80];
	v11 =	vmul.f32 v52, v51;
	v6 =	vadd.f32 v29, v6;
	v4 =	vadd.f32 v35, v4  }
0x1a8: {  	v12 =	vmul.f32 v63, v60;
	v3 =	vadd.f32 v33, v3;
	v5 =	vadd.f32 v37, v5  }
0x1a9: {  	v8 =	vmul.f32 v57, v56;
	v6 =	vadd.f32 v44, v6;
	v4 =	vadd.f32 v47, v4  }
0x1aa: {  	v50 =	vmul.f32 v31, v15;
	v3 =	vadd.f32 v46, v3;
	v5 =	vadd.f32 v49, v5  }
0x1ab: {  	v9 =	vmul.f32 v42, v9;
	v6 =	vadd.f32 v11, v6;
	v4 =	vadd.f32 v12, v4  }
0x1ac: {  	v7 =	vmul.f32 v48, v7;
	v3 =	vadd.f32 v8, v3;
	v5 =	vadd.f32 v50, v5  }
0x1ad: {  	v6 =	vadd.f32 v9, v6;
	[tilespmem:$0x280] =	vst v4  }
0x1ae: {  	v3 =	vadd.f32 v7, v3;
	[tilespmem:$0x300] =	vst v5  }
0x1af: {  	[tilespmem:$0x380] =	vst v6  }
0x1b0: {  	[tilespmem:$0x400] =	vst v3  }
0x1b1: {  	v51 =	vld.idx.msk [tilespmem:v1+s30+$0x0 ss:$0x1], $0xffff  }
0x1b2: {  	v11 =	vld [tilespmem:s28+$0x9000]  }
0x1b3: {  	v55 =	vld [tilespmem:s28+$0x9080]  }
0x1b4: {  	v57 =	vld [tilespmem:s28+$0x9100]  }
0x1b5: {  	v59 =	vld [tilespmem:s28+$0x9180]  }
0x1b6: {  	v61 =	vld [tilespmem:s28+$0x9200]  }
0x1b7: {  	v63 =	vld [tilespmem:s28+$0x9280]  }
0x1b8: {  	v23 =	vld [tilespmem:s28+$0x9300]  }
0x1b9: {  	v25 =	vld [tilespmem:s28+$0x9380]  }
0x1ba: {  	v27 =	vld [tilespmem:s28+$0x9800]  }
0x1bb: {  	v29 =	vld [tilespmem:s28+$0x9880]  }
0x1bc: {  	v31 =	vld [tilespmem:s28+$0x9900];
	v7 =	vmul.u32 $0x19, v51  }
0x1bd: {  	v33 =	vld [tilespmem:s28+$0x9980]  }
0x1be: {  	v35 =	vld [tilespmem:s28+$0x9A00];
	v52 =	vadd.s32 $0x1, v7  }
0x1bf: {  	v37 =	vld [tilespmem:s28+$0x9A80];
	v53 =	vadd.s32 $0x2, v7  }
0x1c0: {  	v39 =	vld [tilespmem:s28+$0x9B00];
	v54 =	vadd.s32 $0x3, v7  }
0x1c1: {  	v51 =	vld [tilespmem:s28+$0xA000];
	v56 =	vadd.s32 $0x4, v7  }
0x1c2: {  	v58 =	vadd.s32 $0x5, v7;
	v10 =	vld.idx.msk [tilespmem:v7+s3+$0x0], $0xffff  }
0x1c3: {  	v60 =	vadd.s32 $0x6, v7;
	v8 =	vld.idx.msk [tilespmem:v52+s3+$0x0], $0xffff  }
0x1c4: {  	v62 =	vadd.s32 $0x7, v7;
	v9 =	vld.idx.msk [tilespmem:v53+s3+$0x0], $0xffff  }
0x1c5: {  	v40 =	vadd.s32 $0x8, v7;
	v12 =	vld.idx.msk [tilespmem:v54+s3+$0x0], $0xffff  }
0x1c6: {  	v41 =	vadd.s32 $0x9, v7;
	v14 =	vld.idx.msk [tilespmem:v56+s3+$0x0], $0xffff  }
0x1c7: {  	v42 =	vadd.s32 $0xA, v7;
	v16 =	vld.idx.msk [tilespmem:v58+s3+$0x0], $0xffff  }
0x1c8: {  	v43 =	vadd.s32 $0xB, v7;
	v18 =	vld.idx.msk [tilespmem:v60+s3+$0x0], $0xffff  }
0x1c9: {  	v44 =	vadd.s32 $0xC, v7;
	v20 =	vld.idx.msk [tilespmem:v62+s3+$0x0], $0xffff  }
0x1ca: {  	v45 =	vadd.s32 $0xD, v7;
	v22 =	vld.idx.msk [tilespmem:v40+s3+$0x0], $0xffff  }
0x1cb: {  	v46 =	vadd.s32 $0xE, v7;
	v24 =	vld.idx.msk [tilespmem:v41+s3+$0x0], $0xffff  }
0x1cc: {  	v47 =	vadd.s32 $0xF, v7;
	v26 =	vld.idx.msk [tilespmem:v42+s3+$0x0], $0xffff  }
0x1cd: {  	v28 =	vld.idx.msk [tilespmem:v43+s3+$0x0], $0xffff  }
0x1ce: {  	v48 =	vadd.s32 $0x10, v7;
	v30 =	vld.idx.msk [tilespmem:v44+s3+$0x0], $0xffff  }
0x1cf: {  	v49 =	vadd.s32 $0x11, v7;
	v32 =	vld.idx.msk [tilespmem:v45+s3+$0x0], $0xffff  }
0x1d0: {  	v34 =	vld.idx.msk [tilespmem:v46+s3+$0x0], $0xffff  }
0x1d1: {  	v50 =	vadd.s32 $0x12, v7;
	v36 =	vld.idx.msk [tilespmem:v47+s3+$0x0], $0xffff  }
0x1d2: {  	v41 =	vld [tilespmem:s28+$0x9B80]  }
0x1d3: {  	v38 =	vld.idx.msk [tilespmem:v48+s3+$0x0], $0xffff  }
0x1d4: {  	v40 =	vld.idx.msk [tilespmem:v49+s3+$0x0], $0xffff  }
0x1d5: {  	v45 =	vld [tilespmem:s28+$0xA080]  }
0x1d6: {  	v52 =	vadd.s32 $0x13, v7;
	v54 =	vld.idx.msk [tilespmem:v50+s3+$0x0], $0xffff;
	v10 =	vmul.f32 v11, v10;
	v8 =	vmul.f32 v55, v8  }
0x1d7: {  	v53 =	vadd.s32 $0x14, v7;
	v60 =	vld [tilespmem:s28+$0xA180];
	v9 =	vmul.f32 v57, v9;
	v57 =	vmul.f32 v59, v12  }
0x1d8: {  	v56 =	vadd.s32 $0x15, v7;
	v42 =	vld [tilespmem:s28+$0xA280];
	v58 =	vmul.f32 v61, v14;
	v62 =	vmul.f32 v63, v16  }
0x1d9: {  	v48 =	vld [tilespmem:s28+$0xA300];
	v61 =	vadd.s32 $0x16, v7;
	v21 =	vmul.f32 v23, v18;
	v23 =	vmul.f32 v25, v20  }
0x1da: {  	v55 =	vld [tilespmem:s28+$0xA100];
	v7 =	vadd.s32 $0x17, v7;
	v27 =	vmul.f32 v27, v22;
	v29 =	vmul.f32 v29, v24  }
0x1db: {  	v59 =	vld.idx.msk [tilespmem:v52+s3+$0x0], $0xffff;
	v31 =	vmul.f32 v31, v26;
	v44 =	vmul.f32 v33, v28;
	v4 =	vadd.f32 v10, v4  }
0x1dc: {  	v63 =	vld.idx.msk [tilespmem:v53+s3+$0x0], $0xffff;
	v46 =	vmul.f32 v35, v30;
	v47 =	vmul.f32 v37, v32;
	v5 =	vadd.f32 v8, v5  }
0x1dd: {  	v25 =	vld [tilespmem:s28+$0xA200];
	v49 =	vmul.f32 v39, v34;
	v6 =	vadd.f32 v9, v6;
	v4 =	vadd.f32 v58, v4  }
0x1de: {  	v15 =	vld.idx.msk [tilespmem:v56+s3+$0x0], $0xffff;
	v50 =	vmul.f32 v41, v36;
	v3 =	vadd.f32 v57, v3;
	v5 =	vadd.f32 v62, v5  }
0x1df: {  	v51 =	vmul.f32 v51, v38;
	v52 =	vld [tilespmem:s28+$0xA380];
	v6 =	vadd.f32 v21, v6;
	v4 =	vadd.f32 v27, v4  }
0x1e0: {  	v53 =	vmul.f32 v45, v40;
	v3 =	vadd.f32 v23, v3;
	v9 =	vld.idx.msk [tilespmem:v61+s3+$0x0], $0xffff;
	v5 =	vadd.f32 v29, v5  }
0x1e1: {  	v7 =	vld.idx.msk [tilespmem:v7+s3+$0x0], $0xffff;
	v11 =	vmul.f32 v55, v54;
	v6 =	vadd.f32 v31, v6;
	v4 =	vadd.f32 v46, v4  }
0x1e2: {  	v12 =	vmul.f32 v25, v63;
	v3 =	vadd.f32 v44, v3;
	v5 =	vadd.f32 v47, v5  }
0x1e3: {  	v8 =	vmul.f32 v60, v59;
	v6 =	vadd.f32 v49, v6;
	v4 =	vadd.f32 v51, v4  }
0x1e4: {  	v54 =	vmul.f32 v42, v15;
	v3 =	vadd.f32 v50, v3;
	v5 =	vadd.f32 v53, v5  }
0x1e5: {  	v6 =	vadd.f32 v11, v6;
	v9 =	vmul.f32 v48, v9;
	v4 =	vadd.f32 v12, v4  }
0x1e6: {  	v3 =	vadd.f32 v8, v3;
	v7 =	vmul.f32 v52, v7;
	v5 =	vadd.f32 v54, v5  }
0x1e7: {  	v6 =	vadd.f32 v9, v6;
	[tilespmem:$0x280] =	vst v4  }
0x1e8: {  	v3 =	vadd.f32 v7, v3;
	[tilespmem:$0x300] =	vst v5  }
0x1e9: {  	[tilespmem:$0x380] =	vst v6  }
0x1ea: {  	[tilespmem:$0x400] =	vst v3  }
0x1eb: {  	v55 =	vld.idx.msk [tilespmem:v1+s29+$0x0 ss:$0x1], $0xffff  }
0x1ec: {  	v11 =	vld [tilespmem:s28+$0xA800]  }
0x1ed: {  	v13 =	vld [tilespmem:s28+$0xA880]  }
0x1ee: {  	v15 =	vld [tilespmem:s28+$0xA900]  }
0x1ef: {  	v61 =	vld [tilespmem:s28+$0xA980]  }
0x1f0: {  	v63 =	vld [tilespmem:s28+$0xAA00]  }
0x1f1: {  	v21 =	vld [tilespmem:s28+$0xAA80]  }
0x1f2: {  	v23 =	vld [tilespmem:s28+$0xAB00]  }
0x1f3: {  	v48 =	vld [tilespmem:s28+$0xAB80]  }
0x1f4: {  	v27 =	vld [tilespmem:s28+$0xB000]  }
0x1f5: {  	v29 =	vld [tilespmem:s28+$0xB080]  }
0x1f6: {  	v31 =	vld [tilespmem:s28+$0xB100]  }
0x1f7: {  	v33 =	vld [tilespmem:s28+$0xB180];
	v7 =	vmul.u32 $0x19, v55  }
0x1f8: {  	v35 =	vld [tilespmem:s28+$0xB200]  }
0x1f9: {  	v37 =	vld [tilespmem:s28+$0xB280];
	v56 =	vadd.s32 $0x1, v7  }
0x1fa: {  	v39 =	vld [tilespmem:s28+$0xB300];
	v57 =	vadd.s32 $0x2, v7  }
0x1fb: {  	v41 =	vld [tilespmem:s28+$0xB380];
	v58 =	vadd.s32 $0x3, v7  }
0x1fc: {  	v43 =	vld [tilespmem:s28+$0xB800];
	v59 =	vadd.s32 $0x4, v7  }
0x1fd: {  	v60 =	vadd.s32 $0x5, v7;
	v10 =	vld.idx.msk [tilespmem:v7+s3+$0x0], $0xffff  }
0x1fe: {  	v62 =	vadd.s32 $0x6, v7;
	v8 =	vld.idx.msk [tilespmem:v56+s3+$0x0], $0xffff  }
0x1ff: {  	v45 =	vadd.s32 $0x7, v7;
	v9 =	vld.idx.msk [tilespmem:v57+s3+$0x0], $0xffff  }
0x200: {  	v46 =	vadd.s32 $0x8, v7;
	v12 =	vld.idx.msk [tilespmem:v58+s3+$0x0], $0xffff  }
0x201: {  	v47 =	vadd.s32 $0x9, v7;
	v14 =	vld.idx.msk [tilespmem:v59+s3+$0x0], $0xffff  }
0x202: {  	v49 =	vadd.s32 $0xA, v7;
	v16 =	vld.idx.msk [tilespmem:v60+s3+$0x0], $0xffff  }
0x203: {  	v50 =	vadd.s32 $0xB, v7;
	v18 =	vld.idx.msk [tilespmem:v62+s3+$0x0], $0xffff  }
0x204: {  	v51 =	vadd.s32 $0xC, v7;
	v20 =	vld.idx.msk [tilespmem:v45+s3+$0x0], $0xffff  }
0x205: {  	v52 =	vadd.s32 $0xD, v7;
	v22 =	vld.idx.msk [tilespmem:v46+s3+$0x0], $0xffff  }
0x206: {  	v53 =	vadd.s32 $0xE, v7;
	v24 =	vld.idx.msk [tilespmem:v47+s3+$0x0], $0xffff  }
0x207: {  	v54 =	vadd.s32 $0xF, v7;
	v26 =	vld.idx.msk [tilespmem:v49+s3+$0x0], $0xffff  }
0x208: {  	v55 =	vadd.s32 $0x10, v7;
	v28 =	vld.idx.msk [tilespmem:v50+s3+$0x0], $0xffff  }
0x209: {  	v30 =	vld.idx.msk [tilespmem:v51+s3+$0x0], $0xffff  }
0x20a: {  	v32 =	vld.idx.msk [tilespmem:v52+s3+$0x0], $0xffff  }
0x20b: {  	v34 =	vld.idx.msk [tilespmem:v53+s3+$0x0], $0xffff  }
0x20c: {  	v56 =	vadd.s32 $0x11, v7;
	v36 =	vld.idx.msk [tilespmem:v54+s3+$0x0], $0xffff  }
0x20d: {  	v57 =	vadd.s32 $0x12, v7;
	v38 =	vld.idx.msk [tilespmem:v55+s3+$0x0], $0xffff  }
0x20e: {  	v45 =	vld [tilespmem:s28+$0xB880]  }
0x20f: {  	v58 =	vadd.s32 $0x13, v7;
	v49 =	vld [tilespmem:s28+$0xBA00]  }
0x210: {  	v53 =	vld [tilespmem:s28+$0xBA80];
	v10 =	vmul.f32 v11, v10;
	v8 =	vmul.f32 v13, v8  }
0x211: {  	v59 =	vadd.s32 $0x14, v7;
	v40 =	vld.idx.msk [tilespmem:v56+s3+$0x0], $0xffff;
	v9 =	vmul.f32 v15, v9;
	v61 =	vmul.f32 v61, v12  }
0x212: {  	v60 =	vadd.s32 $0x15, v7;
	v11 =	vld.idx.msk [tilespmem:v57+s3+$0x0], $0xffff;
	v62 =	vmul.f32 v63, v14;
	v44 =	vmul.f32 v21, v16  }
0x213: {  	v42 =	vadd.s32 $0x16, v7;
	v13 =	vld [tilespmem:s28+$0xB900];
	v47 =	vmul.f32 v23, v18;
	v48 =	vmul.f32 v48, v20  }
0x214: {  	v7 =	vadd.s32 $0x17, v7;
	v14 =	vld.idx.msk [tilespmem:v58+s3+$0x0], $0xffff;
	v50 =	vmul.f32 v27, v22;
	v51 =	vmul.f32 v29, v24  }
0x215: {  	v63 =	vld [tilespmem:s28+$0xB980];
	v52 =	vmul.f32 v31, v26;
	v54 =	vmul.f32 v33, v28;
	v4 =	vadd.f32 v10, v4  }
0x216: {  	v46 =	vld.idx.msk [tilespmem:v59+s3+$0x0], $0xffff;
	v55 =	vmul.f32 v35, v30;
	v56 =	vmul.f32 v37, v32;
	v5 =	vadd.f32 v8, v5  }
0x217: {  	v15 =	vld.idx.msk [tilespmem:v60+s3+$0x0], $0xffff;
	v58 =	vmul.f32 v39, v34;
	v6 =	vadd.f32 v9, v6;
	v4 =	vadd.f32 v62, v4  }
0x218: {  	v57 =	vld [tilespmem:s28+$0xBB00];
	v59 =	vmul.f32 v41, v36;
	v3 =	vadd.f32 v61, v3;
	v5 =	vadd.f32 v44, v5  }
0x219: {  	v7 =	vld.idx.msk [tilespmem:v7+s3+$0x0], $0xffff;
	v60 =	vmul.f32 v43, v38;
	v6 =	vadd.f32 v47, v6;
	v4 =	vadd.f32 v50, v4  }
0x21a: {  	v9 =	vld.idx.msk [tilespmem:v42+s3+$0x0], $0xffff;
	v3 =	vadd.f32 v48, v3;
	v62 =	vmul.f32 v45, v40;
	v5 =	vadd.f32 v51, v5  }
0x21b: {  	v61 =	vld [tilespmem:s28+$0xBB80];
	v11 =	vmul.f32 v13, v11;
	v6 =	vadd.f32 v52, v6;
	v4 =	vadd.f32 v55, v4  }
0x21c: {  	v12 =	vmul.f32 v49, v46;
	v3 =	vadd.f32 v54, v3;
	v5 =	vadd.f32 v56, v5  }
0x21d: {  	v8 =	vmul.f32 v63, v14;
	v6 =	vadd.f32 v58, v6;
	v4 =	vadd.f32 v60, v4  }
0x21e: {  	v63 =	vmul.f32 v53, v15;
	v3 =	vadd.f32 v59, v3;
	v5 =	vadd.f32 v62, v5  }
0x21f: {  	p2 =	sne.s32 s26, $0xF0;
	v9 =	vmul.f32 v57, v9;
	v6 =	vadd.f32 v11, v6;
	v4 =	vadd.f32 v12, v4  }
.Ltmp0:
0x220: {  	v7 =	vmul.f32 v61, v7;
	v3 =	vadd.f32 v8, v3;
	v5 =	vadd.f32 v63, v5;
	(pc) =	sbr.rel @p2 .LBB2_3-.Ltmp0, $4  }
0x221: {  	v6 =	vadd.f32 v9, v6;
	[tilespmem:$0x280] =	vst v4  }
0x222: {  	v3 =	vadd.f32 v7, v3;
	[tilespmem:$0x300] =	vst v5  }
0x223: {  	[tilespmem:$0x380] =	vst v6  }
0x224: {  	s25 =	sadd.s32 $0x80, s25;
	s26 =	sadd.s32 $0x10, s26;
	[tilespmem:$0x400] =	vst v3  }
0x225: {  	p0 =	por p1, p0;
	s0 =	simm.s32 $0x1;
	s22 =	sadd.s32 $0x1, s22  }
0x226: {  	s0 =	simm.s32 @!p0 $0x0;
	p0 =	sne.s32 s22, $0x19  }
.Ltmp1:
0x227: {  	_ = 	snop;
	(pc) =	sbr.rel @p0 .LBB2_2-.Ltmp1, $3  }
0x228: {  	_ =	sdelay $0x1  }
0x229: {  	_ =	strace $0x9000004D  }
0x22a: {  	s21 =	sadd.s32 s0, s21;
	s19 =	sadd.s32 s0, s19;
	s0 =	smov.u32 s23  }
0x22b: {  	v1 =	vld [tilespmem:$0x280]  }
0x22c: {  	v2 =	vld [tilespmem:$0x300]  }
0x22d: {  	v3 =	vld [tilespmem:$0x380]  }
0x22e: {  	v4 =	vld [tilespmem:$0x400];
	_ =	sdelay $0x4  }
0x22f: {  	v1 =	vadd.f32 v2, v1;
	v2 =	vadd.f32 v4, v3;
	_ =	sdelay $0x1  }
0x230: {  	s17 =	sadd.s32 $0x1, s17;
	v1 =	vadd.f32 v2, v1  }
0x231: {  	p0 =	sne.s32 s17, s10  }
.Ltmp2:
0x232: {  	[tilespmem:$0x280] =	vst v1;
	(pc) =	sbr.rel @p0 .LBB2_1-.Ltmp2, $4  }
0x233: {  	[hbm4b:s9+s3] =	stream.linear.scatter [tilespmem:s16], [sflag:$0x1], $0x80, $0x38;
	[tilespmem:$0x19480] =	vst v63  }
0x234: {  	_ =	swait.ge [sflag:s15], $0x80  }
0x235: {  	[sflag:s15] =	ssyncset.done $0x0  }
0x236: {  	[sflag:s15] =	ssyncadd.s32 $0xFFFFFF80  }
0x237: {  	_ =	sfence.sel $0x180000  }
0x238: {  	[bflag:$0x0] =	sbarrier.arrive $0xFFFF  }
0x239: {  	_ =	strace $0x90000047  }
0x23a: {  	s0 =	stileid.u32;
	[bflag:$0x2] =	sbarrier.arrive $0xFFFF  }
0x23b: {  	p0 =	sne.s32 s0, $0x0;
	s0 =	rddreg [dreg:$0x3]  }
0x23c: {  	s0 =	sadd.s32 @!p0 $0x100000, s0  }
0x23d: {  	[sflag:s0] =	ssyncadd.tile.s32 @!p0 $0x1;
	_ =	shalt  }
.Lfunc_end2:
_tile_overlayer_lowered:
.L_overlay_start_2:
0x23e: {  	(tag) =	ssettag $0x2  }
0x23f: {  	s0 =	rddreg [dreg:$0x0];
	s2 =	stileid.u32  }
0x240: {  	s1 =	rddreg [dreg:$0x1];
	p0 =	sne.s32 s2, $0x0  }
0x241: {  	s3 =	rddreg [dreg:$0x2];
	[bflag:$0x3] =	sbarrier.arrive $0xFFFF;
	s2 =	simm.s32 @!p0 $0x1C01  }
0x242: {  	[timem:s3], [sflag:s2] =	dma.local @!p0 [hbm:s0], s1  }
0x243: {  	s0 =	simm.s32 @!p0 $0x1  }
0x244: {  	_ =	swait.ge @!p0 [sflag:s0], s1  }
0x245: {  	s1 =	ssub.s32 @!p0 $0x0, s1;
	[sflag:s0] =	ssyncset.done @!p0 $0x0  }
0x246: {  	[sflag:s0] =	ssyncadd.s32 @!p0 s1  }
0x247: {  	[bflag:$0x3] =	sbarrier.arrive $0xFFFF  }
0x248: {  	_ =	shalt  }

</sc_bundles>
